<compile_context>
chip_gen: v7x
topology: tpu7x:2x2x1
jax: 0.10.2.dev20260603
libtpu: 0.0.44.dev20260713+nightly
codegen_flags: <defaults>
</compile_context>

<pallas_src>
import functools

import jax
import jax.numpy as jnp
from jax import lax
from jax.experimental import pallas as pl
from jax.experimental.pallas import tpu as pltpu
from jax.experimental.pallas import tpu_sc as plsc

N_ATOM = 10000
N_RES = 1000
N_RES_PAD = 1024
E_BOND = 20000
E_ATOM = 160000
E_RES = 32000
D = 128

NC = 2
NS = 16
DH = D // NC

F32 = jnp.float32



def _make_edge_agg(n_nodes: int, n_edges: int, k_chunk: int):
    assert n_edges % (NS * k_chunk) == 0 and k_chunk % 8 == 0
    assert n_nodes % NS == 0
    et = n_edges // NS
    n_chunks = et // k_chunk
    rt = n_nodes // NS
    zpieces = []
    off = 0
    while off < rt:
        zpieces.append((off, min(k_chunk, rt - off)))
        off += min(k_chunk, rt - off)

    mesh = plsc.VectorSubcoreMesh(core_axis_name="c", subcore_axis_name="s",
                                  num_cores=NC, num_subcores=NS)

    scratch = [
        pltpu.VMEM_SHARED((n_nodes, DH), F32),
        pltpu.VMEM_SHARED((n_nodes, DH), F32),
        pltpu.VMEM((n_nodes,), F32),
    ]
    for _ in range(3):
        scratch += [
            pltpu.VMEM((2, k_chunk), jnp.int32),
            pltpu.VMEM((k_chunk, DH), F32),
            pltpu.VMEM((k_chunk, DH), F32),
            pltpu.SemaphoreType.DMA,
            pltpu.SemaphoreType.DMA,
            pltpu.SemaphoreType.DMA,
        ]

    @functools.partial(
        pl.kernel,
        out_type=(
            jax.ShapeDtypeStruct((n_nodes, D), F32),
            jax.ShapeDtypeStruct((NS, n_nodes), F32),
        ),
        mesh=mesh,
        scratch_types=scratch,
        compiler_params=pltpu.CompilerParams(use_tc_tiling_on_sc=False,
                                             needs_layout_passes=False),
    )
    def edge_agg(xh_hbm, msh_hbm, eidx_hbm, out_acc, out_cnt,
                 table_sh, acc_sh, cnt,
                 eidx0, rows0, mbuf0, isem0, gsem0, ssem0,
                 eidx1, rows1, mbuf1, isem1, gsem1, ssem1,
                 eidx2, rows2, mbuf2, isem2, gsem2, ssem2):
        c = lax.axis_index("c")
        s = lax.axis_index("s")
        col0 = c * DH
        eidx = (eidx0, eidx1, eidx2)
        sidx = tuple(e.at[0] for e in eidx)
        didx = tuple(e.at[1] for e in eidx)
        rows = (rows0, rows1, rows2)
        mbuf = (mbuf0, mbuf1, mbuf2)
        isem = (isem0, isem1, isem2)
        gsem = (gsem0, gsem1, gsem2)
        ssem = (ssem0, ssem1, ssem2)

        pltpu.sync_copy(
            xh_hbm.at[pl.ds(rt * s, rt), pl.ds(col0, DH)],
            table_sh.at[pl.ds(rt * s, rt)])

        zeros16 = jnp.zeros((16,), F32)

        def _zb(i, _):
            for j in range(DH // 16):
                rows0[i, pl.ds(j * 16, 16)] = zeros16
            return _
        lax.fori_loop(0, k_chunk, _zb, None)
        for zoff, zsz in zpieces:
            pltpu.sync_copy(rows0.at[pl.ds(0, zsz)],
                            acc_sh.at[pl.ds(rt * s + zoff, zsz)])

        def _zc(i, _):
            cnt[pl.ds(i * 16, 16)] = zeros16
            return _
        lax.fori_loop(0, n_nodes // 16, _zc, None)

        plsc.subcore_barrier()

        ones16 = jnp.ones((16,), F32)

        def _in_copies(k, p):
            base = s * et + k * k_chunk
            return [(eidx_hbm.at[:, pl.ds(base, k_chunk)], eidx[p]),
                    (msh_hbm.at[pl.ds(base, k_chunk), pl.ds(col0, DH)],
                     mbuf[p])]

        def _fire_in(k, p):
            for s_ref, d_ref in _in_copies(k, p):
                pltpu.async_copy(s_ref, d_ref, isem[p])

        def _wait_in(k, p):
            for s_ref, d_ref in _in_copies(k, p):
                pltpu.make_async_copy(s_ref, d_ref, isem[p]).wait()

        def _fire_gather(p):
            pltpu.async_copy(table_sh.at[sidx[p]], rows[p], gsem[p])

        def _wait_gather(p):
            pltpu.make_async_copy(table_sh.at[sidx[p]], rows[p],
                                  gsem[p]).wait()

        def _fire_scatter(p):
            pltpu.async_copy(rows[p], acc_sh.at[didx[p]], ssem[p], add=True)

        def _wait_scatter(p):
            pltpu.make_async_copy(rows[p], acc_sh.at[didx[p]],
                                  ssem[p]).wait()

        _fire_in(0, 0)
        _fire_in(1, 1)
        _wait_in(0, 0)
        _fire_gather(0)

        def _body(k, p):
            pn = (p + 1) % 3
            pp = (p + 2) % 3
            _wait_gather(p)

            @pl.when(k + 1 < n_chunks)
            def _():
                _wait_in(k + 1, pn)
                _fire_gather(pn)

            @plsc.parallel_loop(0, k_chunk, unroll=8)
            def _mul(i):
                for j in range(DH // 16):
                    sl = pl.ds(j * 16, 16)
                    rows[p][i, sl] = rows[p][i, sl] * mbuf[p][i, sl]

            @pl.when(c == 0)
            def _():
                def _cnt(i, _):
                    idx = didx[p][pl.ds(i * 16, 16)]
                    plsc.addupdate_scatter(cnt, [idx], ones16)
                    return _
                lax.fori_loop(0, k_chunk // 16, _cnt, None)

            @pl.when(k >= 1)
            def _():
                _wait_scatter(pp)

            @pl.when(k + 2 < n_chunks)
            def _():
                _fire_in(k + 2, pp)

            _fire_scatter(p)

        def _triple(kk, _):
            _body(kk * 3, 0)
            _body(kk * 3 + 1, 1)
            _body(kk * 3 + 2, 2)
            return _
        lax.fori_loop(0, n_chunks // 3, _triple, None)
        for k in range(n_chunks - n_chunks % 3, n_chunks):
            _body(jnp.int32(k), k % 3)
        _wait_scatter((n_chunks - 1) % 3)

        plsc.subcore_barrier()

        pltpu.sync_copy(
            acc_sh.at[pl.ds(rt * s, rt)],
            out_acc.at[pl.ds(rt * s, rt), pl.ds(col0, DH)])

        @pl.when(c == 0)
        def _():
            pltpu.sync_copy(cnt, out_cnt.at[s])

    return edge_agg


@functools.lru_cache(maxsize=None)
def _get_edge_agg(n_nodes, n_edges, k_chunk):
    return _make_edge_agg(n_nodes, n_edges, k_chunk)



def _dot(a, b):
    return jnp.dot(a, b, preferred_element_type=F32)


def _matmul_body(x_ref, w_ref, o_ref):
    o_ref[...] = _dot(x_ref[...], w_ref[...])


def _matmul(x, w):
    return pl.pallas_call(
        _matmul_body,
        out_shape=jax.ShapeDtypeStruct((x.shape[0], w.shape[1]), F32),
    )(x, w)


def _msh_body(nb, ef_ref, sh_ref, W1_ref, b1_ref, W2_ref, b2_ref, Wsh_ref,
              o_ref):
    pid = pl.program_id(0)
    is_a = pid < nb
    W1 = jnp.where(is_a, W1_ref[0], W1_ref[1])
    b1 = jnp.where(is_a, b1_ref[0], b1_ref[1])
    W2 = jnp.where(is_a, W2_ref[0], W2_ref[1])
    b2 = jnp.where(is_a, b2_ref[0], b2_ref[1])
    h = jnp.maximum(_dot(ef_ref[...], W1) + b1, 0.0)
    w = _dot(h, W2) + b2
    o_ref[...] = _dot(sh_ref[...], Wsh_ref[...]) * w


def _msh(ef, sh, groups, nb, blk):
    e = ef.shape[0]
    grid = e // blk
    h = groups[0][0].shape[1]
    full3 = lambda i: (0, 0, 0)
    full2 = lambda i: (0, 0)
    g0, g1 = groups[0], groups[-1]
    stacked = [jnp.stack([g0[j], g1[j]]) for j in range(4)]
    return pl.pallas_call(
        functools.partial(_msh_body, nb),
        grid=(grid,),
        in_specs=[
            pl.BlockSpec((blk, 16), lambda i: (i, 0)),
            pl.BlockSpec((blk, 9), lambda i: (i, 0)),
            pl.BlockSpec((2, 16, h), full3),
            pl.BlockSpec((2, 1, h), full3),
            pl.BlockSpec((2, h, D), full3),
            pl.BlockSpec((2, 1, D), full3),
            pl.BlockSpec((9, D), full2),
        ],
        out_specs=pl.BlockSpec((blk, D), lambda i: (i, 0)),
        out_shape=jax.ShapeDtypeStruct((e, D), F32),
    )(ef, sh, *stacked, g0[4])


def _mk_group(W1, b1, W2, b2, Wsh):
    h = W1.shape[1]
    return (W1, b1.reshape(1, h), W2, b2.reshape(1, D), Wsh)


def _seg_scale(cntp, ones_cols):
    tot = lax.dot_general(cntp, ones_cols, (((0,), (0,)), ((), ())),
                          preferred_element_type=F32)
    return 1.0 / jnp.maximum(tot, 1.0)


def _atom_post_body(acc_ref, cntp_ref, af_ref, aef_ref, ash_ref, Wout_ref,
                    Wa1_ref, ba1_ref, Wa2_ref, ba2_ref, Wxa_ref, Wsha_ref,
                    ao_ref, ma_ref):
    scale = _seg_scale(cntp_ref[0], jnp.ones((16, D), F32))
    agg = acc_ref[...] * scale
    atom_out = _dot(agg, Wout_ref[...]) + af_ref[...]
    ao_ref[...] = atom_out
    h = jnp.maximum(_dot(aef_ref[...], Wa1_ref[...]) + ba1_ref[...], 0.0)
    w = _dot(h, Wa2_ref[...]) + ba2_ref[...]
    ma_ref[...] = _dot(atom_out, Wxa_ref[...]) * \
        _dot(ash_ref[...], Wsha_ref[...]) * w


def _atom_post(acc, cntp, af, aef, ash, Wout, Wa1, ba1, Wa2, ba2, Wxa, Wsha,
               blk=2000):
    full = lambda i: (0, 0)
    h = Wa1.shape[1]
    return pl.pallas_call(
        _atom_post_body,
        grid=(N_ATOM // blk,),
        in_specs=[
            pl.BlockSpec((blk, D), lambda i: (i, 0)),
            pl.BlockSpec((1, 16, blk), lambda i: (i, 0, 0)),
            pl.BlockSpec((blk, D), lambda i: (i, 0)),
            pl.BlockSpec((blk, 16), lambda i: (i, 0)),
            pl.BlockSpec((blk, 9), lambda i: (i, 0)),
            pl.BlockSpec((D, D), full),
            pl.BlockSpec((16, h), full), pl.BlockSpec((1, h), full),
            pl.BlockSpec((h, D), full), pl.BlockSpec((1, D), full),
            pl.BlockSpec((D, D), full), pl.BlockSpec((9, D), full),
        ],
        out_specs=(pl.BlockSpec((blk, D), lambda i: (i, 0)),
                   pl.BlockSpec((blk, D), lambda i: (i, 0))),
        out_shape=(jax.ShapeDtypeStruct((N_ATOM, D), F32),
                   jax.ShapeDtypeStruct((N_ATOM, D), F32)),
    )(acc, cntp, af, aef, ash, Wout, Wa1, ba1.reshape(1, h), Wa2,
      ba2.reshape(1, D), Wxa, Wsha)


def _res_seg_body(ma_ref, batch_ref, sum_ref, cnt_ref):
    pid = pl.program_id(0)

    @pl.when(pid == 0)
    def _():
        sum_ref[...] = jnp.zeros_like(sum_ref)
        cnt_ref[...] = jnp.zeros_like(cnt_ref)

    ids = batch_ref[0]
    rows = lax.broadcasted_iota(jnp.int32, (N_RES_PAD, ids.shape[1]), 0)
    onehot = (rows == ids).astype(F32)
    sum_ref[...] += _dot(onehot, ma_ref[...])
    cnt_ref[...] += _dot(onehot, jnp.ones((ids.shape[1], D), F32))


def _res_seg(ma, batch, blk=2000):
    grid = N_ATOM // blk
    return pl.pallas_call(
        _res_seg_body,
        grid=(grid,),
        in_specs=[
            pl.BlockSpec((blk, D), lambda i: (i, 0)),
            pl.BlockSpec((1, 1, blk), lambda i: (i, 0, 0)),
        ],
        out_specs=(pl.BlockSpec((N_RES_PAD, D), lambda i: (0, 0)),
                   pl.BlockSpec((N_RES_PAD, D), lambda i: (0, 0))),
        out_shape=(jax.ShapeDtypeStruct((N_RES_PAD, D), F32),
                   jax.ShapeDtypeStruct((N_RES_PAD, D), F32)),
    )(ma, batch.reshape(grid, 1, blk))


def _res_mid_body(sum_ref, cnt_ref, rfp_ref, Wout_ref, Wx_ref,
                  mid_ref, xh_ref):
    mean = sum_ref[...] / jnp.maximum(cnt_ref[...], 1.0)
    mid_pad = _dot(mean, Wout_ref[...]) + rfp_ref[...]
    valid = lax.broadcasted_iota(jnp.int32, (N_RES_PAD, D), 0) < N_RES
    mid_pad = jnp.where(valid, mid_pad, 0.0)
    mid_ref[...] = mid_pad[:N_RES, :]
    xh_ref[...] = _dot(mid_pad, Wx_ref[...])


def _res_mid(rsum, rcnt, rf_pad, Wout, Wx):
    return pl.pallas_call(
        _res_mid_body,
        out_shape=(jax.ShapeDtypeStruct((N_RES, D), F32),
                   jax.ShapeDtypeStruct((N_RES_PAD, D), F32)),
    )(rsum, rcnt, rf_pad, Wout, Wx)


def _res_out_body(acc_ref, cntp_ref, mid_ref, Wout_ref, o_ref):
    scale = _seg_scale(cntp_ref[...], jnp.ones((16, D), F32))
    mean = acc_ref[...] * scale
    o_ref[...] = _dot(mean, Wout_ref[...])[:N_RES, :] + mid_ref[...]


def _res_out(acc, cntp, mid, Wout):
    return pl.pallas_call(
        _res_out_body,
        out_shape=jax.ShapeDtypeStruct((N_RES, D), F32),
    )(acc, cntp, mid, Wout)



def kernel(atom_features, atom_edge_index, bond_features, radius_edge_features,
           atom_edge_sh, res_features, atom_res_batch, agg_edge_features,
           agg_edge_sh, res_edge_index, res_edge_features, res_edge_sh,
           Wb1, bb1, Wb2, bb2, Wr1, br1, Wr2, br2, Wx_atom, Wsh_atom,
           Wout_atom, Wa1, ba1, Wa2, ba2, Wx_agg, Wsh_agg, Wout_agg,
           Wc1, bc1, Wc2, bc2, Wx_res, Wsh_res, Wout_res):
    xh_atom = _matmul(atom_features, Wx_atom)
    ef_atom = jnp.concatenate([bond_features, radius_edge_features], axis=0)
    msh_atom = _msh(ef_atom, atom_edge_sh,
                    [_mk_group(Wb1, bb1, Wb2, bb2, Wsh_atom),
                     _mk_group(Wr1, br1, Wr2, br2, Wsh_atom)],
                    E_BOND // 2000, 2000)
    acc_a, cntp_a = _get_edge_agg(N_ATOM, E_ATOM, 80)(xh_atom, msh_atom,
                                                      atom_edge_index)
    cntp_a = cntp_a.reshape(16, 5, 2000).transpose(1, 0, 2)

    atom_out, ma = _atom_post(acc_a, cntp_a, atom_features, agg_edge_features,
                              agg_edge_sh, Wout_atom, Wa1, ba1, Wa2, ba2,
                              Wx_agg, Wsh_agg)

    rsum, rcnt = _res_seg(ma, atom_res_batch)
    rf_pad = jnp.zeros((N_RES_PAD, D), F32).at[:N_RES].set(res_features)
    res_mid, xh_res = _res_mid(rsum, rcnt, rf_pad, Wout_agg, Wx_res)

    msh_res = _msh(res_edge_features, res_edge_sh,
                   [_mk_group(Wc1, bc1, Wc2, bc2, Wsh_res)],
                   E_RES // 2000, 2000)
    acc_r, cntp_r = _get_edge_agg(N_RES_PAD, E_RES, 80)(
        xh_res, msh_res, res_edge_index)
    res_out = _res_out(acc_r, cntp_r, res_mid, Wout_res)

    return (atom_out, res_out)

# --- scband reference (transcript-rebuilt; emitter-appended) ---
"""Pipeline reference for scband-joint-conv-layer-37134287242037 (READ-ONLY COPY).

The authoritative reference and input builder live on the scoring server;
editing this copy changes nothing except your own understanding.
"""

import jax, jax.numpy as jnp
import numpy as np

N_ATOM = 10000
N_RES = 1000
E_BOND = 20000
E_RAD = 140000
E_ATOM = E_BOND + E_RAD
E_RES = 32000
D_IN = 128
D_SH = 9
D_OUT = 128
D_EDGE = 16
H_EDGE = 64
H_RES = 128  # h_edge * res_h_mult_factor


def _mlp(x, W1, b1, W2, b2):
    return jax.nn.relu(x @ W1 + b1) @ W2 + b2


def _seg_mean(m, idx, n):
    s = jax.ops.segment_sum(m, idx, num_segments=n)
    c = jax.ops.segment_sum(jnp.ones((m.shape[0], 1), m.dtype), idx, num_segments=n)
    return s / jnp.clip(c, 1.0)


def setup_inputs(seed: int = 0) -> dict:
    key = jax.random.key(seed)
    ks = jax.random.split(key, 48)
    s = 0.05
    inp = {}
    inp['atom_features'] = jax.random.normal(ks[0], (N_ATOM, D_IN), jnp.float32)
    inp['atom_edge_index'] = jax.random.randint(ks[1], (2, E_ATOM), 0, N_ATOM)
    inp['bond_features'] = jax.random.normal(ks[2], (E_BOND, D_EDGE), jnp.float32)
    inp['radius_edge_features'] = jax.random.normal(ks[3], (E_RAD, D_EDGE), jnp.float32)
    inp['atom_edge_sh'] = jax.random.normal(ks[4], (E_ATOM, D_SH), jnp.float32)
    inp['res_features'] = jax.random.normal(ks[5], (N_RES, D_IN), jnp.float32)
    inp['atom_res_batch'] = jnp.sort(jax.random.randint(ks[6], (N_ATOM,), 0, N_RES))
    inp['agg_edge_features'] = jax.random.normal(ks[7], (N_ATOM, D_EDGE), jnp.float32)
    inp['agg_edge_sh'] = jax.random.normal(ks[8], (N_ATOM, D_SH), jnp.float32)
    inp['res_edge_index'] = jax.random.randint(ks[9], (2, E_RES), 0, N_RES)
    inp['res_edge_features'] = jax.random.normal(ks[10], (E_RES, D_EDGE), jnp.float32)
    inp['res_edge_sh'] = jax.random.normal(ks[11], (E_RES, D_SH), jnp.float32)
    # atom_conv params: two edge-group MLPs (bond, radius) + faster tensor product weights
    inp['Wb1'] = jax.random.normal(ks[12], (D_EDGE, H_EDGE), jnp.float32) * s
    inp['bb1'] = jnp.zeros((H_EDGE,), jnp.float32)
    inp['Wb2'] = jax.random.normal(ks[13], (H_EDGE, D_OUT), jnp.float32) * s
    inp['bb2'] = jnp.zeros((D_OUT,), jnp.float32)
    inp['Wr1'] = jax.random.normal(ks[14], (D_EDGE, H_EDGE), jnp.float32) * s
    inp['br1'] = jnp.zeros((H_EDGE,), jnp.float32)
    inp['Wr2'] = jax.random.normal(ks[15], (H_EDGE, D_OUT), jnp.float32) * s
    inp['br2'] = jnp.zeros((D_OUT,), jnp.float32)
    inp['Wx_atom'] = jax.random.normal(ks[16], (D_IN, D_OUT), jnp.float32) * s
    inp['Wsh_atom'] = jax.random.normal(ks[17], (D_SH, D_OUT), jnp.float32) * s
    inp['Wout_atom'] = jax.random.normal(ks[18], (D_OUT, D_OUT), jnp.float32) * s
    # agg_conv params
    inp['Wa1'] = jax.random.normal(ks[19], (D_EDGE, H_EDGE), jnp.float32) * s
    inp['ba1'] = jnp.zeros((H_EDGE,), jnp.float32)
    inp['Wa2'] = jax.random.normal(ks[20], (H_EDGE, D_OUT), jnp.float32) * s
    inp['ba2'] = jnp.zeros((D_OUT,), jnp.float32)
    inp['Wx_agg'] = jax.random.normal(ks[21], (D_OUT, D_OUT), jnp.float32) * s
    inp['Wsh_agg'] = jax.random.normal(ks[22], (D_SH, D_OUT), jnp.float32) * s
    inp['Wout_agg'] = jax.random.normal(ks[23], (D_OUT, D_OUT), jnp.float32) * s
    # res_conv params (hidden = h_edge * res_h_mult_factor = 128)
    inp['Wc1'] = jax.random.normal(ks[24], (D_EDGE, H_RES), jnp.float32) * s
    inp['bc1'] = jnp.zeros((H_RES,), jnp.float32)
    inp['Wc2'] = jax.random.normal(ks[25], (H_RES, D_OUT), jnp.float32) * s
    inp['bc2'] = jnp.zeros((D_OUT,), jnp.float32)
    inp['Wx_res'] = jax.random.normal(ks[26], (D_OUT, D_OUT), jnp.float32) * s
    inp['Wsh_res'] = jax.random.normal(ks[27], (D_SH, D_OUT), jnp.float32) * s
    inp['Wout_res'] = jax.random.normal(ks[28], (D_OUT, D_OUT), jnp.float32) * s
    return inp


def reference(atom_features, atom_edge_index, bond_features, radius_edge_features, atom_edge_sh,
              res_features, atom_res_batch, agg_edge_features, agg_edge_sh,
              res_edge_index, res_edge_features, res_edge_sh,
              Wb1, bb1, Wb2, bb2, Wr1, br1, Wr2, br2, Wx_atom, Wsh_atom, Wout_atom,
              Wa1, ba1, Wa2, ba2, Wx_agg, Wsh_agg, Wout_agg,
              Wc1, bc1, Wc2, bc2, Wx_res, Wsh_res, Wout_res):
    # ---- atom_conv: TensorProductConvLayer with edge groups [bond, radius] ----
    src, dst = atom_edge_index[0], atom_edge_index[1]
    w_bond = _mlp(bond_features, Wb1, bb1, Wb2, bb2)
    w_rad = _mlp(radius_edge_features, Wr1, br1, Wr2, br2)
    w_edge = jnp.concatenate([w_bond, w_rad], axis=0)
    m = (atom_features[src] @ Wx_atom) * (atom_edge_sh @ Wsh_atom) * w_edge
    agg = _seg_mean(m, dst, N_ATOM)
    atom_out = agg @ Wout_atom + atom_features
    # ---- agg_conv: TensorProductAggLayer (atoms -> residues via atom_res_batch) ----
    w_agg = _mlp(agg_edge_features, Wa1, ba1, Wa2, ba2)
    ma = (atom_out @ Wx_agg) * (agg_edge_sh @ Wsh_agg) * w_agg
    res_agg = _seg_mean(ma, atom_res_batch, N_RES)
    res_mid = res_agg @ Wout_agg + res_features
    # ---- res_conv: TensorProductConvLayer on residue graph ----
    rsrc, rdst = res_edge_index[0], res_edge_index[1]
    w_res = _mlp(res_edge_features, Wc1, bc1, Wc2, bc2)
    mr = (res_mid[rsrc] @ Wx_res) * (res_edge_sh @ Wsh_res) * w_res
    ragg = _seg_mean(mr, rdst, N_RES)
    res_out = ragg @ Wout_res + res_mid
    return (atom_out, res_out)

if __name__ == "__main__":
    import jax
    _d = setup_inputs()
    print(jax.jit(kernel)(*tuple(_d.values())))

</pallas_src>

<mosaic_0001>
#map = affine_map<(d0, d1) -> (0, 0)>
module attributes {stable_mosaic.version = 14 : i64} {
  func.func @edge_agg(%arg0: i32, %arg1: i32, %arg2: memref<1024x128xf32, #tpu.memory_space<hbm>>, %arg3: memref<32000x128xf32, #tpu.memory_space<hbm>>, %arg4: memref<2x32000xi32, #tpu.memory_space<hbm>>, %arg5: memref<1024x128xf32, #tpu.memory_space<hbm>>, %arg6: memref<16x1024xf32, #tpu.memory_space<hbm>>, %arg7: memref<1024x64xf32, #tpu.memory_space<vmem_shared>>, %arg8: memref<1024x64xf32, #tpu.memory_space<vmem_shared>>, %arg9: memref<1024xf32, #tpu.memory_space<vmem>>, %arg10: memref<2x80xi32, #tpu.memory_space<vmem>>, %arg11: memref<80x64xf32, #tpu.memory_space<vmem>>, %arg12: memref<80x64xf32, #tpu.memory_space<vmem>>, %arg13: memref<!tpu.dma_semaphore, #tpu.memory_space<semaphore_mem>>, %arg14: memref<!tpu.dma_semaphore, #tpu.memory_space<semaphore_mem>>, %arg15: memref<!tpu.dma_semaphore, #tpu.memory_space<semaphore_mem>>, %arg16: memref<2x80xi32, #tpu.memory_space<vmem>>, %arg17: memref<80x64xf32, #tpu.memory_space<vmem>>, %arg18: memref<80x64xf32, #tpu.memory_space<vmem>>, %arg19: memref<!tpu.dma_semaphore, #tpu.memory_space<semaphore_mem>>, %arg20: memref<!tpu.dma_semaphore, #tpu.memory_space<semaphore_mem>>, %arg21: memref<!tpu.dma_semaphore, #tpu.memory_space<semaphore_mem>>, %arg22: memref<2x80xi32, #tpu.memory_space<vmem>>, %arg23: memref<80x64xf32, #tpu.memory_space<vmem>>, %arg24: memref<80x64xf32, #tpu.memory_space<vmem>>, %arg25: memref<!tpu.dma_semaphore, #tpu.memory_space<semaphore_mem>>, %arg26: memref<!tpu.dma_semaphore, #tpu.memory_space<semaphore_mem>>, %arg27: memref<!tpu.dma_semaphore, #tpu.memory_space<semaphore_mem>>) attributes {dimension_semantics = [#tpu.dimension_semantics<core_parallel>, #tpu.dimension_semantics<subcore_parallel>], iteration_bounds = array<i64: 2, 16>, scalar_prefetch = 0 : i64, scratch_operands = 21 : i64, tpu.core_type = #tpu.core_type<sc_vector_subcore>, window_params = [{transform_indices = #map}, {transform_indices = #map}, {transform_indices = #map}, {transform_indices = #map}, {transform_indices = #map}]} {
    %mul3A = arith.constant 64 : i32
    %mul3A_0 = arith.muli %arg0, %mul3A : i32
    %mul3A_1 = arith.constant 64 : i32
    %mul3A_2 = arith.muli %mul3A_1, %arg1 : i32
    %mul3A_3 = arith.constant 64 : i32
    %mul3A_4 = arith.muli %mul3A_3, %arg1 : i32
    "tpu.region"() ({
      %run_scoped3A = tpu.sem_alloc : memref<!tpu.dma_semaphore, #tpu.memory_space<semaphore_mem>>
      %dma_start3A_126 = arith.constant 0 : i32
      %dma_start3A_127 = tpu.memref_slice %arg7[%mul3A_4, %dma_start3A_126] : memref<1024x64xf32, #tpu.memory_space<vmem_shared>> -> memref<64x64xf32, #tpu.memory_space<vmem_shared>>
      %dma_start3A_128 = tpu.memref_slice %arg2[%mul3A_2, %mul3A_0] : memref<1024x128xf32, #tpu.memory_space<hbm>> -> memref<64x64xf32, #tpu.memory_space<hbm>>
      tpu.enqueue_dma source(%dma_start3A_128 : memref<64x64xf32, #tpu.memory_space<hbm>>) target(%dma_start3A_127 : memref<64x64xf32, #tpu.memory_space<vmem_shared>>) target_semaphore(%run_scoped3A : memref<!tpu.dma_semaphore, #tpu.memory_space<semaphore_mem>>)
      %dma_wait3A_129 = arith.constant 0 : i32
      %dma_wait3A_130 = tpu.memref_slice %arg7[%mul3A_4, %dma_wait3A_129] : memref<1024x64xf32, #tpu.memory_space<vmem_shared>> -> memref<64x64xf32, #tpu.memory_space<vmem_shared>>
      %dma_wait3A_131 = tpu.memref_slice %arg2[%mul3A_2, %mul3A_0] : memref<1024x128xf32, #tpu.memory_space<hbm>> -> memref<64x64xf32, #tpu.memory_space<hbm>>
      tpu.wait_dma2 semaphore(%run_scoped3A : memref<!tpu.dma_semaphore, #tpu.memory_space<semaphore_mem>>) src(%dma_wait3A_131 : memref<64x64xf32, #tpu.memory_space<hbm>>) dst(%dma_wait3A_130 : memref<64x64xf32, #tpu.memory_space<vmem_shared>>)
      tpu.yield
    }) : () -> ()
    %broadcast_in_dim3A = arith.constant 0.000000e+00 : f32
    %broadcast_in_dim3A_5 = vector.broadcast %broadcast_in_dim3A : f32 to vector<16xf32>
    %scan3A = arith.constant 0 : i32
    %scan3A_6 = arith.constant 80 : i32
    %scan3A_7 = arith.addi %scan3A, %scan3A_6 : i32
    %scan3A_8 = arith.constant 1 : i32
    scf.for %scan3A_126 = %scan3A to %scan3A_7 step %scan3A_8  : i32 {
      %swap3A = arith.index_cast %scan3A_126 : i32 to index
      %swap3A_127 = arith.constant 0 : index
      %swap3A_128 = tpu.vector_load %arg11[%swap3A, %swap3A_127] {strides = array<i32>} : memref<80x64xf32, #tpu.memory_space<vmem>>, vector<16xf32>,
      tpu.vector_store %arg11[%swap3A, %swap3A_127], %broadcast_in_dim3A_5 {strides = array<i32>} : memref<80x64xf32, #tpu.memory_space<vmem>>, vector<16xf32>,
      %swap3A_129 = arith.index_cast %scan3A_126 : i32 to index
      %swap3A_130 = arith.constant 16 : index
      %swap3A_131 = tpu.vector_load %arg11[%swap3A_129, %swap3A_130] {strides = array<i32>} : memref<80x64xf32, #tpu.memory_space<vmem>>, vector<16xf32>,
      tpu.vector_store %arg11[%swap3A_129, %swap3A_130], %broadcast_in_dim3A_5 {strides = array<i32>} : memref<80x64xf32, #tpu.memory_space<vmem>>, vector<16xf32>,
      %swap3A_132 = arith.index_cast %scan3A_126 : i32 to index
      %swap3A_133 = arith.constant 32 : index
      %swap3A_134 = tpu.vector_load %arg11[%swap3A_132, %swap3A_133] {strides = array<i32>} : memref<80x64xf32, #tpu.memory_space<vmem>>, vector<16xf32>,
      tpu.vector_store %arg11[%swap3A_132, %swap3A_133], %broadcast_in_dim3A_5 {strides = array<i32>} : memref<80x64xf32, #tpu.memory_space<vmem>>, vector<16xf32>,
      %swap3A_135 = arith.index_cast %scan3A_126 : i32 to index
      %swap3A_136 = arith.constant 48 : index
      %swap3A_137 = tpu.vector_load %arg11[%swap3A_135, %swap3A_136] {strides = array<i32>} : memref<80x64xf32, #tpu.memory_space<vmem>>, vector<16xf32>,
      tpu.vector_store %arg11[%swap3A_135, %swap3A_136], %broadcast_in_dim3A_5 {strides = array<i32>} : memref<80x64xf32, #tpu.memory_space<vmem>>, vector<16xf32>,
    }
    %scan3A_9 = arith.constant 80 : i32
    %mul3A_10 = arith.constant 64 : i32
    %mul3A_11 = arith.muli %mul3A_10, %arg1 : i32
    %add3A = arith.constant 0 : i32
    %add3A_12 = arith.addi %mul3A_11, %add3A : i32
    "tpu.region"() ({
      %run_scoped3A = tpu.sem_alloc : memref<!tpu.dma_semaphore, #tpu.memory_space<semaphore_mem>>
      %dma_start3A_126 = arith.constant 0 : i32
      %dma_start3A_127 = arith.constant 0 : i32
      %dma_start3A_128 = tpu.memref_slice %arg11[%dma_start3A_126, %dma_start3A_127] : memref<80x64xf32, #tpu.memory_space<vmem>> -> memref<64x64xf32, #tpu.memory_space<vmem>>
      %dma_start3A_129 = arith.constant 0 : i32
      %dma_start3A_130 = tpu.memref_slice %arg8[%add3A_12, %dma_start3A_129] : memref<1024x64xf32, #tpu.memory_space<vmem_shared>> -> memref<64x64xf32, #tpu.memory_space<vmem_shared>>
      %dma_start3A_131 = arith.constant 0 : i32
      %dma_start3A_132 = tpu.memref_slice %arg8[%add3A_12, %dma_start3A_131] : memref<1024x64xf32, #tpu.memory_space<vmem_shared>> -> memref<64x64xf32, #tpu.memory_space<vmem_shared>>
      %dma_start3A_133 = arith.constant 0 : i32
      %dma_start3A_134 = arith.constant 0 : i32
      %dma_start3A_135 = tpu.memref_slice %arg11[%dma_start3A_133, %dma_start3A_134] : memref<80x64xf32, #tpu.memory_space<vmem>> -> memref<64x64xf32, #tpu.memory_space<vmem>>
      tpu.enqueue_dma source(%dma_start3A_135 : memref<64x64xf32, #tpu.memory_space<vmem>>) target(%dma_start3A_132 : memref<64x64xf32, #tpu.memory_space<vmem_shared>>) target_semaphore(%run_scoped3A : memref<!tpu.dma_semaphore, #tpu.memory_space<semaphore_mem>>)
      %dma_wait3A_136 = arith.constant 0 : i32
      %dma_wait3A_137 = arith.constant 0 : i32
      %dma_wait3A_138 = tpu.memref_slice %arg11[%dma_wait3A_136, %dma_wait3A_137] : memref<80x64xf32, #tpu.memory_space<vmem>> -> memref<64x64xf32, #tpu.memory_space<vmem>>
      %dma_wait3A_139 = arith.constant 0 : i32
      %dma_wait3A_140 = tpu.memref_slice %arg8[%add3A_12, %dma_wait3A_139] : memref<1024x64xf32, #tpu.memory_space<vmem_shared>> -> memref<64x64xf32, #tpu.memory_space<vmem_shared>>
      %dma_wait3A_141 = arith.constant 0 : i32
      %dma_wait3A_142 = tpu.memref_slice %arg8[%add3A_12, %dma_wait3A_141] : memref<1024x64xf32, #tpu.memory_space<vmem_shared>> -> memref<64x64xf32, #tpu.memory_space<vmem_shared>>
      %dma_wait3A_143 = arith.constant 0 : i32
      %dma_wait3A_144 = arith.constant 0 : i32
      %dma_wait3A_145 = tpu.memref_slice %arg11[%dma_wait3A_143, %dma_wait3A_144] : memref<80x64xf32, #tpu.memory_space<vmem>> -> memref<64x64xf32, #tpu.memory_space<vmem>>
      tpu.wait_dma2 semaphore(%run_scoped3A : memref<!tpu.dma_semaphore, #tpu.memory_space<semaphore_mem>>) src(%dma_wait3A_145 : memref<64x64xf32, #tpu.memory_space<vmem>>) dst(%dma_wait3A_142 : memref<64x64xf32, #tpu.memory_space<vmem_shared>>)
      tpu.yield
    }) : () -> ()
    %scan3A_13 = arith.constant 0 : i32
    %scan3A_14 = arith.constant 64 : i32
    %scan3A_15 = arith.addi %scan3A_13, %scan3A_14 : i32
    %scan3A_16 = arith.constant 1 : i32
    scf.for %scan3A_126 = %scan3A_13 to %scan3A_15 step %scan3A_16  : i32 {
      %mul3A_127 = arith.constant 16 : i32
      %mul3A_128 = arith.muli %scan3A_126, %mul3A_127 : i32
      %swap3A = arith.index_cast %mul3A_128 : i32 to index
      %swap3A_129 = tpu.vector_load %arg9[%swap3A] {strides = array<i32>} : memref<1024xf32, #tpu.memory_space<vmem>>, vector<16xf32>,
      tpu.vector_store %arg9[%swap3A], %broadcast_in_dim3A_5 {strides = array<i32>} : memref<1024xf32, #tpu.memory_space<vmem>>, vector<16xf32>,
    }
    %scan3A_17 = arith.constant 64 : i32
    %barrier3A = arith.constant 0 : index
    tpu.barrier barrier_id(%barrier3A)
    %broadcast_in_dim3A_18 = arith.constant 1.000000e+00 : f32
    %broadcast_in_dim3A_19 = vector.broadcast %broadcast_in_dim3A_18 : f32 to vector<16xf32>
    %mul3A_20 = arith.constant 2000 : i32
    %mul3A_21 = arith.muli %arg1, %mul3A_20 : i32
    %add3A_22 = arith.constant 0 : i32
    %add3A_23 = arith.addi %mul3A_21, %add3A_22 : i32
    %dma_start3A = arith.constant 0 : i32
    %dma_start3A_24 = tpu.memref_slice %arg4[%dma_start3A, %add3A_23] : memref<2x32000xi32, #tpu.memory_space<hbm>> -> memref<2x80xi32, #tpu.memory_space<hbm>>
    %dma_start3A_25 = arith.constant 0 : i32
    %dma_start3A_26 = tpu.memref_slice %arg4[%dma_start3A_25, %add3A_23] : memref<2x32000xi32, #tpu.memory_space<hbm>> -> memref<2x80xi32, #tpu.memory_space<hbm>>
    tpu.enqueue_dma source(%dma_start3A_26 : memref<2x80xi32, #tpu.memory_space<hbm>>) target(%arg10 : memref<2x80xi32, #tpu.memory_space<vmem>>) target_semaphore(%arg13 : memref<!tpu.dma_semaphore, #tpu.memory_space<semaphore_mem>>)
    %dma_start3A_27 = tpu.memref_slice %arg3[%add3A_23, %mul3A_0] : memref<32000x128xf32, #tpu.memory_space<hbm>> -> memref<80x64xf32, #tpu.memory_space<hbm>>
    %dma_start3A_28 = tpu.memref_slice %arg3[%add3A_23, %mul3A_0] : memref<32000x128xf32, #tpu.memory_space<hbm>> -> memref<80x64xf32, #tpu.memory_space<hbm>>
    tpu.enqueue_dma source(%dma_start3A_28 : memref<80x64xf32, #tpu.memory_space<hbm>>) target(%arg12 : memref<80x64xf32, #tpu.memory_space<vmem>>) target_semaphore(%arg13 : memref<!tpu.dma_semaphore, #tpu.memory_space<semaphore_mem>>)
    %mul3A_29 = arith.constant 2000 : i32
    %mul3A_30 = arith.muli %arg1, %mul3A_29 : i32
    %add3A_31 = arith.constant 80 : i32
    %add3A_32 = arith.addi %mul3A_30, %add3A_31 : i32
    %dma_start3A_33 = arith.constant 0 : i32
    %dma_start3A_34 = tpu.memref_slice %arg4[%dma_start3A_33, %add3A_32] : memref<2x32000xi32, #tpu.memory_space<hbm>> -> memref<2x80xi32, #tpu.memory_space<hbm>>
    %dma_start3A_35 = arith.constant 0 : i32
    %dma_start3A_36 = tpu.memref_slice %arg4[%dma_start3A_35, %add3A_32] : memref<2x32000xi32, #tpu.memory_space<hbm>> -> memref<2x80xi32, #tpu.memory_space<hbm>>
    tpu.enqueue_dma source(%dma_start3A_36 : memref<2x80xi32, #tpu.memory_space<hbm>>) target(%arg16 : memref<2x80xi32, #tpu.memory_space<vmem>>) target_semaphore(%arg19 : memref<!tpu.dma_semaphore, #tpu.memory_space<semaphore_mem>>)
    %dma_start3A_37 = tpu.memref_slice %arg3[%add3A_32, %mul3A_0] : memref<32000x128xf32, #tpu.memory_space<hbm>> -> memref<80x64xf32, #tpu.memory_space<hbm>>
    %dma_start3A_38 = tpu.memref_slice %arg3[%add3A_32, %mul3A_0] : memref<32000x128xf32, #tpu.memory_space<hbm>> -> memref<80x64xf32, #tpu.memory_space<hbm>>
    tpu.enqueue_dma source(%dma_start3A_38 : memref<80x64xf32, #tpu.memory_space<hbm>>) target(%arg18 : memref<80x64xf32, #tpu.memory_space<vmem>>) target_semaphore(%arg19 : memref<!tpu.dma_semaphore, #tpu.memory_space<semaphore_mem>>)
    %mul3A_39 = arith.constant 2000 : i32
    %mul3A_40 = arith.muli %arg1, %mul3A_39 : i32
    %add3A_41 = arith.constant 0 : i32
    %add3A_42 = arith.addi %mul3A_40, %add3A_41 : i32
    %dma_wait3A = arith.constant 0 : i32
    %dma_wait3A_43 = tpu.memref_slice %arg4[%dma_wait3A, %add3A_42] : memref<2x32000xi32, #tpu.memory_space<hbm>> -> memref<2x80xi32, #tpu.memory_space<hbm>>
    %dma_wait3A_44 = arith.constant 0 : i32
    %dma_wait3A_45 = tpu.memref_slice %arg4[%dma_wait3A_44, %add3A_42] : memref<2x32000xi32, #tpu.memory_space<hbm>> -> memref<2x80xi32, #tpu.memory_space<hbm>>
    tpu.wait_dma2 semaphore(%arg13 : memref<!tpu.dma_semaphore, #tpu.memory_space<semaphore_mem>>) src(%dma_wait3A_45 : memref<2x80xi32, #tpu.memory_space<hbm>>) dst(%arg10 : memref<2x80xi32, #tpu.memory_space<vmem>>)
    %dma_wait3A_46 = tpu.memref_slice %arg3[%add3A_42, %mul3A_0] : memref<32000x128xf32, #tpu.memory_space<hbm>> -> memref<80x64xf32, #tpu.memory_space<hbm>>
    %dma_wait3A_47 = tpu.memref_slice %arg3[%add3A_42, %mul3A_0] : memref<32000x128xf32, #tpu.memory_space<hbm>> -> memref<80x64xf32, #tpu.memory_space<hbm>>
    tpu.wait_dma2 semaphore(%arg13 : memref<!tpu.dma_semaphore, #tpu.memory_space<semaphore_mem>>) src(%dma_wait3A_47 : memref<80x64xf32, #tpu.memory_space<hbm>>) dst(%arg12 : memref<80x64xf32, #tpu.memory_space<vmem>>)
    %dma_start3A_48 = arith.constant 0 : i32
    %dma_start3A_49 = arith.constant 0 : i32
    %dma_start3A_50 = tpu.memref_slice %arg10[%dma_start3A_48, %dma_start3A_49] : memref<2x80xi32, #tpu.memory_space<vmem>> -> memref<1x80xi32, #tpu.memory_space<vmem>>
    %dma_start3A_51 = tpu.memref_squeeze %dma_start3A_50 : memref<1x80xi32, #tpu.memory_space<vmem>> -> memref<80xi32, #tpu.memory_space<vmem>>
    %dma_start3A_52 = arith.constant 0 : i32
    %dma_start3A_53 = arith.constant 0 : i32
    %dma_start3A_54 = tpu.memref_slice %arg7[%dma_start3A_52, %dma_start3A_53] : memref<1024x64xf32, #tpu.memory_space<vmem_shared>> -> memref<1024x64xf32, #tpu.memory_space<vmem_shared>>
    tpu.enqueue_indirect_dma source(%dma_start3A_54 : memref<1024x64xf32, #tpu.memory_space<vmem_shared>>) target(%arg11 : memref<80x64xf32, #tpu.memory_space<vmem>>) offsets(%dma_start3A_51 : memref<80xi32, #tpu.memory_space<vmem>>) semaphore(%arg14 : memref<!tpu.dma_semaphore, #tpu.memory_space<semaphore_mem>>)
    %scan3A_55 = arith.constant 0 : i32
    %scan3A_56 = arith.constant 0 : i32
    %scan3A_57 = arith.constant 1 : i32
    %scan3A_58 = arith.constant 1 : i32
    %scan3A_59 = arith.constant 0 : i32
    %scan3A_60 = arith.constant 1 : i32
    %scan3A_61 = arith.constant 0 : i32
    %scan3A_62 = arith.constant 8 : i32
    %scan3A_63 = arith.addi %scan3A_61, %scan3A_62 : i32
    %scan3A_64 = arith.constant 1 : i32
    scf.for %scan3A_126 = %scan3A_61 to %scan3A_63 step %scan3A_64  : i32 {
      %mul3A_127 = arith.constant 3 : i32
      %mul3A_128 = arith.muli %scan3A_126, %mul3A_127 : i32
      %dma_wait3A_129 = arith.constant 0 : i32
      %dma_wait3A_130 = tpu.memref_slice %arg10[%scan3A_55, %dma_wait3A_129] : memref<2x80xi32, #tpu.memory_space<vmem>> -> memref<1x80xi32, #tpu.memory_space<vmem>>
      %dma_wait3A_131 = tpu.memref_squeeze %dma_wait3A_130 : memref<1x80xi32, #tpu.memory_space<vmem>> -> memref<80xi32, #tpu.memory_space<vmem>>
      %dma_wait3A_132 = arith.constant 0 : i32
      %dma_wait3A_133 = arith.constant 0 : i32
      %dma_wait3A_134 = tpu.memref_slice %arg7[%dma_wait3A_132, %dma_wait3A_133] : memref<1024x64xf32, #tpu.memory_space<vmem_shared>> -> memref<1024x64xf32, #tpu.memory_space<vmem_shared>>
      tpu.wait_indirect_dma semaphore(%arg14 : memref<!tpu.dma_semaphore, #tpu.memory_space<semaphore_mem>>) src(%dma_wait3A_134 : memref<1024x64xf32, #tpu.memory_space<vmem_shared>>) dst(%arg11 : memref<80x64xf32, #tpu.memory_space<vmem>>)
      %add3A_135 = arith.constant 1 : i32
      %add3A_136 = arith.addi %mul3A_128, %add3A_135 : i32
      %lt3A_137 = arith.constant 25 : i32
      %lt3A_138 = arith.cmpi slt, %add3A_136, %lt3A_137 : i32
      %convert_element_type3A_139 = arith.extui %lt3A_138 : i1 to i32
      %cond3A_140 = arith.constant 0 : i32
      %cond3A_141 = arith.cmpi ne, %convert_element_type3A_139, %cond3A_140 : i32
      scf.if %cond3A_141 {
        %add3A_254 = arith.constant 1 : i32
        %add3A_255 = arith.addi %mul3A_128, %add3A_254 : i32
        %mul3A_256 = arith.constant 2000 : i32
        %mul3A_257 = arith.muli %arg1, %mul3A_256 : i32
        %mul3A_258 = arith.constant 80 : i32
        %mul3A_259 = arith.muli %add3A_255, %mul3A_258 : i32
        %add3A_260 = arith.addi %mul3A_257, %mul3A_259 : i32
        %dma_wait3A_261 = arith.constant 0 : i32
        %dma_wait3A_262 = tpu.memref_slice %arg4[%dma_wait3A_261, %add3A_260] : memref<2x32000xi32, #tpu.memory_space<hbm>> -> memref<2x80xi32, #tpu.memory_space<hbm>>
        %dma_wait3A_263 = arith.constant 0 : i32
        %dma_wait3A_264 = tpu.memref_slice %arg4[%dma_wait3A_263, %add3A_260] : memref<2x32000xi32, #tpu.memory_space<hbm>> -> memref<2x80xi32, #tpu.memory_space<hbm>>
        tpu.wait_dma2 semaphore(%arg19 : memref<!tpu.dma_semaphore, #tpu.memory_space<semaphore_mem>>) src(%dma_wait3A_264 : memref<2x80xi32, #tpu.memory_space<hbm>>) dst(%arg16 : memref<2x80xi32, #tpu.memory_space<vmem>>)
        %dma_wait3A_265 = tpu.memref_slice %arg3[%add3A_260, %mul3A_0] : memref<32000x128xf32, #tpu.memory_space<hbm>> -> memref<80x64xf32, #tpu.memory_space<hbm>>
        %dma_wait3A_266 = tpu.memref_slice %arg3[%add3A_260, %mul3A_0] : memref<32000x128xf32, #tpu.memory_space<hbm>> -> memref<80x64xf32, #tpu.memory_space<hbm>>
        tpu.wait_dma2 semaphore(%arg19 : memref<!tpu.dma_semaphore, #tpu.memory_space<semaphore_mem>>) src(%dma_wait3A_266 : memref<80x64xf32, #tpu.memory_space<hbm>>) dst(%arg18 : memref<80x64xf32, #tpu.memory_space<vmem>>)
        %dma_start3A_267 = arith.constant 0 : i32
        %dma_start3A_268 = tpu.memref_slice %arg16[%scan3A_56, %dma_start3A_267] : memref<2x80xi32, #tpu.memory_space<vmem>> -> memref<1x80xi32, #tpu.memory_space<vmem>>
        %dma_start3A_269 = tpu.memref_squeeze %dma_start3A_268 : memref<1x80xi32, #tpu.memory_space<vmem>> -> memref<80xi32, #tpu.memory_space<vmem>>
        %dma_start3A_270 = arith.constant 0 : i32
        %dma_start3A_271 = arith.constant 0 : i32
        %dma_start3A_272 = tpu.memref_slice %arg7[%dma_start3A_270, %dma_start3A_271] : memref<1024x64xf32, #tpu.memory_space<vmem_shared>> -> memref<1024x64xf32, #tpu.memory_space<vmem_shared>>
        tpu.enqueue_indirect_dma source(%dma_start3A_272 : memref<1024x64xf32, #tpu.memory_space<vmem_shared>>) target(%arg17 : memref<80x64xf32, #tpu.memory_space<vmem>>) offsets(%dma_start3A_269 : memref<80xi32, #tpu.memory_space<vmem>>) semaphore(%arg20 : memref<!tpu.dma_semaphore, #tpu.memory_space<semaphore_mem>>)
      } else {
      }
      %parallel_loop3A_142 = arith.constant 0 : i32
      %parallel_loop3A_143 = arith.constant 80 : i32
      %parallel_loop3A_144 = arith.constant 1 : i32
      scf.for %parallel_loop3A_254 = %parallel_loop3A_142 to %parallel_loop3A_143 step %parallel_loop3A_144  : i32 {
        %parallel_loop3A_255 = arith.index_cast %parallel_loop3A_254 : i32 to index
        %parallel_loop3A_256 = arith.constant 0 : index
        %parallel_loop3A_257 = tpu.vector_load %arg11[%parallel_loop3A_255, %parallel_loop3A_256] {strides = array<i32>} : memref<80x64xf32, #tpu.memory_space<vmem>>, vector<16xf32>,
        %parallel_loop3A_258 = arith.index_cast %parallel_loop3A_254 : i32 to index
        %parallel_loop3A_259 = arith.constant 0 : index
        %parallel_loop3A_260 = tpu.vector_load %arg12[%parallel_loop3A_258, %parallel_loop3A_259] {strides = array<i32>} : memref<80x64xf32, #tpu.memory_space<vmem>>, vector<16xf32>,
        %parallel_loop3A_261 = arith.mulf %parallel_loop3A_257, %parallel_loop3A_260 : vector<16xf32>
        %parallel_loop3A_262 = arith.index_cast %parallel_loop3A_254 : i32 to index
        %parallel_loop3A_263 = arith.constant 0 : index
        %parallel_loop3A_264 = tpu.vector_load %arg11[%parallel_loop3A_262, %parallel_loop3A_263] {strides = array<i32>} : memref<80x64xf32, #tpu.memory_space<vmem>>, vector<16xf32>,
        tpu.vector_store %arg11[%parallel_loop3A_262, %parallel_loop3A_263], %parallel_loop3A_261 {strides = array<i32>} : memref<80x64xf32, #tpu.memory_space<vmem>>, vector<16xf32>,
        %parallel_loop3A_265 = arith.index_cast %parallel_loop3A_254 : i32 to index
        %parallel_loop3A_266 = arith.constant 16 : index
        %parallel_loop3A_267 = tpu.vector_load %arg11[%parallel_loop3A_265, %parallel_loop3A_266] {strides = array<i32>} : memref<80x64xf32, #tpu.memory_space<vmem>>, vector<16xf32>,
        %parallel_loop3A_268 = arith.index_cast %parallel_loop3A_254 : i32 to index
        %parallel_loop3A_269 = arith.constant 16 : index
        %parallel_loop3A_270 = tpu.vector_load %arg12[%parallel_loop3A_268, %parallel_loop3A_269] {strides = array<i32>} : memref<80x64xf32, #tpu.memory_space<vmem>>, vector<16xf32>,
        %parallel_loop3A_271 = arith.mulf %parallel_loop3A_267, %parallel_loop3A_270 : vector<16xf32>
        %parallel_loop3A_272 = arith.index_cast %parallel_loop3A_254 : i32 to index
        %parallel_loop3A_273 = arith.constant 16 : index
        %parallel_loop3A_274 = tpu.vector_load %arg11[%parallel_loop3A_272, %parallel_loop3A_273] {strides = array<i32>} : memref<80x64xf32, #tpu.memory_space<vmem>>, vector<16xf32>,
        tpu.vector_store %arg11[%parallel_loop3A_272, %parallel_loop3A_273], %parallel_loop3A_271 {strides = array<i32>} : memref<80x64xf32, #tpu.memory_space<vmem>>, vector<16xf32>,
        %parallel_loop3A_275 = arith.index_cast %parallel_loop3A_254 : i32 to index
        %parallel_loop3A_276 = arith.constant 32 : index
        %parallel_loop3A_277 = tpu.vector_load %arg11[%parallel_loop3A_275, %parallel_loop3A_276] {strides = array<i32>} : memref<80x64xf32, #tpu.memory_space<vmem>>, vector<16xf32>,
        %parallel_loop3A_278 = arith.index_cast %parallel_loop3A_254 : i32 to index
        %parallel_loop3A_279 = arith.constant 32 : index
        %parallel_loop3A_280 = tpu.vector_load %arg12[%parallel_loop3A_278, %parallel_loop3A_279] {strides = array<i32>} : memref<80x64xf32, #tpu.memory_space<vmem>>, vector<16xf32>,
        %parallel_loop3A_281 = arith.mulf %parallel_loop3A_277, %parallel_loop3A_280 : vector<16xf32>
        %parallel_loop3A_282 = arith.index_cast %parallel_loop3A_254 : i32 to index
        %parallel_loop3A_283 = arith.constant 32 : index
        %parallel_loop3A_284 = tpu.vector_load %arg11[%parallel_loop3A_282, %parallel_loop3A_283] {strides = array<i32>} : memref<80x64xf32, #tpu.memory_space<vmem>>, vector<16xf32>,
        tpu.vector_store %arg11[%parallel_loop3A_282, %parallel_loop3A_283], %parallel_loop3A_281 {strides = array<i32>} : memref<80x64xf32, #tpu.memory_space<vmem>>, vector<16xf32>,
        %parallel_loop3A_285 = arith.index_cast %parallel_loop3A_254 : i32 to index
        %parallel_loop3A_286 = arith.constant 48 : index
        %parallel_loop3A_287 = tpu.vector_load %arg11[%parallel_loop3A_285, %parallel_loop3A_286] {strides = array<i32>} : memref<80x64xf32, #tpu.memory_space<vmem>>, vector<16xf32>,
        %parallel_loop3A_288 = arith.index_cast %parallel_loop3A_254 : i32 to index
        %parallel_loop3A_289 = arith.constant 48 : index
        %parallel_loop3A_290 = tpu.vector_load %arg12[%parallel_loop3A_288, %parallel_loop3A_289] {strides = array<i32>} : memref<80x64xf32, #tpu.memory_space<vmem>>, vector<16xf32>,
        %parallel_loop3A_291 = arith.mulf %parallel_loop3A_287, %parallel_loop3A_290 : vector<16xf32>
        %parallel_loop3A_292 = arith.index_cast %parallel_loop3A_254 : i32 to index
        %parallel_loop3A_293 = arith.constant 48 : index
        %parallel_loop3A_294 = tpu.vector_load %arg11[%parallel_loop3A_292, %parallel_loop3A_293] {strides = array<i32>} : memref<80x64xf32, #tpu.memory_space<vmem>>, vector<16xf32>,
        tpu.vector_store %arg11[%parallel_loop3A_292, %parallel_loop3A_293], %parallel_loop3A_291 {strides = array<i32>} : memref<80x64xf32, #tpu.memory_space<vmem>>, vector<16xf32>,
      } {sc.loop_unroll_factor = 8 : i64, sc.parallel_access}
      %eq3A_145 = arith.constant 0 : i32
      %eq3A_146 = arith.cmpi eq, %arg0, %eq3A_145 : i32
      %convert_element_type3A_147 = arith.extui %eq3A_146 : i1 to i32
      %cond3A_148 = arith.constant 0 : i32
      %cond3A_149 = arith.cmpi ne, %convert_element_type3A_147, %cond3A_148 : i32
      scf.if %cond3A_149 {
        %scan3A_254 = arith.constant 0 : i32
        %scan3A_255 = arith.constant 5 : i32
        %scan3A_256 = arith.addi %scan3A_254, %scan3A_255 : i32
        %scan3A_257 = arith.constant 1 : i32
        scf.for %scan3A_259 = %scan3A_254 to %scan3A_256 step %scan3A_257  : i32 {
          %mul3A_260 = arith.constant 16 : i32
          %mul3A_261 = arith.muli %scan3A_259, %mul3A_260 : i32
          %get3A = arith.constant 0 : i32
          %get3A_262 = tpu.memref_slice %arg10[%scan3A_57, %get3A] : memref<2x80xi32, #tpu.memory_space<vmem>> -> memref<1x80xi32, #tpu.memory_space<vmem>>
          %get3A_263 = tpu.memref_squeeze %get3A_262 : memref<1x80xi32, #tpu.memory_space<vmem>> -> memref<80xi32, #tpu.memory_space<vmem>>
          %get3A_264 = arith.index_cast %mul3A_261 : i32 to index
          %get3A_265 = tpu.vector_load %get3A_263[%get3A_264] {strides = array<i32>} : memref<80xi32, #tpu.memory_space<vmem>>, vector<16xi32>,
          tpu.vector_store_idx %arg9[%get3A_265], %broadcast_in_dim3A_19 {add = true} : memref<1024xf32, #tpu.memory_space<vmem>>[vector<16xi32>], vector<16xf32>,
        }
        %scan3A_258 = arith.constant 5 : i32
      } else {
      }
      %ge3A_150 = arith.constant 1 : i32
      %ge3A_151 = arith.cmpi sge, %mul3A_128, %ge3A_150 : i32
      %convert_element_type3A_152 = arith.extui %ge3A_151 : i1 to i32
      %cond3A_153 = arith.constant 0 : i32
      %cond3A_154 = arith.cmpi ne, %convert_element_type3A_152, %cond3A_153 : i32
      scf.if %cond3A_154 {
        %dma_wait3A_254 = arith.constant 0 : i32
        %dma_wait3A_255 = tpu.memref_slice %arg22[%scan3A_58, %dma_wait3A_254] : memref<2x80xi32, #tpu.memory_space<vmem>> -> memref<1x80xi32, #tpu.memory_space<vmem>>
        %dma_wait3A_256 = tpu.memref_squeeze %dma_wait3A_255 : memref<1x80xi32, #tpu.memory_space<vmem>> -> memref<80xi32, #tpu.memory_space<vmem>>
        %dma_wait3A_257 = arith.constant 0 : i32
        %dma_wait3A_258 = arith.constant 0 : i32
        %dma_wait3A_259 = tpu.memref_slice %arg8[%dma_wait3A_257, %dma_wait3A_258] : memref<1024x64xf32, #tpu.memory_space<vmem_shared>> -> memref<1024x64xf32, #tpu.memory_space<vmem_shared>>
        tpu.wait_indirect_dma semaphore(%arg27 : memref<!tpu.dma_semaphore, #tpu.memory_space<semaphore_mem>>) src(%arg23 : memref<80x64xf32, #tpu.memory_space<vmem>>) dst(%dma_wait3A_259 : memref<1024x64xf32, #tpu.memory_space<vmem_shared>>)
      } else {
      }
      %add3A_155 = arith.constant 2 : i32
      %add3A_156 = arith.addi %mul3A_128, %add3A_155 : i32
      %lt3A_157 = arith.constant 25 : i32
      %lt3A_158 = arith.cmpi slt, %add3A_156, %lt3A_157 : i32
      %convert_element_type3A_159 = arith.extui %lt3A_158 : i1 to i32
      %cond3A_160 = arith.constant 0 : i32
      %cond3A_161 = arith.cmpi ne, %convert_element_type3A_159, %cond3A_160 : i32
      scf.if %cond3A_161 {
        %add3A_254 = arith.constant 2 : i32
        %add3A_255 = arith.addi %mul3A_128, %add3A_254 : i32
        %mul3A_256 = arith.constant 2000 : i32
        %mul3A_257 = arith.muli %arg1, %mul3A_256 : i32
        %mul3A_258 = arith.constant 80 : i32
        %mul3A_259 = arith.muli %add3A_255, %mul3A_258 : i32
        %add3A_260 = arith.addi %mul3A_257, %mul3A_259 : i32
        %dma_start3A_261 = arith.constant 0 : i32
        %dma_start3A_262 = tpu.memref_slice %arg4[%dma_start3A_261, %add3A_260] : memref<2x32000xi32, #tpu.memory_space<hbm>> -> memref<2x80xi32, #tpu.memory_space<hbm>>
        %dma_start3A_263 = arith.constant 0 : i32
        %dma_start3A_264 = tpu.memref_slice %arg4[%dma_start3A_263, %add3A_260] : memref<2x32000xi32, #tpu.memory_space<hbm>> -> memref<2x80xi32, #tpu.memory_space<hbm>>
        tpu.enqueue_dma source(%dma_start3A_264 : memref<2x80xi32, #tpu.memory_space<hbm>>) target(%arg22 : memref<2x80xi32, #tpu.memory_space<vmem>>) target_semaphore(%arg25 : memref<!tpu.dma_semaphore, #tpu.memory_space<semaphore_mem>>)
        %dma_start3A_265 = tpu.memref_slice %arg3[%add3A_260, %mul3A_0] : memref<32000x128xf32, #tpu.memory_space<hbm>> -> memref<80x64xf32, #tpu.memory_space<hbm>>
        %dma_start3A_266 = tpu.memref_slice %arg3[%add3A_260, %mul3A_0] : memref<32000x128xf32, #tpu.memory_space<hbm>> -> memref<80x64xf32, #tpu.memory_space<hbm>>
        tpu.enqueue_dma source(%dma_start3A_266 : memref<80x64xf32, #tpu.memory_space<hbm>>) target(%arg24 : memref<80x64xf32, #tpu.memory_space<vmem>>) target_semaphore(%arg25 : memref<!tpu.dma_semaphore, #tpu.memory_space<semaphore_mem>>)
      } else {
      }
      %dma_start3A_162 = arith.constant 0 : i32
      %dma_start3A_163 = tpu.memref_slice %arg10[%scan3A_57, %dma_start3A_162] : memref<2x80xi32, #tpu.memory_space<vmem>> -> memref<1x80xi32, #tpu.memory_space<vmem>>
      %dma_start3A_164 = tpu.memref_squeeze %dma_start3A_163 : memref<1x80xi32, #tpu.memory_space<vmem>> -> memref<80xi32, #tpu.memory_space<vmem>>
      %dma_start3A_165 = arith.constant 0 : i32
      %dma_start3A_166 = arith.constant 0 : i32
      %dma_start3A_167 = tpu.memref_slice %arg8[%dma_start3A_165, %dma_start3A_166] : memref<1024x64xf32, #tpu.memory_space<vmem_shared>> -> memref<1024x64xf32, #tpu.memory_space<vmem_shared>>
      tpu.enqueue_indirect_dma source(%arg11 : memref<80x64xf32, #tpu.memory_space<vmem>>) target(%dma_start3A_167 : memref<1024x64xf32, #tpu.memory_space<vmem_shared>>) offsets(%dma_start3A_164 : memref<80xi32, #tpu.memory_space<vmem>>) semaphore(%arg15 : memref<!tpu.dma_semaphore, #tpu.memory_space<semaphore_mem>>) {add = true}
      %mul3A_168 = arith.constant 3 : i32
      %mul3A_169 = arith.muli %scan3A_126, %mul3A_168 : i32
      %add3A_170 = arith.constant 1 : i32
      %add3A_171 = arith.addi %mul3A_169, %add3A_170 : i32
      %dma_wait3A_172 = arith.constant 0 : i32
      %dma_wait3A_173 = tpu.memref_slice %arg16[%scan3A_56, %dma_wait3A_172] : memref<2x80xi32, #tpu.memory_space<vmem>> -> memref<1x80xi32, #tpu.memory_space<vmem>>
      %dma_wait3A_174 = tpu.memref_squeeze %dma_wait3A_173 : memref<1x80xi32, #tpu.memory_space<vmem>> -> memref<80xi32, #tpu.memory_space<vmem>>
      %dma_wait3A_175 = arith.constant 0 : i32
      %dma_wait3A_176 = arith.constant 0 : i32
      %dma_wait3A_177 = tpu.memref_slice %arg7[%dma_wait3A_175, %dma_wait3A_176] : memref<1024x64xf32, #tpu.memory_space<vmem_shared>> -> memref<1024x64xf32, #tpu.memory_space<vmem_shared>>
      tpu.wait_indirect_dma semaphore(%arg20 : memref<!tpu.dma_semaphore, #tpu.memory_space<semaphore_mem>>) src(%dma_wait3A_177 : memref<1024x64xf32, #tpu.memory_space<vmem_shared>>) dst(%arg17 : memref<80x64xf32, #tpu.memory_space<vmem>>)
      %add3A_178 = arith.constant 1 : i32
      %add3A_179 = arith.addi %add3A_171, %add3A_178 : i32
      %lt3A_180 = arith.constant 25 : i32
      %lt3A_181 = arith.cmpi slt, %add3A_179, %lt3A_180 : i32
      %convert_element_type3A_182 = arith.extui %lt3A_181 : i1 to i32
      %cond3A_183 = arith.constant 0 : i32
      %cond3A_184 = arith.cmpi ne, %convert_element_type3A_182, %cond3A_183 : i32
      scf.if %cond3A_184 {
        %add3A_254 = arith.constant 1 : i32
        %add3A_255 = arith.addi %add3A_171, %add3A_254 : i32
        %mul3A_256 = arith.constant 2000 : i32
        %mul3A_257 = arith.muli %arg1, %mul3A_256 : i32
        %mul3A_258 = arith.constant 80 : i32
        %mul3A_259 = arith.muli %add3A_255, %mul3A_258 : i32
        %add3A_260 = arith.addi %mul3A_257, %mul3A_259 : i32
        %dma_wait3A_261 = arith.constant 0 : i32
        %dma_wait3A_262 = tpu.memref_slice %arg4[%dma_wait3A_261, %add3A_260] : memref<2x32000xi32, #tpu.memory_space<hbm>> -> memref<2x80xi32, #tpu.memory_space<hbm>>
        %dma_wait3A_263 = arith.constant 0 : i32
        %dma_wait3A_264 = tpu.memref_slice %arg4[%dma_wait3A_263, %add3A_260] : memref<2x32000xi32, #tpu.memory_space<hbm>> -> memref<2x80xi32, #tpu.memory_space<hbm>>
        tpu.wait_dma2 semaphore(%arg25 : memref<!tpu.dma_semaphore, #tpu.memory_space<semaphore_mem>>) src(%dma_wait3A_264 : memref<2x80xi32, #tpu.memory_space<hbm>>) dst(%arg22 : memref<2x80xi32, #tpu.memory_space<vmem>>)
        %dma_wait3A_265 = tpu.memref_slice %arg3[%add3A_260, %mul3A_0] : memref<32000x128xf32, #tpu.memory_space<hbm>> -> memref<80x64xf32, #tpu.memory_space<hbm>>
        %dma_wait3A_266 = tpu.memref_slice %arg3[%add3A_260, %mul3A_0] : memref<32000x128xf32, #tpu.memory_space<hbm>> -> memref<80x64xf32, #tpu.memory_space<hbm>>
        tpu.wait_dma2 semaphore(%arg25 : memref<!tpu.dma_semaphore, #tpu.memory_space<semaphore_mem>>) src(%dma_wait3A_266 : memref<80x64xf32, #tpu.memory_space<hbm>>) dst(%arg24 : memref<80x64xf32, #tpu.memory_space<vmem>>)
        %dma_start3A_267 = arith.constant 0 : i32
        %dma_start3A_268 = tpu.memref_slice %arg22[%scan3A_59, %dma_start3A_267] : memref<2x80xi32, #tpu.memory_space<vmem>> -> memref<1x80xi32, #tpu.memory_space<vmem>>
        %dma_start3A_269 = tpu.memref_squeeze %dma_start3A_268 : memref<1x80xi32, #tpu.memory_space<vmem>> -> memref<80xi32, #tpu.memory_space<vmem>>
        %dma_start3A_270 = arith.constant 0 : i32
        %dma_start3A_271 = arith.constant 0 : i32
        %dma_start3A_272 = tpu.memref_slice %arg7[%dma_start3A_270, %dma_start3A_271] : memref<1024x64xf32, #tpu.memory_space<vmem_shared>> -> memref<1024x64xf32, #tpu.memory_space<vmem_shared>>
        tpu.enqueue_indirect_dma source(%dma_start3A_272 : memref<1024x64xf32, #tpu.memory_space<vmem_shared>>) target(%arg23 : memref<80x64xf32, #tpu.memory_space<vmem>>) offsets(%dma_start3A_269 : memref<80xi32, #tpu.memory_space<vmem>>) semaphore(%arg26 : memref<!tpu.dma_semaphore, #tpu.memory_space<semaphore_mem>>)
      } else {
      }
      %parallel_loop3A_185 = arith.constant 0 : i32
      %parallel_loop3A_186 = arith.constant 80 : i32
      %parallel_loop3A_187 = arith.constant 1 : i32
      scf.for %parallel_loop3A_254 = %parallel_loop3A_185 to %parallel_loop3A_186 step %parallel_loop3A_187  : i32 {
        %parallel_loop3A_255 = arith.index_cast %parallel_loop3A_254 : i32 to index
        %parallel_loop3A_256 = arith.constant 0 : index
        %parallel_loop3A_257 = tpu.vector_load %arg17[%parallel_loop3A_255, %parallel_loop3A_256] {strides = array<i32>} : memref<80x64xf32, #tpu.memory_space<vmem>>, vector<16xf32>,
        %parallel_loop3A_258 = arith.index_cast %parallel_loop3A_254 : i32 to index
        %parallel_loop3A_259 = arith.constant 0 : index
        %parallel_loop3A_260 = tpu.vector_load %arg18[%parallel_loop3A_258, %parallel_loop3A_259] {strides = array<i32>} : memref<80x64xf32, #tpu.memory_space<vmem>>, vector<16xf32>,
        %parallel_loop3A_261 = arith.mulf %parallel_loop3A_257, %parallel_loop3A_260 : vector<16xf32>
        %parallel_loop3A_262 = arith.index_cast %parallel_loop3A_254 : i32 to index
        %parallel_loop3A_263 = arith.constant 0 : index
        %parallel_loop3A_264 = tpu.vector_load %arg17[%parallel_loop3A_262, %parallel_loop3A_263] {strides = array<i32>} : memref<80x64xf32, #tpu.memory_space<vmem>>, vector<16xf32>,
        tpu.vector_store %arg17[%parallel_loop3A_262, %parallel_loop3A_263], %parallel_loop3A_261 {strides = array<i32>} : memref<80x64xf32, #tpu.memory_space<vmem>>, vector<16xf32>,
        %parallel_loop3A_265 = arith.index_cast %parallel_loop3A_254 : i32 to index
        %parallel_loop3A_266 = arith.constant 16 : index
        %parallel_loop3A_267 = tpu.vector_load %arg17[%parallel_loop3A_265, %parallel_loop3A_266] {strides = array<i32>} : memref<80x64xf32, #tpu.memory_space<vmem>>, vector<16xf32>,
        %parallel_loop3A_268 = arith.index_cast %parallel_loop3A_254 : i32 to index
        %parallel_loop3A_269 = arith.constant 16 : index
        %parallel_loop3A_270 = tpu.vector_load %arg18[%parallel_loop3A_268, %parallel_loop3A_269] {strides = array<i32>} : memref<80x64xf32, #tpu.memory_space<vmem>>, vector<16xf32>,
        %parallel_loop3A_271 = arith.mulf %parallel_loop3A_267, %parallel_loop3A_270 : vector<16xf32>
        %parallel_loop3A_272 = arith.index_cast %parallel_loop3A_254 : i32 to index
        %parallel_loop3A_273 = arith.constant 16 : index
        %parallel_loop3A_274 = tpu.vector_load %arg17[%parallel_loop3A_272, %parallel_loop3A_273] {strides = array<i32>} : memref<80x64xf32, #tpu.memory_space<vmem>>, vector<16xf32>,
        tpu.vector_store %arg17[%parallel_loop3A_272, %parallel_loop3A_273], %parallel_loop3A_271 {strides = array<i32>} : memref<80x64xf32, #tpu.memory_space<vmem>>, vector<16xf32>,
        %parallel_loop3A_275 = arith.index_cast %parallel_loop3A_254 : i32 to index
        %parallel_loop3A_276 = arith.constant 32 : index
        %parallel_loop3A_277 = tpu.vector_load %arg17[%parallel_loop3A_275, %parallel_loop3A_276] {strides = array<i32>} : memref<80x64xf32, #tpu.memory_space<vmem>>, vector<16xf32>,
        %parallel_loop3A_278 = arith.index_cast %parallel_loop3A_254 : i32 to index
        %parallel_loop3A_279 = arith.constant 32 : index
        %parallel_loop3A_280 = tpu.vector_load %arg18[%parallel_loop3A_278, %parallel_loop3A_279] {strides = array<i32>} : memref<80x64xf32, #tpu.memory_space<vmem>>, vector<16xf32>,
        %parallel_loop3A_281 = arith.mulf %parallel_loop3A_277, %parallel_loop3A_280 : vector<16xf32>
        %parallel_loop3A_282 = arith.index_cast %parallel_loop3A_254 : i32 to index
        %parallel_loop3A_283 = arith.constant 32 : index
        %parallel_loop3A_284 = tpu.vector_load %arg17[%parallel_loop3A_282, %parallel_loop3A_283] {strides = array<i32>} : memref<80x64xf32, #tpu.memory_space<vmem>>, vector<16xf32>,
        tpu.vector_store %arg17[%parallel_loop3A_282, %parallel_loop3A_283], %parallel_loop3A_281 {strides = array<i32>} : memref<80x64xf32, #tpu.memory_space<vmem>>, vector<16xf32>,
        %parallel_loop3A_285 = arith.index_cast %parallel_loop3A_254 : i32 to index
        %parallel_loop3A_286 = arith.constant 48 : index
        %parallel_loop3A_287 = tpu.vector_load %arg17[%parallel_loop3A_285, %parallel_loop3A_286] {strides = array<i32>} : memref<80x64xf32, #tpu.memory_space<vmem>>, vector<16xf32>,
        %parallel_loop3A_288 = arith.index_cast %parallel_loop3A_254 : i32 to index
        %parallel_loop3A_289 = arith.constant 48 : index
        %parallel_loop3A_290 = tpu.vector_load %arg18[%parallel_loop3A_288, %parallel_loop3A_289] {strides = array<i32>} : memref<80x64xf32, #tpu.memory_space<vmem>>, vector<16xf32>,
        %parallel_loop3A_291 = arith.mulf %parallel_loop3A_287, %parallel_loop3A_290 : vector<16xf32>
        %parallel_loop3A_292 = arith.index_cast %parallel_loop3A_254 : i32 to index
        %parallel_loop3A_293 = arith.constant 48 : index
        %parallel_loop3A_294 = tpu.vector_load %arg17[%parallel_loop3A_292, %parallel_loop3A_293] {strides = array<i32>} : memref<80x64xf32, #tpu.memory_space<vmem>>, vector<16xf32>,
        tpu.vector_store %arg17[%parallel_loop3A_292, %parallel_loop3A_293], %parallel_loop3A_291 {strides = array<i32>} : memref<80x64xf32, #tpu.memory_space<vmem>>, vector<16xf32>,
      } {sc.loop_unroll_factor = 8 : i64, sc.parallel_access}
      %eq3A_188 = arith.constant 0 : i32
      %eq3A_189 = arith.cmpi eq, %arg0, %eq3A_188 : i32
      %convert_element_type3A_190 = arith.extui %eq3A_189 : i1 to i32
      %cond3A_191 = arith.constant 0 : i32
      %cond3A_192 = arith.cmpi ne, %convert_element_type3A_190, %cond3A_191 : i32
      scf.if %cond3A_192 {
        %scan3A_254 = arith.constant 0 : i32
        %scan3A_255 = arith.constant 5 : i32
        %scan3A_256 = arith.addi %scan3A_254, %scan3A_255 : i32
        %scan3A_257 = arith.constant 1 : i32
        scf.for %scan3A_259 = %scan3A_254 to %scan3A_256 step %scan3A_257  : i32 {
          %mul3A_260 = arith.constant 16 : i32
          %mul3A_261 = arith.muli %scan3A_259, %mul3A_260 : i32
          %get3A = arith.constant 0 : i32
          %get3A_262 = tpu.memref_slice %arg16[%scan3A_60, %get3A] : memref<2x80xi32, #tpu.memory_space<vmem>> -> memref<1x80xi32, #tpu.memory_space<vmem>>
          %get3A_263 = tpu.memref_squeeze %get3A_262 : memref<1x80xi32, #tpu.memory_space<vmem>> -> memref<80xi32, #tpu.memory_space<vmem>>
          %get3A_264 = arith.index_cast %mul3A_261 : i32 to index
          %get3A_265 = tpu.vector_load %get3A_263[%get3A_264] {strides = array<i32>} : memref<80xi32, #tpu.memory_space<vmem>>, vector<16xi32>,
          tpu.vector_store_idx %arg9[%get3A_265], %broadcast_in_dim3A_19 {add = true} : memref<1024xf32, #tpu.memory_space<vmem>>[vector<16xi32>], vector<16xf32>,
        }
        %scan3A_258 = arith.constant 5 : i32
      } else {
      }
      %ge3A_193 = arith.constant 1 : i32
      %ge3A_194 = arith.cmpi sge, %add3A_171, %ge3A_193 : i32
      %convert_element_type3A_195 = arith.extui %ge3A_194 : i1 to i32
      %cond3A_196 = arith.constant 0 : i32
      %cond3A_197 = arith.cmpi ne, %convert_element_type3A_195, %cond3A_196 : i32
      scf.if %cond3A_197 {
        %dma_wait3A_254 = arith.constant 0 : i32
        %dma_wait3A_255 = tpu.memref_slice %arg10[%scan3A_57, %dma_wait3A_254] : memref<2x80xi32, #tpu.memory_space<vmem>> -> memref<1x80xi32, #tpu.memory_space<vmem>>
        %dma_wait3A_256 = tpu.memref_squeeze %dma_wait3A_255 : memref<1x80xi32, #tpu.memory_space<vmem>> -> memref<80xi32, #tpu.memory_space<vmem>>
        %dma_wait3A_257 = arith.constant 0 : i32
        %dma_wait3A_258 = arith.constant 0 : i32
        %dma_wait3A_259 = tpu.memref_slice %arg8[%dma_wait3A_257, %dma_wait3A_258] : memref<1024x64xf32, #tpu.memory_space<vmem_shared>> -> memref<1024x64xf32, #tpu.memory_space<vmem_shared>>
        tpu.wait_indirect_dma semaphore(%arg15 : memref<!tpu.dma_semaphore, #tpu.memory_space<semaphore_mem>>) src(%arg11 : memref<80x64xf32, #tpu.memory_space<vmem>>) dst(%dma_wait3A_259 : memref<1024x64xf32, #tpu.memory_space<vmem_shared>>)
      } else {
      }
      %add3A_198 = arith.constant 2 : i32
      %add3A_199 = arith.addi %add3A_171, %add3A_198 : i32
      %lt3A_200 = arith.constant 25 : i32
      %lt3A_201 = arith.cmpi slt, %add3A_199, %lt3A_200 : i32
      %convert_element_type3A_202 = arith.extui %lt3A_201 : i1 to i32
      %cond3A_203 = arith.constant 0 : i32
      %cond3A_204 = arith.cmpi ne, %convert_element_type3A_202, %cond3A_203 : i32
      scf.if %cond3A_204 {
        %add3A_254 = arith.constant 2 : i32
        %add3A_255 = arith.addi %add3A_171, %add3A_254 : i32
        %mul3A_256 = arith.constant 2000 : i32
        %mul3A_257 = arith.muli %arg1, %mul3A_256 : i32
        %mul3A_258 = arith.constant 80 : i32
        %mul3A_259 = arith.muli %add3A_255, %mul3A_258 : i32
        %add3A_260 = arith.addi %mul3A_257, %mul3A_259 : i32
        %dma_start3A_261 = arith.constant 0 : i32
        %dma_start3A_262 = tpu.memref_slice %arg4[%dma_start3A_261, %add3A_260] : memref<2x32000xi32, #tpu.memory_space<hbm>> -> memref<2x80xi32, #tpu.memory_space<hbm>>
        %dma_start3A_263 = arith.constant 0 : i32
        %dma_start3A_264 = tpu.memref_slice %arg4[%dma_start3A_263, %add3A_260] : memref<2x32000xi32, #tpu.memory_space<hbm>> -> memref<2x80xi32, #tpu.memory_space<hbm>>
        tpu.enqueue_dma source(%dma_start3A_264 : memref<2x80xi32, #tpu.memory_space<hbm>>) target(%arg10 : memref<2x80xi32, #tpu.memory_space<vmem>>) target_semaphore(%arg13 : memref<!tpu.dma_semaphore, #tpu.memory_space<semaphore_mem>>)
        %dma_start3A_265 = tpu.memref_slice %arg3[%add3A_260, %mul3A_0] : memref<32000x128xf32, #tpu.memory_space<hbm>> -> memref<80x64xf32, #tpu.memory_space<hbm>>
        %dma_start3A_266 = tpu.memref_slice %arg3[%add3A_260, %mul3A_0] : memref<32000x128xf32, #tpu.memory_space<hbm>> -> memref<80x64xf32, #tpu.memory_space<hbm>>
        tpu.enqueue_dma source(%dma_start3A_266 : memref<80x64xf32, #tpu.memory_space<hbm>>) target(%arg12 : memref<80x64xf32, #tpu.memory_space<vmem>>) target_semaphore(%arg13 : memref<!tpu.dma_semaphore, #tpu.memory_space<semaphore_mem>>)
      } else {
      }
      %dma_start3A_205 = arith.constant 0 : i32
      %dma_start3A_206 = tpu.memref_slice %arg16[%scan3A_60, %dma_start3A_205] : memref<2x80xi32, #tpu.memory_space<vmem>> -> memref<1x80xi32, #tpu.memory_space<vmem>>
      %dma_start3A_207 = tpu.memref_squeeze %dma_start3A_206 : memref<1x80xi32, #tpu.memory_space<vmem>> -> memref<80xi32, #tpu.memory_space<vmem>>
      %dma_start3A_208 = arith.constant 0 : i32
      %dma_start3A_209 = arith.constant 0 : i32
      %dma_start3A_210 = tpu.memref_slice %arg8[%dma_start3A_208, %dma_start3A_209] : memref<1024x64xf32, #tpu.memory_space<vmem_shared>> -> memref<1024x64xf32, #tpu.memory_space<vmem_shared>>
      tpu.enqueue_indirect_dma source(%arg17 : memref<80x64xf32, #tpu.memory_space<vmem>>) target(%dma_start3A_210 : memref<1024x64xf32, #tpu.memory_space<vmem_shared>>) offsets(%dma_start3A_207 : memref<80xi32, #tpu.memory_space<vmem>>) semaphore(%arg21 : memref<!tpu.dma_semaphore, #tpu.memory_space<semaphore_mem>>) {add = true}
      %mul3A_211 = arith.constant 3 : i32
      %mul3A_212 = arith.muli %scan3A_126, %mul3A_211 : i32
      %add3A_213 = arith.constant 2 : i32
      %add3A_214 = arith.addi %mul3A_212, %add3A_213 : i32
      %dma_wait3A_215 = arith.constant 0 : i32
      %dma_wait3A_216 = tpu.memref_slice %arg22[%scan3A_59, %dma_wait3A_215] : memref<2x80xi32, #tpu.memory_space<vmem>> -> memref<1x80xi32, #tpu.memory_space<vmem>>
      %dma_wait3A_217 = tpu.memref_squeeze %dma_wait3A_216 : memref<1x80xi32, #tpu.memory_space<vmem>> -> memref<80xi32, #tpu.memory_space<vmem>>
      %dma_wait3A_218 = arith.constant 0 : i32
      %dma_wait3A_219 = arith.constant 0 : i32
      %dma_wait3A_220 = tpu.memref_slice %arg7[%dma_wait3A_218, %dma_wait3A_219] : memref<1024x64xf32, #tpu.memory_space<vmem_shared>> -> memref<1024x64xf32, #tpu.memory_space<vmem_shared>>
      tpu.wait_indirect_dma semaphore(%arg26 : memref<!tpu.dma_semaphore, #tpu.memory_space<semaphore_mem>>) src(%dma_wait3A_220 : memref<1024x64xf32, #tpu.memory_space<vmem_shared>>) dst(%arg23 : memref<80x64xf32, #tpu.memory_space<vmem>>)
      %add3A_221 = arith.constant 1 : i32
      %add3A_222 = arith.addi %add3A_214, %add3A_221 : i32
      %lt3A_223 = arith.constant 25 : i32
      %lt3A_224 = arith.cmpi slt, %add3A_222, %lt3A_223 : i32
      %convert_element_type3A_225 = arith.extui %lt3A_224 : i1 to i32
      %cond3A_226 = arith.constant 0 : i32
      %cond3A_227 = arith.cmpi ne, %convert_element_type3A_225, %cond3A_226 : i32
      scf.if %cond3A_227 {
        %add3A_254 = arith.constant 1 : i32
        %add3A_255 = arith.addi %add3A_214, %add3A_254 : i32
        %mul3A_256 = arith.constant 2000 : i32
        %mul3A_257 = arith.muli %arg1, %mul3A_256 : i32
        %mul3A_258 = arith.constant 80 : i32
        %mul3A_259 = arith.muli %add3A_255, %mul3A_258 : i32
        %add3A_260 = arith.addi %mul3A_257, %mul3A_259 : i32
        %dma_wait3A_261 = arith.constant 0 : i32
        %dma_wait3A_262 = tpu.memref_slice %arg4[%dma_wait3A_261, %add3A_260] : memref<2x32000xi32, #tpu.memory_space<hbm>> -> memref<2x80xi32, #tpu.memory_space<hbm>>
        %dma_wait3A_263 = arith.constant 0 : i32
        %dma_wait3A_264 = tpu.memref_slice %arg4[%dma_wait3A_263, %add3A_260] : memref<2x32000xi32, #tpu.memory_space<hbm>> -> memref<2x80xi32, #tpu.memory_space<hbm>>
        tpu.wait_dma2 semaphore(%arg13 : memref<!tpu.dma_semaphore, #tpu.memory_space<semaphore_mem>>) src(%dma_wait3A_264 : memref<2x80xi32, #tpu.memory_space<hbm>>) dst(%arg10 : memref<2x80xi32, #tpu.memory_space<vmem>>)
        %dma_wait3A_265 = tpu.memref_slice %arg3[%add3A_260, %mul3A_0] : memref<32000x128xf32, #tpu.memory_space<hbm>> -> memref<80x64xf32, #tpu.memory_space<hbm>>
        %dma_wait3A_266 = tpu.memref_slice %arg3[%add3A_260, %mul3A_0] : memref<32000x128xf32, #tpu.memory_space<hbm>> -> memref<80x64xf32, #tpu.memory_space<hbm>>
        tpu.wait_dma2 semaphore(%arg13 : memref<!tpu.dma_semaphore, #tpu.memory_space<semaphore_mem>>) src(%dma_wait3A_266 : memref<80x64xf32, #tpu.memory_space<hbm>>) dst(%arg12 : memref<80x64xf32, #tpu.memory_space<vmem>>)
        %dma_start3A_267 = arith.constant 0 : i32
        %dma_start3A_268 = tpu.memref_slice %arg10[%scan3A_55, %dma_start3A_267] : memref<2x80xi32, #tpu.memory_space<vmem>> -> memref<1x80xi32, #tpu.memory_space<vmem>>
        %dma_start3A_269 = tpu.memref_squeeze %dma_start3A_268 : memref<1x80xi32, #tpu.memory_space<vmem>> -> memref<80xi32, #tpu.memory_space<vmem>>
        %dma_start3A_270 = arith.constant 0 : i32
        %dma_start3A_271 = arith.constant 0 : i32
        %dma_start3A_272 = tpu.memref_slice %arg7[%dma_start3A_270, %dma_start3A_271] : memref<1024x64xf32, #tpu.memory_space<vmem_shared>> -> memref<1024x64xf32, #tpu.memory_space<vmem_shared>>
        tpu.enqueue_indirect_dma source(%dma_start3A_272 : memref<1024x64xf32, #tpu.memory_space<vmem_shared>>) target(%arg11 : memref<80x64xf32, #tpu.memory_space<vmem>>) offsets(%dma_start3A_269 : memref<80xi32, #tpu.memory_space<vmem>>) semaphore(%arg14 : memref<!tpu.dma_semaphore, #tpu.memory_space<semaphore_mem>>)
      } else {
      }
      %parallel_loop3A_228 = arith.constant 0 : i32
      %parallel_loop3A_229 = arith.constant 80 : i32
      %parallel_loop3A_230 = arith.constant 1 : i32
      scf.for %parallel_loop3A_254 = %parallel_loop3A_228 to %parallel_loop3A_229 step %parallel_loop3A_230  : i32 {
        %parallel_loop3A_255 = arith.index_cast %parallel_loop3A_254 : i32 to index
        %parallel_loop3A_256 = arith.constant 0 : index
        %parallel_loop3A_257 = tpu.vector_load %arg23[%parallel_loop3A_255, %parallel_loop3A_256] {strides = array<i32>} : memref<80x64xf32, #tpu.memory_space<vmem>>, vector<16xf32>,
        %parallel_loop3A_258 = arith.index_cast %parallel_loop3A_254 : i32 to index
        %parallel_loop3A_259 = arith.constant 0 : index
        %parallel_loop3A_260 = tpu.vector_load %arg24[%parallel_loop3A_258, %parallel_loop3A_259] {strides = array<i32>} : memref<80x64xf32, #tpu.memory_space<vmem>>, vector<16xf32>,
        %parallel_loop3A_261 = arith.mulf %parallel_loop3A_257, %parallel_loop3A_260 : vector<16xf32>
        %parallel_loop3A_262 = arith.index_cast %parallel_loop3A_254 : i32 to index
        %parallel_loop3A_263 = arith.constant 0 : index
        %parallel_loop3A_264 = tpu.vector_load %arg23[%parallel_loop3A_262, %parallel_loop3A_263] {strides = array<i32>} : memref<80x64xf32, #tpu.memory_space<vmem>>, vector<16xf32>,
        tpu.vector_store %arg23[%parallel_loop3A_262, %parallel_loop3A_263], %parallel_loop3A_261 {strides = array<i32>} : memref<80x64xf32, #tpu.memory_space<vmem>>, vector<16xf32>,
        %parallel_loop3A_265 = arith.index_cast %parallel_loop3A_254 : i32 to index
        %parallel_loop3A_266 = arith.constant 16 : index
        %parallel_loop3A_267 = tpu.vector_load %arg23[%parallel_loop3A_265, %parallel_loop3A_266] {strides = array<i32>} : memref<80x64xf32, #tpu.memory_space<vmem>>, vector<16xf32>,
        %parallel_loop3A_268 = arith.index_cast %parallel_loop3A_254 : i32 to index
        %parallel_loop3A_269 = arith.constant 16 : index
        %parallel_loop3A_270 = tpu.vector_load %arg24[%parallel_loop3A_268, %parallel_loop3A_269] {strides = array<i32>} : memref<80x64xf32, #tpu.memory_space<vmem>>, vector<16xf32>,
        %parallel_loop3A_271 = arith.mulf %parallel_loop3A_267, %parallel_loop3A_270 : vector<16xf32>
        %parallel_loop3A_272 = arith.index_cast %parallel_loop3A_254 : i32 to index
        %parallel_loop3A_273 = arith.constant 16 : index
        %parallel_loop3A_274 = tpu.vector_load %arg23[%parallel_loop3A_272, %parallel_loop3A_273] {strides = array<i32>} : memref<80x64xf32, #tpu.memory_space<vmem>>, vector<16xf32>,
        tpu.vector_store %arg23[%parallel_loop3A_272, %parallel_loop3A_273], %parallel_loop3A_271 {strides = array<i32>} : memref<80x64xf32, #tpu.memory_space<vmem>>, vector<16xf32>,
        %parallel_loop3A_275 = arith.index_cast %parallel_loop3A_254 : i32 to index
        %parallel_loop3A_276 = arith.constant 32 : index
        %parallel_loop3A_277 = tpu.vector_load %arg23[%parallel_loop3A_275, %parallel_loop3A_276] {strides = array<i32>} : memref<80x64xf32, #tpu.memory_space<vmem>>, vector<16xf32>,
        %parallel_loop3A_278 = arith.index_cast %parallel_loop3A_254 : i32 to index
        %parallel_loop3A_279 = arith.constant 32 : index
        %parallel_loop3A_280 = tpu.vector_load %arg24[%parallel_loop3A_278, %parallel_loop3A_279] {strides = array<i32>} : memref<80x64xf32, #tpu.memory_space<vmem>>, vector<16xf32>,
        %parallel_loop3A_281 = arith.mulf %parallel_loop3A_277, %parallel_loop3A_280 : vector<16xf32>
        %parallel_loop3A_282 = arith.index_cast %parallel_loop3A_254 : i32 to index
        %parallel_loop3A_283 = arith.constant 32 : index
        %parallel_loop3A_284 = tpu.vector_load %arg23[%parallel_loop3A_282, %parallel_loop3A_283] {strides = array<i32>} : memref<80x64xf32, #tpu.memory_space<vmem>>, vector<16xf32>,
        tpu.vector_store %arg23[%parallel_loop3A_282, %parallel_loop3A_283], %parallel_loop3A_281 {strides = array<i32>} : memref<80x64xf32, #tpu.memory_space<vmem>>, vector<16xf32>,
        %parallel_loop3A_285 = arith.index_cast %parallel_loop3A_254 : i32 to index
        %parallel_loop3A_286 = arith.constant 48 : index
        %parallel_loop3A_287 = tpu.vector_load %arg23[%parallel_loop3A_285, %parallel_loop3A_286] {strides = array<i32>} : memref<80x64xf32, #tpu.memory_space<vmem>>, vector<16xf32>,
        %parallel_loop3A_288 = arith.index_cast %parallel_loop3A_254 : i32 to index
        %parallel_loop3A_289 = arith.constant 48 : index
        %parallel_loop3A_290 = tpu.vector_load %arg24[%parallel_loop3A_288, %parallel_loop3A_289] {strides = array<i32>} : memref<80x64xf32, #tpu.memory_space<vmem>>, vector<16xf32>,
        %parallel_loop3A_291 = arith.mulf %parallel_loop3A_287, %parallel_loop3A_290 : vector<16xf32>
        %parallel_loop3A_292 = arith.index_cast %parallel_loop3A_254 : i32 to index
        %parallel_loop3A_293 = arith.constant 48 : index
        %parallel_loop3A_294 = tpu.vector_load %arg23[%parallel_loop3A_292, %parallel_loop3A_293] {strides = array<i32>} : memref<80x64xf32, #tpu.memory_space<vmem>>, vector<16xf32>,
        tpu.vector_store %arg23[%parallel_loop3A_292, %parallel_loop3A_293], %parallel_loop3A_291 {strides = array<i32>} : memref<80x64xf32, #tpu.memory_space<vmem>>, vector<16xf32>,
      } {sc.loop_unroll_factor = 8 : i64, sc.parallel_access}
      %eq3A_231 = arith.constant 0 : i32
      %eq3A_232 = arith.cmpi eq, %arg0, %eq3A_231 : i32
      %convert_element_type3A_233 = arith.extui %eq3A_232 : i1 to i32
      %cond3A_234 = arith.constant 0 : i32
      %cond3A_235 = arith.cmpi ne, %convert_element_type3A_233, %cond3A_234 : i32
      scf.if %cond3A_235 {
        %scan3A_254 = arith.constant 0 : i32
        %scan3A_255 = arith.constant 5 : i32
        %scan3A_256 = arith.addi %scan3A_254, %scan3A_255 : i32
        %scan3A_257 = arith.constant 1 : i32
        scf.for %scan3A_259 = %scan3A_254 to %scan3A_256 step %scan3A_257  : i32 {
          %mul3A_260 = arith.constant 16 : i32
          %mul3A_261 = arith.muli %scan3A_259, %mul3A_260 : i32
          %get3A = arith.constant 0 : i32
          %get3A_262 = tpu.memref_slice %arg22[%scan3A_58, %get3A] : memref<2x80xi32, #tpu.memory_space<vmem>> -> memref<1x80xi32, #tpu.memory_space<vmem>>
          %get3A_263 = tpu.memref_squeeze %get3A_262 : memref<1x80xi32, #tpu.memory_space<vmem>> -> memref<80xi32, #tpu.memory_space<vmem>>
          %get3A_264 = arith.index_cast %mul3A_261 : i32 to index
          %get3A_265 = tpu.vector_load %get3A_263[%get3A_264] {strides = array<i32>} : memref<80xi32, #tpu.memory_space<vmem>>, vector<16xi32>,
          tpu.vector_store_idx %arg9[%get3A_265], %broadcast_in_dim3A_19 {add = true} : memref<1024xf32, #tpu.memory_space<vmem>>[vector<16xi32>], vector<16xf32>,
        }
        %scan3A_258 = arith.constant 5 : i32
      } else {
      }
      %ge3A_236 = arith.constant 1 : i32
      %ge3A_237 = arith.cmpi sge, %add3A_214, %ge3A_236 : i32
      %convert_element_type3A_238 = arith.extui %ge3A_237 : i1 to i32
      %cond3A_239 = arith.constant 0 : i32
      %cond3A_240 = arith.cmpi ne, %convert_element_type3A_238, %cond3A_239 : i32
      scf.if %cond3A_240 {
        %dma_wait3A_254 = arith.constant 0 : i32
        %dma_wait3A_255 = tpu.memref_slice %arg16[%scan3A_60, %dma_wait3A_254] : memref<2x80xi32, #tpu.memory_space<vmem>> -> memref<1x80xi32, #tpu.memory_space<vmem>>
        %dma_wait3A_256 = tpu.memref_squeeze %dma_wait3A_255 : memref<1x80xi32, #tpu.memory_space<vmem>> -> memref<80xi32, #tpu.memory_space<vmem>>
        %dma_wait3A_257 = arith.constant 0 : i32
        %dma_wait3A_258 = arith.constant 0 : i32
        %dma_wait3A_259 = tpu.memref_slice %arg8[%dma_wait3A_257, %dma_wait3A_258] : memref<1024x64xf32, #tpu.memory_space<vmem_shared>> -> memref<1024x64xf32, #tpu.memory_space<vmem_shared>>
        tpu.wait_indirect_dma semaphore(%arg21 : memref<!tpu.dma_semaphore, #tpu.memory_space<semaphore_mem>>) src(%arg17 : memref<80x64xf32, #tpu.memory_space<vmem>>) dst(%dma_wait3A_259 : memref<1024x64xf32, #tpu.memory_space<vmem_shared>>)
      } else {
      }
      %add3A_241 = arith.constant 2 : i32
      %add3A_242 = arith.addi %add3A_214, %add3A_241 : i32
      %lt3A_243 = arith.constant 25 : i32
      %lt3A_244 = arith.cmpi slt, %add3A_242, %lt3A_243 : i32
      %convert_element_type3A_245 = arith.extui %lt3A_244 : i1 to i32
      %cond3A_246 = arith.constant 0 : i32
      %cond3A_247 = arith.cmpi ne, %convert_element_type3A_245, %cond3A_246 : i32
      scf.if %cond3A_247 {
        %add3A_254 = arith.constant 2 : i32
        %add3A_255 = arith.addi %add3A_214, %add3A_254 : i32
        %mul3A_256 = arith.constant 2000 : i32
        %mul3A_257 = arith.muli %arg1, %mul3A_256 : i32
        %mul3A_258 = arith.constant 80 : i32
        %mul3A_259 = arith.muli %add3A_255, %mul3A_258 : i32
        %add3A_260 = arith.addi %mul3A_257, %mul3A_259 : i32
        %dma_start3A_261 = arith.constant 0 : i32
        %dma_start3A_262 = tpu.memref_slice %arg4[%dma_start3A_261, %add3A_260] : memref<2x32000xi32, #tpu.memory_space<hbm>> -> memref<2x80xi32, #tpu.memory_space<hbm>>
        %dma_start3A_263 = arith.constant 0 : i32
        %dma_start3A_264 = tpu.memref_slice %arg4[%dma_start3A_263, %add3A_260] : memref<2x32000xi32, #tpu.memory_space<hbm>> -> memref<2x80xi32, #tpu.memory_space<hbm>>
        tpu.enqueue_dma source(%dma_start3A_264 : memref<2x80xi32, #tpu.memory_space<hbm>>) target(%arg16 : memref<2x80xi32, #tpu.memory_space<vmem>>) target_semaphore(%arg19 : memref<!tpu.dma_semaphore, #tpu.memory_space<semaphore_mem>>)
        %dma_start3A_265 = tpu.memref_slice %arg3[%add3A_260, %mul3A_0] : memref<32000x128xf32, #tpu.memory_space<hbm>> -> memref<80x64xf32, #tpu.memory_space<hbm>>
        %dma_start3A_266 = tpu.memref_slice %arg3[%add3A_260, %mul3A_0] : memref<32000x128xf32, #tpu.memory_space<hbm>> -> memref<80x64xf32, #tpu.memory_space<hbm>>
        tpu.enqueue_dma source(%dma_start3A_266 : memref<80x64xf32, #tpu.memory_space<hbm>>) target(%arg18 : memref<80x64xf32, #tpu.memory_space<vmem>>) target_semaphore(%arg19 : memref<!tpu.dma_semaphore, #tpu.memory_space<semaphore_mem>>)
      } else {
      }
      %dma_start3A_248 = arith.constant 0 : i32
      %dma_start3A_249 = tpu.memref_slice %arg22[%scan3A_58, %dma_start3A_248] : memref<2x80xi32, #tpu.memory_space<vmem>> -> memref<1x80xi32, #tpu.memory_space<vmem>>
      %dma_start3A_250 = tpu.memref_squeeze %dma_start3A_249 : memref<1x80xi32, #tpu.memory_space<vmem>> -> memref<80xi32, #tpu.memory_space<vmem>>
      %dma_start3A_251 = arith.constant 0 : i32
      %dma_start3A_252 = arith.constant 0 : i32
      %dma_start3A_253 = tpu.memref_slice %arg8[%dma_start3A_251, %dma_start3A_252] : memref<1024x64xf32, #tpu.memory_space<vmem_shared>> -> memref<1024x64xf32, #tpu.memory_space<vmem_shared>>
      tpu.enqueue_indirect_dma source(%arg23 : memref<80x64xf32, #tpu.memory_space<vmem>>) target(%dma_start3A_253 : memref<1024x64xf32, #tpu.memory_space<vmem_shared>>) offsets(%dma_start3A_250 : memref<80xi32, #tpu.memory_space<vmem>>) semaphore(%arg27 : memref<!tpu.dma_semaphore, #tpu.memory_space<semaphore_mem>>) {add = true}
    }
    %scan3A_65 = arith.constant 8 : i32
    %dma_wait3A_66 = arith.constant 0 : i32
    %dma_wait3A_67 = arith.constant 0 : i32
    %dma_wait3A_68 = tpu.memref_slice %arg10[%dma_wait3A_66, %dma_wait3A_67] : memref<2x80xi32, #tpu.memory_space<vmem>> -> memref<1x80xi32, #tpu.memory_space<vmem>>
    %dma_wait3A_69 = tpu.memref_squeeze %dma_wait3A_68 : memref<1x80xi32, #tpu.memory_space<vmem>> -> memref<80xi32, #tpu.memory_space<vmem>>
    %dma_wait3A_70 = arith.constant 0 : i32
    %dma_wait3A_71 = arith.constant 0 : i32
    %dma_wait3A_72 = tpu.memref_slice %arg7[%dma_wait3A_70, %dma_wait3A_71] : memref<1024x64xf32, #tpu.memory_space<vmem_shared>> -> memref<1024x64xf32, #tpu.memory_space<vmem_shared>>
    tpu.wait_indirect_dma semaphore(%arg14 : memref<!tpu.dma_semaphore, #tpu.memory_space<semaphore_mem>>) src(%dma_wait3A_72 : memref<1024x64xf32, #tpu.memory_space<vmem_shared>>) dst(%arg11 : memref<80x64xf32, #tpu.memory_space<vmem>>)
    %add3A_73 = arith.constant 24 : i32
    %add3A_74 = arith.constant 1 : i32
    %add3A_75 = arith.addi %add3A_73, %add3A_74 : i32
    %lt3A = arith.constant 25 : i32
    %lt3A_76 = arith.cmpi slt, %add3A_75, %lt3A : i32
    %convert_element_type3A = arith.extui %lt3A_76 : i1 to i32
    %cond3A = arith.constant 24 : i32
    %cond3A_77 = arith.constant 0 : i32
    %cond3A_78 = arith.constant 0 : i32
    %cond3A_79 = arith.cmpi ne, %convert_element_type3A, %cond3A_78 : i32
    scf.if %cond3A_79 {
      %add3A_126 = arith.constant 1 : i32
      %add3A_127 = arith.addi %cond3A, %add3A_126 : i32
      %mul3A_128 = arith.constant 2000 : i32
      %mul3A_129 = arith.muli %arg1, %mul3A_128 : i32
      %mul3A_130 = arith.constant 80 : i32
      %mul3A_131 = arith.muli %add3A_127, %mul3A_130 : i32
      %add3A_132 = arith.addi %mul3A_129, %mul3A_131 : i32
      %dma_wait3A_133 = arith.constant 0 : i32
      %dma_wait3A_134 = tpu.memref_slice %arg4[%dma_wait3A_133, %add3A_132] : memref<2x32000xi32, #tpu.memory_space<hbm>> -> memref<2x80xi32, #tpu.memory_space<hbm>>
      %dma_wait3A_135 = arith.constant 0 : i32
      %dma_wait3A_136 = tpu.memref_slice %arg4[%dma_wait3A_135, %add3A_132] : memref<2x32000xi32, #tpu.memory_space<hbm>> -> memref<2x80xi32, #tpu.memory_space<hbm>>
      tpu.wait_dma2 semaphore(%arg19 : memref<!tpu.dma_semaphore, #tpu.memory_space<semaphore_mem>>) src(%dma_wait3A_136 : memref<2x80xi32, #tpu.memory_space<hbm>>) dst(%arg16 : memref<2x80xi32, #tpu.memory_space<vmem>>)
      %dma_wait3A_137 = tpu.memref_slice %arg3[%add3A_132, %mul3A_0] : memref<32000x128xf32, #tpu.memory_space<hbm>> -> memref<80x64xf32, #tpu.memory_space<hbm>>
      %dma_wait3A_138 = tpu.memref_slice %arg3[%add3A_132, %mul3A_0] : memref<32000x128xf32, #tpu.memory_space<hbm>> -> memref<80x64xf32, #tpu.memory_space<hbm>>
      tpu.wait_dma2 semaphore(%arg19 : memref<!tpu.dma_semaphore, #tpu.memory_space<semaphore_mem>>) src(%dma_wait3A_138 : memref<80x64xf32, #tpu.memory_space<hbm>>) dst(%arg18 : memref<80x64xf32, #tpu.memory_space<vmem>>)
      %dma_start3A_139 = arith.constant 0 : i32
      %dma_start3A_140 = tpu.memref_slice %arg16[%cond3A_77, %dma_start3A_139] : memref<2x80xi32, #tpu.memory_space<vmem>> -> memref<1x80xi32, #tpu.memory_space<vmem>>
      %dma_start3A_141 = tpu.memref_squeeze %dma_start3A_140 : memref<1x80xi32, #tpu.memory_space<vmem>> -> memref<80xi32, #tpu.memory_space<vmem>>
      %dma_start3A_142 = arith.constant 0 : i32
      %dma_start3A_143 = arith.constant 0 : i32
      %dma_start3A_144 = tpu.memref_slice %arg7[%dma_start3A_142, %dma_start3A_143] : memref<1024x64xf32, #tpu.memory_space<vmem_shared>> -> memref<1024x64xf32, #tpu.memory_space<vmem_shared>>
      tpu.enqueue_indirect_dma source(%dma_start3A_144 : memref<1024x64xf32, #tpu.memory_space<vmem_shared>>) target(%arg17 : memref<80x64xf32, #tpu.memory_space<vmem>>) offsets(%dma_start3A_141 : memref<80xi32, #tpu.memory_space<vmem>>) semaphore(%arg20 : memref<!tpu.dma_semaphore, #tpu.memory_space<semaphore_mem>>)
    } else {
    }
    %parallel_loop3A = arith.constant 0 : i32
    %parallel_loop3A_80 = arith.constant 80 : i32
    %parallel_loop3A_81 = arith.constant 1 : i32
    scf.for %parallel_loop3A_126 = %parallel_loop3A to %parallel_loop3A_80 step %parallel_loop3A_81  : i32 {
      %parallel_loop3A_127 = arith.index_cast %parallel_loop3A_126 : i32 to index
      %parallel_loop3A_128 = arith.constant 0 : index
      %parallel_loop3A_129 = tpu.vector_load %arg11[%parallel_loop3A_127, %parallel_loop3A_128] {strides = array<i32>} : memref<80x64xf32, #tpu.memory_space<vmem>>, vector<16xf32>,
      %parallel_loop3A_130 = arith.index_cast %parallel_loop3A_126 : i32 to index
      %parallel_loop3A_131 = arith.constant 0 : index
      %parallel_loop3A_132 = tpu.vector_load %arg12[%parallel_loop3A_130, %parallel_loop3A_131] {strides = array<i32>} : memref<80x64xf32, #tpu.memory_space<vmem>>, vector<16xf32>,
      %parallel_loop3A_133 = arith.mulf %parallel_loop3A_129, %parallel_loop3A_132 : vector<16xf32>
      %parallel_loop3A_134 = arith.index_cast %parallel_loop3A_126 : i32 to index
      %parallel_loop3A_135 = arith.constant 0 : index
      %parallel_loop3A_136 = tpu.vector_load %arg11[%parallel_loop3A_134, %parallel_loop3A_135] {strides = array<i32>} : memref<80x64xf32, #tpu.memory_space<vmem>>, vector<16xf32>,
      tpu.vector_store %arg11[%parallel_loop3A_134, %parallel_loop3A_135], %parallel_loop3A_133 {strides = array<i32>} : memref<80x64xf32, #tpu.memory_space<vmem>>, vector<16xf32>,
      %parallel_loop3A_137 = arith.index_cast %parallel_loop3A_126 : i32 to index
      %parallel_loop3A_138 = arith.constant 16 : index
      %parallel_loop3A_139 = tpu.vector_load %arg11[%parallel_loop3A_137, %parallel_loop3A_138] {strides = array<i32>} : memref<80x64xf32, #tpu.memory_space<vmem>>, vector<16xf32>,
      %parallel_loop3A_140 = arith.index_cast %parallel_loop3A_126 : i32 to index
      %parallel_loop3A_141 = arith.constant 16 : index
      %parallel_loop3A_142 = tpu.vector_load %arg12[%parallel_loop3A_140, %parallel_loop3A_141] {strides = array<i32>} : memref<80x64xf32, #tpu.memory_space<vmem>>, vector<16xf32>,
      %parallel_loop3A_143 = arith.mulf %parallel_loop3A_139, %parallel_loop3A_142 : vector<16xf32>
      %parallel_loop3A_144 = arith.index_cast %parallel_loop3A_126 : i32 to index
      %parallel_loop3A_145 = arith.constant 16 : index
      %parallel_loop3A_146 = tpu.vector_load %arg11[%parallel_loop3A_144, %parallel_loop3A_145] {strides = array<i32>} : memref<80x64xf32, #tpu.memory_space<vmem>>, vector<16xf32>,
      tpu.vector_store %arg11[%parallel_loop3A_144, %parallel_loop3A_145], %parallel_loop3A_143 {strides = array<i32>} : memref<80x64xf32, #tpu.memory_space<vmem>>, vector<16xf32>,
      %parallel_loop3A_147 = arith.index_cast %parallel_loop3A_126 : i32 to index
      %parallel_loop3A_148 = arith.constant 32 : index
      %parallel_loop3A_149 = tpu.vector_load %arg11[%parallel_loop3A_147, %parallel_loop3A_148] {strides = array<i32>} : memref<80x64xf32, #tpu.memory_space<vmem>>, vector<16xf32>,
      %parallel_loop3A_150 = arith.index_cast %parallel_loop3A_126 : i32 to index
      %parallel_loop3A_151 = arith.constant 32 : index
      %parallel_loop3A_152 = tpu.vector_load %arg12[%parallel_loop3A_150, %parallel_loop3A_151] {strides = array<i32>} : memref<80x64xf32, #tpu.memory_space<vmem>>, vector<16xf32>,
      %parallel_loop3A_153 = arith.mulf %parallel_loop3A_149, %parallel_loop3A_152 : vector<16xf32>
      %parallel_loop3A_154 = arith.index_cast %parallel_loop3A_126 : i32 to index
      %parallel_loop3A_155 = arith.constant 32 : index
      %parallel_loop3A_156 = tpu.vector_load %arg11[%parallel_loop3A_154, %parallel_loop3A_155] {strides = array<i32>} : memref<80x64xf32, #tpu.memory_space<vmem>>, vector<16xf32>,
      tpu.vector_store %arg11[%parallel_loop3A_154, %parallel_loop3A_155], %parallel_loop3A_153 {strides = array<i32>} : memref<80x64xf32, #tpu.memory_space<vmem>>, vector<16xf32>,
      %parallel_loop3A_157 = arith.index_cast %parallel_loop3A_126 : i32 to index
      %parallel_loop3A_158 = arith.constant 48 : index
      %parallel_loop3A_159 = tpu.vector_load %arg11[%parallel_loop3A_157, %parallel_loop3A_158] {strides = array<i32>} : memref<80x64xf32, #tpu.memory_space<vmem>>, vector<16xf32>,
      %parallel_loop3A_160 = arith.index_cast %parallel_loop3A_126 : i32 to index
      %parallel_loop3A_161 = arith.constant 48 : index
      %parallel_loop3A_162 = tpu.vector_load %arg12[%parallel_loop3A_160, %parallel_loop3A_161] {strides = array<i32>} : memref<80x64xf32, #tpu.memory_space<vmem>>, vector<16xf32>,
      %parallel_loop3A_163 = arith.mulf %parallel_loop3A_159, %parallel_loop3A_162 : vector<16xf32>
      %parallel_loop3A_164 = arith.index_cast %parallel_loop3A_126 : i32 to index
      %parallel_loop3A_165 = arith.constant 48 : index
      %parallel_loop3A_166 = tpu.vector_load %arg11[%parallel_loop3A_164, %parallel_loop3A_165] {strides = array<i32>} : memref<80x64xf32, #tpu.memory_space<vmem>>, vector<16xf32>,
      tpu.vector_store %arg11[%parallel_loop3A_164, %parallel_loop3A_165], %parallel_loop3A_163 {strides = array<i32>} : memref<80x64xf32, #tpu.memory_space<vmem>>, vector<16xf32>,
    } {sc.loop_unroll_factor = 8 : i64, sc.parallel_access}
    %eq3A = arith.constant 0 : i32
    %eq3A_82 = arith.cmpi eq, %arg0, %eq3A : i32
    %convert_element_type3A_83 = arith.extui %eq3A_82 : i1 to i32
    %cond3A_84 = arith.constant 1 : i32
    %cond3A_85 = arith.constant 0 : i32
    %cond3A_86 = arith.cmpi ne, %convert_element_type3A_83, %cond3A_85 : i32
    scf.if %cond3A_86 {
      %scan3A_126 = arith.constant 0 : i32
      %scan3A_127 = arith.constant 5 : i32
      %scan3A_128 = arith.addi %scan3A_126, %scan3A_127 : i32
      %scan3A_129 = arith.constant 1 : i32
      scf.for %scan3A_131 = %scan3A_126 to %scan3A_128 step %scan3A_129  : i32 {
        %mul3A_132 = arith.constant 16 : i32
        %mul3A_133 = arith.muli %scan3A_131, %mul3A_132 : i32
        %get3A = arith.constant 0 : i32
        %get3A_134 = tpu.memref_slice %arg10[%cond3A_84, %get3A] : memref<2x80xi32, #tpu.memory_space<vmem>> -> memref<1x80xi32, #tpu.memory_space<vmem>>
        %get3A_135 = tpu.memref_squeeze %get3A_134 : memref<1x80xi32, #tpu.memory_space<vmem>> -> memref<80xi32, #tpu.memory_space<vmem>>
        %get3A_136 = arith.index_cast %mul3A_133 : i32 to index
        %get3A_137 = tpu.vector_load %get3A_135[%get3A_136] {strides = array<i32>} : memref<80xi32, #tpu.memory_space<vmem>>, vector<16xi32>,
        tpu.vector_store_idx %arg9[%get3A_137], %broadcast_in_dim3A_19 {add = true} : memref<1024xf32, #tpu.memory_space<vmem>>[vector<16xi32>], vector<16xf32>,
      }
      %scan3A_130 = arith.constant 5 : i32
    } else {
    }
    %ge3A = arith.constant 24 : i32
    %ge3A_87 = arith.constant 1 : i32
    %ge3A_88 = arith.cmpi sge, %ge3A, %ge3A_87 : i32
    %convert_element_type3A_89 = arith.extui %ge3A_88 : i1 to i32
    %cond3A_90 = arith.constant 1 : i32
    %cond3A_91 = arith.constant 0 : i32
    %cond3A_92 = arith.cmpi ne, %convert_element_type3A_89, %cond3A_91 : i32
    scf.if %cond3A_92 {
      %dma_wait3A_126 = arith.constant 0 : i32
      %dma_wait3A_127 = tpu.memref_slice %arg22[%cond3A_90, %dma_wait3A_126] : memref<2x80xi32, #tpu.memory_space<vmem>> -> memref<1x80xi32, #tpu.memory_space<vmem>>
      %dma_wait3A_128 = tpu.memref_squeeze %dma_wait3A_127 : memref<1x80xi32, #tpu.memory_space<vmem>> -> memref<80xi32, #tpu.memory_space<vmem>>
      %dma_wait3A_129 = arith.constant 0 : i32
      %dma_wait3A_130 = arith.constant 0 : i32
      %dma_wait3A_131 = tpu.memref_slice %arg8[%dma_wait3A_129, %dma_wait3A_130] : memref<1024x64xf32, #tpu.memory_space<vmem_shared>> -> memref<1024x64xf32, #tpu.memory_space<vmem_shared>>
      tpu.wait_indirect_dma semaphore(%arg27 : memref<!tpu.dma_semaphore, #tpu.memory_space<semaphore_mem>>) src(%arg23 : memref<80x64xf32, #tpu.memory_space<vmem>>) dst(%dma_wait3A_131 : memref<1024x64xf32, #tpu.memory_space<vmem_shared>>)
    } else {
    }
    %add3A_93 = arith.constant 24 : i32
    %add3A_94 = arith.constant 2 : i32
    %add3A_95 = arith.addi %add3A_93, %add3A_94 : i32
    %lt3A_96 = arith.constant 25 : i32
    %lt3A_97 = arith.cmpi slt, %add3A_95, %lt3A_96 : i32
    %convert_element_type3A_98 = arith.extui %lt3A_97 : i1 to i32
    %cond3A_99 = arith.constant 24 : i32
    %cond3A_100 = arith.constant 0 : i32
    %cond3A_101 = arith.cmpi ne, %convert_element_type3A_98, %cond3A_100 : i32
    scf.if %cond3A_101 {
      %add3A_126 = arith.constant 2 : i32
      %add3A_127 = arith.addi %cond3A_99, %add3A_126 : i32
      %mul3A_128 = arith.constant 2000 : i32
      %mul3A_129 = arith.muli %arg1, %mul3A_128 : i32
      %mul3A_130 = arith.constant 80 : i32
      %mul3A_131 = arith.muli %add3A_127, %mul3A_130 : i32
      %add3A_132 = arith.addi %mul3A_129, %mul3A_131 : i32
      %dma_start3A_133 = arith.constant 0 : i32
      %dma_start3A_134 = tpu.memref_slice %arg4[%dma_start3A_133, %add3A_132] : memref<2x32000xi32, #tpu.memory_space<hbm>> -> memref<2x80xi32, #tpu.memory_space<hbm>>
      %dma_start3A_135 = arith.constant 0 : i32
      %dma_start3A_136 = tpu.memref_slice %arg4[%dma_start3A_135, %add3A_132] : memref<2x32000xi32, #tpu.memory_space<hbm>> -> memref<2x80xi32, #tpu.memory_space<hbm>>
      tpu.enqueue_dma source(%dma_start3A_136 : memref<2x80xi32, #tpu.memory_space<hbm>>) target(%arg22 : memref<2x80xi32, #tpu.memory_space<vmem>>) target_semaphore(%arg25 : memref<!tpu.dma_semaphore, #tpu.memory_space<semaphore_mem>>)
      %dma_start3A_137 = tpu.memref_slice %arg3[%add3A_132, %mul3A_0] : memref<32000x128xf32, #tpu.memory_space<hbm>> -> memref<80x64xf32, #tpu.memory_space<hbm>>
      %dma_start3A_138 = tpu.memref_slice %arg3[%add3A_132, %mul3A_0] : memref<32000x128xf32, #tpu.memory_space<hbm>> -> memref<80x64xf32, #tpu.memory_space<hbm>>
      tpu.enqueue_dma source(%dma_start3A_138 : memref<80x64xf32, #tpu.memory_space<hbm>>) target(%arg24 : memref<80x64xf32, #tpu.memory_space<vmem>>) target_semaphore(%arg25 : memref<!tpu.dma_semaphore, #tpu.memory_space<semaphore_mem>>)
    } else {
    }
    %dma_start3A_102 = arith.constant 1 : i32
    %dma_start3A_103 = arith.constant 0 : i32
    %dma_start3A_104 = tpu.memref_slice %arg10[%dma_start3A_102, %dma_start3A_103] : memref<2x80xi32, #tpu.memory_space<vmem>> -> memref<1x80xi32, #tpu.memory_space<vmem>>
    %dma_start3A_105 = tpu.memref_squeeze %dma_start3A_104 : memref<1x80xi32, #tpu.memory_space<vmem>> -> memref<80xi32, #tpu.memory_space<vmem>>
    %dma_start3A_106 = arith.constant 0 : i32
    %dma_start3A_107 = arith.constant 0 : i32
    %dma_start3A_108 = tpu.memref_slice %arg8[%dma_start3A_106, %dma_start3A_107] : memref<1024x64xf32, #tpu.memory_space<vmem_shared>> -> memref<1024x64xf32, #tpu.memory_space<vmem_shared>>
    tpu.enqueue_indirect_dma source(%arg11 : memref<80x64xf32, #tpu.memory_space<vmem>>) target(%dma_start3A_108 : memref<1024x64xf32, #tpu.memory_space<vmem_shared>>) offsets(%dma_start3A_105 : memref<80xi32, #tpu.memory_space<vmem>>) semaphore(%arg15 : memref<!tpu.dma_semaphore, #tpu.memory_space<semaphore_mem>>) {add = true}
    %dma_wait3A_109 = arith.constant 1 : i32
    %dma_wait3A_110 = arith.constant 0 : i32
    %dma_wait3A_111 = tpu.memref_slice %arg10[%dma_wait3A_109, %dma_wait3A_110] : memref<2x80xi32, #tpu.memory_space<vmem>> -> memref<1x80xi32, #tpu.memory_space<vmem>>
    %dma_wait3A_112 = tpu.memref_squeeze %dma_wait3A_111 : memref<1x80xi32, #tpu.memory_space<vmem>> -> memref<80xi32, #tpu.memory_space<vmem>>
    %dma_wait3A_113 = arith.constant 0 : i32
    %dma_wait3A_114 = arith.constant 0 : i32
    %dma_wait3A_115 = tpu.memref_slice %arg8[%dma_wait3A_113, %dma_wait3A_114] : memref<1024x64xf32, #tpu.memory_space<vmem_shared>> -> memref<1024x64xf32, #tpu.memory_space<vmem_shared>>
    tpu.wait_indirect_dma semaphore(%arg15 : memref<!tpu.dma_semaphore, #tpu.memory_space<semaphore_mem>>) src(%arg11 : memref<80x64xf32, #tpu.memory_space<vmem>>) dst(%dma_wait3A_115 : memref<1024x64xf32, #tpu.memory_space<vmem_shared>>)
    %barrier3A_116 = arith.constant 0 : index
    tpu.barrier barrier_id(%barrier3A_116)
    %mul3A_117 = arith.constant 64 : i32
    %mul3A_118 = arith.muli %mul3A_117, %arg1 : i32
    %mul3A_119 = arith.constant 64 : i32
    %mul3A_120 = arith.muli %mul3A_119, %arg1 : i32
    "tpu.region"() ({
      %run_scoped3A = tpu.sem_alloc : memref<!tpu.dma_semaphore, #tpu.memory_space<semaphore_mem>>
      %dma_start3A_126 = tpu.memref_slice %arg5[%mul3A_120, %mul3A_0] : memref<1024x128xf32, #tpu.memory_space<hbm>> -> memref<64x64xf32, #tpu.memory_space<hbm>>
      %dma_start3A_127 = arith.constant 0 : i32
      %dma_start3A_128 = tpu.memref_slice %arg8[%mul3A_118, %dma_start3A_127] : memref<1024x64xf32, #tpu.memory_space<vmem_shared>> -> memref<64x64xf32, #tpu.memory_space<vmem_shared>>
      tpu.enqueue_dma source(%dma_start3A_128 : memref<64x64xf32, #tpu.memory_space<vmem_shared>>) target(%dma_start3A_126 : memref<64x64xf32, #tpu.memory_space<hbm>>) target_semaphore(%run_scoped3A : memref<!tpu.dma_semaphore, #tpu.memory_space<semaphore_mem>>)
      %dma_wait3A_129 = tpu.memref_slice %arg5[%mul3A_120, %mul3A_0] : memref<1024x128xf32, #tpu.memory_space<hbm>> -> memref<64x64xf32, #tpu.memory_space<hbm>>
      %dma_wait3A_130 = arith.constant 0 : i32
      %dma_wait3A_131 = tpu.memref_slice %arg8[%mul3A_118, %dma_wait3A_130] : memref<1024x64xf32, #tpu.memory_space<vmem_shared>> -> memref<64x64xf32, #tpu.memory_space<vmem_shared>>
      tpu.wait_dma2 semaphore(%run_scoped3A : memref<!tpu.dma_semaphore, #tpu.memory_space<semaphore_mem>>) src(%dma_wait3A_131 : memref<64x64xf32, #tpu.memory_space<vmem_shared>>) dst(%dma_wait3A_129 : memref<64x64xf32, #tpu.memory_space<hbm>>)
      tpu.yield
    }) : () -> ()
    %eq3A_121 = arith.constant 0 : i32
    %eq3A_122 = arith.cmpi eq, %arg0, %eq3A_121 : i32
    %convert_element_type3A_123 = arith.extui %eq3A_122 : i1 to i32
    %cond3A_124 = arith.constant 0 : i32
    %cond3A_125 = arith.cmpi ne, %convert_element_type3A_123, %cond3A_124 : i32
    scf.if %cond3A_125 {
      "tpu.region"() ({
        %run_scoped3A = tpu.sem_alloc : memref<!tpu.dma_semaphore, #tpu.memory_space<semaphore_mem>>
        %dma_start3A_126 = arith.constant 0 : i32
        %dma_start3A_127 = tpu.memref_slice %arg6[%arg1, %dma_start3A_126] : memref<16x1024xf32, #tpu.memory_space<hbm>> -> memref<1x1024xf32, #tpu.memory_space<hbm>>
        %dma_start3A_128 = tpu.memref_squeeze %dma_start3A_127 : memref<1x1024xf32, #tpu.memory_space<hbm>> -> memref<1024xf32, #tpu.memory_space<hbm>>
        %dma_start3A_129 = arith.constant 0 : i32
        %dma_start3A_130 = tpu.memref_slice %arg6[%arg1, %dma_start3A_129] : memref<16x1024xf32, #tpu.memory_space<hbm>> -> memref<1x1024xf32, #tpu.memory_space<hbm>>
        %dma_start3A_131 = tpu.memref_squeeze %dma_start3A_130 : memref<1x1024xf32, #tpu.memory_space<hbm>> -> memref<1024xf32, #tpu.memory_space<hbm>>
        tpu.enqueue_dma source(%arg9 : memref<1024xf32, #tpu.memory_space<vmem>>) target(%dma_start3A_131 : memref<1024xf32, #tpu.memory_space<hbm>>) target_semaphore(%run_scoped3A : memref<!tpu.dma_semaphore, #tpu.memory_space<semaphore_mem>>)
        %dma_wait3A_132 = arith.constant 0 : i32
        %dma_wait3A_133 = tpu.memref_slice %arg6[%arg1, %dma_wait3A_132] : memref<16x1024xf32, #tpu.memory_space<hbm>> -> memref<1x1024xf32, #tpu.memory_space<hbm>>
        %dma_wait3A_134 = tpu.memref_squeeze %dma_wait3A_133 : memref<1x1024xf32, #tpu.memory_space<hbm>> -> memref<1024xf32, #tpu.memory_space<hbm>>
        %dma_wait3A_135 = arith.constant 0 : i32
        %dma_wait3A_136 = tpu.memref_slice %arg6[%arg1, %dma_wait3A_135] : memref<16x1024xf32, #tpu.memory_space<hbm>> -> memref<1x1024xf32, #tpu.memory_space<hbm>>
        %dma_wait3A_137 = tpu.memref_squeeze %dma_wait3A_136 : memref<1x1024xf32, #tpu.memory_space<hbm>> -> memref<1024xf32, #tpu.memory_space<hbm>>
        tpu.wait_dma2 semaphore(%run_scoped3A : memref<!tpu.dma_semaphore, #tpu.memory_space<semaphore_mem>>) src(%arg9 : memref<1024xf32, #tpu.memory_space<vmem>>) dst(%dma_wait3A_137 : memref<1024xf32, #tpu.memory_space<hbm>>)
        tpu.yield
      }) : () -> ()
    } else {
    }
    return
  }
}

#map = affine_map<(d0, d1) -> (0, 0)>
module attributes {stable_mosaic.version = 14 : i64} {
  func.func @edge_agg(%arg0: i32, %arg1: i32, %arg2: memref<10000x128xf32, #tpu.memory_space<hbm>>, %arg3: memref<160000x128xf32, #tpu.memory_space<hbm>>, %arg4: memref<2x160000xi32, #tpu.memory_space<hbm>>, %arg5: memref<10000x128xf32, #tpu.memory_space<hbm>>, %arg6: memref<16x10000xf32, #tpu.memory_space<hbm>>, %arg7: memref<10000x64xf32, #tpu.memory_space<vmem_shared>>, %arg8: memref<10000x64xf32, #tpu.memory_space<vmem_shared>>, %arg9: memref<10000xf32, #tpu.memory_space<vmem>>, %arg10: memref<2x80xi32, #tpu.memory_space<vmem>>, %arg11: memref<80x64xf32, #tpu.memory_space<vmem>>, %arg12: memref<80x64xf32, #tpu.memory_space<vmem>>, %arg13: memref<!tpu.dma_semaphore, #tpu.memory_space<semaphore_mem>>, %arg14: memref<!tpu.dma_semaphore, #tpu.memory_space<semaphore_mem>>, %arg15: memref<!tpu.dma_semaphore, #tpu.memory_space<semaphore_mem>>, %arg16: memref<2x80xi32, #tpu.memory_space<vmem>>, %arg17: memref<80x64xf32, #tpu.memory_space<vmem>>, %arg18: memref<80x64xf32, #tpu.memory_space<vmem>>, %arg19: memref<!tpu.dma_semaphore, #tpu.memory_space<semaphore_mem>>, %arg20: memref<!tpu.dma_semaphore, #tpu.memory_space<semaphore_mem>>, %arg21: memref<!tpu.dma_semaphore, #tpu.memory_space<semaphore_mem>>, %arg22: memref<2x80xi32, #tpu.memory_space<vmem>>, %arg23: memref<80x64xf32, #tpu.memory_space<vmem>>, %arg24: memref<80x64xf32, #tpu.memory_space<vmem>>, %arg25: memref<!tpu.dma_semaphore, #tpu.memory_space<semaphore_mem>>, %arg26: memref<!tpu.dma_semaphore, #tpu.memory_space<semaphore_mem>>, %arg27: memref<!tpu.dma_semaphore, #tpu.memory_space<semaphore_mem>>) attributes {dimension_semantics = [#tpu.dimension_semantics<core_parallel>, #tpu.dimension_semantics<subcore_parallel>], iteration_bounds = array<i64: 2, 16>, scalar_prefetch = 0 : i64, scratch_operands = 21 : i64, tpu.core_type = #tpu.core_type<sc_vector_subcore>, window_params = [{transform_indices = #map}, {transform_indices = #map}, {transform_indices = #map}, {transform_indices = #map}, {transform_indices = #map}]} {
    %mul3A = arith.constant 64 : i32
    %mul3A_0 = arith.muli %arg0, %mul3A : i32
    %mul3A_1 = arith.constant 625 : i32
    %mul3A_2 = arith.muli %mul3A_1, %arg1 : i32
    %mul3A_3 = arith.constant 625 : i32
    %mul3A_4 = arith.muli %mul3A_3, %arg1 : i32
    "tpu.region"() ({
      %run_scoped3A = tpu.sem_alloc : memref<!tpu.dma_semaphore, #tpu.memory_space<semaphore_mem>>
      %dma_start3A_203 = arith.constant 0 : i32
      %dma_start3A_204 = tpu.memref_slice %arg7[%mul3A_4, %dma_start3A_203] : memref<10000x64xf32, #tpu.memory_space<vmem_shared>> -> memref<625x64xf32, #tpu.memory_space<vmem_shared>>
      %dma_start3A_205 = tpu.memref_slice %arg2[%mul3A_2, %mul3A_0] : memref<10000x128xf32, #tpu.memory_space<hbm>> -> memref<625x64xf32, #tpu.memory_space<hbm>>
      tpu.enqueue_dma source(%dma_start3A_205 : memref<625x64xf32, #tpu.memory_space<hbm>>) target(%dma_start3A_204 : memref<625x64xf32, #tpu.memory_space<vmem_shared>>) target_semaphore(%run_scoped3A : memref<!tpu.dma_semaphore, #tpu.memory_space<semaphore_mem>>)
      %dma_wait3A_206 = arith.constant 0 : i32
      %dma_wait3A_207 = tpu.memref_slice %arg7[%mul3A_4, %dma_wait3A_206] : memref<10000x64xf32, #tpu.memory_space<vmem_shared>> -> memref<625x64xf32, #tpu.memory_space<vmem_shared>>
      %dma_wait3A_208 = tpu.memref_slice %arg2[%mul3A_2, %mul3A_0] : memref<10000x128xf32, #tpu.memory_space<hbm>> -> memref<625x64xf32, #tpu.memory_space<hbm>>
      tpu.wait_dma2 semaphore(%run_scoped3A : memref<!tpu.dma_semaphore, #tpu.memory_space<semaphore_mem>>) src(%dma_wait3A_208 : memref<625x64xf32, #tpu.memory_space<hbm>>) dst(%dma_wait3A_207 : memref<625x64xf32, #tpu.memory_space<vmem_shared>>)
      tpu.yield
    }) : () -> ()
    %broadcast_in_dim3A = arith.constant 0.000000e+00 : f32
    %broadcast_in_dim3A_5 = vector.broadcast %broadcast_in_dim3A : f32 to vector<16xf32>
    %scan3A = arith.constant 0 : i32
    %scan3A_6 = arith.constant 80 : i32
    %scan3A_7 = arith.addi %scan3A, %scan3A_6 : i32
    %scan3A_8 = arith.constant 1 : i32
    scf.for %scan3A_203 = %scan3A to %scan3A_7 step %scan3A_8  : i32 {
      %swap3A = arith.index_cast %scan3A_203 : i32 to index
      %swap3A_204 = arith.constant 0 : index
      %swap3A_205 = tpu.vector_load %arg11[%swap3A, %swap3A_204] {strides = array<i32>} : memref<80x64xf32, #tpu.memory_space<vmem>>, vector<16xf32>,
      tpu.vector_store %arg11[%swap3A, %swap3A_204], %broadcast_in_dim3A_5 {strides = array<i32>} : memref<80x64xf32, #tpu.memory_space<vmem>>, vector<16xf32>,
      %swap3A_206 = arith.index_cast %scan3A_203 : i32 to index
      %swap3A_207 = arith.constant 16 : index
      %swap3A_208 = tpu.vector_load %arg11[%swap3A_206, %swap3A_207] {strides = array<i32>} : memref<80x64xf32, #tpu.memory_space<vmem>>, vector<16xf32>,
      tpu.vector_store %arg11[%swap3A_206, %swap3A_207], %broadcast_in_dim3A_5 {strides = array<i32>} : memref<80x64xf32, #tpu.memory_space<vmem>>, vector<16xf32>,
      %swap3A_209 = arith.index_cast %scan3A_203 : i32 to index
      %swap3A_210 = arith.constant 32 : index
      %swap3A_211 = tpu.vector_load %arg11[%swap3A_209, %swap3A_210] {strides = array<i32>} : memref<80x64xf32, #tpu.memory_space<vmem>>, vector<16xf32>,
      tpu.vector_store %arg11[%swap3A_209, %swap3A_210], %broadcast_in_dim3A_5 {strides = array<i32>} : memref<80x64xf32, #tpu.memory_space<vmem>>, vector<16xf32>,
      %swap3A_212 = arith.index_cast %scan3A_203 : i32 to index
      %swap3A_213 = arith.constant 48 : index
      %swap3A_214 = tpu.vector_load %arg11[%swap3A_212, %swap3A_213] {strides = array<i32>} : memref<80x64xf32, #tpu.memory_space<vmem>>, vector<16xf32>,
      tpu.vector_store %arg11[%swap3A_212, %swap3A_213], %broadcast_in_dim3A_5 {strides = array<i32>} : memref<80x64xf32, #tpu.memory_space<vmem>>, vector<16xf32>,
    }
    %scan3A_9 = arith.constant 80 : i32
    %mul3A_10 = arith.constant 625 : i32
    %mul3A_11 = arith.muli %mul3A_10, %arg1 : i32
    %add3A = arith.constant 0 : i32
    %add3A_12 = arith.addi %mul3A_11, %add3A : i32
    "tpu.region"() ({
      %run_scoped3A = tpu.sem_alloc : memref<!tpu.dma_semaphore, #tpu.memory_space<semaphore_mem>>
      %dma_start3A_203 = arith.constant 0 : i32
      %dma_start3A_204 = arith.constant 0 : i32
      %dma_start3A_205 = tpu.memref_slice %arg11[%dma_start3A_203, %dma_start3A_204] : memref<80x64xf32, #tpu.memory_space<vmem>> -> memref<80x64xf32, #tpu.memory_space<vmem>>
      %dma_start3A_206 = arith.constant 0 : i32
      %dma_start3A_207 = tpu.memref_slice %arg8[%add3A_12, %dma_start3A_206] : memref<10000x64xf32, #tpu.memory_space<vmem_shared>> -> memref<80x64xf32, #tpu.memory_space<vmem_shared>>
      %dma_start3A_208 = arith.constant 0 : i32
      %dma_start3A_209 = tpu.memref_slice %arg8[%add3A_12, %dma_start3A_208] : memref<10000x64xf32, #tpu.memory_space<vmem_shared>> -> memref<80x64xf32, #tpu.memory_space<vmem_shared>>
      %dma_start3A_210 = arith.constant 0 : i32
      %dma_start3A_211 = arith.constant 0 : i32
      %dma_start3A_212 = tpu.memref_slice %arg11[%dma_start3A_210, %dma_start3A_211] : memref<80x64xf32, #tpu.memory_space<vmem>> -> memref<80x64xf32, #tpu.memory_space<vmem>>
      tpu.enqueue_dma source(%dma_start3A_212 : memref<80x64xf32, #tpu.memory_space<vmem>>) target(%dma_start3A_209 : memref<80x64xf32, #tpu.memory_space<vmem_shared>>) target_semaphore(%run_scoped3A : memref<!tpu.dma_semaphore, #tpu.memory_space<semaphore_mem>>)
      %dma_wait3A_213 = arith.constant 0 : i32
      %dma_wait3A_214 = arith.constant 0 : i32
      %dma_wait3A_215 = tpu.memref_slice %arg11[%dma_wait3A_213, %dma_wait3A_214] : memref<80x64xf32, #tpu.memory_space<vmem>> -> memref<80x64xf32, #tpu.memory_space<vmem>>
      %dma_wait3A_216 = arith.constant 0 : i32
      %dma_wait3A_217 = tpu.memref_slice %arg8[%add3A_12, %dma_wait3A_216] : memref<10000x64xf32, #tpu.memory_space<vmem_shared>> -> memref<80x64xf32, #tpu.memory_space<vmem_shared>>
      %dma_wait3A_218 = arith.constant 0 : i32
      %dma_wait3A_219 = tpu.memref_slice %arg8[%add3A_12, %dma_wait3A_218] : memref<10000x64xf32, #tpu.memory_space<vmem_shared>> -> memref<80x64xf32, #tpu.memory_space<vmem_shared>>
      %dma_wait3A_220 = arith.constant 0 : i32
      %dma_wait3A_221 = arith.constant 0 : i32
      %dma_wait3A_222 = tpu.memref_slice %arg11[%dma_wait3A_220, %dma_wait3A_221] : memref<80x64xf32, #tpu.memory_space<vmem>> -> memref<80x64xf32, #tpu.memory_space<vmem>>
      tpu.wait_dma2 semaphore(%run_scoped3A : memref<!tpu.dma_semaphore, #tpu.memory_space<semaphore_mem>>) src(%dma_wait3A_222 : memref<80x64xf32, #tpu.memory_space<vmem>>) dst(%dma_wait3A_219 : memref<80x64xf32, #tpu.memory_space<vmem_shared>>)
      tpu.yield
    }) : () -> ()
    %mul3A_13 = arith.constant 625 : i32
    %mul3A_14 = arith.muli %mul3A_13, %arg1 : i32
    %add3A_15 = arith.constant 80 : i32
    %add3A_16 = arith.addi %mul3A_14, %add3A_15 : i32
    "tpu.region"() ({
      %run_scoped3A = tpu.sem_alloc : memref<!tpu.dma_semaphore, #tpu.memory_space<semaphore_mem>>
      %dma_start3A_203 = arith.constant 0 : i32
      %dma_start3A_204 = arith.constant 0 : i32
      %dma_start3A_205 = tpu.memref_slice %arg11[%dma_start3A_203, %dma_start3A_204] : memref<80x64xf32, #tpu.memory_space<vmem>> -> memref<80x64xf32, #tpu.memory_space<vmem>>
      %dma_start3A_206 = arith.constant 0 : i32
      %dma_start3A_207 = tpu.memref_slice %arg8[%add3A_16, %dma_start3A_206] : memref<10000x64xf32, #tpu.memory_space<vmem_shared>> -> memref<80x64xf32, #tpu.memory_space<vmem_shared>>
      %dma_start3A_208 = arith.constant 0 : i32
      %dma_start3A_209 = tpu.memref_slice %arg8[%add3A_16, %dma_start3A_208] : memref<10000x64xf32, #tpu.memory_space<vmem_shared>> -> memref<80x64xf32, #tpu.memory_space<vmem_shared>>
      %dma_start3A_210 = arith.constant 0 : i32
      %dma_start3A_211 = arith.constant 0 : i32
      %dma_start3A_212 = tpu.memref_slice %arg11[%dma_start3A_210, %dma_start3A_211] : memref<80x64xf32, #tpu.memory_space<vmem>> -> memref<80x64xf32, #tpu.memory_space<vmem>>
      tpu.enqueue_dma source(%dma_start3A_212 : memref<80x64xf32, #tpu.memory_space<vmem>>) target(%dma_start3A_209 : memref<80x64xf32, #tpu.memory_space<vmem_shared>>) target_semaphore(%run_scoped3A : memref<!tpu.dma_semaphore, #tpu.memory_space<semaphore_mem>>)
      %dma_wait3A_213 = arith.constant 0 : i32
      %dma_wait3A_214 = arith.constant 0 : i32
      %dma_wait3A_215 = tpu.memref_slice %arg11[%dma_wait3A_213, %dma_wait3A_214] : memref<80x64xf32, #tpu.memory_space<vmem>> -> memref<80x64xf32, #tpu.memory_space<vmem>>
      %dma_wait3A_216 = arith.constant 0 : i32
      %dma_wait3A_217 = tpu.memref_slice %arg8[%add3A_16, %dma_wait3A_216] : memref<10000x64xf32, #tpu.memory_space<vmem_shared>> -> memref<80x64xf32, #tpu.memory_space<vmem_shared>>
      %dma_wait3A_218 = arith.constant 0 : i32
      %dma_wait3A_219 = tpu.memref_slice %arg8[%add3A_16, %dma_wait3A_218] : memref<10000x64xf32, #tpu.memory_space<vmem_shared>> -> memref<80x64xf32, #tpu.memory_space<vmem_shared>>
      %dma_wait3A_220 = arith.constant 0 : i32
      %dma_wait3A_221 = arith.constant 0 : i32
      %dma_wait3A_222 = tpu.memref_slice %arg11[%dma_wait3A_220, %dma_wait3A_221] : memref<80x64xf32, #tpu.memory_space<vmem>> -> memref<80x64xf32, #tpu.memory_space<vmem>>
      tpu.wait_dma2 semaphore(%run_scoped3A : memref<!tpu.dma_semaphore, #tpu.memory_space<semaphore_mem>>) src(%dma_wait3A_222 : memref<80x64xf32, #tpu.memory_space<vmem>>) dst(%dma_wait3A_219 : memref<80x64xf32, #tpu.memory_space<vmem_shared>>)
      tpu.yield
    }) : () -> ()
    %mul3A_17 = arith.constant 625 : i32
    %mul3A_18 = arith.muli %mul3A_17, %arg1 : i32
    %add3A_19 = arith.constant 160 : i32
    %add3A_20 = arith.addi %mul3A_18, %add3A_19 : i32
    "tpu.region"() ({
      %run_scoped3A = tpu.sem_alloc : memref<!tpu.dma_semaphore, #tpu.memory_space<semaphore_mem>>
      %dma_start3A_203 = arith.constant 0 : i32
      %dma_start3A_204 = arith.constant 0 : i32
      %dma_start3A_205 = tpu.memref_slice %arg11[%dma_start3A_203, %dma_start3A_204] : memref<80x64xf32, #tpu.memory_space<vmem>> -> memref<80x64xf32, #tpu.memory_space<vmem>>
      %dma_start3A_206 = arith.constant 0 : i32
      %dma_start3A_207 = tpu.memref_slice %arg8[%add3A_20, %dma_start3A_206] : memref<10000x64xf32, #tpu.memory_space<vmem_shared>> -> memref<80x64xf32, #tpu.memory_space<vmem_shared>>
      %dma_start3A_208 = arith.constant 0 : i32
      %dma_start3A_209 = tpu.memref_slice %arg8[%add3A_20, %dma_start3A_208] : memref<10000x64xf32, #tpu.memory_space<vmem_shared>> -> memref<80x64xf32, #tpu.memory_space<vmem_shared>>
      %dma_start3A_210 = arith.constant 0 : i32
      %dma_start3A_211 = arith.constant 0 : i32
      %dma_start3A_212 = tpu.memref_slice %arg11[%dma_start3A_210, %dma_start3A_211] : memref<80x64xf32, #tpu.memory_space<vmem>> -> memref<80x64xf32, #tpu.memory_space<vmem>>
      tpu.enqueue_dma source(%dma_start3A_212 : memref<80x64xf32, #tpu.memory_space<vmem>>) target(%dma_start3A_209 : memref<80x64xf32, #tpu.memory_space<vmem_shared>>) target_semaphore(%run_scoped3A : memref<!tpu.dma_semaphore, #tpu.memory_space<semaphore_mem>>)
      %dma_wait3A_213 = arith.constant 0 : i32
      %dma_wait3A_214 = arith.constant 0 : i32
      %dma_wait3A_215 = tpu.memref_slice %arg11[%dma_wait3A_213, %dma_wait3A_214] : memref<80x64xf32, #tpu.memory_space<vmem>> -> memref<80x64xf32, #tpu.memory_space<vmem>>
      %dma_wait3A_216 = arith.constant 0 : i32
      %dma_wait3A_217 = tpu.memref_slice %arg8[%add3A_20, %dma_wait3A_216] : memref<10000x64xf32, #tpu.memory_space<vmem_shared>> -> memref<80x64xf32, #tpu.memory_space<vmem_shared>>
      %dma_wait3A_218 = arith.constant 0 : i32
      %dma_wait3A_219 = tpu.memref_slice %arg8[%add3A_20, %dma_wait3A_218] : memref<10000x64xf32, #tpu.memory_space<vmem_shared>> -> memref<80x64xf32, #tpu.memory_space<vmem_shared>>
      %dma_wait3A_220 = arith.constant 0 : i32
      %dma_wait3A_221 = arith.constant 0 : i32
      %dma_wait3A_222 = tpu.memref_slice %arg11[%dma_wait3A_220, %dma_wait3A_221] : memref<80x64xf32, #tpu.memory_space<vmem>> -> memref<80x64xf32, #tpu.memory_space<vmem>>
      tpu.wait_dma2 semaphore(%run_scoped3A : memref<!tpu.dma_semaphore, #tpu.memory_space<semaphore_mem>>) src(%dma_wait3A_222 : memref<80x64xf32, #tpu.memory_space<vmem>>) dst(%dma_wait3A_219 : memref<80x64xf32, #tpu.memory_space<vmem_shared>>)
      tpu.yield
    }) : () -> ()
    %mul3A_21 = arith.constant 625 : i32
    %mul3A_22 = arith.muli %mul3A_21, %arg1 : i32
    %add3A_23 = arith.constant 240 : i32
    %add3A_24 = arith.addi %mul3A_22, %add3A_23 : i32
    "tpu.region"() ({
      %run_scoped3A = tpu.sem_alloc : memref<!tpu.dma_semaphore, #tpu.memory_space<semaphore_mem>>
      %dma_start3A_203 = arith.constant 0 : i32
      %dma_start3A_204 = arith.constant 0 : i32
      %dma_start3A_205 = tpu.memref_slice %arg11[%dma_start3A_203, %dma_start3A_204] : memref<80x64xf32, #tpu.memory_space<vmem>> -> memref<80x64xf32, #tpu.memory_space<vmem>>
      %dma_start3A_206 = arith.constant 0 : i32
      %dma_start3A_207 = tpu.memref_slice %arg8[%add3A_24, %dma_start3A_206] : memref<10000x64xf32, #tpu.memory_space<vmem_shared>> -> memref<80x64xf32, #tpu.memory_space<vmem_shared>>
      %dma_start3A_208 = arith.constant 0 : i32
      %dma_start3A_209 = tpu.memref_slice %arg8[%add3A_24, %dma_start3A_208] : memref<10000x64xf32, #tpu.memory_space<vmem_shared>> -> memref<80x64xf32, #tpu.memory_space<vmem_shared>>
      %dma_start3A_210 = arith.constant 0 : i32
      %dma_start3A_211 = arith.constant 0 : i32
      %dma_start3A_212 = tpu.memref_slice %arg11[%dma_start3A_210, %dma_start3A_211] : memref<80x64xf32, #tpu.memory_space<vmem>> -> memref<80x64xf32, #tpu.memory_space<vmem>>
      tpu.enqueue_dma source(%dma_start3A_212 : memref<80x64xf32, #tpu.memory_space<vmem>>) target(%dma_start3A_209 : memref<80x64xf32, #tpu.memory_space<vmem_shared>>) target_semaphore(%run_scoped3A : memref<!tpu.dma_semaphore, #tpu.memory_space<semaphore_mem>>)
      %dma_wait3A_213 = arith.constant 0 : i32
      %dma_wait3A_214 = arith.constant 0 : i32
      %dma_wait3A_215 = tpu.memref_slice %arg11[%dma_wait3A_213, %dma_wait3A_214] : memref<80x64xf32, #tpu.memory_space<vmem>> -> memref<80x64xf32, #tpu.memory_space<vmem>>
      %dma_wait3A_216 = arith.constant 0 : i32
      %dma_wait3A_217 = tpu.memref_slice %arg8[%add3A_24, %dma_wait3A_216] : memref<10000x64xf32, #tpu.memory_space<vmem_shared>> -> memref<80x64xf32, #tpu.memory_space<vmem_shared>>
      %dma_wait3A_218 = arith.constant 0 : i32
      %dma_wait3A_219 = tpu.memref_slice %arg8[%add3A_24, %dma_wait3A_218] : memref<10000x64xf32, #tpu.memory_space<vmem_shared>> -> memref<80x64xf32, #tpu.memory_space<vmem_shared>>
      %dma_wait3A_220 = arith.constant 0 : i32
      %dma_wait3A_221 = arith.constant 0 : i32
      %dma_wait3A_222 = tpu.memref_slice %arg11[%dma_wait3A_220, %dma_wait3A_221] : memref<80x64xf32, #tpu.memory_space<vmem>> -> memref<80x64xf32, #tpu.memory_space<vmem>>
      tpu.wait_dma2 semaphore(%run_scoped3A : memref<!tpu.dma_semaphore, #tpu.memory_space<semaphore_mem>>) src(%dma_wait3A_222 : memref<80x64xf32, #tpu.memory_space<vmem>>) dst(%dma_wait3A_219 : memref<80x64xf32, #tpu.memory_space<vmem_shared>>)
      tpu.yield
    }) : () -> ()
    %mul3A_25 = arith.constant 625 : i32
    %mul3A_26 = arith.muli %mul3A_25, %arg1 : i32
    %add3A_27 = arith.constant 320 : i32
    %add3A_28 = arith.addi %mul3A_26, %add3A_27 : i32
    "tpu.region"() ({
      %run_scoped3A = tpu.sem_alloc : memref<!tpu.dma_semaphore, #tpu.memory_space<semaphore_mem>>
      %dma_start3A_203 = arith.constant 0 : i32
      %dma_start3A_204 = arith.constant 0 : i32
      %dma_start3A_205 = tpu.memref_slice %arg11[%dma_start3A_203, %dma_start3A_204] : memref<80x64xf32, #tpu.memory_space<vmem>> -> memref<80x64xf32, #tpu.memory_space<vmem>>
      %dma_start3A_206 = arith.constant 0 : i32
      %dma_start3A_207 = tpu.memref_slice %arg8[%add3A_28, %dma_start3A_206] : memref<10000x64xf32, #tpu.memory_space<vmem_shared>> -> memref<80x64xf32, #tpu.memory_space<vmem_shared>>
      %dma_start3A_208 = arith.constant 0 : i32
      %dma_start3A_209 = tpu.memref_slice %arg8[%add3A_28, %dma_start3A_208] : memref<10000x64xf32, #tpu.memory_space<vmem_shared>> -> memref<80x64xf32, #tpu.memory_space<vmem_shared>>
      %dma_start3A_210 = arith.constant 0 : i32
      %dma_start3A_211 = arith.constant 0 : i32
      %dma_start3A_212 = tpu.memref_slice %arg11[%dma_start3A_210, %dma_start3A_211] : memref<80x64xf32, #tpu.memory_space<vmem>> -> memref<80x64xf32, #tpu.memory_space<vmem>>
      tpu.enqueue_dma source(%dma_start3A_212 : memref<80x64xf32, #tpu.memory_space<vmem>>) target(%dma_start3A_209 : memref<80x64xf32, #tpu.memory_space<vmem_shared>>) target_semaphore(%run_scoped3A : memref<!tpu.dma_semaphore, #tpu.memory_space<semaphore_mem>>)
      %dma_wait3A_213 = arith.constant 0 : i32
      %dma_wait3A_214 = arith.constant 0 : i32
      %dma_wait3A_215 = tpu.memref_slice %arg11[%dma_wait3A_213, %dma_wait3A_214] : memref<80x64xf32, #tpu.memory_space<vmem>> -> memref<80x64xf32, #tpu.memory_space<vmem>>
      %dma_wait3A_216 = arith.constant 0 : i32
      %dma_wait3A_217 = tpu.memref_slice %arg8[%add3A_28, %dma_wait3A_216] : memref<10000x64xf32, #tpu.memory_space<vmem_shared>> -> memref<80x64xf32, #tpu.memory_space<vmem_shared>>
      %dma_wait3A_218 = arith.constant 0 : i32
      %dma_wait3A_219 = tpu.memref_slice %arg8[%add3A_28, %dma_wait3A_218] : memref<10000x64xf32, #tpu.memory_space<vmem_shared>> -> memref<80x64xf32, #tpu.memory_space<vmem_shared>>
      %dma_wait3A_220 = arith.constant 0 : i32
      %dma_wait3A_221 = arith.constant 0 : i32
      %dma_wait3A_222 = tpu.memref_slice %arg11[%dma_wait3A_220, %dma_wait3A_221] : memref<80x64xf32, #tpu.memory_space<vmem>> -> memref<80x64xf32, #tpu.memory_space<vmem>>
      tpu.wait_dma2 semaphore(%run_scoped3A : memref<!tpu.dma_semaphore, #tpu.memory_space<semaphore_mem>>) src(%dma_wait3A_222 : memref<80x64xf32, #tpu.memory_space<vmem>>) dst(%dma_wait3A_219 : memref<80x64xf32, #tpu.memory_space<vmem_shared>>)
      tpu.yield
    }) : () -> ()
    %mul3A_29 = arith.constant 625 : i32
    %mul3A_30 = arith.muli %mul3A_29, %arg1 : i32
    %add3A_31 = arith.constant 400 : i32
    %add3A_32 = arith.addi %mul3A_30, %add3A_31 : i32
    "tpu.region"() ({
      %run_scoped3A = tpu.sem_alloc : memref<!tpu.dma_semaphore, #tpu.memory_space<semaphore_mem>>
      %dma_start3A_203 = arith.constant 0 : i32
      %dma_start3A_204 = arith.constant 0 : i32
      %dma_start3A_205 = tpu.memref_slice %arg11[%dma_start3A_203, %dma_start3A_204] : memref<80x64xf32, #tpu.memory_space<vmem>> -> memref<80x64xf32, #tpu.memory_space<vmem>>
      %dma_start3A_206 = arith.constant 0 : i32
      %dma_start3A_207 = tpu.memref_slice %arg8[%add3A_32, %dma_start3A_206] : memref<10000x64xf32, #tpu.memory_space<vmem_shared>> -> memref<80x64xf32, #tpu.memory_space<vmem_shared>>
      %dma_start3A_208 = arith.constant 0 : i32
      %dma_start3A_209 = tpu.memref_slice %arg8[%add3A_32, %dma_start3A_208] : memref<10000x64xf32, #tpu.memory_space<vmem_shared>> -> memref<80x64xf32, #tpu.memory_space<vmem_shared>>
      %dma_start3A_210 = arith.constant 0 : i32
      %dma_start3A_211 = arith.constant 0 : i32
      %dma_start3A_212 = tpu.memref_slice %arg11[%dma_start3A_210, %dma_start3A_211] : memref<80x64xf32, #tpu.memory_space<vmem>> -> memref<80x64xf32, #tpu.memory_space<vmem>>
      tpu.enqueue_dma source(%dma_start3A_212 : memref<80x64xf32, #tpu.memory_space<vmem>>) target(%dma_start3A_209 : memref<80x64xf32, #tpu.memory_space<vmem_shared>>) target_semaphore(%run_scoped3A : memref<!tpu.dma_semaphore, #tpu.memory_space<semaphore_mem>>)
      %dma_wait3A_213 = arith.constant 0 : i32
      %dma_wait3A_214 = arith.constant 0 : i32
      %dma_wait3A_215 = tpu.memref_slice %arg11[%dma_wait3A_213, %dma_wait3A_214] : memref<80x64xf32, #tpu.memory_space<vmem>> -> memref<80x64xf32, #tpu.memory_space<vmem>>
      %dma_wait3A_216 = arith.constant 0 : i32
      %dma_wait3A_217 = tpu.memref_slice %arg8[%add3A_32, %dma_wait3A_216] : memref<10000x64xf32, #tpu.memory_space<vmem_shared>> -> memref<80x64xf32, #tpu.memory_space<vmem_shared>>
      %dma_wait3A_218 = arith.constant 0 : i32
      %dma_wait3A_219 = tpu.memref_slice %arg8[%add3A_32, %dma_wait3A_218] : memref<10000x64xf32, #tpu.memory_space<vmem_shared>> -> memref<80x64xf32, #tpu.memory_space<vmem_shared>>
      %dma_wait3A_220 = arith.constant 0 : i32
      %dma_wait3A_221 = arith.constant 0 : i32
      %dma_wait3A_222 = tpu.memref_slice %arg11[%dma_wait3A_220, %dma_wait3A_221] : memref<80x64xf32, #tpu.memory_space<vmem>> -> memref<80x64xf32, #tpu.memory_space<vmem>>
      tpu.wait_dma2 semaphore(%run_scoped3A : memref<!tpu.dma_semaphore, #tpu.memory_space<semaphore_mem>>) src(%dma_wait3A_222 : memref<80x64xf32, #tpu.memory_space<vmem>>) dst(%dma_wait3A_219 : memref<80x64xf32, #tpu.memory_space<vmem_shared>>)
      tpu.yield
    }) : () -> ()
    %mul3A_33 = arith.constant 625 : i32
    %mul3A_34 = arith.muli %mul3A_33, %arg1 : i32
    %add3A_35 = arith.constant 480 : i32
    %add3A_36 = arith.addi %mul3A_34, %add3A_35 : i32
    "tpu.region"() ({
      %run_scoped3A = tpu.sem_alloc : memref<!tpu.dma_semaphore, #tpu.memory_space<semaphore_mem>>
      %dma_start3A_203 = arith.constant 0 : i32
      %dma_start3A_204 = arith.constant 0 : i32
      %dma_start3A_205 = tpu.memref_slice %arg11[%dma_start3A_203, %dma_start3A_204] : memref<80x64xf32, #tpu.memory_space<vmem>> -> memref<80x64xf32, #tpu.memory_space<vmem>>
      %dma_start3A_206 = arith.constant 0 : i32
      %dma_start3A_207 = tpu.memref_slice %arg8[%add3A_36, %dma_start3A_206] : memref<10000x64xf32, #tpu.memory_space<vmem_shared>> -> memref<80x64xf32, #tpu.memory_space<vmem_shared>>
      %dma_start3A_208 = arith.constant 0 : i32
      %dma_start3A_209 = tpu.memref_slice %arg8[%add3A_36, %dma_start3A_208] : memref<10000x64xf32, #tpu.memory_space<vmem_shared>> -> memref<80x64xf32, #tpu.memory_space<vmem_shared>>
      %dma_start3A_210 = arith.constant 0 : i32
      %dma_start3A_211 = arith.constant 0 : i32
      %dma_start3A_212 = tpu.memref_slice %arg11[%dma_start3A_210, %dma_start3A_211] : memref<80x64xf32, #tpu.memory_space<vmem>> -> memref<80x64xf32, #tpu.memory_space<vmem>>
      tpu.enqueue_dma source(%dma_start3A_212 : memref<80x64xf32, #tpu.memory_space<vmem>>) target(%dma_start3A_209 : memref<80x64xf32, #tpu.memory_space<vmem_shared>>) target_semaphore(%run_scoped3A : memref<!tpu.dma_semaphore, #tpu.memory_space<semaphore_mem>>)
      %dma_wait3A_213 = arith.constant 0 : i32
      %dma_wait3A_214 = arith.constant 0 : i32
      %dma_wait3A_215 = tpu.memref_slice %arg11[%dma_wait3A_213, %dma_wait3A_214] : memref<80x64xf32, #tpu.memory_space<vmem>> -> memref<80x64xf32, #tpu.memory_space<vmem>>
      %dma_wait3A_216 = arith.constant 0 : i32
      %dma_wait3A_217 = tpu.memref_slice %arg8[%add3A_36, %dma_wait3A_216] : memref<10000x64xf32, #tpu.memory_space<vmem_shared>> -> memref<80x64xf32, #tpu.memory_space<vmem_shared>>
      %dma_wait3A_218 = arith.constant 0 : i32
      %dma_wait3A_219 = tpu.memref_slice %arg8[%add3A_36, %dma_wait3A_218] : memref<10000x64xf32, #tpu.memory_space<vmem_shared>> -> memref<80x64xf32, #tpu.memory_space<vmem_shared>>
      %dma_wait3A_220 = arith.constant 0 : i32
      %dma_wait3A_221 = arith.constant 0 : i32
      %dma_wait3A_222 = tpu.memref_slice %arg11[%dma_wait3A_220, %dma_wait3A_221] : memref<80x64xf32, #tpu.memory_space<vmem>> -> memref<80x64xf32, #tpu.memory_space<vmem>>
      tpu.wait_dma2 semaphore(%run_scoped3A : memref<!tpu.dma_semaphore, #tpu.memory_space<semaphore_mem>>) src(%dma_wait3A_222 : memref<80x64xf32, #tpu.memory_space<vmem>>) dst(%dma_wait3A_219 : memref<80x64xf32, #tpu.memory_space<vmem_shared>>)
      tpu.yield
    }) : () -> ()
    %mul3A_37 = arith.constant 625 : i32
    %mul3A_38 = arith.muli %mul3A_37, %arg1 : i32
    %add3A_39 = arith.constant 560 : i32
    %add3A_40 = arith.addi %mul3A_38, %add3A_39 : i32
    "tpu.region"() ({
      %run_scoped3A = tpu.sem_alloc : memref<!tpu.dma_semaphore, #tpu.memory_space<semaphore_mem>>
      %dma_start3A_203 = arith.constant 0 : i32
      %dma_start3A_204 = arith.constant 0 : i32
      %dma_start3A_205 = tpu.memref_slice %arg11[%dma_start3A_203, %dma_start3A_204] : memref<80x64xf32, #tpu.memory_space<vmem>> -> memref<65x64xf32, #tpu.memory_space<vmem>>
      %dma_start3A_206 = arith.constant 0 : i32
      %dma_start3A_207 = tpu.memref_slice %arg8[%add3A_40, %dma_start3A_206] : memref<10000x64xf32, #tpu.memory_space<vmem_shared>> -> memref<65x64xf32, #tpu.memory_space<vmem_shared>>
      %dma_start3A_208 = arith.constant 0 : i32
      %dma_start3A_209 = tpu.memref_slice %arg8[%add3A_40, %dma_start3A_208] : memref<10000x64xf32, #tpu.memory_space<vmem_shared>> -> memref<65x64xf32, #tpu.memory_space<vmem_shared>>
      %dma_start3A_210 = arith.constant 0 : i32
      %dma_start3A_211 = arith.constant 0 : i32
      %dma_start3A_212 = tpu.memref_slice %arg11[%dma_start3A_210, %dma_start3A_211] : memref<80x64xf32, #tpu.memory_space<vmem>> -> memref<65x64xf32, #tpu.memory_space<vmem>>
      tpu.enqueue_dma source(%dma_start3A_212 : memref<65x64xf32, #tpu.memory_space<vmem>>) target(%dma_start3A_209 : memref<65x64xf32, #tpu.memory_space<vmem_shared>>) target_semaphore(%run_scoped3A : memref<!tpu.dma_semaphore, #tpu.memory_space<semaphore_mem>>)
      %dma_wait3A_213 = arith.constant 0 : i32
      %dma_wait3A_214 = arith.constant 0 : i32
      %dma_wait3A_215 = tpu.memref_slice %arg11[%dma_wait3A_213, %dma_wait3A_214] : memref<80x64xf32, #tpu.memory_space<vmem>> -> memref<65x64xf32, #tpu.memory_space<vmem>>
      %dma_wait3A_216 = arith.constant 0 : i32
      %dma_wait3A_217 = tpu.memref_slice %arg8[%add3A_40, %dma_wait3A_216] : memref<10000x64xf32, #tpu.memory_space<vmem_shared>> -> memref<65x64xf32, #tpu.memory_space<vmem_shared>>
      %dma_wait3A_218 = arith.constant 0 : i32
      %dma_wait3A_219 = tpu.memref_slice %arg8[%add3A_40, %dma_wait3A_218] : memref<10000x64xf32, #tpu.memory_space<vmem_shared>> -> memref<65x64xf32, #tpu.memory_space<vmem_shared>>
      %dma_wait3A_220 = arith.constant 0 : i32
      %dma_wait3A_221 = arith.constant 0 : i32
      %dma_wait3A_222 = tpu.memref_slice %arg11[%dma_wait3A_220, %dma_wait3A_221] : memref<80x64xf32, #tpu.memory_space<vmem>> -> memref<65x64xf32, #tpu.memory_space<vmem>>
      tpu.wait_dma2 semaphore(%run_scoped3A : memref<!tpu.dma_semaphore, #tpu.memory_space<semaphore_mem>>) src(%dma_wait3A_222 : memref<65x64xf32, #tpu.memory_space<vmem>>) dst(%dma_wait3A_219 : memref<65x64xf32, #tpu.memory_space<vmem_shared>>)
      tpu.yield
    }) : () -> ()
    %scan3A_41 = arith.constant 0 : i32
    %scan3A_42 = arith.constant 625 : i32
    %scan3A_43 = arith.addi %scan3A_41, %scan3A_42 : i32
    %scan3A_44 = arith.constant 1 : i32
    scf.for %scan3A_203 = %scan3A_41 to %scan3A_43 step %scan3A_44  : i32 {
      %mul3A_204 = arith.constant 16 : i32
      %mul3A_205 = arith.muli %scan3A_203, %mul3A_204 : i32
      %swap3A = arith.index_cast %mul3A_205 : i32 to index
      %swap3A_206 = tpu.vector_load %arg9[%swap3A] {strides = array<i32>} : memref<10000xf32, #tpu.memory_space<vmem>>, vector<16xf32>,
      tpu.vector_store %arg9[%swap3A], %broadcast_in_dim3A_5 {strides = array<i32>} : memref<10000xf32, #tpu.memory_space<vmem>>, vector<16xf32>,
    }
    %scan3A_45 = arith.constant 625 : i32
    %barrier3A = arith.constant 0 : index
    tpu.barrier barrier_id(%barrier3A)
    %broadcast_in_dim3A_46 = arith.constant 1.000000e+00 : f32
    %broadcast_in_dim3A_47 = vector.broadcast %broadcast_in_dim3A_46 : f32 to vector<16xf32>
    %mul3A_48 = arith.constant 10000 : i32
    %mul3A_49 = arith.muli %arg1, %mul3A_48 : i32
    %add3A_50 = arith.constant 0 : i32
    %add3A_51 = arith.addi %mul3A_49, %add3A_50 : i32
    %dma_start3A = arith.constant 0 : i32
    %dma_start3A_52 = tpu.memref_slice %arg4[%dma_start3A, %add3A_51] : memref<2x160000xi32, #tpu.memory_space<hbm>> -> memref<2x80xi32, #tpu.memory_space<hbm>>
    %dma_start3A_53 = arith.constant 0 : i32
    %dma_start3A_54 = tpu.memref_slice %arg4[%dma_start3A_53, %add3A_51] : memref<2x160000xi32, #tpu.memory_space<hbm>> -> memref<2x80xi32, #tpu.memory_space<hbm>>
    tpu.enqueue_dma source(%dma_start3A_54 : memref<2x80xi32, #tpu.memory_space<hbm>>) target(%arg10 : memref<2x80xi32, #tpu.memory_space<vmem>>) target_semaphore(%arg13 : memref<!tpu.dma_semaphore, #tpu.memory_space<semaphore_mem>>)
    %dma_start3A_55 = tpu.memref_slice %arg3[%add3A_51, %mul3A_0] : memref<160000x128xf32, #tpu.memory_space<hbm>> -> memref<80x64xf32, #tpu.memory_space<hbm>>
    %dma_start3A_56 = tpu.memref_slice %arg3[%add3A_51, %mul3A_0] : memref<160000x128xf32, #tpu.memory_space<hbm>> -> memref<80x64xf32, #tpu.memory_space<hbm>>
    tpu.enqueue_dma source(%dma_start3A_56 : memref<80x64xf32, #tpu.memory_space<hbm>>) target(%arg12 : memref<80x64xf32, #tpu.memory_space<vmem>>) target_semaphore(%arg13 : memref<!tpu.dma_semaphore, #tpu.memory_space<semaphore_mem>>)
    %mul3A_57 = arith.constant 10000 : i32
    %mul3A_58 = arith.muli %arg1, %mul3A_57 : i32
    %add3A_59 = arith.constant 80 : i32
    %add3A_60 = arith.addi %mul3A_58, %add3A_59 : i32
    %dma_start3A_61 = arith.constant 0 : i32
    %dma_start3A_62 = tpu.memref_slice %arg4[%dma_start3A_61, %add3A_60] : memref<2x160000xi32, #tpu.memory_space<hbm>> -> memref<2x80xi32, #tpu.memory_space<hbm>>
    %dma_start3A_63 = arith.constant 0 : i32
    %dma_start3A_64 = tpu.memref_slice %arg4[%dma_start3A_63, %add3A_60] : memref<2x160000xi32, #tpu.memory_space<hbm>> -> memref<2x80xi32, #tpu.memory_space<hbm>>
    tpu.enqueue_dma source(%dma_start3A_64 : memref<2x80xi32, #tpu.memory_space<hbm>>) target(%arg16 : memref<2x80xi32, #tpu.memory_space<vmem>>) target_semaphore(%arg19 : memref<!tpu.dma_semaphore, #tpu.memory_space<semaphore_mem>>)
    %dma_start3A_65 = tpu.memref_slice %arg3[%add3A_60, %mul3A_0] : memref<160000x128xf32, #tpu.memory_space<hbm>> -> memref<80x64xf32, #tpu.memory_space<hbm>>
    %dma_start3A_66 = tpu.memref_slice %arg3[%add3A_60, %mul3A_0] : memref<160000x128xf32, #tpu.memory_space<hbm>> -> memref<80x64xf32, #tpu.memory_space<hbm>>
    tpu.enqueue_dma source(%dma_start3A_66 : memref<80x64xf32, #tpu.memory_space<hbm>>) target(%arg18 : memref<80x64xf32, #tpu.memory_space<vmem>>) target_semaphore(%arg19 : memref<!tpu.dma_semaphore, #tpu.memory_space<semaphore_mem>>)
    %mul3A_67 = arith.constant 10000 : i32
    %mul3A_68 = arith.muli %arg1, %mul3A_67 : i32
    %add3A_69 = arith.constant 0 : i32
    %add3A_70 = arith.addi %mul3A_68, %add3A_69 : i32
    %dma_wait3A = arith.constant 0 : i32
    %dma_wait3A_71 = tpu.memref_slice %arg4[%dma_wait3A, %add3A_70] : memref<2x160000xi32, #tpu.memory_space<hbm>> -> memref<2x80xi32, #tpu.memory_space<hbm>>
    %dma_wait3A_72 = arith.constant 0 : i32
    %dma_wait3A_73 = tpu.memref_slice %arg4[%dma_wait3A_72, %add3A_70] : memref<2x160000xi32, #tpu.memory_space<hbm>> -> memref<2x80xi32, #tpu.memory_space<hbm>>
    tpu.wait_dma2 semaphore(%arg13 : memref<!tpu.dma_semaphore, #tpu.memory_space<semaphore_mem>>) src(%dma_wait3A_73 : memref<2x80xi32, #tpu.memory_space<hbm>>) dst(%arg10 : memref<2x80xi32, #tpu.memory_space<vmem>>)
    %dma_wait3A_74 = tpu.memref_slice %arg3[%add3A_70, %mul3A_0] : memref<160000x128xf32, #tpu.memory_space<hbm>> -> memref<80x64xf32, #tpu.memory_space<hbm>>
    %dma_wait3A_75 = tpu.memref_slice %arg3[%add3A_70, %mul3A_0] : memref<160000x128xf32, #tpu.memory_space<hbm>> -> memref<80x64xf32, #tpu.memory_space<hbm>>
    tpu.wait_dma2 semaphore(%arg13 : memref<!tpu.dma_semaphore, #tpu.memory_space<semaphore_mem>>) src(%dma_wait3A_75 : memref<80x64xf32, #tpu.memory_space<hbm>>) dst(%arg12 : memref<80x64xf32, #tpu.memory_space<vmem>>)
    %dma_start3A_76 = arith.constant 0 : i32
    %dma_start3A_77 = arith.constant 0 : i32
    %dma_start3A_78 = tpu.memref_slice %arg10[%dma_start3A_76, %dma_start3A_77] : memref<2x80xi32, #tpu.memory_space<vmem>> -> memref<1x80xi32, #tpu.memory_space<vmem>>
    %dma_start3A_79 = tpu.memref_squeeze %dma_start3A_78 : memref<1x80xi32, #tpu.memory_space<vmem>> -> memref<80xi32, #tpu.memory_space<vmem>>
    %dma_start3A_80 = arith.constant 0 : i32
    %dma_start3A_81 = arith.constant 0 : i32
    %dma_start3A_82 = tpu.memref_slice %arg7[%dma_start3A_80, %dma_start3A_81] : memref<10000x64xf32, #tpu.memory_space<vmem_shared>> -> memref<10000x64xf32, #tpu.memory_space<vmem_shared>>
    tpu.enqueue_indirect_dma source(%dma_start3A_82 : memref<10000x64xf32, #tpu.memory_space<vmem_shared>>) target(%arg11 : memref<80x64xf32, #tpu.memory_space<vmem>>) offsets(%dma_start3A_79 : memref<80xi32, #tpu.memory_space<vmem>>) semaphore(%arg14 : memref<!tpu.dma_semaphore, #tpu.memory_space<semaphore_mem>>)
    %scan3A_83 = arith.constant 0 : i32
    %scan3A_84 = arith.constant 0 : i32
    %scan3A_85 = arith.constant 1 : i32
    %scan3A_86 = arith.constant 1 : i32
    %scan3A_87 = arith.constant 0 : i32
    %scan3A_88 = arith.constant 1 : i32
    %scan3A_89 = arith.constant 0 : i32
    %scan3A_90 = arith.constant 41 : i32
    %scan3A_91 = arith.addi %scan3A_89, %scan3A_90 : i32
    %scan3A_92 = arith.constant 1 : i32
    scf.for %scan3A_203 = %scan3A_89 to %scan3A_91 step %scan3A_92  : i32 {
      %mul3A_204 = arith.constant 3 : i32
      %mul3A_205 = arith.muli %scan3A_203, %mul3A_204 : i32
      %dma_wait3A_206 = arith.constant 0 : i32
      %dma_wait3A_207 = tpu.memref_slice %arg10[%scan3A_83, %dma_wait3A_206] : memref<2x80xi32, #tpu.memory_space<vmem>> -> memref<1x80xi32, #tpu.memory_space<vmem>>
      %dma_wait3A_208 = tpu.memref_squeeze %dma_wait3A_207 : memref<1x80xi32, #tpu.memory_space<vmem>> -> memref<80xi32, #tpu.memory_space<vmem>>
      %dma_wait3A_209 = arith.constant 0 : i32
      %dma_wait3A_210 = arith.constant 0 : i32
      %dma_wait3A_211 = tpu.memref_slice %arg7[%dma_wait3A_209, %dma_wait3A_210] : memref<10000x64xf32, #tpu.memory_space<vmem_shared>> -> memref<10000x64xf32, #tpu.memory_space<vmem_shared>>
      tpu.wait_indirect_dma semaphore(%arg14 : memref<!tpu.dma_semaphore, #tpu.memory_space<semaphore_mem>>) src(%dma_wait3A_211 : memref<10000x64xf32, #tpu.memory_space<vmem_shared>>) dst(%arg11 : memref<80x64xf32, #tpu.memory_space<vmem>>)
      %add3A_212 = arith.constant 1 : i32
      %add3A_213 = arith.addi %mul3A_205, %add3A_212 : i32
      %lt3A_214 = arith.constant 125 : i32
      %lt3A_215 = arith.cmpi slt, %add3A_213, %lt3A_214 : i32
      %convert_element_type3A_216 = arith.extui %lt3A_215 : i1 to i32
      %cond3A_217 = arith.constant 0 : i32
      %cond3A_218 = arith.cmpi ne, %convert_element_type3A_216, %cond3A_217 : i32
      scf.if %cond3A_218 {
        %add3A_331 = arith.constant 1 : i32
        %add3A_332 = arith.addi %mul3A_205, %add3A_331 : i32
        %mul3A_333 = arith.constant 10000 : i32
        %mul3A_334 = arith.muli %arg1, %mul3A_333 : i32
        %mul3A_335 = arith.constant 80 : i32
        %mul3A_336 = arith.muli %add3A_332, %mul3A_335 : i32
        %add3A_337 = arith.addi %mul3A_334, %mul3A_336 : i32
        %dma_wait3A_338 = arith.constant 0 : i32
        %dma_wait3A_339 = tpu.memref_slice %arg4[%dma_wait3A_338, %add3A_337] : memref<2x160000xi32, #tpu.memory_space<hbm>> -> memref<2x80xi32, #tpu.memory_space<hbm>>
        %dma_wait3A_340 = arith.constant 0 : i32
        %dma_wait3A_341 = tpu.memref_slice %arg4[%dma_wait3A_340, %add3A_337] : memref<2x160000xi32, #tpu.memory_space<hbm>> -> memref<2x80xi32, #tpu.memory_space<hbm>>
        tpu.wait_dma2 semaphore(%arg19 : memref<!tpu.dma_semaphore, #tpu.memory_space<semaphore_mem>>) src(%dma_wait3A_341 : memref<2x80xi32, #tpu.memory_space<hbm>>) dst(%arg16 : memref<2x80xi32, #tpu.memory_space<vmem>>)
        %dma_wait3A_342 = tpu.memref_slice %arg3[%add3A_337, %mul3A_0] : memref<160000x128xf32, #tpu.memory_space<hbm>> -> memref<80x64xf32, #tpu.memory_space<hbm>>
        %dma_wait3A_343 = tpu.memref_slice %arg3[%add3A_337, %mul3A_0] : memref<160000x128xf32, #tpu.memory_space<hbm>> -> memref<80x64xf32, #tpu.memory_space<hbm>>
        tpu.wait_dma2 semaphore(%arg19 : memref<!tpu.dma_semaphore, #tpu.memory_space<semaphore_mem>>) src(%dma_wait3A_343 : memref<80x64xf32, #tpu.memory_space<hbm>>) dst(%arg18 : memref<80x64xf32, #tpu.memory_space<vmem>>)
        %dma_start3A_344 = arith.constant 0 : i32
        %dma_start3A_345 = tpu.memref_slice %arg16[%scan3A_84, %dma_start3A_344] : memref<2x80xi32, #tpu.memory_space<vmem>> -> memref<1x80xi32, #tpu.memory_space<vmem>>
        %dma_start3A_346 = tpu.memref_squeeze %dma_start3A_345 : memref<1x80xi32, #tpu.memory_space<vmem>> -> memref<80xi32, #tpu.memory_space<vmem>>
        %dma_start3A_347 = arith.constant 0 : i32
        %dma_start3A_348 = arith.constant 0 : i32
        %dma_start3A_349 = tpu.memref_slice %arg7[%dma_start3A_347, %dma_start3A_348] : memref<10000x64xf32, #tpu.memory_space<vmem_shared>> -> memref<10000x64xf32, #tpu.memory_space<vmem_shared>>
        tpu.enqueue_indirect_dma source(%dma_start3A_349 : memref<10000x64xf32, #tpu.memory_space<vmem_shared>>) target(%arg17 : memref<80x64xf32, #tpu.memory_space<vmem>>) offsets(%dma_start3A_346 : memref<80xi32, #tpu.memory_space<vmem>>) semaphore(%arg20 : memref<!tpu.dma_semaphore, #tpu.memory_space<semaphore_mem>>)
      } else {
      }
      %parallel_loop3A_219 = arith.constant 0 : i32
      %parallel_loop3A_220 = arith.constant 80 : i32
      %parallel_loop3A_221 = arith.constant 1 : i32
      scf.for %parallel_loop3A_331 = %parallel_loop3A_219 to %parallel_loop3A_220 step %parallel_loop3A_221  : i32 {
        %parallel_loop3A_332 = arith.index_cast %parallel_loop3A_331 : i32 to index
        %parallel_loop3A_333 = arith.constant 0 : index
        %parallel_loop3A_334 = tpu.vector_load %arg11[%parallel_loop3A_332, %parallel_loop3A_333] {strides = array<i32>} : memref<80x64xf32, #tpu.memory_space<vmem>>, vector<16xf32>,
        %parallel_loop3A_335 = arith.index_cast %parallel_loop3A_331 : i32 to index
        %parallel_loop3A_336 = arith.constant 0 : index
        %parallel_loop3A_337 = tpu.vector_load %arg12[%parallel_loop3A_335, %parallel_loop3A_336] {strides = array<i32>} : memref<80x64xf32, #tpu.memory_space<vmem>>, vector<16xf32>,
        %parallel_loop3A_338 = arith.mulf %parallel_loop3A_334, %parallel_loop3A_337 : vector<16xf32>
        %parallel_loop3A_339 = arith.index_cast %parallel_loop3A_331 : i32 to index
        %parallel_loop3A_340 = arith.constant 0 : index
        %parallel_loop3A_341 = tpu.vector_load %arg11[%parallel_loop3A_339, %parallel_loop3A_340] {strides = array<i32>} : memref<80x64xf32, #tpu.memory_space<vmem>>, vector<16xf32>,
        tpu.vector_store %arg11[%parallel_loop3A_339, %parallel_loop3A_340], %parallel_loop3A_338 {strides = array<i32>} : memref<80x64xf32, #tpu.memory_space<vmem>>, vector<16xf32>,
        %parallel_loop3A_342 = arith.index_cast %parallel_loop3A_331 : i32 to index
        %parallel_loop3A_343 = arith.constant 16 : index
        %parallel_loop3A_344 = tpu.vector_load %arg11[%parallel_loop3A_342, %parallel_loop3A_343] {strides = array<i32>} : memref<80x64xf32, #tpu.memory_space<vmem>>, vector<16xf32>,
        %parallel_loop3A_345 = arith.index_cast %parallel_loop3A_331 : i32 to index
        %parallel_loop3A_346 = arith.constant 16 : index
        %parallel_loop3A_347 = tpu.vector_load %arg12[%parallel_loop3A_345, %parallel_loop3A_346] {strides = array<i32>} : memref<80x64xf32, #tpu.memory_space<vmem>>, vector<16xf32>,
        %parallel_loop3A_348 = arith.mulf %parallel_loop3A_344, %parallel_loop3A_347 : vector<16xf32>
        %parallel_loop3A_349 = arith.index_cast %parallel_loop3A_331 : i32 to index
        %parallel_loop3A_350 = arith.constant 16 : index
        %parallel_loop3A_351 = tpu.vector_load %arg11[%parallel_loop3A_349, %parallel_loop3A_350] {strides = array<i32>} : memref<80x64xf32, #tpu.memory_space<vmem>>, vector<16xf32>,
        tpu.vector_store %arg11[%parallel_loop3A_349, %parallel_loop3A_350], %parallel_loop3A_348 {strides = array<i32>} : memref<80x64xf32, #tpu.memory_space<vmem>>, vector<16xf32>,
        %parallel_loop3A_352 = arith.index_cast %parallel_loop3A_331 : i32 to index
        %parallel_loop3A_353 = arith.constant 32 : index
        %parallel_loop3A_354 = tpu.vector_load %arg11[%parallel_loop3A_352, %parallel_loop3A_353] {strides = array<i32>} : memref<80x64xf32, #tpu.memory_space<vmem>>, vector<16xf32>,
        %parallel_loop3A_355 = arith.index_cast %parallel_loop3A_331 : i32 to index
        %parallel_loop3A_356 = arith.constant 32 : index
        %parallel_loop3A_357 = tpu.vector_load %arg12[%parallel_loop3A_355, %parallel_loop3A_356] {strides = array<i32>} : memref<80x64xf32, #tpu.memory_space<vmem>>, vector<16xf32>,
        %parallel_loop3A_358 = arith.mulf %parallel_loop3A_354, %parallel_loop3A_357 : vector<16xf32>
        %parallel_loop3A_359 = arith.index_cast %parallel_loop3A_331 : i32 to index
        %parallel_loop3A_360 = arith.constant 32 : index
        %parallel_loop3A_361 = tpu.vector_load %arg11[%parallel_loop3A_359, %parallel_loop3A_360] {strides = array<i32>} : memref<80x64xf32, #tpu.memory_space<vmem>>, vector<16xf32>,
        tpu.vector_store %arg11[%parallel_loop3A_359, %parallel_loop3A_360], %parallel_loop3A_358 {strides = array<i32>} : memref<80x64xf32, #tpu.memory_space<vmem>>, vector<16xf32>,
        %parallel_loop3A_362 = arith.index_cast %parallel_loop3A_331 : i32 to index
        %parallel_loop3A_363 = arith.constant 48 : index
        %parallel_loop3A_364 = tpu.vector_load %arg11[%parallel_loop3A_362, %parallel_loop3A_363] {strides = array<i32>} : memref<80x64xf32, #tpu.memory_space<vmem>>, vector<16xf32>,
        %parallel_loop3A_365 = arith.index_cast %parallel_loop3A_331 : i32 to index
        %parallel_loop3A_366 = arith.constant 48 : index
        %parallel_loop3A_367 = tpu.vector_load %arg12[%parallel_loop3A_365, %parallel_loop3A_366] {strides = array<i32>} : memref<80x64xf32, #tpu.memory_space<vmem>>, vector<16xf32>,
        %parallel_loop3A_368 = arith.mulf %parallel_loop3A_364, %parallel_loop3A_367 : vector<16xf32>
        %parallel_loop3A_369 = arith.index_cast %parallel_loop3A_331 : i32 to index
        %parallel_loop3A_370 = arith.constant 48 : index
        %parallel_loop3A_371 = tpu.vector_load %arg11[%parallel_loop3A_369, %parallel_loop3A_370] {strides = array<i32>} : memref<80x64xf32, #tpu.memory_space<vmem>>, vector<16xf32>,
        tpu.vector_store %arg11[%parallel_loop3A_369, %parallel_loop3A_370], %parallel_loop3A_368 {strides = array<i32>} : memref<80x64xf32, #tpu.memory_space<vmem>>, vector<16xf32>,
      } {sc.loop_unroll_factor = 8 : i64, sc.parallel_access}
      %eq3A_222 = arith.constant 0 : i32
      %eq3A_223 = arith.cmpi eq, %arg0, %eq3A_222 : i32
      %convert_element_type3A_224 = arith.extui %eq3A_223 : i1 to i32
      %cond3A_225 = arith.constant 0 : i32
      %cond3A_226 = arith.cmpi ne, %convert_element_type3A_224, %cond3A_225 : i32
      scf.if %cond3A_226 {
        %scan3A_331 = arith.constant 0 : i32
        %scan3A_332 = arith.constant 5 : i32
        %scan3A_333 = arith.addi %scan3A_331, %scan3A_332 : i32
        %scan3A_334 = arith.constant 1 : i32
        scf.for %scan3A_336 = %scan3A_331 to %scan3A_333 step %scan3A_334  : i32 {
          %mul3A_337 = arith.constant 16 : i32
          %mul3A_338 = arith.muli %scan3A_336, %mul3A_337 : i32
          %get3A = arith.constant 0 : i32
          %get3A_339 = tpu.memref_slice %arg10[%scan3A_85, %get3A] : memref<2x80xi32, #tpu.memory_space<vmem>> -> memref<1x80xi32, #tpu.memory_space<vmem>>
          %get3A_340 = tpu.memref_squeeze %get3A_339 : memref<1x80xi32, #tpu.memory_space<vmem>> -> memref<80xi32, #tpu.memory_space<vmem>>
          %get3A_341 = arith.index_cast %mul3A_338 : i32 to index
          %get3A_342 = tpu.vector_load %get3A_340[%get3A_341] {strides = array<i32>} : memref<80xi32, #tpu.memory_space<vmem>>, vector<16xi32>,
          tpu.vector_store_idx %arg9[%get3A_342], %broadcast_in_dim3A_47 {add = true} : memref<10000xf32, #tpu.memory_space<vmem>>[vector<16xi32>], vector<16xf32>,
        }
        %scan3A_335 = arith.constant 5 : i32
      } else {
      }
      %ge3A_227 = arith.constant 1 : i32
      %ge3A_228 = arith.cmpi sge, %mul3A_205, %ge3A_227 : i32
      %convert_element_type3A_229 = arith.extui %ge3A_228 : i1 to i32
      %cond3A_230 = arith.constant 0 : i32
      %cond3A_231 = arith.cmpi ne, %convert_element_type3A_229, %cond3A_230 : i32
      scf.if %cond3A_231 {
        %dma_wait3A_331 = arith.constant 0 : i32
        %dma_wait3A_332 = tpu.memref_slice %arg22[%scan3A_86, %dma_wait3A_331] : memref<2x80xi32, #tpu.memory_space<vmem>> -> memref<1x80xi32, #tpu.memory_space<vmem>>
        %dma_wait3A_333 = tpu.memref_squeeze %dma_wait3A_332 : memref<1x80xi32, #tpu.memory_space<vmem>> -> memref<80xi32, #tpu.memory_space<vmem>>
        %dma_wait3A_334 = arith.constant 0 : i32
        %dma_wait3A_335 = arith.constant 0 : i32
        %dma_wait3A_336 = tpu.memref_slice %arg8[%dma_wait3A_334, %dma_wait3A_335] : memref<10000x64xf32, #tpu.memory_space<vmem_shared>> -> memref<10000x64xf32, #tpu.memory_space<vmem_shared>>
        tpu.wait_indirect_dma semaphore(%arg27 : memref<!tpu.dma_semaphore, #tpu.memory_space<semaphore_mem>>) src(%arg23 : memref<80x64xf32, #tpu.memory_space<vmem>>) dst(%dma_wait3A_336 : memref<10000x64xf32, #tpu.memory_space<vmem_shared>>)
      } else {
      }
      %add3A_232 = arith.constant 2 : i32
      %add3A_233 = arith.addi %mul3A_205, %add3A_232 : i32
      %lt3A_234 = arith.constant 125 : i32
      %lt3A_235 = arith.cmpi slt, %add3A_233, %lt3A_234 : i32
      %convert_element_type3A_236 = arith.extui %lt3A_235 : i1 to i32
      %cond3A_237 = arith.constant 0 : i32
      %cond3A_238 = arith.cmpi ne, %convert_element_type3A_236, %cond3A_237 : i32
      scf.if %cond3A_238 {
        %add3A_331 = arith.constant 2 : i32
        %add3A_332 = arith.addi %mul3A_205, %add3A_331 : i32
        %mul3A_333 = arith.constant 10000 : i32
        %mul3A_334 = arith.muli %arg1, %mul3A_333 : i32
        %mul3A_335 = arith.constant 80 : i32
        %mul3A_336 = arith.muli %add3A_332, %mul3A_335 : i32
        %add3A_337 = arith.addi %mul3A_334, %mul3A_336 : i32
        %dma_start3A_338 = arith.constant 0 : i32
        %dma_start3A_339 = tpu.memref_slice %arg4[%dma_start3A_338, %add3A_337] : memref<2x160000xi32, #tpu.memory_space<hbm>> -> memref<2x80xi32, #tpu.memory_space<hbm>>
        %dma_start3A_340 = arith.constant 0 : i32
        %dma_start3A_341 = tpu.memref_slice %arg4[%dma_start3A_340, %add3A_337] : memref<2x160000xi32, #tpu.memory_space<hbm>> -> memref<2x80xi32, #tpu.memory_space<hbm>>
        tpu.enqueue_dma source(%dma_start3A_341 : memref<2x80xi32, #tpu.memory_space<hbm>>) target(%arg22 : memref<2x80xi32, #tpu.memory_space<vmem>>) target_semaphore(%arg25 : memref<!tpu.dma_semaphore, #tpu.memory_space<semaphore_mem>>)
        %dma_start3A_342 = tpu.memref_slice %arg3[%add3A_337, %mul3A_0] : memref<160000x128xf32, #tpu.memory_space<hbm>> -> memref<80x64xf32, #tpu.memory_space<hbm>>
        %dma_start3A_343 = tpu.memref_slice %arg3[%add3A_337, %mul3A_0] : memref<160000x128xf32, #tpu.memory_space<hbm>> -> memref<80x64xf32, #tpu.memory_space<hbm>>
        tpu.enqueue_dma source(%dma_start3A_343 : memref<80x64xf32, #tpu.memory_space<hbm>>) target(%arg24 : memref<80x64xf32, #tpu.memory_space<vmem>>) target_semaphore(%arg25 : memref<!tpu.dma_semaphore, #tpu.memory_space<semaphore_mem>>)
      } else {
      }
      %dma_start3A_239 = arith.constant 0 : i32
      %dma_start3A_240 = tpu.memref_slice %arg10[%scan3A_85, %dma_start3A_239] : memref<2x80xi32, #tpu.memory_space<vmem>> -> memref<1x80xi32, #tpu.memory_space<vmem>>
      %dma_start3A_241 = tpu.memref_squeeze %dma_start3A_240 : memref<1x80xi32, #tpu.memory_space<vmem>> -> memref<80xi32, #tpu.memory_space<vmem>>
      %dma_start3A_242 = arith.constant 0 : i32
      %dma_start3A_243 = arith.constant 0 : i32
      %dma_start3A_244 = tpu.memref_slice %arg8[%dma_start3A_242, %dma_start3A_243] : memref<10000x64xf32, #tpu.memory_space<vmem_shared>> -> memref<10000x64xf32, #tpu.memory_space<vmem_shared>>
      tpu.enqueue_indirect_dma source(%arg11 : memref<80x64xf32, #tpu.memory_space<vmem>>) target(%dma_start3A_244 : memref<10000x64xf32, #tpu.memory_space<vmem_shared>>) offsets(%dma_start3A_241 : memref<80xi32, #tpu.memory_space<vmem>>) semaphore(%arg15 : memref<!tpu.dma_semaphore, #tpu.memory_space<semaphore_mem>>) {add = true}
      %mul3A_245 = arith.constant 3 : i32
      %mul3A_246 = arith.muli %scan3A_203, %mul3A_245 : i32
      %add3A_247 = arith.constant 1 : i32
      %add3A_248 = arith.addi %mul3A_246, %add3A_247 : i32
      %dma_wait3A_249 = arith.constant 0 : i32
      %dma_wait3A_250 = tpu.memref_slice %arg16[%scan3A_84, %dma_wait3A_249] : memref<2x80xi32, #tpu.memory_space<vmem>> -> memref<1x80xi32, #tpu.memory_space<vmem>>
      %dma_wait3A_251 = tpu.memref_squeeze %dma_wait3A_250 : memref<1x80xi32, #tpu.memory_space<vmem>> -> memref<80xi32, #tpu.memory_space<vmem>>
      %dma_wait3A_252 = arith.constant 0 : i32
      %dma_wait3A_253 = arith.constant 0 : i32
      %dma_wait3A_254 = tpu.memref_slice %arg7[%dma_wait3A_252, %dma_wait3A_253] : memref<10000x64xf32, #tpu.memory_space<vmem_shared>> -> memref<10000x64xf32, #tpu.memory_space<vmem_shared>>
      tpu.wait_indirect_dma semaphore(%arg20 : memref<!tpu.dma_semaphore, #tpu.memory_space<semaphore_mem>>) src(%dma_wait3A_254 : memref<10000x64xf32, #tpu.memory_space<vmem_shared>>) dst(%arg17 : memref<80x64xf32, #tpu.memory_space<vmem>>)
      %add3A_255 = arith.constant 1 : i32
      %add3A_256 = arith.addi %add3A_248, %add3A_255 : i32
      %lt3A_257 = arith.constant 125 : i32
      %lt3A_258 = arith.cmpi slt, %add3A_256, %lt3A_257 : i32
      %convert_element_type3A_259 = arith.extui %lt3A_258 : i1 to i32
      %cond3A_260 = arith.constant 0 : i32
      %cond3A_261 = arith.cmpi ne, %convert_element_type3A_259, %cond3A_260 : i32
      scf.if %cond3A_261 {
        %add3A_331 = arith.constant 1 : i32
        %add3A_332 = arith.addi %add3A_248, %add3A_331 : i32
        %mul3A_333 = arith.constant 10000 : i32
        %mul3A_334 = arith.muli %arg1, %mul3A_333 : i32
        %mul3A_335 = arith.constant 80 : i32
        %mul3A_336 = arith.muli %add3A_332, %mul3A_335 : i32
        %add3A_337 = arith.addi %mul3A_334, %mul3A_336 : i32
        %dma_wait3A_338 = arith.constant 0 : i32
        %dma_wait3A_339 = tpu.memref_slice %arg4[%dma_wait3A_338, %add3A_337] : memref<2x160000xi32, #tpu.memory_space<hbm>> -> memref<2x80xi32, #tpu.memory_space<hbm>>
        %dma_wait3A_340 = arith.constant 0 : i32
        %dma_wait3A_341 = tpu.memref_slice %arg4[%dma_wait3A_340, %add3A_337] : memref<2x160000xi32, #tpu.memory_space<hbm>> -> memref<2x80xi32, #tpu.memory_space<hbm>>
        tpu.wait_dma2 semaphore(%arg25 : memref<!tpu.dma_semaphore, #tpu.memory_space<semaphore_mem>>) src(%dma_wait3A_341 : memref<2x80xi32, #tpu.memory_space<hbm>>) dst(%arg22 : memref<2x80xi32, #tpu.memory_space<vmem>>)
        %dma_wait3A_342 = tpu.memref_slice %arg3[%add3A_337, %mul3A_0] : memref<160000x128xf32, #tpu.memory_space<hbm>> -> memref<80x64xf32, #tpu.memory_space<hbm>>
        %dma_wait3A_343 = tpu.memref_slice %arg3[%add3A_337, %mul3A_0] : memref<160000x128xf32, #tpu.memory_space<hbm>> -> memref<80x64xf32, #tpu.memory_space<hbm>>
        tpu.wait_dma2 semaphore(%arg25 : memref<!tpu.dma_semaphore, #tpu.memory_space<semaphore_mem>>) src(%dma_wait3A_343 : memref<80x64xf32, #tpu.memory_space<hbm>>) dst(%arg24 : memref<80x64xf32, #tpu.memory_space<vmem>>)
        %dma_start3A_344 = arith.constant 0 : i32
        %dma_start3A_345 = tpu.memref_slice %arg22[%scan3A_87, %dma_start3A_344] : memref<2x80xi32, #tpu.memory_space<vmem>> -> memref<1x80xi32, #tpu.memory_space<vmem>>
        %dma_start3A_346 = tpu.memref_squeeze %dma_start3A_345 : memref<1x80xi32, #tpu.memory_space<vmem>> -> memref<80xi32, #tpu.memory_space<vmem>>
        %dma_start3A_347 = arith.constant 0 : i32
        %dma_start3A_348 = arith.constant 0 : i32
        %dma_start3A_349 = tpu.memref_slice %arg7[%dma_start3A_347, %dma_start3A_348] : memref<10000x64xf32, #tpu.memory_space<vmem_shared>> -> memref<10000x64xf32, #tpu.memory_space<vmem_shared>>
        tpu.enqueue_indirect_dma source(%dma_start3A_349 : memref<10000x64xf32, #tpu.memory_space<vmem_shared>>) target(%arg23 : memref<80x64xf32, #tpu.memory_space<vmem>>) offsets(%dma_start3A_346 : memref<80xi32, #tpu.memory_space<vmem>>) semaphore(%arg26 : memref<!tpu.dma_semaphore, #tpu.memory_space<semaphore_mem>>)
      } else {
      }
      %parallel_loop3A_262 = arith.constant 0 : i32
      %parallel_loop3A_263 = arith.constant 80 : i32
      %parallel_loop3A_264 = arith.constant 1 : i32
      scf.for %parallel_loop3A_331 = %parallel_loop3A_262 to %parallel_loop3A_263 step %parallel_loop3A_264  : i32 {
        %parallel_loop3A_332 = arith.index_cast %parallel_loop3A_331 : i32 to index
        %parallel_loop3A_333 = arith.constant 0 : index
        %parallel_loop3A_334 = tpu.vector_load %arg17[%parallel_loop3A_332, %parallel_loop3A_333] {strides = array<i32>} : memref<80x64xf32, #tpu.memory_space<vmem>>, vector<16xf32>,
        %parallel_loop3A_335 = arith.index_cast %parallel_loop3A_331 : i32 to index
        %parallel_loop3A_336 = arith.constant 0 : index
        %parallel_loop3A_337 = tpu.vector_load %arg18[%parallel_loop3A_335, %parallel_loop3A_336] {strides = array<i32>} : memref<80x64xf32, #tpu.memory_space<vmem>>, vector<16xf32>,
        %parallel_loop3A_338 = arith.mulf %parallel_loop3A_334, %parallel_loop3A_337 : vector<16xf32>
        %parallel_loop3A_339 = arith.index_cast %parallel_loop3A_331 : i32 to index
        %parallel_loop3A_340 = arith.constant 0 : index
        %parallel_loop3A_341 = tpu.vector_load %arg17[%parallel_loop3A_339, %parallel_loop3A_340] {strides = array<i32>} : memref<80x64xf32, #tpu.memory_space<vmem>>, vector<16xf32>,
        tpu.vector_store %arg17[%parallel_loop3A_339, %parallel_loop3A_340], %parallel_loop3A_338 {strides = array<i32>} : memref<80x64xf32, #tpu.memory_space<vmem>>, vector<16xf32>,
        %parallel_loop3A_342 = arith.index_cast %parallel_loop3A_331 : i32 to index
        %parallel_loop3A_343 = arith.constant 16 : index
        %parallel_loop3A_344 = tpu.vector_load %arg17[%parallel_loop3A_342, %parallel_loop3A_343] {strides = array<i32>} : memref<80x64xf32, #tpu.memory_space<vmem>>, vector<16xf32>,
        %parallel_loop3A_345 = arith.index_cast %parallel_loop3A_331 : i32 to index
        %parallel_loop3A_346 = arith.constant 16 : index
        %parallel_loop3A_347 = tpu.vector_load %arg18[%parallel_loop3A_345, %parallel_loop3A_346] {strides = array<i32>} : memref<80x64xf32, #tpu.memory_space<vmem>>, vector<16xf32>,
        %parallel_loop3A_348 = arith.mulf %parallel_loop3A_344, %parallel_loop3A_347 : vector<16xf32>
        %parallel_loop3A_349 = arith.index_cast %parallel_loop3A_331 : i32 to index
        %parallel_loop3A_350 = arith.constant 16 : index
        %parallel_loop3A_351 = tpu.vector_load %arg17[%parallel_loop3A_349, %parallel_loop3A_350] {strides = array<i32>} : memref<80x64xf32, #tpu.memory_space<vmem>>, vector<16xf32>,
        tpu.vector_store %arg17[%parallel_loop3A_349, %parallel_loop3A_350], %parallel_loop3A_348 {strides = array<i32>} : memref<80x64xf32, #tpu.memory_space<vmem>>, vector<16xf32>,
        %parallel_loop3A_352 = arith.index_cast %parallel_loop3A_331 : i32 to index
        %parallel_loop3A_353 = arith.constant 32 : index
        %parallel_loop3A_354 = tpu.vector_load %arg17[%parallel_loop3A_352, %parallel_loop3A_353] {strides = array<i32>} : memref<80x64xf32, #tpu.memory_space<vmem>>, vector<16xf32>,
        %parallel_loop3A_355 = arith.index_cast %parallel_loop3A_331 : i32 to index
        %parallel_loop3A_356 = arith.constant 32 : index
        %parallel_loop3A_357 = tpu.vector_load %arg18[%parallel_loop3A_355, %parallel_loop3A_356] {strides = array<i32>} : memref<80x64xf32, #tpu.memory_space<vmem>>, vector<16xf32>,
        %parallel_loop3A_358 = arith.mulf %parallel_loop3A_354, %parallel_loop3A_357 : vector<16xf32>
        %parallel_loop3A_359 = arith.index_cast %parallel_loop3A_331 : i32 to index
        %parallel_loop3A_360 = arith.constant 32 : index
        %parallel_loop3A_361 = tpu.vector_load %arg17[%parallel_loop3A_359, %parallel_loop3A_360] {strides = array<i32>} : memref<80x64xf32, #tpu.memory_space<vmem>>, vector<16xf32>,
        tpu.vector_store %arg17[%parallel_loop3A_359, %parallel_loop3A_360], %parallel_loop3A_358 {strides = array<i32>} : memref<80x64xf32, #tpu.memory_space<vmem>>, vector<16xf32>,
        %parallel_loop3A_362 = arith.index_cast %parallel_loop3A_331 : i32 to index
        %parallel_loop3A_363 = arith.constant 48 : index
        %parallel_loop3A_364 = tpu.vector_load %arg17[%parallel_loop3A_362, %parallel_loop3A_363] {strides = array<i32>} : memref<80x64xf32, #tpu.memory_space<vmem>>, vector<16xf32>,
        %parallel_loop3A_365 = arith.index_cast %parallel_loop3A_331 : i32 to index
        %parallel_loop3A_366 = arith.constant 48 : index
        %parallel_loop3A_367 = tpu.vector_load %arg18[%parallel_loop3A_365, %parallel_loop3A_366] {strides = array<i32>} : memref<80x64xf32, #tpu.memory_space<vmem>>, vector<16xf32>,
        %parallel_loop3A_368 = arith.mulf %parallel_loop3A_364, %parallel_loop3A_367 : vector<16xf32>
        %parallel_loop3A_369 = arith.index_cast %parallel_loop3A_331 : i32 to index
        %parallel_loop3A_370 = arith.constant 48 : index
        %parallel_loop3A_371 = tpu.vector_load %arg17[%parallel_loop3A_369, %parallel_loop3A_370] {strides = array<i32>} : memref<80x64xf32, #tpu.memory_space<vmem>>, vector<16xf32>,
        tpu.vector_store %arg17[%parallel_loop3A_369, %parallel_loop3A_370], %parallel_loop3A_368 {strides = array<i32>} : memref<80x64xf32, #tpu.memory_space<vmem>>, vector<16xf32>,
      } {sc.loop_unroll_factor = 8 : i64, sc.parallel_access}
      %eq3A_265 = arith.constant 0 : i32
      %eq3A_266 = arith.cmpi eq, %arg0, %eq3A_265 : i32
      %convert_element_type3A_267 = arith.extui %eq3A_266 : i1 to i32
      %cond3A_268 = arith.constant 0 : i32
      %cond3A_269 = arith.cmpi ne, %convert_element_type3A_267, %cond3A_268 : i32
      scf.if %cond3A_269 {
        %scan3A_331 = arith.constant 0 : i32
        %scan3A_332 = arith.constant 5 : i32
        %scan3A_333 = arith.addi %scan3A_331, %scan3A_332 : i32
        %scan3A_334 = arith.constant 1 : i32
        scf.for %scan3A_336 = %scan3A_331 to %scan3A_333 step %scan3A_334  : i32 {
          %mul3A_337 = arith.constant 16 : i32
          %mul3A_338 = arith.muli %scan3A_336, %mul3A_337 : i32
          %get3A = arith.constant 0 : i32
          %get3A_339 = tpu.memref_slice %arg16[%scan3A_88, %get3A] : memref<2x80xi32, #tpu.memory_space<vmem>> -> memref<1x80xi32, #tpu.memory_space<vmem>>
          %get3A_340 = tpu.memref_squeeze %get3A_339 : memref<1x80xi32, #tpu.memory_space<vmem>> -> memref<80xi32, #tpu.memory_space<vmem>>
          %get3A_341 = arith.index_cast %mul3A_338 : i32 to index
          %get3A_342 = tpu.vector_load %get3A_340[%get3A_341] {strides = array<i32>} : memref<80xi32, #tpu.memory_space<vmem>>, vector<16xi32>,
          tpu.vector_store_idx %arg9[%get3A_342], %broadcast_in_dim3A_47 {add = true} : memref<10000xf32, #tpu.memory_space<vmem>>[vector<16xi32>], vector<16xf32>,
        }
        %scan3A_335 = arith.constant 5 : i32
      } else {
      }
      %ge3A_270 = arith.constant 1 : i32
      %ge3A_271 = arith.cmpi sge, %add3A_248, %ge3A_270 : i32
      %convert_element_type3A_272 = arith.extui %ge3A_271 : i1 to i32
      %cond3A_273 = arith.constant 0 : i32
      %cond3A_274 = arith.cmpi ne, %convert_element_type3A_272, %cond3A_273 : i32
      scf.if %cond3A_274 {
        %dma_wait3A_331 = arith.constant 0 : i32
        %dma_wait3A_332 = tpu.memref_slice %arg10[%scan3A_85, %dma_wait3A_331] : memref<2x80xi32, #tpu.memory_space<vmem>> -> memref<1x80xi32, #tpu.memory_space<vmem>>
        %dma_wait3A_333 = tpu.memref_squeeze %dma_wait3A_332 : memref<1x80xi32, #tpu.memory_space<vmem>> -> memref<80xi32, #tpu.memory_space<vmem>>
        %dma_wait3A_334 = arith.constant 0 : i32
        %dma_wait3A_335 = arith.constant 0 : i32
        %dma_wait3A_336 = tpu.memref_slice %arg8[%dma_wait3A_334, %dma_wait3A_335] : memref<10000x64xf32, #tpu.memory_space<vmem_shared>> -> memref<10000x64xf32, #tpu.memory_space<vmem_shared>>
        tpu.wait_indirect_dma semaphore(%arg15 : memref<!tpu.dma_semaphore, #tpu.memory_space<semaphore_mem>>) src(%arg11 : memref<80x64xf32, #tpu.memory_space<vmem>>) dst(%dma_wait3A_336 : memref<10000x64xf32, #tpu.memory_space<vmem_shared>>)
      } else {
      }
      %add3A_275 = arith.constant 2 : i32
      %add3A_276 = arith.addi %add3A_248, %add3A_275 : i32
      %lt3A_277 = arith.constant 125 : i32
      %lt3A_278 = arith.cmpi slt, %add3A_276, %lt3A_277 : i32
      %convert_element_type3A_279 = arith.extui %lt3A_278 : i1 to i32
      %cond3A_280 = arith.constant 0 : i32
      %cond3A_281 = arith.cmpi ne, %convert_element_type3A_279, %cond3A_280 : i32
      scf.if %cond3A_281 {
        %add3A_331 = arith.constant 2 : i32
        %add3A_332 = arith.addi %add3A_248, %add3A_331 : i32
        %mul3A_333 = arith.constant 10000 : i32
        %mul3A_334 = arith.muli %arg1, %mul3A_333 : i32
        %mul3A_335 = arith.constant 80 : i32
        %mul3A_336 = arith.muli %add3A_332, %mul3A_335 : i32
        %add3A_337 = arith.addi %mul3A_334, %mul3A_336 : i32
        %dma_start3A_338 = arith.constant 0 : i32
        %dma_start3A_339 = tpu.memref_slice %arg4[%dma_start3A_338, %add3A_337] : memref<2x160000xi32, #tpu.memory_space<hbm>> -> memref<2x80xi32, #tpu.memory_space<hbm>>
        %dma_start3A_340 = arith.constant 0 : i32
        %dma_start3A_341 = tpu.memref_slice %arg4[%dma_start3A_340, %add3A_337] : memref<2x160000xi32, #tpu.memory_space<hbm>> -> memref<2x80xi32, #tpu.memory_space<hbm>>
        tpu.enqueue_dma source(%dma_start3A_341 : memref<2x80xi32, #tpu.memory_space<hbm>>) target(%arg10 : memref<2x80xi32, #tpu.memory_space<vmem>>) target_semaphore(%arg13 : memref<!tpu.dma_semaphore, #tpu.memory_space<semaphore_mem>>)
        %dma_start3A_342 = tpu.memref_slice %arg3[%add3A_337, %mul3A_0] : memref<160000x128xf32, #tpu.memory_space<hbm>> -> memref<80x64xf32, #tpu.memory_space<hbm>>
        %dma_start3A_343 = tpu.memref_slice %arg3[%add3A_337, %mul3A_0] : memref<160000x128xf32, #tpu.memory_space<hbm>> -> memref<80x64xf32, #tpu.memory_space<hbm>>
        tpu.enqueue_dma source(%dma_start3A_343 : memref<80x64xf32, #tpu.memory_space<hbm>>) target(%arg12 : memref<80x64xf32, #tpu.memory_space<vmem>>) target_semaphore(%arg13 : memref<!tpu.dma_semaphore, #tpu.memory_space<semaphore_mem>>)
      } else {
      }
      %dma_start3A_282 = arith.constant 0 : i32
      %dma_start3A_283 = tpu.memref_slice %arg16[%scan3A_88, %dma_start3A_282] : memref<2x80xi32, #tpu.memory_space<vmem>> -> memref<1x80xi32, #tpu.memory_space<vmem>>
      %dma_start3A_284 = tpu.memref_squeeze %dma_start3A_283 : memref<1x80xi32, #tpu.memory_space<vmem>> -> memref<80xi32, #tpu.memory_space<vmem>>
      %dma_start3A_285 = arith.constant 0 : i32
      %dma_start3A_286 = arith.constant 0 : i32
      %dma_start3A_287 = tpu.memref_slice %arg8[%dma_start3A_285, %dma_start3A_286] : memref<10000x64xf32, #tpu.memory_space<vmem_shared>> -> memref<10000x64xf32, #tpu.memory_space<vmem_shared>>
      tpu.enqueue_indirect_dma source(%arg17 : memref<80x64xf32, #tpu.memory_space<vmem>>) target(%dma_start3A_287 : memref<10000x64xf32, #tpu.memory_space<vmem_shared>>) offsets(%dma_start3A_284 : memref<80xi32, #tpu.memory_space<vmem>>) semaphore(%arg21 : memref<!tpu.dma_semaphore, #tpu.memory_space<semaphore_mem>>) {add = true}
      %mul3A_288 = arith.constant 3 : i32
      %mul3A_289 = arith.muli %scan3A_203, %mul3A_288 : i32
      %add3A_290 = arith.constant 2 : i32
      %add3A_291 = arith.addi %mul3A_289, %add3A_290 : i32
      %dma_wait3A_292 = arith.constant 0 : i32
      %dma_wait3A_293 = tpu.memref_slice %arg22[%scan3A_87, %dma_wait3A_292] : memref<2x80xi32, #tpu.memory_space<vmem>> -> memref<1x80xi32, #tpu.memory_space<vmem>>
      %dma_wait3A_294 = tpu.memref_squeeze %dma_wait3A_293 : memref<1x80xi32, #tpu.memory_space<vmem>> -> memref<80xi32, #tpu.memory_space<vmem>>
      %dma_wait3A_295 = arith.constant 0 : i32
      %dma_wait3A_296 = arith.constant 0 : i32
      %dma_wait3A_297 = tpu.memref_slice %arg7[%dma_wait3A_295, %dma_wait3A_296] : memref<10000x64xf32, #tpu.memory_space<vmem_shared>> -> memref<10000x64xf32, #tpu.memory_space<vmem_shared>>
      tpu.wait_indirect_dma semaphore(%arg26 : memref<!tpu.dma_semaphore, #tpu.memory_space<semaphore_mem>>) src(%dma_wait3A_297 : memref<10000x64xf32, #tpu.memory_space<vmem_shared>>) dst(%arg23 : memref<80x64xf32, #tpu.memory_space<vmem>>)
      %add3A_298 = arith.constant 1 : i32
      %add3A_299 = arith.addi %add3A_291, %add3A_298 : i32
      %lt3A_300 = arith.constant 125 : i32
      %lt3A_301 = arith.cmpi slt, %add3A_299, %lt3A_300 : i32
      %convert_element_type3A_302 = arith.extui %lt3A_301 : i1 to i32
      %cond3A_303 = arith.constant 0 : i32
      %cond3A_304 = arith.cmpi ne, %convert_element_type3A_302, %cond3A_303 : i32
      scf.if %cond3A_304 {
        %add3A_331 = arith.constant 1 : i32
        %add3A_332 = arith.addi %add3A_291, %add3A_331 : i32
        %mul3A_333 = arith.constant 10000 : i32
        %mul3A_334 = arith.muli %arg1, %mul3A_333 : i32
        %mul3A_335 = arith.constant 80 : i32
        %mul3A_336 = arith.muli %add3A_332, %mul3A_335 : i32
        %add3A_337 = arith.addi %mul3A_334, %mul3A_336 : i32
        %dma_wait3A_338 = arith.constant 0 : i32
        %dma_wait3A_339 = tpu.memref_slice %arg4[%dma_wait3A_338, %add3A_337] : memref<2x160000xi32, #tpu.memory_space<hbm>> -> memref<2x80xi32, #tpu.memory_space<hbm>>
        %dma_wait3A_340 = arith.constant 0 : i32
        %dma_wait3A_341 = tpu.memref_slice %arg4[%dma_wait3A_340, %add3A_337] : memref<2x160000xi32, #tpu.memory_space<hbm>> -> memref<2x80xi32, #tpu.memory_space<hbm>>
        tpu.wait_dma2 semaphore(%arg13 : memref<!tpu.dma_semaphore, #tpu.memory_space<semaphore_mem>>) src(%dma_wait3A_341 : memref<2x80xi32, #tpu.memory_space<hbm>>) dst(%arg10 : memref<2x80xi32, #tpu.memory_space<vmem>>)
        %dma_wait3A_342 = tpu.memref_slice %arg3[%add3A_337, %mul3A_0] : memref<160000x128xf32, #tpu.memory_space<hbm>> -> memref<80x64xf32, #tpu.memory_space<hbm>>
        %dma_wait3A_343 = tpu.memref_slice %arg3[%add3A_337, %mul3A_0] : memref<160000x128xf32, #tpu.memory_space<hbm>> -> memref<80x64xf32, #tpu.memory_space<hbm>>
        tpu.wait_dma2 semaphore(%arg13 : memref<!tpu.dma_semaphore, #tpu.memory_space<semaphore_mem>>) src(%dma_wait3A_343 : memref<80x64xf32, #tpu.memory_space<hbm>>) dst(%arg12 : memref<80x64xf32, #tpu.memory_space<vmem>>)
        %dma_start3A_344 = arith.constant 0 : i32
        %dma_start3A_345 = tpu.memref_slice %arg10[%scan3A_83, %dma_start3A_344] : memref<2x80xi32, #tpu.memory_space<vmem>> -> memref<1x80xi32, #tpu.memory_space<vmem>>
        %dma_start3A_346 = tpu.memref_squeeze %dma_start3A_345 : memref<1x80xi32, #tpu.memory_space<vmem>> -> memref<80xi32, #tpu.memory_space<vmem>>
        %dma_start3A_347 = arith.constant 0 : i32
        %dma_start3A_348 = arith.constant 0 : i32
        %dma_start3A_349 = tpu.memref_slice %arg7[%dma_start3A_347, %dma_start3A_348] : memref<10000x64xf32, #tpu.memory_space<vmem_shared>> -> memref<10000x64xf32, #tpu.memory_space<vmem_shared>>
        tpu.enqueue_indirect_dma source(%dma_start3A_349 : memref<10000x64xf32, #tpu.memory_space<vmem_shared>>) target(%arg11 : memref<80x64xf32, #tpu.memory_space<vmem>>) offsets(%dma_start3A_346 : memref<80xi32, #tpu.memory_space<vmem>>) semaphore(%arg14 : memref<!tpu.dma_semaphore, #tpu.memory_space<semaphore_mem>>)
      } else {
      }
      %parallel_loop3A_305 = arith.constant 0 : i32
      %parallel_loop3A_306 = arith.constant 80 : i32
      %parallel_loop3A_307 = arith.constant 1 : i32
      scf.for %parallel_loop3A_331 = %parallel_loop3A_305 to %parallel_loop3A_306 step %parallel_loop3A_307  : i32 {
        %parallel_loop3A_332 = arith.index_cast %parallel_loop3A_331 : i32 to index
        %parallel_loop3A_333 = arith.constant 0 : index
        %parallel_loop3A_334 = tpu.vector_load %arg23[%parallel_loop3A_332, %parallel_loop3A_333] {strides = array<i32>} : memref<80x64xf32, #tpu.memory_space<vmem>>, vector<16xf32>,
        %parallel_loop3A_335 = arith.index_cast %parallel_loop3A_331 : i32 to index
        %parallel_loop3A_336 = arith.constant 0 : index
        %parallel_loop3A_337 = tpu.vector_load %arg24[%parallel_loop3A_335, %parallel_loop3A_336] {strides = array<i32>} : memref<80x64xf32, #tpu.memory_space<vmem>>, vector<16xf32>,
        %parallel_loop3A_338 = arith.mulf %parallel_loop3A_334, %parallel_loop3A_337 : vector<16xf32>
        %parallel_loop3A_339 = arith.index_cast %parallel_loop3A_331 : i32 to index
        %parallel_loop3A_340 = arith.constant 0 : index
        %parallel_loop3A_341 = tpu.vector_load %arg23[%parallel_loop3A_339, %parallel_loop3A_340] {strides = array<i32>} : memref<80x64xf32, #tpu.memory_space<vmem>>, vector<16xf32>,
        tpu.vector_store %arg23[%parallel_loop3A_339, %parallel_loop3A_340], %parallel_loop3A_338 {strides = array<i32>} : memref<80x64xf32, #tpu.memory_space<vmem>>, vector<16xf32>,
        %parallel_loop3A_342 = arith.index_cast %parallel_loop3A_331 : i32 to index
        %parallel_loop3A_343 = arith.constant 16 : index
        %parallel_loop3A_344 = tpu.vector_load %arg23[%parallel_loop3A_342, %parallel_loop3A_343] {strides = array<i32>} : memref<80x64xf32, #tpu.memory_space<vmem>>, vector<16xf32>,
        %parallel_loop3A_345 = arith.index_cast %parallel_loop3A_331 : i32 to index
        %parallel_loop3A_346 = arith.constant 16 : index
        %parallel_loop3A_347 = tpu.vector_load %arg24[%parallel_loop3A_345, %parallel_loop3A_346] {strides = array<i32>} : memref<80x64xf32, #tpu.memory_space<vmem>>, vector<16xf32>,
        %parallel_loop3A_348 = arith.mulf %parallel_loop3A_344, %parallel_loop3A_347 : vector<16xf32>
        %parallel_loop3A_349 = arith.index_cast %parallel_loop3A_331 : i32 to index
        %parallel_loop3A_350 = arith.constant 16 : index
        %parallel_loop3A_351 = tpu.vector_load %arg23[%parallel_loop3A_349, %parallel_loop3A_350] {strides = array<i32>} : memref<80x64xf32, #tpu.memory_space<vmem>>, vector<16xf32>,
        tpu.vector_store %arg23[%parallel_loop3A_349, %parallel_loop3A_350], %parallel_loop3A_348 {strides = array<i32>} : memref<80x64xf32, #tpu.memory_space<vmem>>, vector<16xf32>,
        %parallel_loop3A_352 = arith.index_cast %parallel_loop3A_331 : i32 to index
        %parallel_loop3A_353 = arith.constant 32 : index
        %parallel_loop3A_354 = tpu.vector_load %arg23[%parallel_loop3A_352, %parallel_loop3A_353] {strides = array<i32>} : memref<80x64xf32, #tpu.memory_space<vmem>>, vector<16xf32>,
        %parallel_loop3A_355 = arith.index_cast %parallel_loop3A_331 : i32 to index
        %parallel_loop3A_356 = arith.constant 32 : index
        %parallel_loop3A_357 = tpu.vector_load %arg24[%parallel_loop3A_355, %parallel_loop3A_356] {strides = array<i32>} : memref<80x64xf32, #tpu.memory_space<vmem>>, vector<16xf32>,
        %parallel_loop3A_358 = arith.mulf %parallel_loop3A_354, %parallel_loop3A_357 : vector<16xf32>
        %parallel_loop3A_359 = arith.index_cast %parallel_loop3A_331 : i32 to index
        %parallel_loop3A_360 = arith.constant 32 : index
        %parallel_loop3A_361 = tpu.vector_load %arg23[%parallel_loop3A_359, %parallel_loop3A_360] {strides = array<i32>} : memref<80x64xf32, #tpu.memory_space<vmem>>, vector<16xf32>,
        tpu.vector_store %arg23[%parallel_loop3A_359, %parallel_loop3A_360], %parallel_loop3A_358 {strides = array<i32>} : memref<80x64xf32, #tpu.memory_space<vmem>>, vector<16xf32>,
        %parallel_loop3A_362 = arith.index_cast %parallel_loop3A_331 : i32 to index
        %parallel_loop3A_363 = arith.constant 48 : index
        %parallel_loop3A_364 = tpu.vector_load %arg23[%parallel_loop3A_362, %parallel_loop3A_363] {strides = array<i32>} : memref<80x64xf32, #tpu.memory_space<vmem>>, vector<16xf32>,
        %parallel_loop3A_365 = arith.index_cast %parallel_loop3A_331 : i32 to index
        %parallel_loop3A_366 = arith.constant 48 : index
        %parallel_loop3A_367 = tpu.vector_load %arg24[%parallel_loop3A_365, %parallel_loop3A_366] {strides = array<i32>} : memref<80x64xf32, #tpu.memory_space<vmem>>, vector<16xf32>,
        %parallel_loop3A_368 = arith.mulf %parallel_loop3A_364, %parallel_loop3A_367 : vector<16xf32>
        %parallel_loop3A_369 = arith.index_cast %parallel_loop3A_331 : i32 to index
        %parallel_loop3A_370 = arith.constant 48 : index
        %parallel_loop3A_371 = tpu.vector_load %arg23[%parallel_loop3A_369, %parallel_loop3A_370] {strides = array<i32>} : memref<80x64xf32, #tpu.memory_space<vmem>>, vector<16xf32>,
        tpu.vector_store %arg23[%parallel_loop3A_369, %parallel_loop3A_370], %parallel_loop3A_368 {strides = array<i32>} : memref<80x64xf32, #tpu.memory_space<vmem>>, vector<16xf32>,
      } {sc.loop_unroll_factor = 8 : i64, sc.parallel_access}
      %eq3A_308 = arith.constant 0 : i32
      %eq3A_309 = arith.cmpi eq, %arg0, %eq3A_308 : i32
      %convert_element_type3A_310 = arith.extui %eq3A_309 : i1 to i32
      %cond3A_311 = arith.constant 0 : i32
      %cond3A_312 = arith.cmpi ne, %convert_element_type3A_310, %cond3A_311 : i32
      scf.if %cond3A_312 {
        %scan3A_331 = arith.constant 0 : i32
        %scan3A_332 = arith.constant 5 : i32
        %scan3A_333 = arith.addi %scan3A_331, %scan3A_332 : i32
        %scan3A_334 = arith.constant 1 : i32
        scf.for %scan3A_336 = %scan3A_331 to %scan3A_333 step %scan3A_334  : i32 {
          %mul3A_337 = arith.constant 16 : i32
          %mul3A_338 = arith.muli %scan3A_336, %mul3A_337 : i32
          %get3A = arith.constant 0 : i32
          %get3A_339 = tpu.memref_slice %arg22[%scan3A_86, %get3A] : memref<2x80xi32, #tpu.memory_space<vmem>> -> memref<1x80xi32, #tpu.memory_space<vmem>>
          %get3A_340 = tpu.memref_squeeze %get3A_339 : memref<1x80xi32, #tpu.memory_space<vmem>> -> memref<80xi32, #tpu.memory_space<vmem>>
          %get3A_341 = arith.index_cast %mul3A_338 : i32 to index
          %get3A_342 = tpu.vector_load %get3A_340[%get3A_341] {strides = array<i32>} : memref<80xi32, #tpu.memory_space<vmem>>, vector<16xi32>,
          tpu.vector_store_idx %arg9[%get3A_342], %broadcast_in_dim3A_47 {add = true} : memref<10000xf32, #tpu.memory_space<vmem>>[vector<16xi32>], vector<16xf32>,
        }
        %scan3A_335 = arith.constant 5 : i32
      } else {
      }
      %ge3A_313 = arith.constant 1 : i32
      %ge3A_314 = arith.cmpi sge, %add3A_291, %ge3A_313 : i32
      %convert_element_type3A_315 = arith.extui %ge3A_314 : i1 to i32
      %cond3A_316 = arith.constant 0 : i32
      %cond3A_317 = arith.cmpi ne, %convert_element_type3A_315, %cond3A_316 : i32
      scf.if %cond3A_317 {
        %dma_wait3A_331 = arith.constant 0 : i32
        %dma_wait3A_332 = tpu.memref_slice %arg16[%scan3A_88, %dma_wait3A_331] : memref<2x80xi32, #tpu.memory_space<vmem>> -> memref<1x80xi32, #tpu.memory_space<vmem>>
        %dma_wait3A_333 = tpu.memref_squeeze %dma_wait3A_332 : memref<1x80xi32, #tpu.memory_space<vmem>> -> memref<80xi32, #tpu.memory_space<vmem>>
        %dma_wait3A_334 = arith.constant 0 : i32
        %dma_wait3A_335 = arith.constant 0 : i32
        %dma_wait3A_336 = tpu.memref_slice %arg8[%dma_wait3A_334, %dma_wait3A_335] : memref<10000x64xf32, #tpu.memory_space<vmem_shared>> -> memref<10000x64xf32, #tpu.memory_space<vmem_shared>>
        tpu.wait_indirect_dma semaphore(%arg21 : memref<!tpu.dma_semaphore, #tpu.memory_space<semaphore_mem>>) src(%arg17 : memref<80x64xf32, #tpu.memory_space<vmem>>) dst(%dma_wait3A_336 : memref<10000x64xf32, #tpu.memory_space<vmem_shared>>)
      } else {
      }
      %add3A_318 = arith.constant 2 : i32
      %add3A_319 = arith.addi %add3A_291, %add3A_318 : i32
      %lt3A_320 = arith.constant 125 : i32
      %lt3A_321 = arith.cmpi slt, %add3A_319, %lt3A_320 : i32
      %convert_element_type3A_322 = arith.extui %lt3A_321 : i1 to i32
      %cond3A_323 = arith.constant 0 : i32
      %cond3A_324 = arith.cmpi ne, %convert_element_type3A_322, %cond3A_323 : i32
      scf.if %cond3A_324 {
        %add3A_331 = arith.constant 2 : i32
        %add3A_332 = arith.addi %add3A_291, %add3A_331 : i32
        %mul3A_333 = arith.constant 10000 : i32
        %mul3A_334 = arith.muli %arg1, %mul3A_333 : i32
        %mul3A_335 = arith.constant 80 : i32
        %mul3A_336 = arith.muli %add3A_332, %mul3A_335 : i32
        %add3A_337 = arith.addi %mul3A_334, %mul3A_336 : i32
        %dma_start3A_338 = arith.constant 0 : i32
        %dma_start3A_339 = tpu.memref_slice %arg4[%dma_start3A_338, %add3A_337] : memref<2x160000xi32, #tpu.memory_space<hbm>> -> memref<2x80xi32, #tpu.memory_space<hbm>>
        %dma_start3A_340 = arith.constant 0 : i32
        %dma_start3A_341 = tpu.memref_slice %arg4[%dma_start3A_340, %add3A_337] : memref<2x160000xi32, #tpu.memory_space<hbm>> -> memref<2x80xi32, #tpu.memory_space<hbm>>
        tpu.enqueue_dma source(%dma_start3A_341 : memref<2x80xi32, #tpu.memory_space<hbm>>) target(%arg16 : memref<2x80xi32, #tpu.memory_space<vmem>>) target_semaphore(%arg19 : memref<!tpu.dma_semaphore, #tpu.memory_space<semaphore_mem>>)
        %dma_start3A_342 = tpu.memref_slice %arg3[%add3A_337, %mul3A_0] : memref<160000x128xf32, #tpu.memory_space<hbm>> -> memref<80x64xf32, #tpu.memory_space<hbm>>
        %dma_start3A_343 = tpu.memref_slice %arg3[%add3A_337, %mul3A_0] : memref<160000x128xf32, #tpu.memory_space<hbm>> -> memref<80x64xf32, #tpu.memory_space<hbm>>
        tpu.enqueue_dma source(%dma_start3A_343 : memref<80x64xf32, #tpu.memory_space<hbm>>) target(%arg18 : memref<80x64xf32, #tpu.memory_space<vmem>>) target_semaphore(%arg19 : memref<!tpu.dma_semaphore, #tpu.memory_space<semaphore_mem>>)
      } else {
      }
      %dma_start3A_325 = arith.constant 0 : i32
      %dma_start3A_326 = tpu.memref_slice %arg22[%scan3A_86, %dma_start3A_325] : memref<2x80xi32, #tpu.memory_space<vmem>> -> memref<1x80xi32, #tpu.memory_space<vmem>>
      %dma_start3A_327 = tpu.memref_squeeze %dma_start3A_326 : memref<1x80xi32, #tpu.memory_space<vmem>> -> memref<80xi32, #tpu.memory_space<vmem>>
      %dma_start3A_328 = arith.constant 0 : i32
      %dma_start3A_329 = arith.constant 0 : i32
      %dma_start3A_330 = tpu.memref_slice %arg8[%dma_start3A_328, %dma_start3A_329] : memref<10000x64xf32, #tpu.memory_space<vmem_shared>> -> memref<10000x64xf32, #tpu.memory_space<vmem_shared>>
      tpu.enqueue_indirect_dma source(%arg23 : memref<80x64xf32, #tpu.memory_space<vmem>>) target(%dma_start3A_330 : memref<10000x64xf32, #tpu.memory_space<vmem_shared>>) offsets(%dma_start3A_327 : memref<80xi32, #tpu.memory_space<vmem>>) semaphore(%arg27 : memref<!tpu.dma_semaphore, #tpu.memory_space<semaphore_mem>>) {add = true}
    }
    %scan3A_93 = arith.constant 41 : i32
    %dma_wait3A_94 = arith.constant 0 : i32
    %dma_wait3A_95 = arith.constant 0 : i32
    %dma_wait3A_96 = tpu.memref_slice %arg10[%dma_wait3A_94, %dma_wait3A_95] : memref<2x80xi32, #tpu.memory_space<vmem>> -> memref<1x80xi32, #tpu.memory_space<vmem>>
    %dma_wait3A_97 = tpu.memref_squeeze %dma_wait3A_96 : memref<1x80xi32, #tpu.memory_space<vmem>> -> memref<80xi32, #tpu.memory_space<vmem>>
    %dma_wait3A_98 = arith.constant 0 : i32
    %dma_wait3A_99 = arith.constant 0 : i32
    %dma_wait3A_100 = tpu.memref_slice %arg7[%dma_wait3A_98, %dma_wait3A_99] : memref<10000x64xf32, #tpu.memory_space<vmem_shared>> -> memref<10000x64xf32, #tpu.memory_space<vmem_shared>>
    tpu.wait_indirect_dma semaphore(%arg14 : memref<!tpu.dma_semaphore, #tpu.memory_space<semaphore_mem>>) src(%dma_wait3A_100 : memref<10000x64xf32, #tpu.memory_space<vmem_shared>>) dst(%arg11 : memref<80x64xf32, #tpu.memory_space<vmem>>)
    %add3A_101 = arith.constant 123 : i32
    %add3A_102 = arith.constant 1 : i32
    %add3A_103 = arith.addi %add3A_101, %add3A_102 : i32
    %lt3A = arith.constant 125 : i32
    %lt3A_104 = arith.cmpi slt, %add3A_103, %lt3A : i32
    %convert_element_type3A = arith.extui %lt3A_104 : i1 to i32
    %cond3A = arith.constant 123 : i32
    %cond3A_105 = arith.constant 0 : i32
    %cond3A_106 = arith.constant 0 : i32
    %cond3A_107 = arith.cmpi ne, %convert_element_type3A, %cond3A_106 : i32
    scf.if %cond3A_107 {
      %add3A_203 = arith.constant 1 : i32
      %add3A_204 = arith.addi %cond3A, %add3A_203 : i32
      %mul3A_205 = arith.constant 10000 : i32
      %mul3A_206 = arith.muli %arg1, %mul3A_205 : i32
      %mul3A_207 = arith.constant 80 : i32
      %mul3A_208 = arith.muli %add3A_204, %mul3A_207 : i32
      %add3A_209 = arith.addi %mul3A_206, %mul3A_208 : i32
      %dma_wait3A_210 = arith.constant 0 : i32
      %dma_wait3A_211 = tpu.memref_slice %arg4[%dma_wait3A_210, %add3A_209] : memref<2x160000xi32, #tpu.memory_space<hbm>> -> memref<2x80xi32, #tpu.memory_space<hbm>>
      %dma_wait3A_212 = arith.constant 0 : i32
      %dma_wait3A_213 = tpu.memref_slice %arg4[%dma_wait3A_212, %add3A_209] : memref<2x160000xi32, #tpu.memory_space<hbm>> -> memref<2x80xi32, #tpu.memory_space<hbm>>
      tpu.wait_dma2 semaphore(%arg19 : memref<!tpu.dma_semaphore, #tpu.memory_space<semaphore_mem>>) src(%dma_wait3A_213 : memref<2x80xi32, #tpu.memory_space<hbm>>) dst(%arg16 : memref<2x80xi32, #tpu.memory_space<vmem>>)
      %dma_wait3A_214 = tpu.memref_slice %arg3[%add3A_209, %mul3A_0] : memref<160000x128xf32, #tpu.memory_space<hbm>> -> memref<80x64xf32, #tpu.memory_space<hbm>>
      %dma_wait3A_215 = tpu.memref_slice %arg3[%add3A_209, %mul3A_0] : memref<160000x128xf32, #tpu.memory_space<hbm>> -> memref<80x64xf32, #tpu.memory_space<hbm>>
      tpu.wait_dma2 semaphore(%arg19 : memref<!tpu.dma_semaphore, #tpu.memory_space<semaphore_mem>>) src(%dma_wait3A_215 : memref<80x64xf32, #tpu.memory_space<hbm>>) dst(%arg18 : memref<80x64xf32, #tpu.memory_space<vmem>>)
      %dma_start3A_216 = arith.constant 0 : i32
      %dma_start3A_217 = tpu.memref_slice %arg16[%cond3A_105, %dma_start3A_216] : memref<2x80xi32, #tpu.memory_space<vmem>> -> memref<1x80xi32, #tpu.memory_space<vmem>>
      %dma_start3A_218 = tpu.memref_squeeze %dma_start3A_217 : memref<1x80xi32, #tpu.memory_space<vmem>> -> memref<80xi32, #tpu.memory_space<vmem>>
      %dma_start3A_219 = arith.constant 0 : i32
      %dma_start3A_220 = arith.constant 0 : i32
      %dma_start3A_221 = tpu.memref_slice %arg7[%dma_start3A_219, %dma_start3A_220] : memref<10000x64xf32, #tpu.memory_space<vmem_shared>> -> memref<10000x64xf32, #tpu.memory_space<vmem_shared>>
      tpu.enqueue_indirect_dma source(%dma_start3A_221 : memref<10000x64xf32, #tpu.memory_space<vmem_shared>>) target(%arg17 : memref<80x64xf32, #tpu.memory_space<vmem>>) offsets(%dma_start3A_218 : memref<80xi32, #tpu.memory_space<vmem>>) semaphore(%arg20 : memref<!tpu.dma_semaphore, #tpu.memory_space<semaphore_mem>>)
    } else {
    }
    %parallel_loop3A = arith.constant 0 : i32
    %parallel_loop3A_108 = arith.constant 80 : i32
    %parallel_loop3A_109 = arith.constant 1 : i32
    scf.for %parallel_loop3A_203 = %parallel_loop3A to %parallel_loop3A_108 step %parallel_loop3A_109  : i32 {
      %parallel_loop3A_204 = arith.index_cast %parallel_loop3A_203 : i32 to index
      %parallel_loop3A_205 = arith.constant 0 : index
      %parallel_loop3A_206 = tpu.vector_load %arg11[%parallel_loop3A_204, %parallel_loop3A_205] {strides = array<i32>} : memref<80x64xf32, #tpu.memory_space<vmem>>, vector<16xf32>,
      %parallel_loop3A_207 = arith.index_cast %parallel_loop3A_203 : i32 to index
      %parallel_loop3A_208 = arith.constant 0 : index
      %parallel_loop3A_209 = tpu.vector_load %arg12[%parallel_loop3A_207, %parallel_loop3A_208] {strides = array<i32>} : memref<80x64xf32, #tpu.memory_space<vmem>>, vector<16xf32>,
      %parallel_loop3A_210 = arith.mulf %parallel_loop3A_206, %parallel_loop3A_209 : vector<16xf32>
      %parallel_loop3A_211 = arith.index_cast %parallel_loop3A_203 : i32 to index
      %parallel_loop3A_212 = arith.constant 0 : index
      %parallel_loop3A_213 = tpu.vector_load %arg11[%parallel_loop3A_211, %parallel_loop3A_212] {strides = array<i32>} : memref<80x64xf32, #tpu.memory_space<vmem>>, vector<16xf32>,
      tpu.vector_store %arg11[%parallel_loop3A_211, %parallel_loop3A_212], %parallel_loop3A_210 {strides = array<i32>} : memref<80x64xf32, #tpu.memory_space<vmem>>, vector<16xf32>,
      %parallel_loop3A_214 = arith.index_cast %parallel_loop3A_203 : i32 to index
      %parallel_loop3A_215 = arith.constant 16 : index
      %parallel_loop3A_216 = tpu.vector_load %arg11[%parallel_loop3A_214, %parallel_loop3A_215] {strides = array<i32>} : memref<80x64xf32, #tpu.memory_space<vmem>>, vector<16xf32>,
      %parallel_loop3A_217 = arith.index_cast %parallel_loop3A_203 : i32 to index
      %parallel_loop3A_218 = arith.constant 16 : index
      %parallel_loop3A_219 = tpu.vector_load %arg12[%parallel_loop3A_217, %parallel_loop3A_218] {strides = array<i32>} : memref<80x64xf32, #tpu.memory_space<vmem>>, vector<16xf32>,
      %parallel_loop3A_220 = arith.mulf %parallel_loop3A_216, %parallel_loop3A_219 : vector<16xf32>
      %parallel_loop3A_221 = arith.index_cast %parallel_loop3A_203 : i32 to index
      %parallel_loop3A_222 = arith.constant 16 : index
      %parallel_loop3A_223 = tpu.vector_load %arg11[%parallel_loop3A_221, %parallel_loop3A_222] {strides = array<i32>} : memref<80x64xf32, #tpu.memory_space<vmem>>, vector<16xf32>,
      tpu.vector_store %arg11[%parallel_loop3A_221, %parallel_loop3A_222], %parallel_loop3A_220 {strides = array<i32>} : memref<80x64xf32, #tpu.memory_space<vmem>>, vector<16xf32>,
      %parallel_loop3A_224 = arith.index_cast %parallel_loop3A_203 : i32 to index
      %parallel_loop3A_225 = arith.constant 32 : index
      %parallel_loop3A_226 = tpu.vector_load %arg11[%parallel_loop3A_224, %parallel_loop3A_225] {strides = array<i32>} : memref<80x64xf32, #tpu.memory_space<vmem>>, vector<16xf32>,
      %parallel_loop3A_227 = arith.index_cast %parallel_loop3A_203 : i32 to index
      %parallel_loop3A_228 = arith.constant 32 : index
      %parallel_loop3A_229 = tpu.vector_load %arg12[%parallel_loop3A_227, %parallel_loop3A_228] {strides = array<i32>} : memref<80x64xf32, #tpu.memory_space<vmem>>, vector<16xf32>,
      %parallel_loop3A_230 = arith.mulf %parallel_loop3A_226, %parallel_loop3A_229 : vector<16xf32>
      %parallel_loop3A_231 = arith.index_cast %parallel_loop3A_203 : i32 to index
      %parallel_loop3A_232 = arith.constant 32 : index
      %parallel_loop3A_233 = tpu.vector_load %arg11[%parallel_loop3A_231, %parallel_loop3A_232] {strides = array<i32>} : memref<80x64xf32, #tpu.memory_space<vmem>>, vector<16xf32>,
      tpu.vector_store %arg11[%parallel_loop3A_231, %parallel_loop3A_232], %parallel_loop3A_230 {strides = array<i32>} : memref<80x64xf32, #tpu.memory_space<vmem>>, vector<16xf32>,
      %parallel_loop3A_234 = arith.index_cast %parallel_loop3A_203 : i32 to index
      %parallel_loop3A_235 = arith.constant 48 : index
      %parallel_loop3A_236 = tpu.vector_load %arg11[%parallel_loop3A_234, %parallel_loop3A_235] {strides = array<i32>} : memref<80x64xf32, #tpu.memory_space<vmem>>, vector<16xf32>,
      %parallel_loop3A_237 = arith.index_cast %parallel_loop3A_203 : i32 to index
      %parallel_loop3A_238 = arith.constant 48 : index
      %parallel_loop3A_239 = tpu.vector_load %arg12[%parallel_loop3A_237, %parallel_loop3A_238] {strides = array<i32>} : memref<80x64xf32, #tpu.memory_space<vmem>>, vector<16xf32>,
      %parallel_loop3A_240 = arith.mulf %parallel_loop3A_236, %parallel_loop3A_239 : vector<16xf32>
      %parallel_loop3A_241 = arith.index_cast %parallel_loop3A_203 : i32 to index
      %parallel_loop3A_242 = arith.constant 48 : index
      %parallel_loop3A_243 = tpu.vector_load %arg11[%parallel_loop3A_241, %parallel_loop3A_242] {strides = array<i32>} : memref<80x64xf32, #tpu.memory_space<vmem>>, vector<16xf32>,
      tpu.vector_store %arg11[%parallel_loop3A_241, %parallel_loop3A_242], %parallel_loop3A_240 {strides = array<i32>} : memref<80x64xf32, #tpu.memory_space<vmem>>, vector<16xf32>,
    } {sc.loop_unroll_factor = 8 : i64, sc.parallel_access}
    %eq3A = arith.constant 0 : i32
    %eq3A_110 = arith.cmpi eq, %arg0, %eq3A : i32
    %convert_element_type3A_111 = arith.extui %eq3A_110 : i1 to i32
    %cond3A_112 = arith.constant 1 : i32
    %cond3A_113 = arith.constant 0 : i32
    %cond3A_114 = arith.cmpi ne, %convert_element_type3A_111, %cond3A_113 : i32
    scf.if %cond3A_114 {
      %scan3A_203 = arith.constant 0 : i32
      %scan3A_204 = arith.constant 5 : i32
      %scan3A_205 = arith.addi %scan3A_203, %scan3A_204 : i32
      %scan3A_206 = arith.constant 1 : i32
      scf.for %scan3A_208 = %scan3A_203 to %scan3A_205 step %scan3A_206  : i32 {
        %mul3A_209 = arith.constant 16 : i32
        %mul3A_210 = arith.muli %scan3A_208, %mul3A_209 : i32
        %get3A = arith.constant 0 : i32
        %get3A_211 = tpu.memref_slice %arg10[%cond3A_112, %get3A] : memref<2x80xi32, #tpu.memory_space<vmem>> -> memref<1x80xi32, #tpu.memory_space<vmem>>
        %get3A_212 = tpu.memref_squeeze %get3A_211 : memref<1x80xi32, #tpu.memory_space<vmem>> -> memref<80xi32, #tpu.memory_space<vmem>>
        %get3A_213 = arith.index_cast %mul3A_210 : i32 to index
        %get3A_214 = tpu.vector_load %get3A_212[%get3A_213] {strides = array<i32>} : memref<80xi32, #tpu.memory_space<vmem>>, vector<16xi32>,
        tpu.vector_store_idx %arg9[%get3A_214], %broadcast_in_dim3A_47 {add = true} : memref<10000xf32, #tpu.memory_space<vmem>>[vector<16xi32>], vector<16xf32>,
      }
      %scan3A_207 = arith.constant 5 : i32
    } else {
    }
    %ge3A = arith.constant 123 : i32
    %ge3A_115 = arith.constant 1 : i32
    %ge3A_116 = arith.cmpi sge, %ge3A, %ge3A_115 : i32
    %convert_element_type3A_117 = arith.extui %ge3A_116 : i1 to i32
    %cond3A_118 = arith.constant 1 : i32
    %cond3A_119 = arith.constant 0 : i32
    %cond3A_120 = arith.cmpi ne, %convert_element_type3A_117, %cond3A_119 : i32
    scf.if %cond3A_120 {
      %dma_wait3A_203 = arith.constant 0 : i32
      %dma_wait3A_204 = tpu.memref_slice %arg22[%cond3A_118, %dma_wait3A_203] : memref<2x80xi32, #tpu.memory_space<vmem>> -> memref<1x80xi32, #tpu.memory_space<vmem>>
      %dma_wait3A_205 = tpu.memref_squeeze %dma_wait3A_204 : memref<1x80xi32, #tpu.memory_space<vmem>> -> memref<80xi32, #tpu.memory_space<vmem>>
      %dma_wait3A_206 = arith.constant 0 : i32
      %dma_wait3A_207 = arith.constant 0 : i32
      %dma_wait3A_208 = tpu.memref_slice %arg8[%dma_wait3A_206, %dma_wait3A_207] : memref<10000x64xf32, #tpu.memory_space<vmem_shared>> -> memref<10000x64xf32, #tpu.memory_space<vmem_shared>>
      tpu.wait_indirect_dma semaphore(%arg27 : memref<!tpu.dma_semaphore, #tpu.memory_space<semaphore_mem>>) src(%arg23 : memref<80x64xf32, #tpu.memory_space<vmem>>) dst(%dma_wait3A_208 : memref<10000x64xf32, #tpu.memory_space<vmem_shared>>)
    } else {
    }
    %add3A_121 = arith.constant 123 : i32
    %add3A_122 = arith.constant 2 : i32
    %add3A_123 = arith.addi %add3A_121, %add3A_122 : i32
    %lt3A_124 = arith.constant 125 : i32
    %lt3A_125 = arith.cmpi slt, %add3A_123, %lt3A_124 : i32
    %convert_element_type3A_126 = arith.extui %lt3A_125 : i1 to i32
    %cond3A_127 = arith.constant 123 : i32
    %cond3A_128 = arith.constant 0 : i32
    %cond3A_129 = arith.cmpi ne, %convert_element_type3A_126, %cond3A_128 : i32
    scf.if %cond3A_129 {
      %add3A_203 = arith.constant 2 : i32
      %add3A_204 = arith.addi %cond3A_127, %add3A_203 : i32
      %mul3A_205 = arith.constant 10000 : i32
      %mul3A_206 = arith.muli %arg1, %mul3A_205 : i32
      %mul3A_207 = arith.constant 80 : i32
      %mul3A_208 = arith.muli %add3A_204, %mul3A_207 : i32
      %add3A_209 = arith.addi %mul3A_206, %mul3A_208 : i32
      %dma_start3A_210 = arith.constant 0 : i32
      %dma_start3A_211 = tpu.memref_slice %arg4[%dma_start3A_210, %add3A_209] : memref<2x160000xi32, #tpu.memory_space<hbm>> -> memref<2x80xi32, #tpu.memory_space<hbm>>
      %dma_start3A_212 = arith.constant 0 : i32
      %dma_start3A_213 = tpu.memref_slice %arg4[%dma_start3A_212, %add3A_209] : memref<2x160000xi32, #tpu.memory_space<hbm>> -> memref<2x80xi32, #tpu.memory_space<hbm>>
      tpu.enqueue_dma source(%dma_start3A_213 : memref<2x80xi32, #tpu.memory_space<hbm>>) target(%arg22 : memref<2x80xi32, #tpu.memory_space<vmem>>) target_semaphore(%arg25 : memref<!tpu.dma_semaphore, #tpu.memory_space<semaphore_mem>>)
      %dma_start3A_214 = tpu.memref_slice %arg3[%add3A_209, %mul3A_0] : memref<160000x128xf32, #tpu.memory_space<hbm>> -> memref<80x64xf32, #tpu.memory_space<hbm>>
      %dma_start3A_215 = tpu.memref_slice %arg3[%add3A_209, %mul3A_0] : memref<160000x128xf32, #tpu.memory_space<hbm>> -> memref<80x64xf32, #tpu.memory_space<hbm>>
      tpu.enqueue_dma source(%dma_start3A_215 : memref<80x64xf32, #tpu.memory_space<hbm>>) target(%arg24 : memref<80x64xf32, #tpu.memory_space<vmem>>) target_semaphore(%arg25 : memref<!tpu.dma_semaphore, #tpu.memory_space<semaphore_mem>>)
    } else {
    }
    %dma_start3A_130 = arith.constant 1 : i32
    %dma_start3A_131 = arith.constant 0 : i32
    %dma_start3A_132 = tpu.memref_slice %arg10[%dma_start3A_130, %dma_start3A_131] : memref<2x80xi32, #tpu.memory_space<vmem>> -> memref<1x80xi32, #tpu.memory_space<vmem>>
    %dma_start3A_133 = tpu.memref_squeeze %dma_start3A_132 : memref<1x80xi32, #tpu.memory_space<vmem>> -> memref<80xi32, #tpu.memory_space<vmem>>
    %dma_start3A_134 = arith.constant 0 : i32
    %dma_start3A_135 = arith.constant 0 : i32
    %dma_start3A_136 = tpu.memref_slice %arg8[%dma_start3A_134, %dma_start3A_135] : memref<10000x64xf32, #tpu.memory_space<vmem_shared>> -> memref<10000x64xf32, #tpu.memory_space<vmem_shared>>
    tpu.enqueue_indirect_dma source(%arg11 : memref<80x64xf32, #tpu.memory_space<vmem>>) target(%dma_start3A_136 : memref<10000x64xf32, #tpu.memory_space<vmem_shared>>) offsets(%dma_start3A_133 : memref<80xi32, #tpu.memory_space<vmem>>) semaphore(%arg15 : memref<!tpu.dma_semaphore, #tpu.memory_space<semaphore_mem>>) {add = true}
    %dma_wait3A_137 = arith.constant 0 : i32
    %dma_wait3A_138 = arith.constant 0 : i32
    %dma_wait3A_139 = tpu.memref_slice %arg16[%dma_wait3A_137, %dma_wait3A_138] : memref<2x80xi32, #tpu.memory_space<vmem>> -> memref<1x80xi32, #tpu.memory_space<vmem>>
    %dma_wait3A_140 = tpu.memref_squeeze %dma_wait3A_139 : memref<1x80xi32, #tpu.memory_space<vmem>> -> memref<80xi32, #tpu.memory_space<vmem>>
    %dma_wait3A_141 = arith.constant 0 : i32
    %dma_wait3A_142 = arith.constant 0 : i32
    %dma_wait3A_143 = tpu.memref_slice %arg7[%dma_wait3A_141, %dma_wait3A_142] : memref<10000x64xf32, #tpu.memory_space<vmem_shared>> -> memref<10000x64xf32, #tpu.memory_space<vmem_shared>>
    tpu.wait_indirect_dma semaphore(%arg20 : memref<!tpu.dma_semaphore, #tpu.memory_space<semaphore_mem>>) src(%dma_wait3A_143 : memref<10000x64xf32, #tpu.memory_space<vmem_shared>>) dst(%arg17 : memref<80x64xf32, #tpu.memory_space<vmem>>)
    %add3A_144 = arith.constant 124 : i32
    %add3A_145 = arith.constant 1 : i32
    %add3A_146 = arith.addi %add3A_144, %add3A_145 : i32
    %lt3A_147 = arith.constant 125 : i32
    %lt3A_148 = arith.cmpi slt, %add3A_146, %lt3A_147 : i32
    %convert_element_type3A_149 = arith.extui %lt3A_148 : i1 to i32
    %cond3A_150 = arith.constant 124 : i32
    %cond3A_151 = arith.constant 0 : i32
    %cond3A_152 = arith.constant 0 : i32
    %cond3A_153 = arith.cmpi ne, %convert_element_type3A_149, %cond3A_152 : i32
    scf.if %cond3A_153 {
      %add3A_203 = arith.constant 1 : i32
      %add3A_204 = arith.addi %cond3A_150, %add3A_203 : i32
      %mul3A_205 = arith.constant 10000 : i32
      %mul3A_206 = arith.muli %arg1, %mul3A_205 : i32
      %mul3A_207 = arith.constant 80 : i32
      %mul3A_208 = arith.muli %add3A_204, %mul3A_207 : i32
      %add3A_209 = arith.addi %mul3A_206, %mul3A_208 : i32
      %dma_wait3A_210 = arith.constant 0 : i32
      %dma_wait3A_211 = tpu.memref_slice %arg4[%dma_wait3A_210, %add3A_209] : memref<2x160000xi32, #tpu.memory_space<hbm>> -> memref<2x80xi32, #tpu.memory_space<hbm>>
      %dma_wait3A_212 = arith.constant 0 : i32
      %dma_wait3A_213 = tpu.memref_slice %arg4[%dma_wait3A_212, %add3A_209] : memref<2x160000xi32, #tpu.memory_space<hbm>> -> memref<2x80xi32, #tpu.memory_space<hbm>>
      tpu.wait_dma2 semaphore(%arg25 : memref<!tpu.dma_semaphore, #tpu.memory_space<semaphore_mem>>) src(%dma_wait3A_213 : memref<2x80xi32, #tpu.memory_space<hbm>>) dst(%arg22 : memref<2x80xi32, #tpu.memory_space<vmem>>)
      %dma_wait3A_214 = tpu.memref_slice %arg3[%add3A_209, %mul3A_0] : memref<160000x128xf32, #tpu.memory_space<hbm>> -> memref<80x64xf32, #tpu.memory_space<hbm>>
      %dma_wait3A_215 = tpu.memref_slice %arg3[%add3A_209, %mul3A_0] : memref<160000x128xf32, #tpu.memory_space<hbm>> -> memref<80x64xf32, #tpu.memory_space<hbm>>
      tpu.wait_dma2 semaphore(%arg25 : memref<!tpu.dma_semaphore, #tpu.memory_space<semaphore_mem>>) src(%dma_wait3A_215 : memref<80x64xf32, #tpu.memory_space<hbm>>) dst(%arg24 : memref<80x64xf32, #tpu.memory_space<vmem>>)
      %dma_start3A_216 = arith.constant 0 : i32
      %dma_start3A_217 = tpu.memref_slice %arg22[%cond3A_151, %dma_start3A_216] : memref<2x80xi32, #tpu.memory_space<vmem>> -> memref<1x80xi32, #tpu.memory_space<vmem>>
      %dma_start3A_218 = tpu.memref_squeeze %dma_start3A_217 : memref<1x80xi32, #tpu.memory_space<vmem>> -> memref<80xi32, #tpu.memory_space<vmem>>
      %dma_start3A_219 = arith.constant 0 : i32
      %dma_start3A_220 = arith.constant 0 : i32
      %dma_start3A_221 = tpu.memref_slice %arg7[%dma_start3A_219, %dma_start3A_220] : memref<10000x64xf32, #tpu.memory_space<vmem_shared>> -> memref<10000x64xf32, #tpu.memory_space<vmem_shared>>
      tpu.enqueue_indirect_dma source(%dma_start3A_221 : memref<10000x64xf32, #tpu.memory_space<vmem_shared>>) target(%arg23 : memref<80x64xf32, #tpu.memory_space<vmem>>) offsets(%dma_start3A_218 : memref<80xi32, #tpu.memory_space<vmem>>) semaphore(%arg26 : memref<!tpu.dma_semaphore, #tpu.memory_space<semaphore_mem>>)
    } else {
    }
    %parallel_loop3A_154 = arith.constant 0 : i32
    %parallel_loop3A_155 = arith.constant 80 : i32
    %parallel_loop3A_156 = arith.constant 1 : i32
    scf.for %parallel_loop3A_203 = %parallel_loop3A_154 to %parallel_loop3A_155 step %parallel_loop3A_156  : i32 {
      %parallel_loop3A_204 = arith.index_cast %parallel_loop3A_203 : i32 to index
      %parallel_loop3A_205 = arith.constant 0 : index
      %parallel_loop3A_206 = tpu.vector_load %arg17[%parallel_loop3A_204, %parallel_loop3A_205] {strides = array<i32>} : memref<80x64xf32, #tpu.memory_space<vmem>>, vector<16xf32>,
      %parallel_loop3A_207 = arith.index_cast %parallel_loop3A_203 : i32 to index
      %parallel_loop3A_208 = arith.constant 0 : index
      %parallel_loop3A_209 = tpu.vector_load %arg18[%parallel_loop3A_207, %parallel_loop3A_208] {strides = array<i32>} : memref<80x64xf32, #tpu.memory_space<vmem>>, vector<16xf32>,
      %parallel_loop3A_210 = arith.mulf %parallel_loop3A_206, %parallel_loop3A_209 : vector<16xf32>
      %parallel_loop3A_211 = arith.index_cast %parallel_loop3A_203 : i32 to index
      %parallel_loop3A_212 = arith.constant 0 : index
      %parallel_loop3A_213 = tpu.vector_load %arg17[%parallel_loop3A_211, %parallel_loop3A_212] {strides = array<i32>} : memref<80x64xf32, #tpu.memory_space<vmem>>, vector<16xf32>,
      tpu.vector_store %arg17[%parallel_loop3A_211, %parallel_loop3A_212], %parallel_loop3A_210 {strides = array<i32>} : memref<80x64xf32, #tpu.memory_space<vmem>>, vector<16xf32>,
      %parallel_loop3A_214 = arith.index_cast %parallel_loop3A_203 : i32 to index
      %parallel_loop3A_215 = arith.constant 16 : index
      %parallel_loop3A_216 = tpu.vector_load %arg17[%parallel_loop3A_214, %parallel_loop3A_215] {strides = array<i32>} : memref<80x64xf32, #tpu.memory_space<vmem>>, vector<16xf32>,
      %parallel_loop3A_217 = arith.index_cast %parallel_loop3A_203 : i32 to index
      %parallel_loop3A_218 = arith.constant 16 : index
      %parallel_loop3A_219 = tpu.vector_load %arg18[%parallel_loop3A_217, %parallel_loop3A_218] {strides = array<i32>} : memref<80x64xf32, #tpu.memory_space<vmem>>, vector<16xf32>,
      %parallel_loop3A_220 = arith.mulf %parallel_loop3A_216, %parallel_loop3A_219 : vector<16xf32>
      %parallel_loop3A_221 = arith.index_cast %parallel_loop3A_203 : i32 to index
      %parallel_loop3A_222 = arith.constant 16 : index
      %parallel_loop3A_223 = tpu.vector_load %arg17[%parallel_loop3A_221, %parallel_loop3A_222] {strides = array<i32>} : memref<80x64xf32, #tpu.memory_space<vmem>>, vector<16xf32>,
      tpu.vector_store %arg17[%parallel_loop3A_221, %parallel_loop3A_222], %parallel_loop3A_220 {strides = array<i32>} : memref<80x64xf32, #tpu.memory_space<vmem>>, vector<16xf32>,
      %parallel_loop3A_224 = arith.index_cast %parallel_loop3A_203 : i32 to index
      %parallel_loop3A_225 = arith.constant 32 : index
      %parallel_loop3A_226 = tpu.vector_load %arg17[%parallel_loop3A_224, %parallel_loop3A_225] {strides = array<i32>} : memref<80x64xf32, #tpu.memory_space<vmem>>, vector<16xf32>,
      %parallel_loop3A_227 = arith.index_cast %parallel_loop3A_203 : i32 to index
      %parallel_loop3A_228 = arith.constant 32 : index
      %parallel_loop3A_229 = tpu.vector_load %arg18[%parallel_loop3A_227, %parallel_loop3A_228] {strides = array<i32>} : memref<80x64xf32, #tpu.memory_space<vmem>>, vector<16xf32>,
      %parallel_loop3A_230 = arith.mulf %parallel_loop3A_226, %parallel_loop3A_229 : vector<16xf32>
      %parallel_loop3A_231 = arith.index_cast %parallel_loop3A_203 : i32 to index
      %parallel_loop3A_232 = arith.constant 32 : index
      %parallel_loop3A_233 = tpu.vector_load %arg17[%parallel_loop3A_231, %parallel_loop3A_232] {strides = array<i32>} : memref<80x64xf32, #tpu.memory_space<vmem>>, vector<16xf32>,
      tpu.vector_store %arg17[%parallel_loop3A_231, %parallel_loop3A_232], %parallel_loop3A_230 {strides = array<i32>} : memref<80x64xf32, #tpu.memory_space<vmem>>, vector<16xf32>,
      %parallel_loop3A_234 = arith.index_cast %parallel_loop3A_203 : i32 to index
      %parallel_loop3A_235 = arith.constant 48 : index
      %parallel_loop3A_236 = tpu.vector_load %arg17[%parallel_loop3A_234, %parallel_loop3A_235] {strides = array<i32>} : memref<80x64xf32, #tpu.memory_space<vmem>>, vector<16xf32>,
      %parallel_loop3A_237 = arith.index_cast %parallel_loop3A_203 : i32 to index
      %parallel_loop3A_238 = arith.constant 48 : index
      %parallel_loop3A_239 = tpu.vector_load %arg18[%parallel_loop3A_237, %parallel_loop3A_238] {strides = array<i32>} : memref<80x64xf32, #tpu.memory_space<vmem>>, vector<16xf32>,
      %parallel_loop3A_240 = arith.mulf %parallel_loop3A_236, %parallel_loop3A_239 : vector<16xf32>
      %parallel_loop3A_241 = arith.index_cast %parallel_loop3A_203 : i32 to index
      %parallel_loop3A_242 = arith.constant 48 : index
      %parallel_loop3A_243 = tpu.vector_load %arg17[%parallel_loop3A_241, %parallel_loop3A_242] {strides = array<i32>} : memref<80x64xf32, #tpu.memory_space<vmem>>, vector<16xf32>,
      tpu.vector_store %arg17[%parallel_loop3A_241, %parallel_loop3A_242], %parallel_loop3A_240 {strides = array<i32>} : memref<80x64xf32, #tpu.memory_space<vmem>>, vector<16xf32>,
    } {sc.loop_unroll_factor = 8 : i64, sc.parallel_access}
    %eq3A_157 = arith.constant 0 : i32
    %eq3A_158 = arith.cmpi eq, %arg0, %eq3A_157 : i32
    %convert_element_type3A_159 = arith.extui %eq3A_158 : i1 to i32
    %cond3A_160 = arith.constant 1 : i32
    %cond3A_161 = arith.constant 0 : i32
    %cond3A_162 = arith.cmpi ne, %convert_element_type3A_159, %cond3A_161 : i32
    scf.if %cond3A_162 {
      %scan3A_203 = arith.constant 0 : i32
      %scan3A_204 = arith.constant 5 : i32
      %scan3A_205 = arith.addi %scan3A_203, %scan3A_204 : i32
      %scan3A_206 = arith.constant 1 : i32
      scf.for %scan3A_208 = %scan3A_203 to %scan3A_205 step %scan3A_206  : i32 {
        %mul3A_209 = arith.constant 16 : i32
        %mul3A_210 = arith.muli %scan3A_208, %mul3A_209 : i32
        %get3A = arith.constant 0 : i32
        %get3A_211 = tpu.memref_slice %arg16[%cond3A_160, %get3A] : memref<2x80xi32, #tpu.memory_space<vmem>> -> memref<1x80xi32, #tpu.memory_space<vmem>>
        %get3A_212 = tpu.memref_squeeze %get3A_211 : memref<1x80xi32, #tpu.memory_space<vmem>> -> memref<80xi32, #tpu.memory_space<vmem>>
        %get3A_213 = arith.index_cast %mul3A_210 : i32 to index
        %get3A_214 = tpu.vector_load %get3A_212[%get3A_213] {strides = array<i32>} : memref<80xi32, #tpu.memory_space<vmem>>, vector<16xi32>,
        tpu.vector_store_idx %arg9[%get3A_214], %broadcast_in_dim3A_47 {add = true} : memref<10000xf32, #tpu.memory_space<vmem>>[vector<16xi32>], vector<16xf32>,
      }
      %scan3A_207 = arith.constant 5 : i32
    } else {
    }
    %ge3A_163 = arith.constant 124 : i32
    %ge3A_164 = arith.constant 1 : i32
    %ge3A_165 = arith.cmpi sge, %ge3A_163, %ge3A_164 : i32
    %convert_element_type3A_166 = arith.extui %ge3A_165 : i1 to i32
    %cond3A_167 = arith.constant 1 : i32
    %cond3A_168 = arith.constant 0 : i32
    %cond3A_169 = arith.cmpi ne, %convert_element_type3A_166, %cond3A_168 : i32
    scf.if %cond3A_169 {
      %dma_wait3A_203 = arith.constant 0 : i32
      %dma_wait3A_204 = tpu.memref_slice %arg10[%cond3A_167, %dma_wait3A_203] : memref<2x80xi32, #tpu.memory_space<vmem>> -> memref<1x80xi32, #tpu.memory_space<vmem>>
      %dma_wait3A_205 = tpu.memref_squeeze %dma_wait3A_204 : memref<1x80xi32, #tpu.memory_space<vmem>> -> memref<80xi32, #tpu.memory_space<vmem>>
      %dma_wait3A_206 = arith.constant 0 : i32
      %dma_wait3A_207 = arith.constant 0 : i32
      %dma_wait3A_208 = tpu.memref_slice %arg8[%dma_wait3A_206, %dma_wait3A_207] : memref<10000x64xf32, #tpu.memory_space<vmem_shared>> -> memref<10000x64xf32, #tpu.memory_space<vmem_shared>>
      tpu.wait_indirect_dma semaphore(%arg15 : memref<!tpu.dma_semaphore, #tpu.memory_space<semaphore_mem>>) src(%arg11 : memref<80x64xf32, #tpu.memory_space<vmem>>) dst(%dma_wait3A_208 : memref<10000x64xf32, #tpu.memory_space<vmem_shared>>)
    } else {
    }
    %add3A_170 = arith.constant 124 : i32
    %add3A_171 = arith.constant 2 : i32
    %add3A_172 = arith.addi %add3A_170, %add3A_171 : i32
    %lt3A_173 = arith.constant 125 : i32
    %lt3A_174 = arith.cmpi slt, %add3A_172, %lt3A_173 : i32
    %convert_element_type3A_175 = arith.extui %lt3A_174 : i1 to i32
    %cond3A_176 = arith.constant 124 : i32
    %cond3A_177 = arith.constant 0 : i32
    %cond3A_178 = arith.cmpi ne, %convert_element_type3A_175, %cond3A_177 : i32
    scf.if %cond3A_178 {
      %add3A_203 = arith.constant 2 : i32
      %add3A_204 = arith.addi %cond3A_176, %add3A_203 : i32
      %mul3A_205 = arith.constant 10000 : i32
      %mul3A_206 = arith.muli %arg1, %mul3A_205 : i32
      %mul3A_207 = arith.constant 80 : i32
      %mul3A_208 = arith.muli %add3A_204, %mul3A_207 : i32
      %add3A_209 = arith.addi %mul3A_206, %mul3A_208 : i32
      %dma_start3A_210 = arith.constant 0 : i32
      %dma_start3A_211 = tpu.memref_slice %arg4[%dma_start3A_210, %add3A_209] : memref<2x160000xi32, #tpu.memory_space<hbm>> -> memref<2x80xi32, #tpu.memory_space<hbm>>
      %dma_start3A_212 = arith.constant 0 : i32
      %dma_start3A_213 = tpu.memref_slice %arg4[%dma_start3A_212, %add3A_209] : memref<2x160000xi32, #tpu.memory_space<hbm>> -> memref<2x80xi32, #tpu.memory_space<hbm>>
      tpu.enqueue_dma source(%dma_start3A_213 : memref<2x80xi32, #tpu.memory_space<hbm>>) target(%arg10 : memref<2x80xi32, #tpu.memory_space<vmem>>) target_semaphore(%arg13 : memref<!tpu.dma_semaphore, #tpu.memory_space<semaphore_mem>>)
      %dma_start3A_214 = tpu.memref_slice %arg3[%add3A_209, %mul3A_0] : memref<160000x128xf32, #tpu.memory_space<hbm>> -> memref<80x64xf32, #tpu.memory_space<hbm>>
      %dma_start3A_215 = tpu.memref_slice %arg3[%add3A_209, %mul3A_0] : memref<160000x128xf32, #tpu.memory_space<hbm>> -> memref<80x64xf32, #tpu.memory_space<hbm>>
      tpu.enqueue_dma source(%dma_start3A_215 : memref<80x64xf32, #tpu.memory_space<hbm>>) target(%arg12 : memref<80x64xf32, #tpu.memory_space<vmem>>) target_semaphore(%arg13 : memref<!tpu.dma_semaphore, #tpu.memory_space<semaphore_mem>>)
    } else {
    }
    %dma_start3A_179 = arith.constant 1 : i32
    %dma_start3A_180 = arith.constant 0 : i32
    %dma_start3A_181 = tpu.memref_slice %arg16[%dma_start3A_179, %dma_start3A_180] : memref<2x80xi32, #tpu.memory_space<vmem>> -> memref<1x80xi32, #tpu.memory_space<vmem>>
    %dma_start3A_182 = tpu.memref_squeeze %dma_start3A_181 : memref<1x80xi32, #tpu.memory_space<vmem>> -> memref<80xi32, #tpu.memory_space<vmem>>
    %dma_start3A_183 = arith.constant 0 : i32
    %dma_start3A_184 = arith.constant 0 : i32
    %dma_start3A_185 = tpu.memref_slice %arg8[%dma_start3A_183, %dma_start3A_184] : memref<10000x64xf32, #tpu.memory_space<vmem_shared>> -> memref<10000x64xf32, #tpu.memory_space<vmem_shared>>
    tpu.enqueue_indirect_dma source(%arg17 : memref<80x64xf32, #tpu.memory_space<vmem>>) target(%dma_start3A_185 : memref<10000x64xf32, #tpu.memory_space<vmem_shared>>) offsets(%dma_start3A_182 : memref<80xi32, #tpu.memory_space<vmem>>) semaphore(%arg21 : memref<!tpu.dma_semaphore, #tpu.memory_space<semaphore_mem>>) {add = true}
    %dma_wait3A_186 = arith.constant 1 : i32
    %dma_wait3A_187 = arith.constant 0 : i32
    %dma_wait3A_188 = tpu.memref_slice %arg16[%dma_wait3A_186, %dma_wait3A_187] : memref<2x80xi32, #tpu.memory_space<vmem>> -> memref<1x80xi32, #tpu.memory_space<vmem>>
    %dma_wait3A_189 = tpu.memref_squeeze %dma_wait3A_188 : memref<1x80xi32, #tpu.memory_space<vmem>> -> memref<80xi32, #tpu.memory_space<vmem>>
    %dma_wait3A_190 = arith.constant 0 : i32
    %dma_wait3A_191 = arith.constant 0 : i32
    %dma_wait3A_192 = tpu.memref_slice %arg8[%dma_wait3A_190, %dma_wait3A_191] : memref<10000x64xf32, #tpu.memory_space<vmem_shared>> -> memref<10000x64xf32, #tpu.memory_space<vmem_shared>>
    tpu.wait_indirect_dma semaphore(%arg21 : memref<!tpu.dma_semaphore, #tpu.memory_space<semaphore_mem>>) src(%arg17 : memref<80x64xf32, #tpu.memory_space<vmem>>) dst(%dma_wait3A_192 : memref<10000x64xf32, #tpu.memory_space<vmem_shared>>)
    %barrier3A_193 = arith.constant 0 : index
    tpu.barrier barrier_id(%barrier3A_193)
    %mul3A_194 = arith.constant 625 : i32
    %mul3A_195 = arith.muli %mul3A_194, %arg1 : i32
    %mul3A_196 = arith.constant 625 : i32
    %mul3A_197 = arith.muli %mul3A_196, %arg1 : i32
    "tpu.region"() ({
      %run_scoped3A = tpu.sem_alloc : memref<!tpu.dma_semaphore, #tpu.memory_space<semaphore_mem>>
      %dma_start3A_203 = tpu.memref_slice %arg5[%mul3A_197, %mul3A_0] : memref<10000x128xf32, #tpu.memory_space<hbm>> -> memref<625x64xf32, #tpu.memory_space<hbm>>
      %dma_start3A_204 = arith.constant 0 : i32
      %dma_start3A_205 = tpu.memref_slice %arg8[%mul3A_195, %dma_start3A_204] : memref<10000x64xf32, #tpu.memory_space<vmem_shared>> -> memref<625x64xf32, #tpu.memory_space<vmem_shared>>
      tpu.enqueue_dma source(%dma_start3A_205 : memref<625x64xf32, #tpu.memory_space<vmem_shared>>) target(%dma_start3A_203 : memref<625x64xf32, #tpu.memory_space<hbm>>) target_semaphore(%run_scoped3A : memref<!tpu.dma_semaphore, #tpu.memory_space<semaphore_mem>>)
      %dma_wait3A_206 = tpu.memref_slice %arg5[%mul3A_197, %mul3A_0] : memref<10000x128xf32, #tpu.memory_space<hbm>> -> memref<625x64xf32, #tpu.memory_space<hbm>>
      %dma_wait3A_207 = arith.constant 0 : i32
      %dma_wait3A_208 = tpu.memref_slice %arg8[%mul3A_195, %dma_wait3A_207] : memref<10000x64xf32, #tpu.memory_space<vmem_shared>> -> memref<625x64xf32, #tpu.memory_space<vmem_shared>>
      tpu.wait_dma2 semaphore(%run_scoped3A : memref<!tpu.dma_semaphore, #tpu.memory_space<semaphore_mem>>) src(%dma_wait3A_208 : memref<625x64xf32, #tpu.memory_space<vmem_shared>>) dst(%dma_wait3A_206 : memref<625x64xf32, #tpu.memory_space<hbm>>)
      tpu.yield
    }) : () -> ()
    %eq3A_198 = arith.constant 0 : i32
    %eq3A_199 = arith.cmpi eq, %arg0, %eq3A_198 : i32
    %convert_element_type3A_200 = arith.extui %eq3A_199 : i1 to i32
    %cond3A_201 = arith.constant 0 : i32
    %cond3A_202 = arith.cmpi ne, %convert_element_type3A_200, %cond3A_201 : i32
    scf.if %cond3A_202 {
      "tpu.region"() ({
        %run_scoped3A = tpu.sem_alloc : memref<!tpu.dma_semaphore, #tpu.memory_space<semaphore_mem>>
        %dma_start3A_203 = arith.constant 0 : i32
        %dma_start3A_204 = tpu.memref_slice %arg6[%arg1, %dma_start3A_203] : memref<16x10000xf32, #tpu.memory_space<hbm>> -> memref<1x10000xf32, #tpu.memory_space<hbm>>
        %dma_start3A_205 = tpu.memref_squeeze %dma_start3A_204 : memref<1x10000xf32, #tpu.memory_space<hbm>> -> memref<10000xf32, #tpu.memory_space<hbm>>
        %dma_start3A_206 = arith.constant 0 : i32
        %dma_start3A_207 = tpu.memref_slice %arg6[%arg1, %dma_start3A_206] : memref<16x10000xf32, #tpu.memory_space<hbm>> -> memref<1x10000xf32, #tpu.memory_space<hbm>>
        %dma_start3A_208 = tpu.memref_squeeze %dma_start3A_207 : memref<1x10000xf32, #tpu.memory_space<hbm>> -> memref<10000xf32, #tpu.memory_space<hbm>>
        tpu.enqueue_dma source(%arg9 : memref<10000xf32, #tpu.memory_space<vmem>>) target(%dma_start3A_208 : memref<10000xf32, #tpu.memory_space<hbm>>) target_semaphore(%run_scoped3A : memref<!tpu.dma_semaphore, #tpu.memory_space<semaphore_mem>>)
        %dma_wait3A_209 = arith.constant 0 : i32
        %dma_wait3A_210 = tpu.memref_slice %arg6[%arg1, %dma_wait3A_209] : memref<16x10000xf32, #tpu.memory_space<hbm>> -> memref<1x10000xf32, #tpu.memory_space<hbm>>
        %dma_wait3A_211 = tpu.memref_squeeze %dma_wait3A_210 : memref<1x10000xf32, #tpu.memory_space<hbm>> -> memref<10000xf32, #tpu.memory_space<hbm>>
        %dma_wait3A_212 = arith.constant 0 : i32
        %dma_wait3A_213 = tpu.memref_slice %arg6[%arg1, %dma_wait3A_212] : memref<16x10000xf32, #tpu.memory_space<hbm>> -> memref<1x10000xf32, #tpu.memory_space<hbm>>
        %dma_wait3A_214 = tpu.memref_squeeze %dma_wait3A_213 : memref<1x10000xf32, #tpu.memory_space<hbm>> -> memref<10000xf32, #tpu.memory_space<hbm>>
        tpu.wait_dma2 semaphore(%run_scoped3A : memref<!tpu.dma_semaphore, #tpu.memory_space<semaphore_mem>>) src(%arg9 : memref<10000xf32, #tpu.memory_space<vmem>>) dst(%dma_wait3A_214 : memref<10000xf32, #tpu.memory_space<hbm>>)
        tpu.yield
      }) : () -> ()
    } else {
    }
    return
  }
}

module attributes {stable_mosaic.version = 14 : i64} {
  func.func @_matmul_body(%arg0: memref<10000x128xf32, #tpu.memory_space<vmem>>, %arg1: memref<128x128xf32, #tpu.memory_space<vmem>>, %arg2: memref<10000x128xf32, #tpu.memory_space<vmem>>) attributes {dimension_semantics = [], scalar_prefetch = 0 : i64, scratch_operands = 0 : i64, tpu.core_type = #tpu.core_type<tc>} {
    %get3A = arith.constant 0 : index
    %get3A_0 = arith.constant 0 : index
    %get3A_1 = vector.load %arg0[%get3A, %get3A_0] : memref<10000x128xf32, #tpu.memory_space<vmem>>, vector<10000x128xf32>
    %get3A_2 = arith.constant 0 : index
    %get3A_3 = arith.constant 0 : index
    %get3A_4 = vector.load %arg1[%get3A_2, %get3A_3] : memref<128x128xf32, #tpu.memory_space<vmem>>, vector<128x128xf32>
    %dot_general3A = arith.constant dense<0.000000e+00> : vector<10000x128xf32>
    %dot_general3A_5 = tpu.matmul %get3A_1, %get3A_4, %dot_general3A {dimension_numbers = #tpu.dot_dimension_numbers<[1], [0], [0], [1], [0, 0, 1, 1], [], []>, transpose_lhs_hint = false} : vector<10000x128xf32>, vector<128x128xf32>, vector<10000x128xf32> -> vector<10000x128xf32>
    %swap3A = arith.constant 0 : index
    %swap3A_6 = arith.constant 0 : index
    %swap3A_7 = vector.load %arg2[%swap3A, %swap3A_6] : memref<10000x128xf32, #tpu.memory_space<vmem>>, vector<10000x128xf32>
    tpu.vector_store %arg2[%swap3A, %swap3A_6], %dot_general3A_5 {strides = array<i32>} : memref<10000x128xf32, #tpu.memory_space<vmem>>, vector<10000x128xf32>,
    return
  }
}

module attributes {stable_mosaic.version = 14 : i64} {
  func.func @_msh_body(%arg0: i32, %arg1: memref<2000x16xf32, #tpu.memory_space<vmem>>, %arg2: memref<2000x9xf32, #tpu.memory_space<vmem>>, %arg3: memref<2x16x64xf32, #tpu.memory_space<vmem>>, %arg4: memref<2x1x64xf32, #tpu.memory_space<vmem>>, %arg5: memref<2x64x128xf32, #tpu.memory_space<vmem>>, %arg6: memref<2x1x128xf32, #tpu.memory_space<vmem>>, %arg7: memref<9x128xf32, #tpu.memory_space<vmem>>, %arg8: memref<2000x128xf32, #tpu.memory_space<vmem>>) attributes {dimension_semantics = [#tpu.dimension_semantics<arbitrary>], iteration_bounds = array<i64: 80>, scalar_prefetch = 0 : i64, scratch_operands = 0 : i64, tpu.core_type = #tpu.core_type<tc>, window_params = [{transform_indices = @transform_0, window_bounds = array<i64: 2000, 16>}, {transform_indices = @transform_1, window_bounds = array<i64: 2000, 9>}, {pipeline_mode = #tpu.pipeline_mode<synchronous>, transform_indices = @transform_2, window_bounds = array<i64: 2, 16, 64>}, {pipeline_mode = #tpu.pipeline_mode<synchronous>, transform_indices = @transform_3, window_bounds = array<i64: 2, 1, 64>}, {pipeline_mode = #tpu.pipeline_mode<synchronous>, transform_indices = @transform_4, window_bounds = array<i64: 2, 64, 128>}, {pipeline_mode = #tpu.pipeline_mode<synchronous>, transform_indices = @transform_5, window_bounds = array<i64: 2, 1, 128>}, {pipeline_mode = #tpu.pipeline_mode<synchronous>, transform_indices = @transform_6, window_bounds = array<i64: 9, 128>}, {transform_indices = @transform_7, window_bounds = array<i64: 2000, 128>}]} {
    %lt3A = arith.constant 10 : i32
    %lt3A_0 = arith.cmpi slt, %arg0, %lt3A : i32
    %get3A = arith.constant 0 : index
    %get3A_1 = arith.constant 0 : index
    %get3A_2 = arith.constant 0 : index
    %get3A_3 = vector.load %arg3[%get3A, %get3A_1, %get3A_2] : memref<2x16x64xf32, #tpu.memory_space<vmem>>, vector<1x16x64xf32>
    %get3A_4 = vector.shape_cast %get3A_3 : vector<1x16x64xf32> to vector<16x64xf32>
    %get3A_5 = arith.constant 1 : index
    %get3A_6 = arith.constant 0 : index
    %get3A_7 = arith.constant 0 : index
    %get3A_8 = vector.load %arg3[%get3A_5, %get3A_6, %get3A_7] : memref<2x16x64xf32, #tpu.memory_space<vmem>>, vector<1x16x64xf32>
    %get3A_9 = vector.shape_cast %get3A_8 : vector<1x16x64xf32> to vector<16x64xf32>
    %select_n3A = arith.select %lt3A_0, %get3A_4, %get3A_9 : vector<16x64xf32>
    %get3A_10 = arith.constant 0 : index
    %get3A_11 = arith.constant 0 : index
    %get3A_12 = arith.constant 0 : index
    %get3A_13 = vector.load %arg4[%get3A_10, %get3A_11, %get3A_12] : memref<2x1x64xf32, #tpu.memory_space<vmem>>, vector<1x1x64xf32>
    %get3A_14 = vector.shape_cast %get3A_13 : vector<1x1x64xf32> to vector<1x64xf32>
    %get3A_15 = arith.constant 1 : index
    %get3A_16 = arith.constant 0 : index
    %get3A_17 = arith.constant 0 : index
    %get3A_18 = vector.load %arg4[%get3A_15, %get3A_16, %get3A_17] : memref<2x1x64xf32, #tpu.memory_space<vmem>>, vector<1x1x64xf32>
    %get3A_19 = vector.shape_cast %get3A_18 : vector<1x1x64xf32> to vector<1x64xf32>
    %select_n3A_20 = arith.select %lt3A_0, %get3A_14, %get3A_19 : vector<1x64xf32>
    %get3A_21 = arith.constant 0 : index
    %get3A_22 = arith.constant 0 : index
    %get3A_23 = arith.constant 0 : index
    %get3A_24 = vector.load %arg5[%get3A_21, %get3A_22, %get3A_23] : memref<2x64x128xf32, #tpu.memory_space<vmem>>, vector<1x64x128xf32>
    %get3A_25 = vector.shape_cast %get3A_24 : vector<1x64x128xf32> to vector<64x128xf32>
    %get3A_26 = arith.constant 1 : index
    %get3A_27 = arith.constant 0 : index
    %get3A_28 = arith.constant 0 : index
    %get3A_29 = vector.load %arg5[%get3A_26, %get3A_27, %get3A_28] : memref<2x64x128xf32, #tpu.memory_space<vmem>>, vector<1x64x128xf32>
    %get3A_30 = vector.shape_cast %get3A_29 : vector<1x64x128xf32> to vector<64x128xf32>
    %select_n3A_31 = arith.select %lt3A_0, %get3A_25, %get3A_30 : vector<64x128xf32>
    %get3A_32 = arith.constant 0 : index
    %get3A_33 = arith.constant 0 : index
    %get3A_34 = arith.constant 0 : index
    %get3A_35 = vector.load %arg6[%get3A_32, %get3A_33, %get3A_34] : memref<2x1x128xf32, #tpu.memory_space<vmem>>, vector<1x1x128xf32>
    %get3A_36 = vector.shape_cast %get3A_35 : vector<1x1x128xf32> to vector<1x128xf32>
    %get3A_37 = arith.constant 1 : index
    %get3A_38 = arith.constant 0 : index
    %get3A_39 = arith.constant 0 : index
    %get3A_40 = vector.load %arg6[%get3A_37, %get3A_38, %get3A_39] : memref<2x1x128xf32, #tpu.memory_space<vmem>>, vector<1x1x128xf32>
    %get3A_41 = vector.shape_cast %get3A_40 : vector<1x1x128xf32> to vector<1x128xf32>
    %select_n3A_42 = arith.select %lt3A_0, %get3A_36, %get3A_41 : vector<1x128xf32>
    %get3A_43 = arith.constant 0 : index
    %get3A_44 = arith.constant 0 : index
    %get3A_45 = vector.load %arg1[%get3A_43, %get3A_44] : memref<2000x16xf32, #tpu.memory_space<vmem>>, vector<2000x16xf32>
    %dot_general3A = arith.constant dense<0.000000e+00> : vector<2000x64xf32>
    %dot_general3A_46 = tpu.matmul %get3A_45, %select_n3A, %dot_general3A {dimension_numbers = #tpu.dot_dimension_numbers<[1], [0], [0], [1], [0, 0, 1, 1], [], []>, transpose_lhs_hint = false} : vector<2000x16xf32>, vector<16x64xf32>, vector<2000x64xf32> -> vector<2000x64xf32>
    %add3A = vector.broadcast %select_n3A_20 : vector<1x64xf32> to vector<2000x64xf32>
    %add3A_47 = arith.addf %dot_general3A_46, %add3A : vector<2000x64xf32>
    %max3A = arith.constant 0.000000e+00 : f32
    %max3A_48 = vector.broadcast %max3A : f32 to vector<2000x64xf32>
    %max3A_49 = arith.maximumf %add3A_47, %max3A_48 : vector<2000x64xf32>
    %dot_general3A_50 = arith.constant dense<0.000000e+00> : vector<2000x128xf32>
    %dot_general3A_51 = tpu.matmul %max3A_49, %select_n3A_31, %dot_general3A_50 {dimension_numbers = #tpu.dot_dimension_numbers<[1], [0], [0], [1], [0, 0, 1, 1], [], []>, transpose_lhs_hint = false} : vector<2000x64xf32>, vector<64x128xf32>, vector<2000x128xf32> -> vector<2000x128xf32>
    %add3A_52 = vector.broadcast %select_n3A_42 : vector<1x128xf32> to vector<2000x128xf32>
    %add3A_53 = arith.addf %dot_general3A_51, %add3A_52 : vector<2000x128xf32>
    %get3A_54 = arith.constant 0 : index
    %get3A_55 = arith.constant 0 : index
    %get3A_56 = vector.load %arg2[%get3A_54, %get3A_55] : memref<2000x9xf32, #tpu.memory_space<vmem>>, vector<2000x9xf32>
    %get3A_57 = arith.constant 0 : index
    %get3A_58 = arith.constant 0 : index
    %get3A_59 = vector.load %arg7[%get3A_57, %get3A_58] : memref<9x128xf32, #tpu.memory_space<vmem>>, vector<9x128xf32>
    %dot_general3A_60 = arith.constant dense<0.000000e+00> : vector<2000x128xf32>
    %dot_general3A_61 = tpu.matmul %get3A_56, %get3A_59, %dot_general3A_60 {dimension_numbers = #tpu.dot_dimension_numbers<[1], [0], [0], [1], [0, 0, 1, 1], [], []>, transpose_lhs_hint = false} : vector<2000x9xf32>, vector<9x128xf32>, vector<2000x128xf32> -> vector<2000x128xf32>
    %mul3A = arith.mulf %dot_general3A_61, %add3A_53 : vector<2000x128xf32>
    %swap3A = arith.constant 0 : index
    %swap3A_62 = arith.constant 0 : index
    %swap3A_63 = vector.load %arg8[%swap3A, %swap3A_62] : memref<2000x128xf32, #tpu.memory_space<vmem>>, vector<2000x128xf32>
    tpu.vector_store %arg8[%swap3A, %swap3A_62], %mul3A {strides = array<i32>} : memref<2000x128xf32, #tpu.memory_space<vmem>>, vector<2000x128xf32>,
    return
  }
  func.func @transform_0(%arg0: i32) -> (i32, i32) {
    %c0_i32 = arith.constant 0 : i32
    %c0_i32_0 = arith.constant 0 : i32
    return %arg0, %c0_i32 : i32, i32
  }
  func.func @transform_1(%arg0: i32) -> (i32, i32) {
    %c0_i32 = arith.constant 0 : i32
    %c0_i32_0 = arith.constant 0 : i32
    return %arg0, %c0_i32 : i32, i32
  }
  func.func @transform_2(%arg0: i32) -> (i32, i32, i32) {
    %c0_i32 = arith.constant 0 : i32
    %c0_i32_0 = arith.constant 0 : i32
    %c0_i32_1 = arith.constant 0 : i32
    %c0_i32_2 = arith.constant 0 : i32
    return %c0_i32, %c0_i32_0, %c0_i32_1 : i32, i32, i32
  }
  func.func @transform_3(%arg0: i32) -> (i32, i32, i32) {
    %c0_i32 = arith.constant 0 : i32
    %c0_i32_0 = arith.constant 0 : i32
    %c0_i32_1 = arith.constant 0 : i32
    %c0_i32_2 = arith.constant 0 : i32
    return %c0_i32, %c0_i32_0, %c0_i32_1 : i32, i32, i32
  }
  func.func @transform_4(%arg0: i32) -> (i32, i32, i32) {
    %c0_i32 = arith.constant 0 : i32
    %c0_i32_0 = arith.constant 0 : i32
    %c0_i32_1 = arith.constant 0 : i32
    %c0_i32_2 = arith.constant 0 : i32
    return %c0_i32, %c0_i32_0, %c0_i32_1 : i32, i32, i32
  }
  func.func @transform_5(%arg0: i32) -> (i32, i32, i32) {
    %c0_i32 = arith.constant 0 : i32
    %c0_i32_0 = arith.constant 0 : i32
    %c0_i32_1 = arith.constant 0 : i32
    %c0_i32_2 = arith.constant 0 : i32
    return %c0_i32, %c0_i32_0, %c0_i32_1 : i32, i32, i32
  }
  func.func @transform_6(%arg0: i32) -> (i32, i32) {
    %c0_i32 = arith.constant 0 : i32
    %c0_i32_0 = arith.constant 0 : i32
    %c0_i32_1 = arith.constant 0 : i32
    return %c0_i32, %c0_i32_0 : i32, i32
  }
  func.func @transform_7(%arg0: i32) -> (i32, i32) {
    %c0_i32 = arith.constant 0 : i32
    %c0_i32_0 = arith.constant 0 : i32
    return %arg0, %c0_i32 : i32, i32
  }
}

module attributes {stable_mosaic.version = 14 : i64} {
  func.func @_msh_body(%arg0: i32, %arg1: memref<2000x16xf32, #tpu.memory_space<vmem>>, %arg2: memref<2000x9xf32, #tpu.memory_space<vmem>>, %arg3: memref<2x16x128xf32, #tpu.memory_space<vmem>>, %arg4: memref<2x1x128xf32, #tpu.memory_space<vmem>>, %arg5: memref<2x128x128xf32, #tpu.memory_space<vmem>>, %arg6: memref<2x1x128xf32, #tpu.memory_space<vmem>>, %arg7: memref<9x128xf32, #tpu.memory_space<vmem>>, %arg8: memref<2000x128xf32, #tpu.memory_space<vmem>>) attributes {dimension_semantics = [#tpu.dimension_semantics<arbitrary>], iteration_bounds = array<i64: 16>, scalar_prefetch = 0 : i64, scratch_operands = 0 : i64, tpu.core_type = #tpu.core_type<tc>, window_params = [{transform_indices = @transform_0, window_bounds = array<i64: 2000, 16>}, {transform_indices = @transform_1, window_bounds = array<i64: 2000, 9>}, {pipeline_mode = #tpu.pipeline_mode<synchronous>, transform_indices = @transform_2, window_bounds = array<i64: 2, 16, 128>}, {pipeline_mode = #tpu.pipeline_mode<synchronous>, transform_indices = @transform_3, window_bounds = array<i64: 2, 1, 128>}, {pipeline_mode = #tpu.pipeline_mode<synchronous>, transform_indices = @transform_4, window_bounds = array<i64: 2, 128, 128>}, {pipeline_mode = #tpu.pipeline_mode<synchronous>, transform_indices = @transform_5, window_bounds = array<i64: 2, 1, 128>}, {pipeline_mode = #tpu.pipeline_mode<synchronous>, transform_indices = @transform_6, window_bounds = array<i64: 9, 128>}, {transform_indices = @transform_7, window_bounds = array<i64: 2000, 128>}]} {
    %lt3A = arith.constant 16 : i32
    %lt3A_0 = arith.cmpi slt, %arg0, %lt3A : i32
    %get3A = arith.constant 0 : index
    %get3A_1 = arith.constant 0 : index
    %get3A_2 = arith.constant 0 : index
    %get3A_3 = vector.load %arg3[%get3A, %get3A_1, %get3A_2] : memref<2x16x128xf32, #tpu.memory_space<vmem>>, vector<1x16x128xf32>
    %get3A_4 = vector.shape_cast %get3A_3 : vector<1x16x128xf32> to vector<16x128xf32>
    %get3A_5 = arith.constant 1 : index
    %get3A_6 = arith.constant 0 : index
    %get3A_7 = arith.constant 0 : index
    %get3A_8 = vector.load %arg3[%get3A_5, %get3A_6, %get3A_7] : memref<2x16x128xf32, #tpu.memory_space<vmem>>, vector<1x16x128xf32>
    %get3A_9 = vector.shape_cast %get3A_8 : vector<1x16x128xf32> to vector<16x128xf32>
    %select_n3A = arith.select %lt3A_0, %get3A_4, %get3A_9 : vector<16x128xf32>
    %get3A_10 = arith.constant 0 : index
    %get3A_11 = arith.constant 0 : index
    %get3A_12 = arith.constant 0 : index
    %get3A_13 = vector.load %arg4[%get3A_10, %get3A_11, %get3A_12] : memref<2x1x128xf32, #tpu.memory_space<vmem>>, vector<1x1x128xf32>
    %get3A_14 = vector.shape_cast %get3A_13 : vector<1x1x128xf32> to vector<1x128xf32>
    %get3A_15 = arith.constant 1 : index
    %get3A_16 = arith.constant 0 : index
    %get3A_17 = arith.constant 0 : index
    %get3A_18 = vector.load %arg4[%get3A_15, %get3A_16, %get3A_17] : memref<2x1x128xf32, #tpu.memory_space<vmem>>, vector<1x1x128xf32>
    %get3A_19 = vector.shape_cast %get3A_18 : vector<1x1x128xf32> to vector<1x128xf32>
    %select_n3A_20 = arith.select %lt3A_0, %get3A_14, %get3A_19 : vector<1x128xf32>
    %get3A_21 = arith.constant 0 : index
    %get3A_22 = arith.constant 0 : index
    %get3A_23 = arith.constant 0 : index
    %get3A_24 = vector.load %arg5[%get3A_21, %get3A_22, %get3A_23] : memref<2x128x128xf32, #tpu.memory_space<vmem>>, vector<1x128x128xf32>
    %get3A_25 = vector.shape_cast %get3A_24 : vector<1x128x128xf32> to vector<128x128xf32>
    %get3A_26 = arith.constant 1 : index
    %get3A_27 = arith.constant 0 : index
    %get3A_28 = arith.constant 0 : index
    %get3A_29 = vector.load %arg5[%get3A_26, %get3A_27, %get3A_28] : memref<2x128x128xf32, #tpu.memory_space<vmem>>, vector<1x128x128xf32>
    %get3A_30 = vector.shape_cast %get3A_29 : vector<1x128x128xf32> to vector<128x128xf32>
    %select_n3A_31 = arith.select %lt3A_0, %get3A_25, %get3A_30 : vector<128x128xf32>
    %get3A_32 = arith.constant 0 : index
    %get3A_33 = arith.constant 0 : index
    %get3A_34 = arith.constant 0 : index
    %get3A_35 = vector.load %arg6[%get3A_32, %get3A_33, %get3A_34] : memref<2x1x128xf32, #tpu.memory_space<vmem>>, vector<1x1x128xf32>
    %get3A_36 = vector.shape_cast %get3A_35 : vector<1x1x128xf32> to vector<1x128xf32>
    %get3A_37 = arith.constant 1 : index
    %get3A_38 = arith.constant 0 : index
    %get3A_39 = arith.constant 0 : index
    %get3A_40 = vector.load %arg6[%get3A_37, %get3A_38, %get3A_39] : memref<2x1x128xf32, #tpu.memory_space<vmem>>, vector<1x1x128xf32>
    %get3A_41 = vector.shape_cast %get3A_40 : vector<1x1x128xf32> to vector<1x128xf32>
    %select_n3A_42 = arith.select %lt3A_0, %get3A_36, %get3A_41 : vector<1x128xf32>
    %get3A_43 = arith.constant 0 : index
    %get3A_44 = arith.constant 0 : index
    %get3A_45 = vector.load %arg1[%get3A_43, %get3A_44] : memref<2000x16xf32, #tpu.memory_space<vmem>>, vector<2000x16xf32>
    %dot_general3A = arith.constant dense<0.000000e+00> : vector<2000x128xf32>
    %dot_general3A_46 = tpu.matmul %get3A_45, %select_n3A, %dot_general3A {dimension_numbers = #tpu.dot_dimension_numbers<[1], [0], [0], [1], [0, 0, 1, 1], [], []>, transpose_lhs_hint = false} : vector<2000x16xf32>, vector<16x128xf32>, vector<2000x128xf32> -> vector<2000x128xf32>
    %add3A = vector.broadcast %select_n3A_20 : vector<1x128xf32> to vector<2000x128xf32>
    %add3A_47 = arith.addf %dot_general3A_46, %add3A : vector<2000x128xf32>
    %max3A = arith.constant 0.000000e+00 : f32
    %max3A_48 = vector.broadcast %max3A : f32 to vector<2000x128xf32>
    %max3A_49 = arith.maximumf %add3A_47, %max3A_48 : vector<2000x128xf32>
    %dot_general3A_50 = arith.constant dense<0.000000e+00> : vector<2000x128xf32>
    %dot_general3A_51 = tpu.matmul %max3A_49, %select_n3A_31, %dot_general3A_50 {dimension_numbers = #tpu.dot_dimension_numbers<[1], [0], [0], [1], [0, 0, 1, 1], [], []>, transpose_lhs_hint = false} : vector<2000x128xf32>, vector<128x128xf32>, vector<2000x128xf32> -> vector<2000x128xf32>
    %add3A_52 = vector.broadcast %select_n3A_42 : vector<1x128xf32> to vector<2000x128xf32>
    %add3A_53 = arith.addf %dot_general3A_51, %add3A_52 : vector<2000x128xf32>
    %get3A_54 = arith.constant 0 : index
    %get3A_55 = arith.constant 0 : index
    %get3A_56 = vector.load %arg2[%get3A_54, %get3A_55] : memref<2000x9xf32, #tpu.memory_space<vmem>>, vector<2000x9xf32>
    %get3A_57 = arith.constant 0 : index
    %get3A_58 = arith.constant 0 : index
    %get3A_59 = vector.load %arg7[%get3A_57, %get3A_58] : memref<9x128xf32, #tpu.memory_space<vmem>>, vector<9x128xf32>
    %dot_general3A_60 = arith.constant dense<0.000000e+00> : vector<2000x128xf32>
    %dot_general3A_61 = tpu.matmul %get3A_56, %get3A_59, %dot_general3A_60 {dimension_numbers = #tpu.dot_dimension_numbers<[1], [0], [0], [1], [0, 0, 1, 1], [], []>, transpose_lhs_hint = false} : vector<2000x9xf32>, vector<9x128xf32>, vector<2000x128xf32> -> vector<2000x128xf32>
    %mul3A = arith.mulf %dot_general3A_61, %add3A_53 : vector<2000x128xf32>
    %swap3A = arith.constant 0 : index
    %swap3A_62 = arith.constant 0 : index
    %swap3A_63 = vector.load %arg8[%swap3A, %swap3A_62] : memref<2000x128xf32, #tpu.memory_space<vmem>>, vector<2000x128xf32>
    tpu.vector_store %arg8[%swap3A, %swap3A_62], %mul3A {strides = array<i32>} : memref<2000x128xf32, #tpu.memory_space<vmem>>, vector<2000x128xf32>,
    return
  }
  func.func @transform_0(%arg0: i32) -> (i32, i32) {
    %c0_i32 = arith.constant 0 : i32
    %c0_i32_0 = arith.constant 0 : i32
    return %arg0, %c0_i32 : i32, i32
  }
  func.func @transform_1(%arg0: i32) -> (i32, i32) {
    %c0_i32 = arith.constant 0 : i32
    %c0_i32_0 = arith.constant 0 : i32
    return %arg0, %c0_i32 : i32, i32
  }
  func.func @transform_2(%arg0: i32) -> (i32, i32, i32) {
    %c0_i32 = arith.constant 0 : i32
    %c0_i32_0 = arith.constant 0 : i32
    %c0_i32_1 = arith.constant 0 : i32
    %c0_i32_2 = arith.constant 0 : i32
    return %c0_i32, %c0_i32_0, %c0_i32_1 : i32, i32, i32
  }
  func.func @transform_3(%arg0: i32) -> (i32, i32, i32) {
    %c0_i32 = arith.constant 0 : i32
    %c0_i32_0 = arith.constant 0 : i32
    %c0_i32_1 = arith.constant 0 : i32
    %c0_i32_2 = arith.constant 0 : i32
    return %c0_i32, %c0_i32_0, %c0_i32_1 : i32, i32, i32
  }
  func.func @transform_4(%arg0: i32) -> (i32, i32, i32) {
    %c0_i32 = arith.constant 0 : i32
    %c0_i32_0 = arith.constant 0 : i32
    %c0_i32_1 = arith.constant 0 : i32
    %c0_i32_2 = arith.constant 0 : i32
    return %c0_i32, %c0_i32_0, %c0_i32_1 : i32, i32, i32
  }
  func.func @transform_5(%arg0: i32) -> (i32, i32, i32) {
    %c0_i32 = arith.constant 0 : i32
    %c0_i32_0 = arith.constant 0 : i32
    %c0_i32_1 = arith.constant 0 : i32
    %c0_i32_2 = arith.constant 0 : i32
    return %c0_i32, %c0_i32_0, %c0_i32_1 : i32, i32, i32
  }
  func.func @transform_6(%arg0: i32) -> (i32, i32) {
    %c0_i32 = arith.constant 0 : i32
    %c0_i32_0 = arith.constant 0 : i32
    %c0_i32_1 = arith.constant 0 : i32
    return %c0_i32, %c0_i32_0 : i32, i32
  }
  func.func @transform_7(%arg0: i32) -> (i32, i32) {
    %c0_i32 = arith.constant 0 : i32
    %c0_i32_0 = arith.constant 0 : i32
    return %arg0, %c0_i32 : i32, i32
  }
}

module attributes {stable_mosaic.version = 14 : i64} {
  func.func @_atom_post_body(%arg0: i32, %arg1: memref<2000x128xf32, #tpu.memory_space<vmem>>, %arg2: memref<1x16x2000xf32, #tpu.memory_space<vmem>>, %arg3: memref<2000x128xf32, #tpu.memory_space<vmem>>, %arg4: memref<2000x16xf32, #tpu.memory_space<vmem>>, %arg5: memref<2000x9xf32, #tpu.memory_space<vmem>>, %arg6: memref<128x128xf32, #tpu.memory_space<vmem>>, %arg7: memref<16x64xf32, #tpu.memory_space<vmem>>, %arg8: memref<1x64xf32, #tpu.memory_space<vmem>>, %arg9: memref<64x128xf32, #tpu.memory_space<vmem>>, %arg10: memref<1x128xf32, #tpu.memory_space<vmem>>, %arg11: memref<128x128xf32, #tpu.memory_space<vmem>>, %arg12: memref<9x128xf32, #tpu.memory_space<vmem>>, %arg13: memref<2000x128xf32, #tpu.memory_space<vmem>>, %arg14: memref<2000x128xf32, #tpu.memory_space<vmem>>) attributes {dimension_semantics = [#tpu.dimension_semantics<arbitrary>], iteration_bounds = array<i64: 5>, scalar_prefetch = 0 : i64, scratch_operands = 0 : i64, tpu.core_type = #tpu.core_type<tc>, window_params = [{transform_indices = @transform_0, window_bounds = array<i64: 2000, 128>}, {transform_indices = @transform_1, window_bounds = array<i64: 1, 16, 2000>}, {transform_indices = @transform_2, window_bounds = array<i64: 2000, 128>}, {transform_indices = @transform_3, window_bounds = array<i64: 2000, 16>}, {transform_indices = @transform_4, window_bounds = array<i64: 2000, 9>}, {pipeline_mode = #tpu.pipeline_mode<synchronous>, transform_indices = @transform_5, window_bounds = array<i64: 128, 128>}, {pipeline_mode = #tpu.pipeline_mode<synchronous>, transform_indices = @transform_6, window_bounds = array<i64: 16, 64>}, {pipeline_mode = #tpu.pipeline_mode<synchronous>, transform_indices = @transform_7, window_bounds = array<i64: 1, 64>}, {pipeline_mode = #tpu.pipeline_mode<synchronous>, transform_indices = @transform_8, window_bounds = array<i64: 64, 128>}, {pipeline_mode = #tpu.pipeline_mode<synchronous>, transform_indices = @transform_9, window_bounds = array<i64: 1, 128>}, {pipeline_mode = #tpu.pipeline_mode<synchronous>, transform_indices = @transform_10, window_bounds = array<i64: 128, 128>}, {pipeline_mode = #tpu.pipeline_mode<synchronous>, transform_indices = @transform_11, window_bounds = array<i64: 9, 128>}, {transform_indices = @transform_12, window_bounds = array<i64: 2000, 128>}, {transform_indices = @transform_13, window_bounds = array<i64: 2000, 128>}]} {
    %get3A = arith.constant 0 : index
    %get3A_0 = arith.constant 0 : index
    %get3A_1 = arith.constant 0 : index
    %get3A_2 = vector.load %arg2[%get3A, %get3A_0, %get3A_1] : memref<1x16x2000xf32, #tpu.memory_space<vmem>>, vector<1x16x2000xf32>
    %get3A_3 = vector.shape_cast %get3A_2 : vector<1x16x2000xf32> to vector<16x2000xf32>
    %broadcast_in_dim3A = arith.constant 1.000000e+00 : f32
    %broadcast_in_dim3A_4 = vector.broadcast %broadcast_in_dim3A : f32 to vector<16x128xf32>
    %dot_general3A = arith.constant dense<0.000000e+00> : vector<2000x128xf32>
    %dot_general3A_5 = tpu.matmul %get3A_3, %broadcast_in_dim3A_4, %dot_general3A {dimension_numbers = #tpu.dot_dimension_numbers<[0], [0], [1], [1], [0, 1, 1, 1], [], []>, transpose_lhs_hint = false} : vector<16x2000xf32>, vector<16x128xf32>, vector<2000x128xf32> -> vector<2000x128xf32>
    %max3A = arith.constant 1.000000e+00 : f32
    %max3A_6 = vector.broadcast %max3A : f32 to vector<2000x128xf32>
    %max3A_7 = arith.maximumf %dot_general3A_5, %max3A_6 : vector<2000x128xf32>
    %div3A = arith.constant 1.000000e+00 : f32
    %div3A_8 = vector.broadcast %div3A : f32 to vector<2000x128xf32>
    %div3A_9 = arith.divf %div3A_8, %max3A_7 : vector<2000x128xf32>
    %get3A_10 = arith.constant 0 : index
    %get3A_11 = arith.constant 0 : index
    %get3A_12 = vector.load %arg1[%get3A_10, %get3A_11] : memref<2000x128xf32, #tpu.memory_space<vmem>>, vector<2000x128xf32>
    %mul3A = arith.mulf %get3A_12, %div3A_9 : vector<2000x128xf32>
    %get3A_13 = arith.constant 0 : index
    %get3A_14 = arith.constant 0 : index
    %get3A_15 = vector.load %arg6[%get3A_13, %get3A_14] : memref<128x128xf32, #tpu.memory_space<vmem>>, vector<128x128xf32>
    %dot_general3A_16 = arith.constant dense<0.000000e+00> : vector<2000x128xf32>
    %dot_general3A_17 = tpu.matmul %mul3A, %get3A_15, %dot_general3A_16 {dimension_numbers = #tpu.dot_dimension_numbers<[1], [0], [0], [1], [0, 0, 1, 1], [], []>, transpose_lhs_hint = false} : vector<2000x128xf32>, vector<128x128xf32>, vector<2000x128xf32> -> vector<2000x128xf32>
    %get3A_18 = arith.constant 0 : index
    %get3A_19 = arith.constant 0 : index
    %get3A_20 = vector.load %arg3[%get3A_18, %get3A_19] : memref<2000x128xf32, #tpu.memory_space<vmem>>, vector<2000x128xf32>
    %add3A = arith.addf %dot_general3A_17, %get3A_20 : vector<2000x128xf32>
    %swap3A = arith.constant 0 : index
    %swap3A_21 = arith.constant 0 : index
    %swap3A_22 = vector.load %arg13[%swap3A, %swap3A_21] : memref<2000x128xf32, #tpu.memory_space<vmem>>, vector<2000x128xf32>
    tpu.vector_store %arg13[%swap3A, %swap3A_21], %add3A {strides = array<i32>} : memref<2000x128xf32, #tpu.memory_space<vmem>>, vector<2000x128xf32>,
    %get3A_23 = arith.constant 0 : index
    %get3A_24 = arith.constant 0 : index
    %get3A_25 = vector.load %arg4[%get3A_23, %get3A_24] : memref<2000x16xf32, #tpu.memory_space<vmem>>, vector<2000x16xf32>
    %get3A_26 = arith.constant 0 : index
    %get3A_27 = arith.constant 0 : index
    %get3A_28 = vector.load %arg7[%get3A_26, %get3A_27] : memref<16x64xf32, #tpu.memory_space<vmem>>, vector<16x64xf32>
    %dot_general3A_29 = arith.constant dense<0.000000e+00> : vector<2000x64xf32>
    %dot_general3A_30 = tpu.matmul %get3A_25, %get3A_28, %dot_general3A_29 {dimension_numbers = #tpu.dot_dimension_numbers<[1], [0], [0], [1], [0, 0, 1, 1], [], []>, transpose_lhs_hint = false} : vector<2000x16xf32>, vector<16x64xf32>, vector<2000x64xf32> -> vector<2000x64xf32>
    %get3A_31 = arith.constant 0 : index
    %get3A_32 = arith.constant 0 : index
    %get3A_33 = vector.load %arg8[%get3A_31, %get3A_32] : memref<1x64xf32, #tpu.memory_space<vmem>>, vector<1x64xf32>
    %add3A_34 = vector.broadcast %get3A_33 : vector<1x64xf32> to vector<2000x64xf32>
    %add3A_35 = arith.addf %dot_general3A_30, %add3A_34 : vector<2000x64xf32>
    %max3A_36 = arith.constant 0.000000e+00 : f32
    %max3A_37 = vector.broadcast %max3A_36 : f32 to vector<2000x64xf32>
    %max3A_38 = arith.maximumf %add3A_35, %max3A_37 : vector<2000x64xf32>
    %get3A_39 = arith.constant 0 : index
    %get3A_40 = arith.constant 0 : index
    %get3A_41 = vector.load %arg9[%get3A_39, %get3A_40] : memref<64x128xf32, #tpu.memory_space<vmem>>, vector<64x128xf32>
    %dot_general3A_42 = arith.constant dense<0.000000e+00> : vector<2000x128xf32>
    %dot_general3A_43 = tpu.matmul %max3A_38, %get3A_41, %dot_general3A_42 {dimension_numbers = #tpu.dot_dimension_numbers<[1], [0], [0], [1], [0, 0, 1, 1], [], []>, transpose_lhs_hint = false} : vector<2000x64xf32>, vector<64x128xf32>, vector<2000x128xf32> -> vector<2000x128xf32>
    %get3A_44 = arith.constant 0 : index
    %get3A_45 = arith.constant 0 : index
    %get3A_46 = vector.load %arg10[%get3A_44, %get3A_45] : memref<1x128xf32, #tpu.memory_space<vmem>>, vector<1x128xf32>
    %add3A_47 = vector.broadcast %get3A_46 : vector<1x128xf32> to vector<2000x128xf32>
    %add3A_48 = arith.addf %dot_general3A_43, %add3A_47 : vector<2000x128xf32>
    %get3A_49 = arith.constant 0 : index
    %get3A_50 = arith.constant 0 : index
    %get3A_51 = vector.load %arg11[%get3A_49, %get3A_50] : memref<128x128xf32, #tpu.memory_space<vmem>>, vector<128x128xf32>
    %dot_general3A_52 = arith.constant dense<0.000000e+00> : vector<2000x128xf32>
    %dot_general3A_53 = tpu.matmul %add3A, %get3A_51, %dot_general3A_52 {dimension_numbers = #tpu.dot_dimension_numbers<[1], [0], [0], [1], [0, 0, 1, 1], [], []>, transpose_lhs_hint = false} : vector<2000x128xf32>, vector<128x128xf32>, vector<2000x128xf32> -> vector<2000x128xf32>
    %get3A_54 = arith.constant 0 : index
    %get3A_55 = arith.constant 0 : index
    %get3A_56 = vector.load %arg5[%get3A_54, %get3A_55] : memref<2000x9xf32, #tpu.memory_space<vmem>>, vector<2000x9xf32>
    %get3A_57 = arith.constant 0 : index
    %get3A_58 = arith.constant 0 : index
    %get3A_59 = vector.load %arg12[%get3A_57, %get3A_58] : memref<9x128xf32, #tpu.memory_space<vmem>>, vector<9x128xf32>
    %dot_general3A_60 = arith.constant dense<0.000000e+00> : vector<2000x128xf32>
    %dot_general3A_61 = tpu.matmul %get3A_56, %get3A_59, %dot_general3A_60 {dimension_numbers = #tpu.dot_dimension_numbers<[1], [0], [0], [1], [0, 0, 1, 1], [], []>, transpose_lhs_hint = false} : vector<2000x9xf32>, vector<9x128xf32>, vector<2000x128xf32> -> vector<2000x128xf32>
    %mul3A_62 = arith.mulf %dot_general3A_53, %dot_general3A_61 : vector<2000x128xf32>
    %mul3A_63 = arith.mulf %mul3A_62, %add3A_48 : vector<2000x128xf32>
    %swap3A_64 = arith.constant 0 : index
    %swap3A_65 = arith.constant 0 : index
    %swap3A_66 = vector.load %arg14[%swap3A_64, %swap3A_65] : memref<2000x128xf32, #tpu.memory_space<vmem>>, vector<2000x128xf32>
    tpu.vector_store %arg14[%swap3A_64, %swap3A_65], %mul3A_63 {strides = array<i32>} : memref<2000x128xf32, #tpu.memory_space<vmem>>, vector<2000x128xf32>,
    return
  }
  func.func @transform_0(%arg0: i32) -> (i32, i32) {
    %c0_i32 = arith.constant 0 : i32
    %c0_i32_0 = arith.constant 0 : i32
    return %arg0, %c0_i32 : i32, i32
  }
  func.func @transform_1(%arg0: i32) -> (i32, i32, i32) {
    %c0_i32 = arith.constant 0 : i32
    %c0_i32_0 = arith.constant 0 : i32
    %c0_i32_1 = arith.constant 0 : i32
    return %arg0, %c0_i32, %c0_i32_0 : i32, i32, i32
  }
  func.func @transform_2(%arg0: i32) -> (i32, i32) {
    %c0_i32 = arith.constant 0 : i32
    %c0_i32_0 = arith.constant 0 : i32
    return %arg0, %c0_i32 : i32, i32
  }
  func.func @transform_3(%arg0: i32) -> (i32, i32) {
    %c0_i32 = arith.constant 0 : i32
    %c0_i32_0 = arith.constant 0 : i32
    return %arg0, %c0_i32 : i32, i32
  }
  func.func @transform_4(%arg0: i32) -> (i32, i32) {
    %c0_i32 = arith.constant 0 : i32
    %c0_i32_0 = arith.constant 0 : i32
    return %arg0, %c0_i32 : i32, i32
  }
  func.func @transform_5(%arg0: i32) -> (i32, i32) {
    %c0_i32 = arith.constant 0 : i32
    %c0_i32_0 = arith.constant 0 : i32
    %c0_i32_1 = arith.constant 0 : i32
    return %c0_i32, %c0_i32_0 : i32, i32
  }
  func.func @transform_6(%arg0: i32) -> (i32, i32) {
    %c0_i32 = arith.constant 0 : i32
    %c0_i32_0 = arith.constant 0 : i32
    %c0_i32_1 = arith.constant 0 : i32
    return %c0_i32, %c0_i32_0 : i32, i32
  }
  func.func @transform_7(%arg0: i32) -> (i32, i32) {
    %c0_i32 = arith.constant 0 : i32
    %c0_i32_0 = arith.constant 0 : i32
    %c0_i32_1 = arith.constant 0 : i32
    return %c0_i32, %c0_i32_0 : i32, i32
  }
  func.func @transform_8(%arg0: i32) -> (i32, i32) {
    %c0_i32 = arith.constant 0 : i32
    %c0_i32_0 = arith.constant 0 : i32
    %c0_i32_1 = arith.constant 0 : i32
    return %c0_i32, %c0_i32_0 : i32, i32
  }
  func.func @transform_9(%arg0: i32) -> (i32, i32) {
    %c0_i32 = arith.constant 0 : i32
    %c0_i32_0 = arith.constant 0 : i32
    %c0_i32_1 = arith.constant 0 : i32
    return %c0_i32, %c0_i32_0 : i32, i32
  }
  func.func @transform_10(%arg0: i32) -> (i32, i32) {
    %c0_i32 = arith.constant 0 : i32
    %c0_i32_0 = arith.constant 0 : i32
    %c0_i32_1 = arith.constant 0 : i32
    return %c0_i32, %c0_i32_0 : i32, i32
  }
  func.func @transform_11(%arg0: i32) -> (i32, i32) {
    %c0_i32 = arith.constant 0 : i32
    %c0_i32_0 = arith.constant 0 : i32
    %c0_i32_1 = arith.constant 0 : i32
    return %c0_i32, %c0_i32_0 : i32, i32
  }
  func.func @transform_12(%arg0: i32) -> (i32, i32) {
    %c0_i32 = arith.constant 0 : i32
    %c0_i32_0 = arith.constant 0 : i32
    return %arg0, %c0_i32 : i32, i32
  }
  func.func @transform_13(%arg0: i32) -> (i32, i32) {
    %c0_i32 = arith.constant 0 : i32
    %c0_i32_0 = arith.constant 0 : i32
    return %arg0, %c0_i32 : i32, i32
  }
}

module attributes {stable_mosaic.version = 14 : i64} {
  func.func @_res_seg_body(%arg0: i32, %arg1: memref<2000x128xf32, #tpu.memory_space<vmem>>, %arg2: memref<1x1x2000xi32, #tpu.memory_space<vmem>>, %arg3: memref<1024x128xf32, #tpu.memory_space<vmem>>, %arg4: memref<1024x128xf32, #tpu.memory_space<vmem>>) attributes {dimension_semantics = [#tpu.dimension_semantics<arbitrary>], iteration_bounds = array<i64: 5>, scalar_prefetch = 0 : i64, scratch_operands = 0 : i64, tpu.core_type = #tpu.core_type<tc>, window_params = [{transform_indices = @transform_0, window_bounds = array<i64: 2000, 128>}, {transform_indices = @transform_1, window_bounds = array<i64: 1, 1, 2000>}, {pipeline_mode = #tpu.pipeline_mode<synchronous>, transform_indices = @transform_2, window_bounds = array<i64: 1024, 128>}, {pipeline_mode = #tpu.pipeline_mode<synchronous>, transform_indices = @transform_3, window_bounds = array<i64: 1024, 128>}]} {
    %eq3A = arith.constant 0 : i32
    %eq3A_0 = arith.cmpi eq, %arg0, %eq3A : i32
    %convert_element_type3A = arith.extui %eq3A_0 : i1 to i32
    %cond3A = arith.constant 0 : i32
    %cond3A_1 = arith.cmpi ne, %convert_element_type3A, %cond3A : i32
    scf.if %cond3A_1 {
      %broadcast_in_dim3A_29 = arith.constant 0.000000e+00 : f32
      %broadcast_in_dim3A_30 = vector.broadcast %broadcast_in_dim3A_29 : f32 to vector<1024x128xf32>
      %swap3A_31 = arith.constant 0 : index
      %swap3A_32 = arith.constant 0 : index
      %swap3A_33 = vector.load %arg3[%swap3A_31, %swap3A_32] : memref<1024x128xf32, #tpu.memory_space<vmem>>, vector<1024x128xf32>
      tpu.vector_store %arg3[%swap3A_31, %swap3A_32], %broadcast_in_dim3A_30 {strides = array<i32>} : memref<1024x128xf32, #tpu.memory_space<vmem>>, vector<1024x128xf32>,
      %broadcast_in_dim3A_34 = arith.constant 0.000000e+00 : f32
      %broadcast_in_dim3A_35 = vector.broadcast %broadcast_in_dim3A_34 : f32 to vector<1024x128xf32>
      %swap3A_36 = arith.constant 0 : index
      %swap3A_37 = arith.constant 0 : index
      %swap3A_38 = vector.load %arg4[%swap3A_36, %swap3A_37] : memref<1024x128xf32, #tpu.memory_space<vmem>>, vector<1024x128xf32>
      tpu.vector_store %arg4[%swap3A_36, %swap3A_37], %broadcast_in_dim3A_35 {strides = array<i32>} : memref<1024x128xf32, #tpu.memory_space<vmem>>, vector<1024x128xf32>,
    } else {
    }
    %get3A = arith.constant 0 : index
    %get3A_2 = arith.constant 0 : index
    %get3A_3 = arith.constant 0 : index
    %get3A_4 = vector.load %arg2[%get3A, %get3A_2, %get3A_3] : memref<1x1x2000xi32, #tpu.memory_space<vmem>>, vector<1x1x2000xi32>
    %get3A_5 = vector.shape_cast %get3A_4 : vector<1x1x2000xi32> to vector<1x2000xi32>
    %iota3A = tpu.iota {dimensions = array<i32: 0>} : vector<1024x2000xi32>
    %eq3A_6 = vector.broadcast %get3A_5 : vector<1x2000xi32> to vector<1024x2000xi32>
    %eq3A_7 = arith.cmpi eq, %iota3A, %eq3A_6 : vector<1024x2000xi32>
    %convert_element_type3A_8 = arith.extui %eq3A_7 : vector<1024x2000xi1> to vector<1024x2000xi32>
    %convert_element_type3A_9 = arith.sitofp %convert_element_type3A_8 : vector<1024x2000xi32> to vector<1024x2000xf32>
    %get3A_10 = arith.constant 0 : index
    %get3A_11 = arith.constant 0 : index
    %get3A_12 = vector.load %arg3[%get3A_10, %get3A_11] : memref<1024x128xf32, #tpu.memory_space<vmem>>, vector<1024x128xf32>
    %get3A_13 = arith.constant 0 : index
    %get3A_14 = arith.constant 0 : index
    %get3A_15 = vector.load %arg1[%get3A_13, %get3A_14] : memref<2000x128xf32, #tpu.memory_space<vmem>>, vector<2000x128xf32>
    %dot_general3A = arith.constant dense<0.000000e+00> : vector<1024x128xf32>
    %dot_general3A_16 = tpu.matmul %convert_element_type3A_9, %get3A_15, %dot_general3A {dimension_numbers = #tpu.dot_dimension_numbers<[1], [0], [0], [1], [0, 0, 1, 1], [], []>, transpose_lhs_hint = false} : vector<1024x2000xf32>, vector<2000x128xf32>, vector<1024x128xf32> -> vector<1024x128xf32>
    %add3A = arith.addf %get3A_12, %dot_general3A_16 : vector<1024x128xf32>
    %swap3A = arith.constant 0 : index
    %swap3A_17 = arith.constant 0 : index
    %swap3A_18 = vector.load %arg3[%swap3A, %swap3A_17] : memref<1024x128xf32, #tpu.memory_space<vmem>>, vector<1024x128xf32>
    tpu.vector_store %arg3[%swap3A, %swap3A_17], %add3A {strides = array<i32>} : memref<1024x128xf32, #tpu.memory_space<vmem>>, vector<1024x128xf32>,
    %get3A_19 = arith.constant 0 : index
    %get3A_20 = arith.constant 0 : index
    %get3A_21 = vector.load %arg4[%get3A_19, %get3A_20] : memref<1024x128xf32, #tpu.memory_space<vmem>>, vector<1024x128xf32>
    %broadcast_in_dim3A = arith.constant 1.000000e+00 : f32
    %broadcast_in_dim3A_22 = vector.broadcast %broadcast_in_dim3A : f32 to vector<2000x128xf32>
    %dot_general3A_23 = arith.constant dense<0.000000e+00> : vector<1024x128xf32>
    %dot_general3A_24 = tpu.matmul %convert_element_type3A_9, %broadcast_in_dim3A_22, %dot_general3A_23 {dimension_numbers = #tpu.dot_dimension_numbers<[1], [0], [0], [1], [0, 0, 1, 1], [], []>, transpose_lhs_hint = false} : vector<1024x2000xf32>, vector<2000x128xf32>, vector<1024x128xf32> -> vector<1024x128xf32>
    %add3A_25 = arith.addf %get3A_21, %dot_general3A_24 : vector<1024x128xf32>
    %swap3A_26 = arith.constant 0 : index
    %swap3A_27 = arith.constant 0 : index
    %swap3A_28 = vector.load %arg4[%swap3A_26, %swap3A_27] : memref<1024x128xf32, #tpu.memory_space<vmem>>, vector<1024x128xf32>
    tpu.vector_store %arg4[%swap3A_26, %swap3A_27], %add3A_25 {strides = array<i32>} : memref<1024x128xf32, #tpu.memory_space<vmem>>, vector<1024x128xf32>,
    return
  }
  func.func @transform_0(%arg0: i32) -> (i32, i32) {
    %c0_i32 = arith.constant 0 : i32
    %c0_i32_0 = arith.constant 0 : i32
    return %arg0, %c0_i32 : i32, i32
  }
  func.func @transform_1(%arg0: i32) -> (i32, i32, i32) {
    %c0_i32 = arith.constant 0 : i32
    %c0_i32_0 = arith.constant 0 : i32
    %c0_i32_1 = arith.constant 0 : i32
    return %arg0, %c0_i32, %c0_i32_0 : i32, i32, i32
  }
  func.func @transform_2(%arg0: i32) -> (i32, i32) {
    %c0_i32 = arith.constant 0 : i32
    %c0_i32_0 = arith.constant 0 : i32
    %c0_i32_1 = arith.constant 0 : i32
    return %c0_i32, %c0_i32_0 : i32, i32
  }
  func.func @transform_3(%arg0: i32) -> (i32, i32) {
    %c0_i32 = arith.constant 0 : i32
    %c0_i32_0 = arith.constant 0 : i32
    %c0_i32_1 = arith.constant 0 : i32
    return %c0_i32, %c0_i32_0 : i32, i32
  }
}

module attributes {stable_mosaic.version = 14 : i64} {
  func.func @_res_mid_body(%arg0: memref<1024x128xf32, #tpu.memory_space<vmem>>, %arg1: memref<1024x128xf32, #tpu.memory_space<vmem>>, %arg2: memref<1024x128xf32, #tpu.memory_space<vmem>>, %arg3: memref<128x128xf32, #tpu.memory_space<vmem>>, %arg4: memref<128x128xf32, #tpu.memory_space<vmem>>, %arg5: memref<1000x128xf32, #tpu.memory_space<vmem>>, %arg6: memref<1024x128xf32, #tpu.memory_space<vmem>>) attributes {dimension_semantics = [], scalar_prefetch = 0 : i64, scratch_operands = 0 : i64, tpu.core_type = #tpu.core_type<tc>} {
    %get3A = arith.constant 0 : index
    %get3A_0 = arith.constant 0 : index
    %get3A_1 = vector.load %arg0[%get3A, %get3A_0] : memref<1024x128xf32, #tpu.memory_space<vmem>>, vector<1024x128xf32>
    %get3A_2 = arith.constant 0 : index
    %get3A_3 = arith.constant 0 : index
    %get3A_4 = vector.load %arg1[%get3A_2, %get3A_3] : memref<1024x128xf32, #tpu.memory_space<vmem>>, vector<1024x128xf32>
    %max3A = arith.constant 1.000000e+00 : f32
    %max3A_5 = vector.broadcast %max3A : f32 to vector<1024x128xf32>
    %max3A_6 = arith.maximumf %get3A_4, %max3A_5 : vector<1024x128xf32>
    %div3A = arith.divf %get3A_1, %max3A_6 : vector<1024x128xf32>
    %get3A_7 = arith.constant 0 : index
    %get3A_8 = arith.constant 0 : index
    %get3A_9 = vector.load %arg3[%get3A_7, %get3A_8] : memref<128x128xf32, #tpu.memory_space<vmem>>, vector<128x128xf32>
    %dot_general3A = arith.constant dense<0.000000e+00> : vector<1024x128xf32>
    %dot_general3A_10 = tpu.matmul %div3A, %get3A_9, %dot_general3A {dimension_numbers = #tpu.dot_dimension_numbers<[1], [0], [0], [1], [0, 0, 1, 1], [], []>, transpose_lhs_hint = false} : vector<1024x128xf32>, vector<128x128xf32>, vector<1024x128xf32> -> vector<1024x128xf32>
    %get3A_11 = arith.constant 0 : index
    %get3A_12 = arith.constant 0 : index
    %get3A_13 = vector.load %arg2[%get3A_11, %get3A_12] : memref<1024x128xf32, #tpu.memory_space<vmem>>, vector<1024x128xf32>
    %add3A = arith.addf %dot_general3A_10, %get3A_13 : vector<1024x128xf32>
    %iota3A = tpu.iota {dimensions = array<i32: 0>} : vector<1024x128xi32>
    %lt3A = arith.constant 1000 : i32
    %lt3A_14 = vector.broadcast %lt3A : i32 to vector<1024x128xi32>
    %lt3A_15 = arith.cmpi slt, %iota3A, %lt3A_14 : vector<1024x128xi32>
    %jit3A = arith.constant 0.000000e+00 : f32
    %broadcast_in_dim3A = vector.broadcast %jit3A : f32 to vector<1024x128xf32>
    %select_n3A = arith.select %lt3A_15, %add3A, %broadcast_in_dim3A : vector<1024x128xi1>, vector<1024x128xf32>
    %slice3A = vector.extract_strided_slice %select_n3A {offsets = [0, 0], sizes = [1000, 128], strides = [1, 1]} : vector<1024x128xf32> to vector<1000x128xf32>
    %swap3A = arith.constant 0 : index
    %swap3A_16 = arith.constant 0 : index
    %swap3A_17 = vector.load %arg5[%swap3A, %swap3A_16] : memref<1000x128xf32, #tpu.memory_space<vmem>>, vector<1000x128xf32>
    tpu.vector_store %arg5[%swap3A, %swap3A_16], %slice3A {strides = array<i32>} : memref<1000x128xf32, #tpu.memory_space<vmem>>, vector<1000x128xf32>,
    %get3A_18 = arith.constant 0 : index
    %get3A_19 = arith.constant 0 : index
    %get3A_20 = vector.load %arg4[%get3A_18, %get3A_19] : memref<128x128xf32, #tpu.memory_space<vmem>>, vector<128x128xf32>
    %dot_general3A_21 = arith.constant dense<0.000000e+00> : vector<1024x128xf32>
    %dot_general3A_22 = tpu.matmul %select_n3A, %get3A_20, %dot_general3A_21 {dimension_numbers = #tpu.dot_dimension_numbers<[1], [0], [0], [1], [0, 0, 1, 1], [], []>, transpose_lhs_hint = false} : vector<1024x128xf32>, vector<128x128xf32>, vector<1024x128xf32> -> vector<1024x128xf32>
    %swap3A_23 = arith.constant 0 : index
    %swap3A_24 = arith.constant 0 : index
    %swap3A_25 = vector.load %arg6[%swap3A_23, %swap3A_24] : memref<1024x128xf32, #tpu.memory_space<vmem>>, vector<1024x128xf32>
    tpu.vector_store %arg6[%swap3A_23, %swap3A_24], %dot_general3A_22 {strides = array<i32>} : memref<1024x128xf32, #tpu.memory_space<vmem>>, vector<1024x128xf32>,
    return
  }
}

module attributes {stable_mosaic.version = 14 : i64} {
  func.func @_res_out_body(%arg0: memref<1024x128xf32, #tpu.memory_space<vmem>>, %arg1: memref<16x1024xf32, #tpu.memory_space<vmem>>, %arg2: memref<1000x128xf32, #tpu.memory_space<vmem>>, %arg3: memref<128x128xf32, #tpu.memory_space<vmem>>, %arg4: memref<1000x128xf32, #tpu.memory_space<vmem>>) attributes {dimension_semantics = [], scalar_prefetch = 0 : i64, scratch_operands = 0 : i64, tpu.core_type = #tpu.core_type<tc>} {
    %get3A = arith.constant 0 : index
    %get3A_0 = arith.constant 0 : index
    %get3A_1 = vector.load %arg1[%get3A, %get3A_0] : memref<16x1024xf32, #tpu.memory_space<vmem>>, vector<16x1024xf32>
    %broadcast_in_dim3A = arith.constant 1.000000e+00 : f32
    %broadcast_in_dim3A_2 = vector.broadcast %broadcast_in_dim3A : f32 to vector<16x128xf32>
    %dot_general3A = arith.constant dense<0.000000e+00> : vector<1024x128xf32>
    %dot_general3A_3 = tpu.matmul %get3A_1, %broadcast_in_dim3A_2, %dot_general3A {dimension_numbers = #tpu.dot_dimension_numbers<[0], [0], [1], [1], [0, 1, 1, 1], [], []>, transpose_lhs_hint = false} : vector<16x1024xf32>, vector<16x128xf32>, vector<1024x128xf32> -> vector<1024x128xf32>
    %max3A = arith.constant 1.000000e+00 : f32
    %max3A_4 = vector.broadcast %max3A : f32 to vector<1024x128xf32>
    %max3A_5 = arith.maximumf %dot_general3A_3, %max3A_4 : vector<1024x128xf32>
    %div3A = arith.constant 1.000000e+00 : f32
    %div3A_6 = vector.broadcast %div3A : f32 to vector<1024x128xf32>
    %div3A_7 = arith.divf %div3A_6, %max3A_5 : vector<1024x128xf32>
    %get3A_8 = arith.constant 0 : index
    %get3A_9 = arith.constant 0 : index
    %get3A_10 = vector.load %arg0[%get3A_8, %get3A_9] : memref<1024x128xf32, #tpu.memory_space<vmem>>, vector<1024x128xf32>
    %mul3A = arith.mulf %get3A_10, %div3A_7 : vector<1024x128xf32>
    %get3A_11 = arith.constant 0 : index
    %get3A_12 = arith.constant 0 : index
    %get3A_13 = vector.load %arg3[%get3A_11, %get3A_12] : memref<128x128xf32, #tpu.memory_space<vmem>>, vector<128x128xf32>
    %dot_general3A_14 = arith.constant dense<0.000000e+00> : vector<1024x128xf32>
    %dot_general3A_15 = tpu.matmul %mul3A, %get3A_13, %dot_general3A_14 {dimension_numbers = #tpu.dot_dimension_numbers<[1], [0], [0], [1], [0, 0, 1, 1], [], []>, transpose_lhs_hint = false} : vector<1024x128xf32>, vector<128x128xf32>, vector<1024x128xf32> -> vector<1024x128xf32>
    %slice3A = vector.extract_strided_slice %dot_general3A_15 {offsets = [0, 0], sizes = [1000, 128], strides = [1, 1]} : vector<1024x128xf32> to vector<1000x128xf32>
    %get3A_16 = arith.constant 0 : index
    %get3A_17 = arith.constant 0 : index
    %get3A_18 = vector.load %arg2[%get3A_16, %get3A_17] : memref<1000x128xf32, #tpu.memory_space<vmem>>, vector<1000x128xf32>
    %add3A = arith.addf %slice3A, %get3A_18 : vector<1000x128xf32>
    %swap3A = arith.constant 0 : index
    %swap3A_19 = arith.constant 0 : index
    %swap3A_20 = vector.load %arg4[%swap3A, %swap3A_19] : memref<1000x128xf32, #tpu.memory_space<vmem>>, vector<1000x128xf32>
    tpu.vector_store %arg4[%swap3A, %swap3A_19], %add3A {strides = array<i32>} : memref<1000x128xf32, #tpu.memory_space<vmem>>, vector<1000x128xf32>,
    return
  }
}

</mosaic_0001>

<sc_bundles>
// kernel: kernel.11.cloned.1.call-start
scs
__scs_entry_jumppad:
0x0: {  	(pc) =	sbr.rel $0x88, $3  }
0x1: {  	(tag) =	ssettag $0x0;
	lr =	simm.s32 $0x1  }
0x2: {  	[smem:$0x3F7C] =	sst lr;
	_ =	strace $0xD0000000  }
0x3: {  	_ = 	snop  }
0x4: {  	_ = 	snop  }
0x5: {  	_ = 	snop  }
0x6: {  	_ = 	snop  }
0x7: {  	_ = 	snop  }
__scs_overlays_trampoline_lowered:
0x8: {  	[smem:$0x3F8B] =	sst s0  }
0x9: {  	[smem:$0x3F8C] =	sst s1  }
0xa: {  	[smem:$0x3F8D] =	sst s2  }
0xb: {  	[smem:$0x3F8E] =	sst s3  }
0xc: {  	[smem:$0x3F8F] =	sst s4  }
0xd: {  	[smem:$0x3F90] =	sst s5  }
0xe: {  	[smem:$0x3F91] =	sst s6  }
0xf: {  	[smem:$0x3F92] =	sst s7  }
0x10: {  	[smem:$0x3F93] =	sst s8  }
0x11: {  	[smem:$0x3F94] =	sst s9;
	s0 =	simm.s32 @!p0 $0x0  }
0x12: {  	s1 =	sld [smem:$0x3F7A];
	s0 =	simm.s32 @p0 $0x1  }
0x13: {  	[smem:$0x3F95] =	sst s0;
	s0 =	simm.s32 @!p1 $0x0  }
0x14: {  	s2 =	sld [smem:$0x3F79];
	s0 =	simm.s32 @p1 $0x1  }
0x15: {  	[smem:$0x3F96] =	sst s0;
	s0 =	simm.s32 @!p2 $0x0  }
0x16: {  	s3 =	sld [smem:$0x3FDB];
	s0 =	simm.s32 @p2 $0x1  }
0x17: {  	s4 =	simm.s32 $0x1BF5;
	[smem:$0x3F98] =	sst s0  }
0x18: {  	s0 =	sld [smem:$0x3F7B];
	_ =	swait.ge [sflag:s4], $0x0  }
0x19: {  	s7 =	sld [smem:$0x3F7C]  }
0x1a: {  	s8 =	sadd.s32 $0xFFFFE003, lr  }
0x1b: {  	s9 =	sadd.s32 $0xFFFFFEF7, lr;
	s5 =	simm.s32 $0xFFFFFFFF;
	p2 =	slt.u32 s8, $0xFFFFF086  }
0x1c: {  	p1 =	slt.u32 s9, $0xF7A;
	s5 =	simm.s32 @!p2 $0x0  }
0x1d: {  	s5 =	simm.s32 @p1 $0x1;
	p0 =	seq.s32 s7, s2  }
0x1e: {  	s7 =	smul.u32 @!p0 $0xF7A, s2;
	p2 =	seq.s32 @!p0 s5, $0x0  }
0x1f: {  	s9 =	smul.u32 $0xF7A, s1;
	s8 =	simm.s32 @!p0 $0x1BF5;
	p2 =	por !p2, p0  }
0x20: {  	[sflag:s8] =	ssyncset.s32 @!p0 $0xFFFFF086;
	s6 =	sadd.s32 @!p0 s3, s7;
	s7 =	simm.s32 @!p0 $0x108  }
0x21: {  	s3 =	sadd.s32 s3, s9;
	s6 =	sadd.s32 @!p0 $0x88, s6;
	s7 =	simm.s32 @p2 $0x1082  }
0x22: {  	[simem:s7], [sflag:s8] =	dma.local @!p0 [hbm:s6], $0xF7A  }
0x23: {  	s9 =	sor.u32 $0xD0000000, s2;
	s6 =	simm.s32 $0x108;
	_ =	swait.ge @!p0 [sflag:s8], $0x0  }
0x24: {  	s3 =	sadd.s32 $0x88, s3;
	s6 =	simm.s32 @!p1 $0x1082;
	[sflag:s4] =	ssyncset.s32 $0xFFFFF086  }
0x25: {  	[simem:s6], [sflag:s4] =	dma.local [hbm:s3], $0xF7A  }
0x26: {  	[smem:$0x3F7C] =	sst s1;
	(tag) =	ssettag s2;
	_ =	strace s9  }
0x27: {  	s1 =	sld [smem:$0x3F8C]  }
0x28: {  	s2 =	sld [smem:$0x3F8D]  }
0x29: {  	s4 =	sld [smem:$0x3F8F]  }
0x2a: {  	p0 =	seq.s32 s5, $0x0;
	s5 =	sld [smem:$0x3F90]  }
0x2b: {  	s6 =	sld [smem:$0x3F91]  }
0x2c: {  	s7 =	sld [smem:$0x3F92]  }
0x2d: {  	s3 =	simm.s32 $0x108;
	s8 =	sld [smem:$0x3F93]  }
0x2e: {  	s3 =	simm.s32 @!p0 $0x1082;
	s9 =	sld [smem:$0x3F94]  }
0x2f: {  	lr =	sadd.s32 s0, s3;
	s0 =	sld [smem:$0x3F8B]  }
0x30: {  	s3 =	sld [smem:$0x3F8E]  }
0x31: {  	[smem:$0x3F97] =	sst s10  }
0x32: {  	s10 =	sld [smem:$0x3F95];
	_ =	sdelay $0x3  }
0x33: {  	p0 =	seq.s32 s10, $0x1;
	s10 =	sld [smem:$0x3F97];
	_ =	sdelay $0x3  }
0x34: {  	[smem:$0x3F97] =	sst s10  }
0x35: {  	s10 =	sld [smem:$0x3F96];
	_ =	sdelay $0x3  }
0x36: {  	p1 =	seq.s32 s10, $0x1;
	s10 =	sld [smem:$0x3F97];
	_ =	sdelay $0x3  }
0x37: {  	[smem:$0x3F97] =	sst s10  }
0x38: {  	s10 =	sld [smem:$0x3F98]  }
0x39: {  	_ = 	snop;
	(pc) =	sbr.ind lr, $3  }
0x3a: {  	_ = 	snop  }
0x3b: {  	_ = 	snop  }
0x3c: {  	p2 =	seq.s32 s10, $0x1;
	s10 =	sld [smem:$0x3F97]  }
0x3d: {  	_ =	shalt  }
0x3e: {  	_ =	shalt  }
0x3f: {  	_ =	shalt  }
0x40: {  	_ =	shalt  }
0x41: {  	_ =	shalt  }
0x42: {  	_ =	shalt  }
0x43: {  	_ =	shalt  }
0x44: {  	_ =	shalt  }
0x45: {  	_ =	shalt  }
0x46: {  	_ =	shalt  }
0x47: {  	_ =	shalt  }
0x48: {  	_ =	shalt  }
0x49: {  	_ =	shalt  }
0x4a: {  	_ =	shalt  }
0x4b: {  	_ =	shalt  }
0x4c: {  	_ =	shalt  }
0x4d: {  	_ =	shalt  }
0x4e: {  	_ =	shalt  }
0x4f: {  	_ =	shalt  }
0x50: {  	_ =	shalt  }
0x51: {  	_ =	shalt  }
0x52: {  	_ =	shalt  }
0x53: {  	_ =	shalt  }
0x54: {  	_ =	shalt  }
0x55: {  	_ =	shalt  }
0x56: {  	_ =	shalt  }
0x57: {  	_ =	shalt  }
0x58: {  	_ =	shalt  }
0x59: {  	_ =	shalt  }
0x5a: {  	_ =	shalt  }
0x5b: {  	_ =	shalt  }
0x5c: {  	_ =	shalt  }
0x5d: {  	_ =	shalt  }
0x5e: {  	_ =	shalt  }
0x5f: {  	_ =	shalt  }
0x60: {  	_ =	shalt  }
0x61: {  	_ =	shalt  }
0x62: {  	_ =	shalt  }
0x63: {  	_ =	shalt  }
0x64: {  	_ =	shalt  }
0x65: {  	_ =	shalt  }
0x66: {  	_ =	shalt  }
0x67: {  	_ =	shalt  }
0x68: {  	_ =	shalt  }
0x69: {  	_ =	shalt  }
0x6a: {  	_ =	shalt  }
0x6b: {  	_ =	shalt  }
0x6c: {  	_ =	shalt  }
0x6d: {  	_ =	shalt  }
0x6e: {  	_ =	shalt  }
0x6f: {  	_ =	shalt  }
0x70: {  	_ =	shalt  }
0x71: {  	_ =	shalt  }
0x72: {  	_ =	shalt  }
0x73: {  	_ =	shalt  }
0x74: {  	_ =	shalt  }
0x75: {  	_ =	shalt  }
0x76: {  	_ =	shalt  }
0x77: {  	_ =	shalt  }
0x78: {  	_ =	shalt  }
0x79: {  	_ =	shalt  }
0x7a: {  	_ =	shalt  }
0x7b: {  	_ =	shalt  }
0x7c: {  	_ =	shalt  }
0x7d: {  	_ =	shalt  }
0x7e: {  	_ =	shalt  }
0x7f: {  	_ =	shalt  }
0x80: {  	_ =	shalt  }
0x81: {  	_ =	shalt  }
0x82: {  	_ =	shalt  }
0x83: {  	_ =	shalt  }
0x84: {  	_ =	shalt  }
0x85: {  	_ =	shalt  }
0x86: {  	_ =	shalt  }
0x87: {  	_ =	shalt  }
.Lfunc_end0:
.L_simem_size_0:
called_computation_lowered:
.L_overlay_start_0:
0x88: {  	s2 =	sld [smem:$0x3FD9]  }
0x89: {  	s3 =	sld [smem:$0x3FFE];
	_ =	sdelay $0x1  }
0x8a: {  	s1 =	srdreg.scid  }
0x8b: {  	s0 =	sand.u32 $0x1, s1  }
0x8c: {  	s14 =	sshll.u32 s0, $0xA;
	s2 =	sadd.s32 s3, s2  }
0x8d: {  	s2 =	sadd.s32 s2, s14  }
0x8e: {  	[smem:$0x3FA3] =	sst s2  }
0x8f: {  	_ = 	snop  }
0x90: {  	s2 =	sld [smem:$0x3FD0];
	_ =	sdelay $0x2  }
0x91: {  	s15 =	simm.s32 $0xA;
	s4 =	simm.s32 $0x10  }
0x92: {  	[smem:s4], [sflag:s15] =	dma.local [hbm:s2], $0x1  }
0x93: {  	_ =	swait.eq [sflag:s15], $0x1  }
0x94: {  	[sflag:s15] =	ssyncset.done $0x0  }
0x95: {  	[sflag:s15] =	ssyncadd.s32 $0xFFFFFFFF  }
0x96: {  	s16 =	sld [smem:$0x10];
	(tm) =	ssettm $0x1  }
0x97: {  	s17 =	sld [smem:$0x3FFB];
	_ =	sdelay $0x3  }
0x98: {  	_ =	strace s17  }
0x99: {  	s3 =	sld [smem:$0x3FFC];
	_ =	sdelay $0x3  }
0x9a: {  	_ =	strace s3  }
0x9b: {  	s3 =	sld [smem:$0x3FFD];
	_ =	sdelay $0x3  }
0x9c: {  	_ =	strace s3  }
0x9d: {  	_ =	strace $0x8FFFFFFF  }
0x9e: {  	s18 =	sld [smem:$0x3FDB];
	_ =	sdelay $0x1  }
0x9f: {  	s19 =	simm.s32 $_scs_section_size  }
0xa0: {  	s5 =	simm.s32 $_size__tile_overlayer_lowered;
	s6 =	simm.s32 $_tile_overlayer_lowered  }
0xa1: {  	s22 =	simm.s32 $0x1BFF;
	s21 =	sshll.u32 s6, $0x1;
	s3 =	sadd.s32 s19, s18  }
0xa2: {  	s7 =	simm.s32 $0x0;
	s20 =	sshll.u32 s5, $0x1;
	s5 =	sadd.s32 s21, s3  }
0xa3: {  	[timem:s7], [sflag:s22] =	dma.local [hbm:s5], s20  }
0xa4: {  	_ =	swait.ge [sflag:s22], s20  }
0xa5: {  	s4 =	ssub.s32 $0x0, s20;
	[sflag:s22] =	ssyncset.done $0x0  }
0xa6: {  	[sflag:s22] =	ssyncadd.s32 s4;
	_ =	sdelay $0x1  }
0xa7: {  	s23 =	simm.s32 $0x1B8B  }
0xa8: {  	_ =	swait.ge [sflag:s23], $0x1  }
0xa9: {  	[sflag:s23] =	ssyncset.done $0x0  }
0xaa: {  	s25 =	simm.s32 $0x1B8E;
	s24 =	sld [smem:$0x3FFE];
	[sflag:s23] =	ssyncadd.s32 $0xFFFFFFFF  }
0xab: {  	s26 =	simm.s32 $execute0_lowered;
	[smem:$0x3FD2] =	sst s25  }
0xac: {  	s5 =	sshll.u32 s26, $0x1;
	_ =	strace $0x80000046;
	[dreg:$0x1] =	wrdreg $0xFFFFFFFF  }
0xad: {  	s28 =	simm.s32 $_size_execute0_lowered;
	s3 =	sadd.s32 s3, s5;
	[dreg:$0x0] =	wrdreg $0x0  }
0xae: {  	s5 =	sshll.u32 s28, $0x1;
	[dreg:$0x2] =	wrdreg s3  }
0xaf: {  	[dreg:$0x3] =	wrdreg s5  }
0xb0: {  	[dreg:$0x4] =	wrdreg $0xC0  }
0xb1: {  	_ =	task [dreg:s7], $0x5FFFF  }
0xb2: {  	[dreg:$0x1] =	wrdreg $0xFFFFFFFF  }
0xb3: {  	[dreg:$0x0] =	wrdreg $0x60  }
0xb4: {  	[dreg:$0x2] =	wrdreg s16  }
0xb5: {  	[dreg:$0x3] =	wrdreg s24  }
0xb6: {  	[dreg:$0x4] =	wrdreg $0x0  }
0xb7: {  	[dreg:$0x5] =	wrdreg $0x9C400  }
0xb8: {  	[dreg:$0x6] =	wrdreg $0x9  }
0xb9: {  	_ =	task.clear_ibuf [dreg:s7], $0x7FFFF;
	_ =	strace $0x90000046  }
0xba: {  	s29 =	simm.s32 $0x9;
	_ =	strace $0x80000048  }
0xbb: {  	_ =	swait.ge [sflag:s29], $0x1  }
0xbc: {  	[sflag:s29] =	ssyncadd.s32 $0xFFFFFFFF  }
0xbd: {  	_ =	strace $0x90000048  }
0xbe: {  	_ =	sfence  }
0xbf: {  	s30 =	sld [smem:$0x0];
	_ =	sdelay $0x2  }
0xc0: {  	s31 =	sshll.u32 s1, $0xD;
	s1 =	sshrl.u32 s1, $0x2  }
0xc1: {  	s3 =	sand.u32 $0x4000, s31;
	s1 =	sadd.s32 s1, s30  }
0xc2: {  	s0 =	sor.u32 s3, s0;
	s1 =	sshll.u32 s1, $0x11  }
0xc3: {  	s0 =	sor.u32 s1, s0  }
0xc4: {  	s0 =	sadd.s32 $0x8F2B, s0  }
0xc5: {  	[sflag:s0] =	ssyncadd.remote.s32 $0x1  }
0xc6: {  	_ =	sfence.sel $0xFFFF  }
0xc7: {  	[dreg:$0x0] =	wrdreg $0xFFFFFFFF;
	(pc) =	sbr.abs _section_cstart, $3  }
0xc8: {  	[dreg:$0x1] =	wrdreg $0xFFFFFFFF  }
0xc9: {  	_ =	task.clear_ibuf [dreg:s7], $0x2FFFF;
	_ =	strace $0x9FFFFFFF  }
0xca: {  	(tm) =	ssettm $0x7FFFFFFF  }
0xcb: {  	_ =	shalt  }
tec
execute0_lowered:
.L_overlay_start_1:
0x0: {  	(tag) =	ssettag $0x1  }
0x1: {  	s0 =	rddreg [dreg:$0x0]  }
0x2: {  	s1 =	rddreg [dreg:$0x1]  }
0x3: {  	s2 =	rddreg [dreg:$0x2]  }
0x4: {  	s3 =	rddreg [dreg:$0x3]  }
0x5: {  	s4 =	srdreg.scid;
	s16 =	stileid.u32  }
0x6: {  	s17 =	simm.s32 $0x0;
	s30 =	simm.s32 $0x1;
	s7 =	smul.u32 $0x13880, s16  }
0x7: {  	s31 =	simm.s32 $0x8;
	s28 =	simm.s32 $0x5;
	s9 =	smul.u32 $0x2710, s16  }
0x8: {  	s29 =	simm.s32 $0x7;
	s4 =	sand.u32 $0x1, s4;
	s12 =	smul.u32 $0x9C40, s16  }
0x9: {  	[smem:$0x7FF] =	sst s17;
	s6 =	sadd.s32 $0x4F3E00, s1;
	s15 =	smul.u32 $0x27100, s16  }
0xa: {  	s23 =	sshll.u32 s16, $0x6;
	s19 =	smul.u32 $0x138800, s16;
	s5 =	sshll.u32 s4, $0x6  }
0xb: {  	_ =	strace $0x80000047;
	s11 =	ssub.s32 $0x2, s4;
	s22 =	sor.u32 $0x1C0A, s23  }
0xc: {  	p0 =	sne.s32 s4, $0x0;
	s8 =	sor.u32 s5, s7;
	s7 =	sadd.s32 $0x4EA000, s1  }
0xd: {  	s13 =	sshrl.u32 s9, $0x3;
	s24 =	sshrl.u32 s15, $0x2;
	s23 =	sadd.s32 s12, s3  }
0xe: {  	[dreg:$0x7] =	wrdreg s22;
	s8 =	sshrl.u32 s8, $0x3;
	s25 =	sadd.s32 s24, s3  }
0xf: {  	s24 =	sor.u32 s5, s19;
	s19 =	sadd.s32 $0xF0, s9;
	[dreg:$0x8] =	wrdreg s23  }
0x10: {  	s14 =	sshrl.u32 s11, $0x1;
	s0 =	sadd.s32 s0, s8;
	[dreg:$0x19] =	wrdreg s19  }
0x11: {  	s10 =	sadd.s32 s8, s1;
	s8 =	sadd.s32 $0x1400, s25;
	[dreg:$0x6] =	wrdreg s0  }
0x12: {  	s11 =	ssub.s32 s11, s14;
	s26 =	sadd.s32 $0x2800, s25;
	[dreg:$0x9] =	wrdreg s8  }
0x13: {  	s14 =	sadd.s32 s12, s2;
	s12 =	sadd.s32 $0x3C00, s25;
	[dreg:$0xa] =	wrdreg s26  }
0x14: {  	s21 =	sadd.s32 $0x50, s9;
	s15 =	sadd.s32 $0x5000, s25;
	[dreg:$0xb] =	wrdreg s12  }
0x15: {  	s1 =	sadd.s32 s13, s1;
	s18 =	sadd.s32 $0x6400, s25;
	[dreg:$0xc] =	wrdreg s15  }
0x16: {  	s20 =	sadd.s32 $0x7800, s25;
	s19 =	simm.s32 $0x4;
	[dreg:$0xd] =	wrdreg s18  }
0x17: {  	[dreg:$0xe] =	wrdreg s20;
	s0 =	sadd.s32 $0x8C00, s25;
	s25 =	sshll.u32 s21, $0x7  }
0x18: {  	s26 =	sadd.s32 s7, s13;
	s13 =	sshrl.u32 s21, $0x3;
	s18 =	sadd.s32 $0xA0, s9  }
0x19: {  	s20 =	sadd.s32 $0xD000, s10;
	s21 =	sadd.s32 $0x8000, s1;
	[dreg:$0xf] =	wrdreg s0  }
0x1a: {  	s12 =	simm.s32 $0x15F90;
	s10 =	simm.s32 $0x3;
	[dreg:$0x10] =	wrdreg s26  }
0x1b: {  	s1 =	simm.s32 $0x6;
	s0 =	sshrl.u32 s24, $0x3;
	[dreg:$0x14] =	wrdreg s18  }
0x1c: {  	s8 =	sor.u32 s5, s25;
	s24 =	sadd.s32 $0x140, s9;
	[dreg:$0x15] =	wrdreg s20  }
0x1d: {  	[dreg:$0x16] =	wrdreg s21;
	s25 =	smax.u32 s11, $0x1;
	s26 =	sshrl.u32 s14, $0x3  }
0x1e: {  	s11 =	simm.s32 $0x27100;
	s14 =	simm.s32 $0x80;
	s18 =	simm.s32 $0x2  }
0x1f: {  	s20 =	simm.s32 $0x188D0;
	s21 =	simm.s32 $0x1B0D0;
	s9 =	simm.s32 $0x1B170  }
0x20: {  	s0 =	sadd.s32 s6, s0;
	s15 =	sshrl.u32 s8, $0x3;
	[dreg:$0x17] =	wrdreg s25  }
0x21: {  	[dreg:$0x18] =	wrdreg s26;
	s25 =	simm.s32 $0x10;
	s26 =	simm.s32 $0xA  }
0x22: {  	s8 =	simm.s32 $0x16030;
	[dreg:$0x11] =	wrdreg s0;
	s0 =	sadd.s32 s7, s13  }
0x23: {  	s16 =	sadd.s32 s6, s15;
	s13 =	simm.s32 $0x40;
	[dreg:$0x12] =	wrdreg s0  }
0x24: {  	v0 =	vimm.f32 $0.0e+00;
	[dreg:$0x13] =	wrdreg s16;
	s0 =	simm.s32 $0x50;
	s16 =	simm.s32 $0x18830  }
.LBB2_1:
0x25: {  	[dreg:$0x5] =	wrdreg s17  }
0x26: {  	s4 =	rddreg [dreg:$0x6]  }
0x27: {  	s15 =	rddreg [dreg:$0x18]  }
0x28: {  	[spmem:s15@s31], [sflag:s22] =	dma.strided [hbm:s4@s25], $0x1388, s30, $0x8   }
0x29: {  	_ =	swait.ge [sflag:s26], $0x1388  }
0x2a: {  	s15 =	simm.s32 $0x100;
	[sflag:s26] =	ssyncset.done $0x0  }
0x2b: {  	s4 =	simm.s32 $0x0;
	[sflag:s26] =	ssyncadd.s32 $0xFFFFEC78;
	s26 =	simm.s32 $0xA  }
.LBB2_2:
0x2c: {  	p1 =	sne.s32 s15, $0x4F00;
	[tilespmem:s4+$0x16060] =	vst v0;
	s17 =	smov.u32 s15;
	s15 =	sadd.s32 $0x100, s15  }
.Ltmp0:
0x2d: {  	[tilespmem:s4+$0x16050] =	vst v0;
	(pc) =	sbr.rel @p1 .LBB2_2-.Ltmp0, $3  }
0x2e: {  	[tilespmem:s4+$0x16030] =	vst v0  }
0x2f: {  	[tilespmem:s4+$0x16040] =	vst v0;
	_ =	sdelay $0x1  }
0x30: {  	s4 =	sshra.s32 s17, $0x2  }
0x31: {  	[tilespmem:s4+$0x16060] =	vst v0  }
0x32: {  	[tilespmem:s4+$0x16050] =	vst v0  }
0x33: {  	[tilespmem:s4+$0x16030] =	vst v0  }
0x34: {  	[tilespmem:s4+$0x16040] =	vst v0  }
0x35: {  	[spmem:s23] =	stream.linear.scatter [tilespmem:s8], [sflag:$0xA], $0x1400, $0x38;
	[tilespmem:$0x1D970] =	vst v63  }
0x36: {  	_ =	swait.ge [sflag:s26], $0x1400  }
0x37: {  	[sflag:s26] =	ssyncset.done $0x0  }
0x38: {  	s23 =	rddreg [dreg:$0x9];
	[sflag:s26] =	ssyncadd.s32 $0xFFFFEC00  }
0x39: {  	[spmem:s23] =	stream.linear.scatter [tilespmem:s8], [sflag:$0xA], $0x1400, $0x38;
	[tilespmem:$0x1D970] =	vst v63  }
0x3a: {  	_ =	swait.ge [sflag:s26], $0x1400  }
0x3b: {  	[sflag:s26] =	ssyncset.done $0x0  }
0x3c: {  	s25 =	rddreg [dreg:$0xa];
	[sflag:s26] =	ssyncadd.s32 $0xFFFFEC00  }
0x3d: {  	[spmem:s25] =	stream.linear.scatter [tilespmem:s8], [sflag:$0xA], $0x1400, $0x38;
	[tilespmem:$0x1D970] =	vst v63  }
0x3e: {  	_ =	swait.ge [sflag:s26], $0x1400  }
0x3f: {  	[sflag:s26] =	ssyncset.done $0x0  }
0x40: {  	s15 =	rddreg [dreg:$0xb];
	[sflag:s26] =	ssyncadd.s32 $0xFFFFEC00  }
0x41: {  	[spmem:s15] =	stream.linear.scatter [tilespmem:s8], [sflag:$0xA], $0x1400, $0x38;
	[tilespmem:$0x1D970] =	vst v63  }
0x42: {  	_ =	swait.ge [sflag:s26], $0x1400  }
0x43: {  	[sflag:s26] =	ssyncset.done $0x0  }
0x44: {  	s17 =	rddreg [dreg:$0xc];
	[sflag:s26] =	ssyncadd.s32 $0xFFFFEC00  }
0x45: {  	[spmem:s17] =	stream.linear.scatter [tilespmem:s8], [sflag:$0xA], $0x1400, $0x38;
	[tilespmem:$0x1D970] =	vst v63  }
0x46: {  	_ =	swait.ge [sflag:s26], $0x1400  }
0x47: {  	[sflag:s26] =	ssyncset.done $0x0  }
0x48: {  	s22 =	rddreg [dreg:$0xd];
	[sflag:s26] =	ssyncadd.s32 $0xFFFFEC00  }
0x49: {  	[spmem:s22] =	stream.linear.scatter [tilespmem:s8], [sflag:$0xA], $0x1400, $0x38;
	[tilespmem:$0x1D970] =	vst v63  }
0x4a: {  	_ =	swait.ge [sflag:s26], $0x1400  }
0x4b: {  	[sflag:s26] =	ssyncset.done $0x0  }
0x4c: {  	s23 =	rddreg [dreg:$0xe];
	[sflag:s26] =	ssyncadd.s32 $0xFFFFEC00  }
0x4d: {  	[spmem:s23] =	stream.linear.scatter [tilespmem:s8], [sflag:$0xA], $0x1400, $0x38;
	[tilespmem:$0x1D970] =	vst v63  }
0x4e: {  	_ =	swait.ge [sflag:s26], $0x1400  }
0x4f: {  	[sflag:s26] =	ssyncset.done $0x0  }
0x50: {  	s25 =	rddreg [dreg:$0xf];
	[sflag:s26] =	ssyncadd.s32 $0xFFFFEC00  }
0x51: {  	[spmem:s25] =	stream.linear.scatter [tilespmem:s8], [sflag:$0xA], $0x1040, $0x38;
	[tilespmem:$0x1D970] =	vst v63  }
0x52: {  	_ =	swait.ge [sflag:s26], $0x1040  }
0x53: {  	[sflag:s26] =	ssyncset.done $0x0  }
0x54: {  	s4 =	simm.s32 $0x40;
	s15 =	simm.s32 $0x0;
	[sflag:s26] =	ssyncadd.s32 $0xFFFFEFC0  }
.LBB2_4:
0x55: {  	p1 =	sne.s32 s4, $0x9C00;
	[tilespmem:s15+$0x13880] =	vst v0;
	s15 =	smov.u32 s4;
	s4 =	sadd.s32 $0x40, s4  }
.Ltmp1:
0x56: {  	(pc) =	sbr.rel @p1 .LBB2_4-.Ltmp1, $2  }
0x57: {  	_ =	sdelay $0x2  }
0x58: {  	s15 =	sshra.s32 s15, $0x2  }
0x59: {  	[tilespmem:s15+$0x13880] =	vst v0  }
0x5a: {  	[bflag:$0x0] =	sbarrier.arrive $0xFFFF  }
0x5b: {  	s4 =	rddreg [dreg:$0x10]  }
0x5c: {  	[tilespmem:s12], [sflag:$0x1] =	stream.strided.gather [hbm4b:s4+s0], $0xA0, s11, s0, $0x38;
	[tilespmem:$0x1D970] =	vst v63  }
0x5d: {  	s22 =	simm.s32 $0x17430;
	s17 =	rddreg [dreg:$0x11]  }
0x5e: {  	[tilespmem:s22], [sflag:$0x1] =	stream.strided.gather [hbm4b:s17+s13], $0x1400, s14, s13, $0x38;
	[tilespmem:$0x1D970] =	vst v63  }
0x5f: {  	s23 =	rddreg [dreg:$0x12]  }
0x60: {  	[tilespmem:s16], [sflag:$0x4] =	stream.strided.gather [hbm4b:s23+s0], $0xA0, s11, s0, $0x38;
	[tilespmem:$0x1D970] =	vst v63  }
0x61: {  	s26 =	simm.s32 $0x19CD0;
	s25 =	rddreg [dreg:$0x13]  }
0x62: {  	[tilespmem:s26], [sflag:$0x4] =	stream.strided.gather [hbm4b:s25+s13], $0x1400, s14, s13, $0x38;
	[tilespmem:$0x1D970] =	vst v63  }
0x63: {  	_ =	swait.ge [sflag:s30], $0xA0  }
0x64: {  	[sflag:s30] =	ssyncset.done $0x0  }
0x65: {  	[sflag:s30] =	ssyncadd.s32 $0xFFFFFF60  }
0x66: {  	_ =	swait.ge [sflag:s30], $0x1400  }
0x67: {  	[sflag:s30] =	ssyncset.done $0x0  }
0x68: {  	s25 =	simm.s32 $0x0;
	s23 =	rddreg [dreg:$0x19];
	[sflag:s30] =	ssyncadd.s32 $0xFFFFEC00  }
0x69: {  	[tilespmem:s8], [sflag:$0x2] =	stream.indirect.gather [spmem:s2], $0x40, s12, s0, $0xb8;
	[tilespmem:$0x1D970] =	vst v63  }
.LBB2_6:
0x6a: {  	_ =	swait.ge [sflag:s18], $0x1400  }
0x6b: {  	[sflag:s18] =	ssyncset.done $0x0  }
0x6c: {  	[sflag:s18] =	ssyncadd.s32 $0xFFFFEC00  }
0x6d: {  	_ =	swait.ge [sflag:s19], $0xA0  }
0x6e: {  	[sflag:s19] =	ssyncset.done $0x0  }
0x6f: {  	[sflag:s19] =	ssyncadd.s32 $0xFFFFFF60  }
0x70: {  	_ =	swait.ge [sflag:s19], $0x1400  }
0x71: {  	[sflag:s19] =	ssyncset.done $0x0  }
0x72: {  	s15 =	simm.s32 $0x16130;
	[sflag:s19] =	ssyncadd.s32 $0xFFFFEC00  }
0x73: {  	[tilespmem:s20], [sflag:$0x5] =	stream.indirect.gather [spmem:s2], $0x40, s16, s0, $0xb8;
	[tilespmem:$0x1D970] =	vst v63  }
0x74: {  	s17 =	simm.s32 $0x17530;
	v1 =	vld [tilespmem:s15+$0xC0]  }
0x75: {  	v2 =	vld [tilespmem:s17+$0xC0]  }
0x76: {  	v3 =	vld [tilespmem:s17+$0xFFFFFF00]  }
0x77: {  	v4 =	vld [tilespmem:s15+$0xFFFFFF40]  }
0x78: {  	v5 =	vld [tilespmem:s15+$0xFFFFFF80]  }
0x79: {  	v7 =	vld [tilespmem:s17+$0xFFFFFF80]  }
0x7a: {  	v8 =	vld [tilespmem:s15+$0xFFFFFFC0]  }
0x7b: {  	v9 =	vld [tilespmem:s17+$0xFFFFFFC0]  }
0x7c: {  	v10 =	vld [tilespmem:s15+$0x0]  }
0x7d: {  	v11 =	vld [tilespmem:s17+$0x0]  }
0x7e: {  	v12 =	vld [tilespmem:s17+$0x40]  }
0x7f: {  	v57 =	vld [tilespmem:s15+$0xFFFFFF90]  }
0x80: {  	v58 =	vld [tilespmem:s15+$0xFFFFFFD0]  }
0x81: {  	v14 =	vld [tilespmem:s15+$0x10]  }
0x82: {  	v60 =	vld [tilespmem:s15+$0xFFFFFFE0];
	v1 =	vmul.f32 v2, v1  }
0x83: {  	v2 =	vld [tilespmem:s17+$0xFFFFFF40]  }
0x84: {  	[tilespmem:s15+$0xC0] =	vst v1;
	v1 =	vld [tilespmem:s15+$0xD0]  }
0x85: {  	v6 =	vld [tilespmem:s17+$0xD0]  }
0x86: {  	v61 =	vld [tilespmem:s15+$0x20]  }
0x87: {  	v62 =	vld [tilespmem:s15+$0x60];
	v5 =	vmul.f32 v7, v5  }
0x88: {  	v63 =	vld [tilespmem:s15+$0xFFFFFF30];
	v2 =	vmul.f32 v2, v4  }
0x89: {  	v7 =	vld [tilespmem:s17+$0x80];
	[tilespmem:s15+$0xFFFFFF80] =	vst v5  }
0x8a: {  	v5 =	vmul.f32 v11, v10;
	v11 =	vld [tilespmem:s15+$0xFFFFFF50];
	[tilespmem:s15+$0xFFFFFF40] =	vst v2;
	v1 =	vmul.f32 v6, v1  }
0x8b: {  	v2 =	vmul.f32 v9, v8;
	v9 =	vld [tilespmem:s17+$0xFFFFFF50]  }
0x8c: {  	[tilespmem:s15+$0xD0] =	vst v1;
	v1 =	vld [tilespmem:s15+$0xE0]  }
0x8d: {  	v13 =	vld [tilespmem:s17+$0xE0]  }
0x8e: {  	v4 =	vld [tilespmem:s15+$0x80]  }
0x8f: {  	[tilespmem:s15+$0x0] =	vst v5;
	v8 =	vld [tilespmem:s15+$0xFFFFFF00]  }
0x90: {  	v10 =	vld [tilespmem:s17+$0x10]  }
0x91: {  	v6 =	vld [tilespmem:s15+$0x40];
	v9 =	vmul.f32 v9, v11  }
0x92: {  	[tilespmem:s15+$0xFFFFFFC0] =	vst v2;
	v2 =	vld [tilespmem:s17+$0xFFFFFF90];
	v1 =	vmul.f32 v13, v1  }
0x93: {  	v5 =	vld [tilespmem:s17+$0xFFFFFFD0];
	[tilespmem:s15+$0xFFFFFF50] =	vst v9  }
0x94: {  	v11 =	vld [tilespmem:s15+$0x90];
	[tilespmem:s15+$0xE0] =	vst v1;
	v1 =	vmul.f32 v3, v8  }
0x95: {  	v9 =	vld [tilespmem:s17+$0xFFFFFF60];
	v3 =	vmul.f32 v7, v4  }
0x96: {  	v6 =	vmul.f32 v12, v6;
	v8 =	vld [tilespmem:s15+$0xF0];
	[tilespmem:s15+$0xFFFFFF00] =	vst v1  }
0x97: {  	v2 =	vmul.f32 v2, v57;
	[tilespmem:s15+$0x80] =	vst v3;
	v3 =	vld [tilespmem:s15+$0xFFFFFF10]  }
0x98: {  	[tilespmem:s15+$0x40] =	vst v6;
	v4 =	vld [tilespmem:s17+$0xFFFFFF10]  }
0x99: {  	[tilespmem:s15+$0xFFFFFF90] =	vst v2;
	v2 =	vmul.f32 v10, v14;
	v6 =	vld [tilespmem:s17+$0xF0]  }
0x9a: {  	v5 =	vmul.f32 v5, v58;
	v10 =	vld [tilespmem:s17+$0xFFFFFFA0]  }
0x9b: {  	[tilespmem:s15+$0x10] =	vst v2;
	v7 =	vld [tilespmem:s17+$0x90]  }
0x9c: {  	[tilespmem:s15+$0xFFFFFFD0] =	vst v5;
	v5 =	vld [tilespmem:s17+$0x20]  }
0x9d: {  	v1 =	vld [tilespmem:s17+$0x50];
	v3 =	vmul.f32 v4, v3  }
0x9e: {  	v6 =	vmul.f32 v6, v8;
	v8 =	vld [tilespmem:s15+$0x30]  }
0x9f: {  	[tilespmem:s15+$0xFFFFFF10] =	vst v3;
	v3 =	vld [tilespmem:s15+$0xFFFFFF20]  }
0xa0: {  	v2 =	vmul.f32 v7, v11;
	v59 =	vld [tilespmem:s17+$0xFFFFFF20]  }
0xa1: {  	v4 =	vld [tilespmem:s15+$0x50]  }
0xa2: {  	[tilespmem:s15+$0x90] =	vst v2;
	v2 =	vld [tilespmem:s15+$0xFFFFFF60]  }
0xa3: {  	v11 =	vld [tilespmem:s15+$0xFFFFFFA0]  }
0xa4: {  	[tilespmem:s15+$0xF0] =	vst v6;
	v6 =	vld [tilespmem:s15+$0x70]  }
0xa5: {  	v7 =	vld [tilespmem:s17+$0xA0];
	v3 =	vmul.f32 v59, v3  }
0xa6: {  	v1 =	vmul.f32 v1, v4;
	v4 =	vld [tilespmem:s17+$0xFFFFFFE0]  }
0xa7: {  	v2 =	vmul.f32 v9, v2;
	[tilespmem:s15+$0xFFFFFF20] =	vst v3;
	v3 =	vld [tilespmem:s15+$0xA0]  }
0xa8: {  	[tilespmem:s15+$0x50] =	vst v1;
	v9 =	vmul.f32 v10, v11;
	v10 =	vld [tilespmem:s15+$0xFFFFFFB0]  }
0xa9: {  	v1 =	vld [tilespmem:s17+$0x60];
	[tilespmem:s15+$0xFFFFFF60] =	vst v2  }
0xaa: {  	[tilespmem:s15+$0xFFFFFFA0] =	vst v9;
	v9 =	vld [tilespmem:s15+$0xFFFFFFF0]  }
0xab: {  	v2 =	vmul.f32 v4, v60;
	v15 =	vld [tilespmem:s17+$0xFFFFFF70]  }
0xac: {  	v11 =	vld [tilespmem:s17+$0xFFFFFF30];
	v7 =	vmul.f32 v7, v3  }
0xad: {  	v4 =	vmul.f32 v5, v61;
	v5 =	vld [tilespmem:s17+$0xFFFFFFB0];
	[tilespmem:s15+$0xFFFFFFE0] =	vst v2  }
0xae: {  	v1 =	vmul.f32 v1, v62;
	[tilespmem:s15+$0xA0] =	vst v7;
	v7 =	vld [tilespmem:s15+$0xFFFFFF70]  }
0xaf: {  	[tilespmem:s15+$0x20] =	vst v4;
	v2 =	vld [tilespmem:s17+$0xFFFFFFF0]  }
0xb0: {  	v3 =	vld [tilespmem:s17+$0x30];
	[tilespmem:s15+$0x60] =	vst v1  }
0xb1: {  	v4 =	vld [tilespmem:s17+$0x70];
	v11 =	vmul.f32 v11, v63  }
0xb2: {  	v1 =	vld [tilespmem:s17+$0xB0]  }
0xb3: {  	s26 =	simm.s32 $0x0;
	s4 =	simm.s32 $0x16330;
	[tilespmem:s15+$0xFFFFFF30] =	vst v11;
	v11 =	vmul.f32 v15, v7;
	v7 =	vld [tilespmem:s15+$0xB0]  }
.LBB2_7:
0xb4: {  	v12 =	vld [tilespmem:s4+$0xC0];
	v5 =	vmul.f32 v5, v10;
	s17 =	sadd.s32 $0x200, s17  }
0xb5: {  	s26 =	sadd.s32 $0x8, s26;
	v10 =	vld [tilespmem:s17+$0xC0];
	[tilespmem:s15+$0xFFFFFF70] =	vst v11;
	v2 =	vmul.f32 v2, v9  }
0xb6: {  	p1 =	slt.u32 s26, $0x48;
	v9 =	vld [tilespmem:s17+$0xFFFFFF00];
	[tilespmem:s15+$0xFFFFFFB0] =	vst v5;
	v3 =	vmul.f32 v3, v8  }
0xb7: {  	v5 =	vld [tilespmem:s4+$0xFFFFFF40];
	[tilespmem:s15+$0xFFFFFFF0] =	vst v2;
	v2 =	vmul.f32 v4, v6  }
0xb8: {  	v4 =	vld [tilespmem:s17+$0xFFFFFF40];
	[tilespmem:s15+$0x30] =	vst v3;
	v1 =	vmul.f32 v1, v7  }
0xb9: {  	v3 =	vld [tilespmem:s4+$0xFFFFFF80];
	[tilespmem:s15+$0x70] =	vst v2  }
0xba: {  	v2 =	vld [tilespmem:s17+$0xFFFFFF80];
	v6 =	vmul.f32 v10, v12;
	[tilespmem:s15+$0xB0] =	vst v1;
	s15 =	smov.u32 s4  }
0xbb: {  	v1 =	vld [tilespmem:s4+$0xFFFFFFC0]  }
0xbc: {  	[tilespmem:s4+$0xC0] =	vst v6;
	v6 =	vld [tilespmem:s4+$0xD0]  }
0xbd: {  	v4 =	vmul.f32 v4, v5;
	v5 =	vld [tilespmem:s17+$0xD0]  }
0xbe: {  	v7 =	vld [tilespmem:s17+$0xFFFFFFC0]  }
0xbf: {  	[tilespmem:s4+$0xFFFFFF40] =	vst v4;
	v2 =	vmul.f32 v2, v3;
	v3 =	vld [tilespmem:s4+$0x0]  }
0xc0: {  	v4 =	vld [tilespmem:s17+$0x0]  }
0xc1: {  	[tilespmem:s4+$0xFFFFFF80] =	vst v2;
	v2 =	vld [tilespmem:s4+$0x40]  }
0xc2: {  	v8 =	vld [tilespmem:s17+$0x40];
	v5 =	vmul.f32 v5, v6  }
0xc3: {  	v1 =	vmul.f32 v7, v1;
	v6 =	vld [tilespmem:s4+$0x80]  }
0xc4: {  	[tilespmem:s4+$0xD0] =	vst v5;
	v5 =	vld [tilespmem:s4+$0xE0]  }
0xc5: {  	[tilespmem:s4+$0xFFFFFFC0] =	vst v1;
	v1 =	vmul.f32 v4, v3;
	v3 =	vld [tilespmem:s17+$0xE0]  }
0xc6: {  	v4 =	vld [tilespmem:s17+$0x80]  }
0xc7: {  	v7 =	vld [tilespmem:s4+$0xFFFFFF00];
	[tilespmem:s4+$0x0] =	vst v1;
	v1 =	vmul.f32 v8, v2  }
0xc8: {  	v2 =	vld [tilespmem:s17+$0xFFFFFF50]  }
0xc9: {  	v8 =	vld [tilespmem:s17+$0xFFFFFF90];
	[tilespmem:s4+$0x40] =	vst v1  }
0xca: {  	v1 =	vld [tilespmem:s17+$0xFFFFFFD0];
	v3 =	vmul.f32 v3, v5  }
0xcb: {  	v5 =	vld [tilespmem:s17+$0x10];
	v4 =	vmul.f32 v4, v6  }
0xcc: {  	v6 =	vmul.f32 v9, v7;
	[tilespmem:s4+$0xE0] =	vst v3;
	v3 =	vld [tilespmem:s4+$0xF0]  }
0xcd: {  	[tilespmem:s4+$0x80] =	vst v4;
	v4 =	vld [tilespmem:s17+$0xF0]  }
0xce: {  	[tilespmem:s4+$0xFFFFFF00] =	vst v6;
	v6 =	vld [tilespmem:s17+$0x50]  }
0xcf: {  	v7 =	vld [tilespmem:s17+$0xFFFFFF10]  }
0xd0: {  	v9 =	vld [tilespmem:s17+$0x90]  }
0xd1: {  	v10 =	vld [tilespmem:s4+$0xFFFFFF10]  }
0xd2: {  	v11 =	vld [tilespmem:s4+$0xFFFFFF50];
	v3 =	vmul.f32 v4, v3  }
0xd3: {  	v4 =	vld [tilespmem:s4+$0xFFFFFF90]  }
0xd4: {  	v12 =	vld [tilespmem:s4+$0xFFFFFFD0];
	[tilespmem:s4+$0xF0] =	vst v3  }
0xd5: {  	v3 =	vld [tilespmem:s4+$0x10]  }
0xd6: {  	v7 =	vmul.f32 v7, v10;
	v10 =	vld [tilespmem:s4+$0x50]  }
0xd7: {  	v2 =	vmul.f32 v2, v11;
	v11 =	vld [tilespmem:s4+$0x90]  }
0xd8: {  	[tilespmem:s4+$0xFFFFFF10] =	vst v7;
	v7 =	vld [tilespmem:s4+$0xFFFFFF20];
	v4 =	vmul.f32 v8, v4  }
0xd9: {  	v8 =	vld [tilespmem:s17+$0xFFFFFF20];
	[tilespmem:s4+$0xFFFFFF50] =	vst v2;
	v1 =	vmul.f32 v1, v12  }
0xda: {  	v2 =	vld [tilespmem:s17+$0xFFFFFF60];
	[tilespmem:s4+$0xFFFFFF90] =	vst v4;
	v3 =	vmul.f32 v5, v3  }
0xdb: {  	v4 =	vld [tilespmem:s17+$0xFFFFFFA0];
	[tilespmem:s4+$0xFFFFFFD0] =	vst v1;
	v1 =	vmul.f32 v6, v10  }
0xdc: {  	v5 =	vld [tilespmem:s17+$0xFFFFFFE0];
	[tilespmem:s4+$0x10] =	vst v3;
	v3 =	vmul.f32 v9, v11  }
0xdd: {  	v6 =	vld [tilespmem:s17+$0x20];
	[tilespmem:s4+$0x50] =	vst v1  }
0xde: {  	v1 =	vmul.f32 v8, v7;
	v7 =	vld [tilespmem:s17+$0x60];
	[tilespmem:s4+$0x90] =	vst v3  }
0xdf: {  	v3 =	vld [tilespmem:s17+$0xA0]  }
0xe0: {  	[tilespmem:s4+$0xFFFFFF20] =	vst v1;
	v1 =	vld [tilespmem:s4+$0xFFFFFF60]  }
0xe1: {  	v8 =	vld [tilespmem:s4+$0xFFFFFFA0]  }
0xe2: {  	v9 =	vld [tilespmem:s4+$0xFFFFFFE0]  }
0xe3: {  	v10 =	vld [tilespmem:s4+$0x20]  }
0xe4: {  	v11 =	vld [tilespmem:s4+$0x60]  }
0xe5: {  	v1 =	vmul.f32 v2, v1;
	v12 =	vld [tilespmem:s4+$0xA0]  }
0xe6: {  	v13 =	vld [tilespmem:s17+$0xFFFFFF30];
	v2 =	vmul.f32 v4, v8  }
0xe7: {  	v4 =	vld [tilespmem:s4+$0xFFFFFF30];
	[tilespmem:s4+$0xFFFFFF60] =	vst v1;
	v1 =	vmul.f32 v5, v9  }
0xe8: {  	v14 =	vld [tilespmem:s17+$0xFFFFFF70];
	[tilespmem:s4+$0xFFFFFFA0] =	vst v2;
	v6 =	vmul.f32 v6, v10  }
0xe9: {  	v5 =	vld [tilespmem:s17+$0xFFFFFFB0];
	[tilespmem:s4+$0xFFFFFFE0] =	vst v1;
	v1 =	vmul.f32 v7, v11  }
0xea: {  	v2 =	vld [tilespmem:s17+$0xFFFFFFF0];
	[tilespmem:s4+$0x20] =	vst v6;
	v6 =	vmul.f32 v3, v12  }
0xeb: {  	v3 =	vld [tilespmem:s17+$0x30];
	[tilespmem:s4+$0x60] =	vst v1  }
0xec: {  	v7 =	vmul.f32 v13, v4;
	v4 =	vld [tilespmem:s17+$0x70];
	[tilespmem:s4+$0xA0] =	vst v6  }
0xed: {  	v1 =	vld [tilespmem:s17+$0xB0]  }
0xee: {  	[tilespmem:s4+$0xFFFFFF30] =	vst v7;
	v7 =	vld [tilespmem:s4+$0xFFFFFF70]  }
.Ltmp2:
0xef: {  	v10 =	vld [tilespmem:s4+$0xFFFFFFB0];
	(pc) =	sbr.rel @p1 .LBB2_7-.Ltmp2, $4  }
0xf0: {  	v9 =	vld [tilespmem:s4+$0xFFFFFFF0]  }
0xf1: {  	v8 =	vld [tilespmem:s4+$0x30]  }
0xf2: {  	v6 =	vld [tilespmem:s4+$0x70]  }
0xf3: {  	s4 =	sadd.s32 $0x200, s4;
	v11 =	vmul.f32 v14, v7;
	v7 =	vld [tilespmem:s15+$0xB0]  }
0xf4: {  	v5 =	vmul.f32 v5, v10  }
0xf5: {  	[tilespmem:s15+$0xFFFFFF70] =	vst v11;
	v2 =	vmul.f32 v2, v9  }
0xf6: {  	[tilespmem:s15+$0xFFFFFFB0] =	vst v5;
	v3 =	vmul.f32 v3, v8  }
0xf7: {  	[tilespmem:s15+$0xFFFFFFF0] =	vst v2;
	v2 =	vmul.f32 v4, v6  }
0xf8: {  	[tilespmem:s15+$0x30] =	vst v3;
	v1 =	vmul.f32 v1, v7  }
0xf9: {  	[tilespmem:s15+$0x70] =	vst v2  }
0xfa: {  	[tilespmem:s15+$0xB0] =	vst v1  }
0xfb: {  	v1 =	vld @!p0 [tilespmem:$0x15FE0];
	_ =	sdelay $0x6  }
0xfc: {  	s4 =	simm.s32 @!p0 $0x13880;
	v2 =	vimm.f32 @!p0 $1.000000000e+00  }
0xfd: {  	[tilespmem:v1+s4+$0x0] =	vst.idx.add.f32.msk @!p0 $0xffff, v2  }
0xfe: {  	v1 =	vld @!p0 [tilespmem:$0x15FF0];
	_ =	sdelay $0x7  }
0xff: {  	[tilespmem:v1+s4+$0x0] =	vst.idx.add.f32.msk @!p0 $0xffff, v2  }
0x100: {  	v1 =	vld @!p0 [tilespmem:$0x16000];
	_ =	sdelay $0x7  }
0x101: {  	[tilespmem:v1+s4+$0x0] =	vst.idx.add.f32.msk @!p0 $0xffff, v2  }
0x102: {  	v1 =	vld @!p0 [tilespmem:$0x16010];
	_ =	sdelay $0x7  }
0x103: {  	[tilespmem:v1+s4+$0x0] =	vst.idx.add.f32.msk @!p0 $0xffff, v2  }
0x104: {  	v1 =	vld @!p0 [tilespmem:$0x16020];
	_ =	sdelay $0x6  }
0x105: {  	p1 =	seq.s32 s25, $0x0  }
0x106: {  	[tilespmem:v1+s4+$0x0] =	vst.idx.add.f32.msk @!p0 $0xffff, v2;
	s4 =	simm.s32 @!p1 $0x9  }
0x107: {  	s15 =	smul.u32 $0xF0, s25;
	_ =	swait.ge @!p1 [sflag:s4], $0x1400  }
0x108: {  	s17 =	rddreg [dreg:$0x14]  }
0x109: {  	s17 =	sadd.s32 s15, s17  }
0x10a: {  	[sflag:s4] =	ssyncset.done @!p1 $0x0;
	s22 =	sshrl.u32 s17, $0x3;
	s17 =	sshll.u32 s17, $0x7  }
0x10b: {  	[sflag:s4] =	ssyncadd.s32 @!p1 $0xFFFFEC00;
	s26 =	sadd.s32 s7, s22;
	s4 =	sor.u32 s5, s17  }
0x10c: {  	[tilespmem:s21], [sflag:$0x7] =	stream.strided.gather [hbm4b:s26+s0], $0xA0, s11, s0, $0x38;
	[tilespmem:$0x1D970] =	vst v63  }
0x10d: {  	s4 =	sshrl.u32 s4, $0x3  }
0x10e: {  	s22 =	simm.s32 $0x1C570;
	s4 =	sadd.s32 s6, s4  }
0x10f: {  	[tilespmem:s22], [sflag:$0x7] =	stream.strided.gather [hbm4b:s4+s13], $0x1400, s14, s13, $0x38;
	[tilespmem:$0x1D970] =	vst v63  }
0x110: {  	s26 =	simm.s32 $0x15FE0  }
0x111: {  	[spmem:s3] =	stream.indirect.scatter.add.f32 [tilespmem:s8], [sflag:$0x3], $0x40, s26, s0, $0xb8;
	[tilespmem:$0x1D970] =	vst v63  }
0x112: {  	_ =	swait.ge [sflag:s28], $0x1400  }
0x113: {  	[sflag:s28] =	ssyncset.done $0x0  }
0x114: {  	[sflag:s28] =	ssyncadd.s32 $0xFFFFEC00  }
0x115: {  	_ =	swait.ge [sflag:s29], $0xA0  }
0x116: {  	[sflag:s29] =	ssyncset.done $0x0  }
0x117: {  	[sflag:s29] =	ssyncadd.s32 $0xFFFFFF60  }
0x118: {  	_ =	swait.ge [sflag:s29], $0x1400  }
0x119: {  	[sflag:s29] =	ssyncset.done $0x0  }
0x11a: {  	s17 =	simm.s32 $0x189D0;
	[sflag:s29] =	ssyncadd.s32 $0xFFFFEC00  }
0x11b: {  	[tilespmem:s9], [sflag:$0x8] =	stream.indirect.gather [spmem:s2], $0x40, s21, s0, $0xb8;
	[tilespmem:$0x1D970] =	vst v63  }
0x11c: {  	s26 =	simm.s32 $0x19DD0;
	v1 =	vld [tilespmem:s17+$0xC0]  }
0x11d: {  	v2 =	vld [tilespmem:s26+$0xC0]  }
0x11e: {  	v3 =	vld [tilespmem:s26+$0xFFFFFF00]  }
0x11f: {  	v4 =	vld [tilespmem:s17+$0xFFFFFF40]  }
0x120: {  	v5 =	vld [tilespmem:s17+$0xFFFFFF80]  }
0x121: {  	v7 =	vld [tilespmem:s26+$0xFFFFFF80]  }
0x122: {  	v8 =	vld [tilespmem:s17+$0xFFFFFFC0]  }
0x123: {  	v9 =	vld [tilespmem:s26+$0xFFFFFFC0]  }
0x124: {  	v10 =	vld [tilespmem:s17+$0x0]  }
0x125: {  	v11 =	vld [tilespmem:s26+$0x0]  }
0x126: {  	v12 =	vld [tilespmem:s26+$0x40]  }
0x127: {  	v57 =	vld [tilespmem:s17+$0xFFFFFF90]  }
0x128: {  	v58 =	vld [tilespmem:s17+$0xFFFFFFD0]  }
0x129: {  	v14 =	vld [tilespmem:s17+$0x10]  }
0x12a: {  	v60 =	vld [tilespmem:s17+$0xFFFFFFE0];
	v1 =	vmul.f32 v2, v1  }
0x12b: {  	v2 =	vld [tilespmem:s26+$0xFFFFFF40]  }
0x12c: {  	[tilespmem:s17+$0xC0] =	vst v1;
	v1 =	vld [tilespmem:s17+$0xD0]  }
0x12d: {  	v6 =	vld [tilespmem:s26+$0xD0]  }
0x12e: {  	v61 =	vld [tilespmem:s17+$0x20]  }
0x12f: {  	v62 =	vld [tilespmem:s17+$0x60];
	v5 =	vmul.f32 v7, v5  }
0x130: {  	v63 =	vld [tilespmem:s17+$0xFFFFFF30];
	v2 =	vmul.f32 v2, v4  }
0x131: {  	v7 =	vld [tilespmem:s26+$0x80];
	[tilespmem:s17+$0xFFFFFF80] =	vst v5  }
0x132: {  	v5 =	vmul.f32 v11, v10;
	v11 =	vld [tilespmem:s17+$0xFFFFFF50];
	[tilespmem:s17+$0xFFFFFF40] =	vst v2;
	v1 =	vmul.f32 v6, v1  }
0x133: {  	v2 =	vmul.f32 v9, v8;
	v9 =	vld [tilespmem:s26+$0xFFFFFF50]  }
0x134: {  	[tilespmem:s17+$0xD0] =	vst v1;
	v1 =	vld [tilespmem:s17+$0xE0]  }
0x135: {  	v13 =	vld [tilespmem:s26+$0xE0]  }
0x136: {  	v4 =	vld [tilespmem:s17+$0x80]  }
0x137: {  	[tilespmem:s17+$0x0] =	vst v5;
	v8 =	vld [tilespmem:s17+$0xFFFFFF00]  }
0x138: {  	v10 =	vld [tilespmem:s26+$0x10]  }
0x139: {  	v6 =	vld [tilespmem:s17+$0x40];
	v9 =	vmul.f32 v9, v11  }
0x13a: {  	[tilespmem:s17+$0xFFFFFFC0] =	vst v2;
	v2 =	vld [tilespmem:s26+$0xFFFFFF90];
	v1 =	vmul.f32 v13, v1  }
0x13b: {  	v5 =	vld [tilespmem:s26+$0xFFFFFFD0];
	[tilespmem:s17+$0xFFFFFF50] =	vst v9  }
0x13c: {  	v11 =	vld [tilespmem:s17+$0x90];
	[tilespmem:s17+$0xE0] =	vst v1;
	v1 =	vmul.f32 v3, v8  }
0x13d: {  	v9 =	vld [tilespmem:s26+$0xFFFFFF60];
	v3 =	vmul.f32 v7, v4  }
0x13e: {  	v6 =	vmul.f32 v12, v6;
	v8 =	vld [tilespmem:s17+$0xF0];
	[tilespmem:s17+$0xFFFFFF00] =	vst v1  }
0x13f: {  	v2 =	vmul.f32 v2, v57;
	[tilespmem:s17+$0x80] =	vst v3;
	v3 =	vld [tilespmem:s17+$0xFFFFFF10]  }
0x140: {  	[tilespmem:s17+$0x40] =	vst v6;
	v4 =	vld [tilespmem:s26+$0xFFFFFF10]  }
0x141: {  	[tilespmem:s17+$0xFFFFFF90] =	vst v2;
	v2 =	vmul.f32 v10, v14;
	v6 =	vld [tilespmem:s26+$0xF0]  }
0x142: {  	v5 =	vmul.f32 v5, v58;
	v10 =	vld [tilespmem:s26+$0xFFFFFFA0]  }
0x143: {  	[tilespmem:s17+$0x10] =	vst v2;
	v7 =	vld [tilespmem:s26+$0x90]  }
0x144: {  	[tilespmem:s17+$0xFFFFFFD0] =	vst v5;
	v5 =	vld [tilespmem:s26+$0x20]  }
0x145: {  	v1 =	vld [tilespmem:s26+$0x50];
	v3 =	vmul.f32 v4, v3  }
0x146: {  	v6 =	vmul.f32 v6, v8;
	v8 =	vld [tilespmem:s17+$0x30]  }
0x147: {  	[tilespmem:s17+$0xFFFFFF10] =	vst v3;
	v3 =	vld [tilespmem:s17+$0xFFFFFF20]  }
0x148: {  	v2 =	vmul.f32 v7, v11;
	v59 =	vld [tilespmem:s26+$0xFFFFFF20]  }
0x149: {  	v4 =	vld [tilespmem:s17+$0x50]  }
0x14a: {  	[tilespmem:s17+$0x90] =	vst v2;
	v2 =	vld [tilespmem:s17+$0xFFFFFF60]  }
0x14b: {  	v11 =	vld [tilespmem:s17+$0xFFFFFFA0]  }
0x14c: {  	[tilespmem:s17+$0xF0] =	vst v6;
	v6 =	vld [tilespmem:s17+$0x70]  }
0x14d: {  	v7 =	vld [tilespmem:s26+$0xA0];
	v3 =	vmul.f32 v59, v3  }
0x14e: {  	v1 =	vmul.f32 v1, v4;
	v4 =	vld [tilespmem:s26+$0xFFFFFFE0]  }
0x14f: {  	v2 =	vmul.f32 v9, v2;
	[tilespmem:s17+$0xFFFFFF20] =	vst v3;
	v3 =	vld [tilespmem:s17+$0xA0]  }
0x150: {  	[tilespmem:s17+$0x50] =	vst v1;
	v9 =	vmul.f32 v10, v11;
	v10 =	vld [tilespmem:s17+$0xFFFFFFB0]  }
0x151: {  	v1 =	vld [tilespmem:s26+$0x60];
	[tilespmem:s17+$0xFFFFFF60] =	vst v2  }
0x152: {  	[tilespmem:s17+$0xFFFFFFA0] =	vst v9;
	v9 =	vld [tilespmem:s17+$0xFFFFFFF0]  }
0x153: {  	v2 =	vmul.f32 v4, v60;
	v15 =	vld [tilespmem:s26+$0xFFFFFF70]  }
0x154: {  	v11 =	vld [tilespmem:s26+$0xFFFFFF30];
	v7 =	vmul.f32 v7, v3  }
0x155: {  	v4 =	vmul.f32 v5, v61;
	v5 =	vld [tilespmem:s26+$0xFFFFFFB0];
	[tilespmem:s17+$0xFFFFFFE0] =	vst v2  }
0x156: {  	v1 =	vmul.f32 v1, v62;
	[tilespmem:s17+$0xA0] =	vst v7;
	v7 =	vld [tilespmem:s17+$0xFFFFFF70]  }
0x157: {  	[tilespmem:s17+$0x20] =	vst v4;
	v2 =	vld [tilespmem:s26+$0xFFFFFFF0]  }
0x158: {  	v3 =	vld [tilespmem:s26+$0x30];
	[tilespmem:s17+$0x60] =	vst v1  }
0x159: {  	v4 =	vld [tilespmem:s26+$0x70];
	v11 =	vmul.f32 v11, v63  }
0x15a: {  	v1 =	vld [tilespmem:s26+$0xB0]  }
0x15b: {  	s4 =	simm.s32 $0x0;
	s22 =	simm.s32 $0x18BD0;
	[tilespmem:s17+$0xFFFFFF30] =	vst v11;
	v11 =	vmul.f32 v15, v7;
	v7 =	vld [tilespmem:s17+$0xB0]  }
.LBB2_9:
0x15c: {  	v12 =	vld [tilespmem:s22+$0xC0];
	v5 =	vmul.f32 v5, v10;
	s26 =	sadd.s32 $0x200, s26  }
0x15d: {  	s4 =	sadd.s32 $0x8, s4;
	v10 =	vld [tilespmem:s26+$0xC0];
	[tilespmem:s17+$0xFFFFFF70] =	vst v11;
	v2 =	vmul.f32 v2, v9  }
0x15e: {  	p1 =	slt.u32 s4, $0x48;
	v9 =	vld [tilespmem:s26+$0xFFFFFF00];
	[tilespmem:s17+$0xFFFFFFB0] =	vst v5;
	v3 =	vmul.f32 v3, v8  }
0x15f: {  	v5 =	vld [tilespmem:s22+$0xFFFFFF40];
	[tilespmem:s17+$0xFFFFFFF0] =	vst v2;
	v2 =	vmul.f32 v4, v6  }
0x160: {  	v4 =	vld [tilespmem:s26+$0xFFFFFF40];
	[tilespmem:s17+$0x30] =	vst v3;
	v1 =	vmul.f32 v1, v7  }
0x161: {  	v3 =	vld [tilespmem:s22+$0xFFFFFF80];
	[tilespmem:s17+$0x70] =	vst v2  }
0x162: {  	v2 =	vld [tilespmem:s26+$0xFFFFFF80];
	v6 =	vmul.f32 v10, v12;
	[tilespmem:s17+$0xB0] =	vst v1;
	s17 =	smov.u32 s22  }
0x163: {  	v1 =	vld [tilespmem:s22+$0xFFFFFFC0]  }
0x164: {  	[tilespmem:s22+$0xC0] =	vst v6;
	v6 =	vld [tilespmem:s22+$0xD0]  }
0x165: {  	v4 =	vmul.f32 v4, v5;
	v5 =	vld [tilespmem:s26+$0xD0]  }
0x166: {  	v7 =	vld [tilespmem:s26+$0xFFFFFFC0]  }
0x167: {  	[tilespmem:s22+$0xFFFFFF40] =	vst v4;
	v2 =	vmul.f32 v2, v3;
	v3 =	vld [tilespmem:s22+$0x0]  }
0x168: {  	v4 =	vld [tilespmem:s26+$0x0]  }
0x169: {  	[tilespmem:s22+$0xFFFFFF80] =	vst v2;
	v2 =	vld [tilespmem:s22+$0x40]  }
0x16a: {  	v8 =	vld [tilespmem:s26+$0x40];
	v5 =	vmul.f32 v5, v6  }
0x16b: {  	v1 =	vmul.f32 v7, v1;
	v6 =	vld [tilespmem:s22+$0x80]  }
0x16c: {  	[tilespmem:s22+$0xD0] =	vst v5;
	v5 =	vld [tilespmem:s22+$0xE0]  }
0x16d: {  	[tilespmem:s22+$0xFFFFFFC0] =	vst v1;
	v1 =	vmul.f32 v4, v3;
	v3 =	vld [tilespmem:s26+$0xE0]  }
0x16e: {  	v4 =	vld [tilespmem:s26+$0x80]  }
0x16f: {  	v7 =	vld [tilespmem:s22+$0xFFFFFF00];
	[tilespmem:s22+$0x0] =	vst v1;
	v1 =	vmul.f32 v8, v2  }
0x170: {  	v2 =	vld [tilespmem:s26+$0xFFFFFF50]  }
0x171: {  	v8 =	vld [tilespmem:s26+$0xFFFFFF90];
	[tilespmem:s22+$0x40] =	vst v1  }
0x172: {  	v1 =	vld [tilespmem:s26+$0xFFFFFFD0];
	v3 =	vmul.f32 v3, v5  }
0x173: {  	v5 =	vld [tilespmem:s26+$0x10];
	v4 =	vmul.f32 v4, v6  }
0x174: {  	v6 =	vmul.f32 v9, v7;
	[tilespmem:s22+$0xE0] =	vst v3;
	v3 =	vld [tilespmem:s22+$0xF0]  }
0x175: {  	[tilespmem:s22+$0x80] =	vst v4;
	v4 =	vld [tilespmem:s26+$0xF0]  }
0x176: {  	[tilespmem:s22+$0xFFFFFF00] =	vst v6;
	v6 =	vld [tilespmem:s26+$0x50]  }
0x177: {  	v7 =	vld [tilespmem:s26+$0xFFFFFF10]  }
0x178: {  	v9 =	vld [tilespmem:s26+$0x90]  }
0x179: {  	v10 =	vld [tilespmem:s22+$0xFFFFFF10]  }
0x17a: {  	v11 =	vld [tilespmem:s22+$0xFFFFFF50];
	v3 =	vmul.f32 v4, v3  }
0x17b: {  	v4 =	vld [tilespmem:s22+$0xFFFFFF90]  }
0x17c: {  	v12 =	vld [tilespmem:s22+$0xFFFFFFD0];
	[tilespmem:s22+$0xF0] =	vst v3  }
0x17d: {  	v3 =	vld [tilespmem:s22+$0x10]  }
0x17e: {  	v7 =	vmul.f32 v7, v10;
	v10 =	vld [tilespmem:s22+$0x50]  }
0x17f: {  	v2 =	vmul.f32 v2, v11;
	v11 =	vld [tilespmem:s22+$0x90]  }
0x180: {  	[tilespmem:s22+$0xFFFFFF10] =	vst v7;
	v7 =	vld [tilespmem:s22+$0xFFFFFF20];
	v4 =	vmul.f32 v8, v4  }
0x181: {  	v8 =	vld [tilespmem:s26+$0xFFFFFF20];
	[tilespmem:s22+$0xFFFFFF50] =	vst v2;
	v1 =	vmul.f32 v1, v12  }
0x182: {  	v2 =	vld [tilespmem:s26+$0xFFFFFF60];
	[tilespmem:s22+$0xFFFFFF90] =	vst v4;
	v3 =	vmul.f32 v5, v3  }
0x183: {  	v4 =	vld [tilespmem:s26+$0xFFFFFFA0];
	[tilespmem:s22+$0xFFFFFFD0] =	vst v1;
	v1 =	vmul.f32 v6, v10  }
0x184: {  	v5 =	vld [tilespmem:s26+$0xFFFFFFE0];
	[tilespmem:s22+$0x10] =	vst v3;
	v3 =	vmul.f32 v9, v11  }
0x185: {  	v6 =	vld [tilespmem:s26+$0x20];
	[tilespmem:s22+$0x50] =	vst v1  }
0x186: {  	v1 =	vmul.f32 v8, v7;
	v7 =	vld [tilespmem:s26+$0x60];
	[tilespmem:s22+$0x90] =	vst v3  }
0x187: {  	v3 =	vld [tilespmem:s26+$0xA0]  }
0x188: {  	[tilespmem:s22+$0xFFFFFF20] =	vst v1;
	v1 =	vld [tilespmem:s22+$0xFFFFFF60]  }
0x189: {  	v8 =	vld [tilespmem:s22+$0xFFFFFFA0]  }
0x18a: {  	v9 =	vld [tilespmem:s22+$0xFFFFFFE0]  }
0x18b: {  	v10 =	vld [tilespmem:s22+$0x20]  }
0x18c: {  	v11 =	vld [tilespmem:s22+$0x60]  }
0x18d: {  	v1 =	vmul.f32 v2, v1;
	v12 =	vld [tilespmem:s22+$0xA0]  }
0x18e: {  	v13 =	vld [tilespmem:s26+$0xFFFFFF30];
	v2 =	vmul.f32 v4, v8  }
0x18f: {  	v4 =	vld [tilespmem:s22+$0xFFFFFF30];
	[tilespmem:s22+$0xFFFFFF60] =	vst v1;
	v1 =	vmul.f32 v5, v9  }
0x190: {  	v14 =	vld [tilespmem:s26+$0xFFFFFF70];
	[tilespmem:s22+$0xFFFFFFA0] =	vst v2;
	v6 =	vmul.f32 v6, v10  }
0x191: {  	v5 =	vld [tilespmem:s26+$0xFFFFFFB0];
	[tilespmem:s22+$0xFFFFFFE0] =	vst v1;
	v1 =	vmul.f32 v7, v11  }
0x192: {  	v2 =	vld [tilespmem:s26+$0xFFFFFFF0];
	[tilespmem:s22+$0x20] =	vst v6;
	v6 =	vmul.f32 v3, v12  }
0x193: {  	v3 =	vld [tilespmem:s26+$0x30];
	[tilespmem:s22+$0x60] =	vst v1  }
0x194: {  	v7 =	vmul.f32 v13, v4;
	v4 =	vld [tilespmem:s26+$0x70];
	[tilespmem:s22+$0xA0] =	vst v6  }
0x195: {  	v1 =	vld [tilespmem:s26+$0xB0]  }
0x196: {  	[tilespmem:s22+$0xFFFFFF30] =	vst v7;
	v7 =	vld [tilespmem:s22+$0xFFFFFF70]  }
.Ltmp3:
0x197: {  	v10 =	vld [tilespmem:s22+$0xFFFFFFB0];
	(pc) =	sbr.rel @p1 .LBB2_9-.Ltmp3, $4  }
0x198: {  	v9 =	vld [tilespmem:s22+$0xFFFFFFF0]  }
0x199: {  	v8 =	vld [tilespmem:s22+$0x30]  }
0x19a: {  	v6 =	vld [tilespmem:s22+$0x70]  }
0x19b: {  	s22 =	sadd.s32 $0x200, s22;
	v11 =	vmul.f32 v14, v7;
	v7 =	vld [tilespmem:s17+$0xB0]  }
0x19c: {  	v5 =	vmul.f32 v5, v10  }
0x19d: {  	[tilespmem:s17+$0xFFFFFF70] =	vst v11;
	v2 =	vmul.f32 v2, v9  }
0x19e: {  	[tilespmem:s17+$0xFFFFFFB0] =	vst v5;
	v3 =	vmul.f32 v3, v8  }
0x19f: {  	[tilespmem:s17+$0xFFFFFFF0] =	vst v2;
	v2 =	vmul.f32 v4, v6  }
0x1a0: {  	[tilespmem:s17+$0x30] =	vst v3;
	v1 =	vmul.f32 v1, v7  }
0x1a1: {  	[tilespmem:s17+$0x70] =	vst v2  }
0x1a2: {  	[tilespmem:s17+$0xB0] =	vst v1  }
0x1a3: {  	v1 =	vld @!p0 [tilespmem:$0x18880];
	_ =	sdelay $0x6  }
0x1a4: {  	s4 =	simm.s32 @!p0 $0x13880;
	v2 =	vimm.f32 @!p0 $1.000000000e+00  }
0x1a5: {  	[tilespmem:v1+s4+$0x0] =	vst.idx.add.f32.msk @!p0 $0xffff, v2  }
0x1a6: {  	v1 =	vld @!p0 [tilespmem:$0x18890];
	_ =	sdelay $0x7  }
0x1a7: {  	[tilespmem:v1+s4+$0x0] =	vst.idx.add.f32.msk @!p0 $0xffff, v2  }
0x1a8: {  	v1 =	vld @!p0 [tilespmem:$0x188A0];
	_ =	sdelay $0x7  }
0x1a9: {  	[tilespmem:v1+s4+$0x0] =	vst.idx.add.f32.msk @!p0 $0xffff, v2  }
0x1aa: {  	v1 =	vld @!p0 [tilespmem:$0x188B0];
	_ =	sdelay $0x7  }
0x1ab: {  	[tilespmem:v1+s4+$0x0] =	vst.idx.add.f32.msk @!p0 $0xffff, v2  }
0x1ac: {  	v1 =	vld @!p0 [tilespmem:$0x188C0];
	_ =	sdelay $0x7  }
0x1ad: {  	s22 =	sadd.s32 s15, s23;
	[tilespmem:v1+s4+$0x0] =	vst.idx.add.f32.msk @!p0 $0xffff, v2  }
0x1ae: {  	s4 =	sshll.u32 s22, $0x7;
	_ =	swait.ge [sflag:s10], $0x1400  }
0x1af: {  	s26 =	sshrl.u32 s22, $0x3;
	s4 =	sor.u32 s5, s4;
	[sflag:s10] =	ssyncset.done $0x0  }
0x1b0: {  	s17 =	sadd.s32 s7, s26;
	s4 =	sshrl.u32 s4, $0x3;
	[sflag:s10] =	ssyncadd.s32 $0xFFFFEC00  }
0x1b1: {  	[tilespmem:s12], [sflag:$0x1] =	stream.strided.gather [hbm4b:s17+s0], $0xA0, s11, s0, $0x38;
	[tilespmem:$0x1D970] =	vst v63  }
0x1b2: {  	s22 =	simm.s32 $0x17430;
	s4 =	sadd.s32 s6, s4  }
0x1b3: {  	[tilespmem:s22], [sflag:$0x1] =	stream.strided.gather [hbm4b:s4+s13], $0x1400, s14, s13, $0x38;
	[tilespmem:$0x1D970] =	vst v63  }
0x1b4: {  	s26 =	simm.s32 $0x18880  }
0x1b5: {  	[spmem:s3] =	stream.indirect.scatter.add.f32 [tilespmem:s20], [sflag:$0x6], $0x40, s26, s0, $0xb8;
	[tilespmem:$0x1D970] =	vst v63  }
0x1b6: {  	_ =	swait.ge [sflag:s31], $0x1400  }
0x1b7: {  	[sflag:s31] =	ssyncset.done $0x0  }
0x1b8: {  	[sflag:s31] =	ssyncadd.s32 $0xFFFFEC00  }
0x1b9: {  	_ =	swait.ge [sflag:s30], $0xA0  }
0x1ba: {  	[sflag:s30] =	ssyncset.done $0x0  }
0x1bb: {  	[sflag:s30] =	ssyncadd.s32 $0xFFFFFF60  }
0x1bc: {  	_ =	swait.ge [sflag:s30], $0x1400  }
0x1bd: {  	[sflag:s30] =	ssyncset.done $0x0  }
0x1be: {  	s17 =	simm.s32 $0x1B270;
	[sflag:s30] =	ssyncadd.s32 $0xFFFFEC00  }
0x1bf: {  	[tilespmem:s8], [sflag:$0x2] =	stream.indirect.gather [spmem:s2], $0x40, s12, s0, $0xb8;
	[tilespmem:$0x1D970] =	vst v63  }
0x1c0: {  	s26 =	simm.s32 $0x1C670;
	v1 =	vld [tilespmem:s17+$0xC0]  }
0x1c1: {  	v2 =	vld [tilespmem:s26+$0xC0]  }
0x1c2: {  	v3 =	vld [tilespmem:s26+$0xFFFFFF00]  }
0x1c3: {  	v4 =	vld [tilespmem:s17+$0xFFFFFF40]  }
0x1c4: {  	v5 =	vld [tilespmem:s17+$0xFFFFFF80]  }
0x1c5: {  	v7 =	vld [tilespmem:s26+$0xFFFFFF80]  }
0x1c6: {  	v8 =	vld [tilespmem:s17+$0xFFFFFFC0]  }
0x1c7: {  	v9 =	vld [tilespmem:s26+$0xFFFFFFC0]  }
0x1c8: {  	v10 =	vld [tilespmem:s17+$0x0]  }
0x1c9: {  	v11 =	vld [tilespmem:s26+$0x0]  }
0x1ca: {  	v12 =	vld [tilespmem:s26+$0x40]  }
0x1cb: {  	v57 =	vld [tilespmem:s17+$0xFFFFFF90]  }
0x1cc: {  	v58 =	vld [tilespmem:s17+$0xFFFFFFD0]  }
0x1cd: {  	v14 =	vld [tilespmem:s17+$0x10]  }
0x1ce: {  	v60 =	vld [tilespmem:s17+$0xFFFFFFE0];
	v1 =	vmul.f32 v2, v1  }
0x1cf: {  	v2 =	vld [tilespmem:s26+$0xFFFFFF40]  }
0x1d0: {  	[tilespmem:s17+$0xC0] =	vst v1;
	v1 =	vld [tilespmem:s17+$0xD0]  }
0x1d1: {  	v6 =	vld [tilespmem:s26+$0xD0]  }
0x1d2: {  	v61 =	vld [tilespmem:s17+$0x20]  }
0x1d3: {  	v62 =	vld [tilespmem:s17+$0x60];
	v5 =	vmul.f32 v7, v5  }
0x1d4: {  	v63 =	vld [tilespmem:s17+$0xFFFFFF30];
	v2 =	vmul.f32 v2, v4  }
0x1d5: {  	v7 =	vld [tilespmem:s26+$0x80];
	[tilespmem:s17+$0xFFFFFF80] =	vst v5  }
0x1d6: {  	v5 =	vmul.f32 v11, v10;
	v11 =	vld [tilespmem:s17+$0xFFFFFF50];
	[tilespmem:s17+$0xFFFFFF40] =	vst v2;
	v1 =	vmul.f32 v6, v1  }
0x1d7: {  	v2 =	vmul.f32 v9, v8;
	v9 =	vld [tilespmem:s26+$0xFFFFFF50]  }
0x1d8: {  	[tilespmem:s17+$0xD0] =	vst v1;
	v1 =	vld [tilespmem:s17+$0xE0]  }
0x1d9: {  	v13 =	vld [tilespmem:s26+$0xE0]  }
0x1da: {  	v4 =	vld [tilespmem:s17+$0x80]  }
0x1db: {  	[tilespmem:s17+$0x0] =	vst v5;
	v8 =	vld [tilespmem:s17+$0xFFFFFF00]  }
0x1dc: {  	v10 =	vld [tilespmem:s26+$0x10]  }
0x1dd: {  	v6 =	vld [tilespmem:s17+$0x40];
	v9 =	vmul.f32 v9, v11  }
0x1de: {  	[tilespmem:s17+$0xFFFFFFC0] =	vst v2;
	v2 =	vld [tilespmem:s26+$0xFFFFFF90];
	v1 =	vmul.f32 v13, v1  }
0x1df: {  	v5 =	vld [tilespmem:s26+$0xFFFFFFD0];
	[tilespmem:s17+$0xFFFFFF50] =	vst v9  }
0x1e0: {  	v11 =	vld [tilespmem:s17+$0x90];
	[tilespmem:s17+$0xE0] =	vst v1;
	v1 =	vmul.f32 v3, v8  }
0x1e1: {  	v9 =	vld [tilespmem:s26+$0xFFFFFF60];
	v3 =	vmul.f32 v7, v4  }
0x1e2: {  	v6 =	vmul.f32 v12, v6;
	v8 =	vld [tilespmem:s17+$0xF0];
	[tilespmem:s17+$0xFFFFFF00] =	vst v1  }
0x1e3: {  	v2 =	vmul.f32 v2, v57;
	[tilespmem:s17+$0x80] =	vst v3;
	v3 =	vld [tilespmem:s17+$0xFFFFFF10]  }
0x1e4: {  	[tilespmem:s17+$0x40] =	vst v6;
	v4 =	vld [tilespmem:s26+$0xFFFFFF10]  }
0x1e5: {  	[tilespmem:s17+$0xFFFFFF90] =	vst v2;
	v2 =	vmul.f32 v10, v14;
	v6 =	vld [tilespmem:s26+$0xF0]  }
0x1e6: {  	v5 =	vmul.f32 v5, v58;
	v10 =	vld [tilespmem:s26+$0xFFFFFFA0]  }
0x1e7: {  	[tilespmem:s17+$0x10] =	vst v2;
	v7 =	vld [tilespmem:s26+$0x90]  }
0x1e8: {  	[tilespmem:s17+$0xFFFFFFD0] =	vst v5;
	v5 =	vld [tilespmem:s26+$0x20]  }
0x1e9: {  	v1 =	vld [tilespmem:s26+$0x50];
	v3 =	vmul.f32 v4, v3  }
0x1ea: {  	v6 =	vmul.f32 v6, v8;
	v8 =	vld [tilespmem:s17+$0x30]  }
0x1eb: {  	[tilespmem:s17+$0xFFFFFF10] =	vst v3;
	v3 =	vld [tilespmem:s17+$0xFFFFFF20]  }
0x1ec: {  	v2 =	vmul.f32 v7, v11;
	v59 =	vld [tilespmem:s26+$0xFFFFFF20]  }
0x1ed: {  	v4 =	vld [tilespmem:s17+$0x50]  }
0x1ee: {  	[tilespmem:s17+$0x90] =	vst v2;
	v2 =	vld [tilespmem:s17+$0xFFFFFF60]  }
0x1ef: {  	v11 =	vld [tilespmem:s17+$0xFFFFFFA0]  }
0x1f0: {  	[tilespmem:s17+$0xF0] =	vst v6;
	v6 =	vld [tilespmem:s17+$0x70]  }
0x1f1: {  	v7 =	vld [tilespmem:s26+$0xA0];
	v3 =	vmul.f32 v59, v3  }
0x1f2: {  	v1 =	vmul.f32 v1, v4;
	v4 =	vld [tilespmem:s26+$0xFFFFFFE0]  }
0x1f3: {  	v2 =	vmul.f32 v9, v2;
	[tilespmem:s17+$0xFFFFFF20] =	vst v3;
	v3 =	vld [tilespmem:s17+$0xA0]  }
0x1f4: {  	[tilespmem:s17+$0x50] =	vst v1;
	v9 =	vmul.f32 v10, v11;
	v10 =	vld [tilespmem:s17+$0xFFFFFFB0]  }
0x1f5: {  	v1 =	vld [tilespmem:s26+$0x60];
	[tilespmem:s17+$0xFFFFFF60] =	vst v2  }
0x1f6: {  	[tilespmem:s17+$0xFFFFFFA0] =	vst v9;
	v9 =	vld [tilespmem:s17+$0xFFFFFFF0]  }
0x1f7: {  	v2 =	vmul.f32 v4, v60;
	v15 =	vld [tilespmem:s26+$0xFFFFFF70]  }
0x1f8: {  	v11 =	vld [tilespmem:s26+$0xFFFFFF30];
	v7 =	vmul.f32 v7, v3  }
0x1f9: {  	v4 =	vmul.f32 v5, v61;
	v5 =	vld [tilespmem:s26+$0xFFFFFFB0];
	[tilespmem:s17+$0xFFFFFFE0] =	vst v2  }
0x1fa: {  	v1 =	vmul.f32 v1, v62;
	[tilespmem:s17+$0xA0] =	vst v7;
	v7 =	vld [tilespmem:s17+$0xFFFFFF70]  }
0x1fb: {  	[tilespmem:s17+$0x20] =	vst v4;
	v2 =	vld [tilespmem:s26+$0xFFFFFFF0]  }
0x1fc: {  	v3 =	vld [tilespmem:s26+$0x30];
	[tilespmem:s17+$0x60] =	vst v1  }
0x1fd: {  	v4 =	vld [tilespmem:s26+$0x70];
	v11 =	vmul.f32 v11, v63  }
0x1fe: {  	v1 =	vld [tilespmem:s26+$0xB0]  }
0x1ff: {  	s4 =	simm.s32 $0x0;
	s22 =	simm.s32 $0x1B470;
	[tilespmem:s17+$0xFFFFFF30] =	vst v11;
	v11 =	vmul.f32 v15, v7;
	v7 =	vld [tilespmem:s17+$0xB0]  }
.LBB2_11:
0x200: {  	v12 =	vld [tilespmem:s22+$0xC0];
	v5 =	vmul.f32 v5, v10;
	s26 =	sadd.s32 $0x200, s26  }
0x201: {  	s4 =	sadd.s32 $0x8, s4;
	v10 =	vld [tilespmem:s26+$0xC0];
	[tilespmem:s17+$0xFFFFFF70] =	vst v11;
	v2 =	vmul.f32 v2, v9  }
0x202: {  	p1 =	slt.u32 s4, $0x48;
	v9 =	vld [tilespmem:s26+$0xFFFFFF00];
	[tilespmem:s17+$0xFFFFFFB0] =	vst v5;
	v3 =	vmul.f32 v3, v8  }
0x203: {  	v5 =	vld [tilespmem:s22+$0xFFFFFF40];
	[tilespmem:s17+$0xFFFFFFF0] =	vst v2;
	v2 =	vmul.f32 v4, v6  }
0x204: {  	v4 =	vld [tilespmem:s26+$0xFFFFFF40];
	[tilespmem:s17+$0x30] =	vst v3;
	v1 =	vmul.f32 v1, v7  }
0x205: {  	v3 =	vld [tilespmem:s22+$0xFFFFFF80];
	[tilespmem:s17+$0x70] =	vst v2  }
0x206: {  	v2 =	vld [tilespmem:s26+$0xFFFFFF80];
	v6 =	vmul.f32 v10, v12;
	[tilespmem:s17+$0xB0] =	vst v1;
	s17 =	smov.u32 s22  }
0x207: {  	v1 =	vld [tilespmem:s22+$0xFFFFFFC0]  }
0x208: {  	[tilespmem:s22+$0xC0] =	vst v6;
	v6 =	vld [tilespmem:s22+$0xD0]  }
0x209: {  	v4 =	vmul.f32 v4, v5;
	v5 =	vld [tilespmem:s26+$0xD0]  }
0x20a: {  	v7 =	vld [tilespmem:s26+$0xFFFFFFC0]  }
0x20b: {  	[tilespmem:s22+$0xFFFFFF40] =	vst v4;
	v2 =	vmul.f32 v2, v3;
	v3 =	vld [tilespmem:s22+$0x0]  }
0x20c: {  	v4 =	vld [tilespmem:s26+$0x0]  }
0x20d: {  	[tilespmem:s22+$0xFFFFFF80] =	vst v2;
	v2 =	vld [tilespmem:s22+$0x40]  }
0x20e: {  	v8 =	vld [tilespmem:s26+$0x40];
	v5 =	vmul.f32 v5, v6  }
0x20f: {  	v1 =	vmul.f32 v7, v1;
	v6 =	vld [tilespmem:s22+$0x80]  }
0x210: {  	[tilespmem:s22+$0xD0] =	vst v5;
	v5 =	vld [tilespmem:s22+$0xE0]  }
0x211: {  	[tilespmem:s22+$0xFFFFFFC0] =	vst v1;
	v1 =	vmul.f32 v4, v3;
	v3 =	vld [tilespmem:s26+$0xE0]  }
0x212: {  	v4 =	vld [tilespmem:s26+$0x80]  }
0x213: {  	v7 =	vld [tilespmem:s22+$0xFFFFFF00];
	[tilespmem:s22+$0x0] =	vst v1;
	v1 =	vmul.f32 v8, v2  }
0x214: {  	v2 =	vld [tilespmem:s26+$0xFFFFFF50]  }
0x215: {  	v8 =	vld [tilespmem:s26+$0xFFFFFF90];
	[tilespmem:s22+$0x40] =	vst v1  }
0x216: {  	v1 =	vld [tilespmem:s26+$0xFFFFFFD0];
	v3 =	vmul.f32 v3, v5  }
0x217: {  	v5 =	vld [tilespmem:s26+$0x10];
	v4 =	vmul.f32 v4, v6  }
0x218: {  	v6 =	vmul.f32 v9, v7;
	[tilespmem:s22+$0xE0] =	vst v3;
	v3 =	vld [tilespmem:s22+$0xF0]  }
0x219: {  	[tilespmem:s22+$0x80] =	vst v4;
	v4 =	vld [tilespmem:s26+$0xF0]  }
0x21a: {  	[tilespmem:s22+$0xFFFFFF00] =	vst v6;
	v6 =	vld [tilespmem:s26+$0x50]  }
0x21b: {  	v7 =	vld [tilespmem:s26+$0xFFFFFF10]  }
0x21c: {  	v9 =	vld [tilespmem:s26+$0x90]  }
0x21d: {  	v10 =	vld [tilespmem:s22+$0xFFFFFF10]  }
0x21e: {  	v11 =	vld [tilespmem:s22+$0xFFFFFF50];
	v3 =	vmul.f32 v4, v3  }
0x21f: {  	v4 =	vld [tilespmem:s22+$0xFFFFFF90]  }
0x220: {  	v12 =	vld [tilespmem:s22+$0xFFFFFFD0];
	[tilespmem:s22+$0xF0] =	vst v3  }
0x221: {  	v3 =	vld [tilespmem:s22+$0x10]  }
0x222: {  	v7 =	vmul.f32 v7, v10;
	v10 =	vld [tilespmem:s22+$0x50]  }
0x223: {  	v2 =	vmul.f32 v2, v11;
	v11 =	vld [tilespmem:s22+$0x90]  }
0x224: {  	[tilespmem:s22+$0xFFFFFF10] =	vst v7;
	v7 =	vld [tilespmem:s22+$0xFFFFFF20];
	v4 =	vmul.f32 v8, v4  }
0x225: {  	v8 =	vld [tilespmem:s26+$0xFFFFFF20];
	[tilespmem:s22+$0xFFFFFF50] =	vst v2;
	v1 =	vmul.f32 v1, v12  }
0x226: {  	v2 =	vld [tilespmem:s26+$0xFFFFFF60];
	[tilespmem:s22+$0xFFFFFF90] =	vst v4;
	v3 =	vmul.f32 v5, v3  }
0x227: {  	v4 =	vld [tilespmem:s26+$0xFFFFFFA0];
	[tilespmem:s22+$0xFFFFFFD0] =	vst v1;
	v1 =	vmul.f32 v6, v10  }
0x228: {  	v5 =	vld [tilespmem:s26+$0xFFFFFFE0];
	[tilespmem:s22+$0x10] =	vst v3;
	v3 =	vmul.f32 v9, v11  }
0x229: {  	v6 =	vld [tilespmem:s26+$0x20];
	[tilespmem:s22+$0x50] =	vst v1  }
0x22a: {  	v1 =	vmul.f32 v8, v7;
	v7 =	vld [tilespmem:s26+$0x60];
	[tilespmem:s22+$0x90] =	vst v3  }
0x22b: {  	v3 =	vld [tilespmem:s26+$0xA0]  }
0x22c: {  	[tilespmem:s22+$0xFFFFFF20] =	vst v1;
	v1 =	vld [tilespmem:s22+$0xFFFFFF60]  }
0x22d: {  	v8 =	vld [tilespmem:s22+$0xFFFFFFA0]  }
0x22e: {  	v9 =	vld [tilespmem:s22+$0xFFFFFFE0]  }
0x22f: {  	v10 =	vld [tilespmem:s22+$0x20]  }
0x230: {  	v11 =	vld [tilespmem:s22+$0x60]  }
0x231: {  	v1 =	vmul.f32 v2, v1;
	v12 =	vld [tilespmem:s22+$0xA0]  }
0x232: {  	v13 =	vld [tilespmem:s26+$0xFFFFFF30];
	v2 =	vmul.f32 v4, v8  }
0x233: {  	v4 =	vld [tilespmem:s22+$0xFFFFFF30];
	[tilespmem:s22+$0xFFFFFF60] =	vst v1;
	v1 =	vmul.f32 v5, v9  }
0x234: {  	v14 =	vld [tilespmem:s26+$0xFFFFFF70];
	[tilespmem:s22+$0xFFFFFFA0] =	vst v2;
	v6 =	vmul.f32 v6, v10  }
0x235: {  	v5 =	vld [tilespmem:s26+$0xFFFFFFB0];
	[tilespmem:s22+$0xFFFFFFE0] =	vst v1;
	v1 =	vmul.f32 v7, v11  }
0x236: {  	v2 =	vld [tilespmem:s26+$0xFFFFFFF0];
	[tilespmem:s22+$0x20] =	vst v6;
	v6 =	vmul.f32 v3, v12  }
0x237: {  	v3 =	vld [tilespmem:s26+$0x30];
	[tilespmem:s22+$0x60] =	vst v1  }
0x238: {  	v7 =	vmul.f32 v13, v4;
	v4 =	vld [tilespmem:s26+$0x70];
	[tilespmem:s22+$0xA0] =	vst v6  }
0x239: {  	v1 =	vld [tilespmem:s26+$0xB0]  }
0x23a: {  	[tilespmem:s22+$0xFFFFFF30] =	vst v7;
	v7 =	vld [tilespmem:s22+$0xFFFFFF70]  }
.Ltmp4:
0x23b: {  	v10 =	vld [tilespmem:s22+$0xFFFFFFB0];
	(pc) =	sbr.rel @p1 .LBB2_11-.Ltmp4, $4  }
0x23c: {  	v9 =	vld [tilespmem:s22+$0xFFFFFFF0]  }
0x23d: {  	v8 =	vld [tilespmem:s22+$0x30]  }
0x23e: {  	v6 =	vld [tilespmem:s22+$0x70]  }
0x23f: {  	s22 =	sadd.s32 $0x200, s22;
	v11 =	vmul.f32 v14, v7;
	v7 =	vld [tilespmem:s17+$0xB0]  }
0x240: {  	v5 =	vmul.f32 v5, v10  }
0x241: {  	[tilespmem:s17+$0xFFFFFF70] =	vst v11;
	v2 =	vmul.f32 v2, v9  }
0x242: {  	[tilespmem:s17+$0xFFFFFFB0] =	vst v5;
	v3 =	vmul.f32 v3, v8  }
0x243: {  	[tilespmem:s17+$0xFFFFFFF0] =	vst v2;
	v2 =	vmul.f32 v4, v6  }
0x244: {  	[tilespmem:s17+$0x30] =	vst v3;
	v1 =	vmul.f32 v1, v7  }
0x245: {  	[tilespmem:s17+$0x70] =	vst v2  }
0x246: {  	[tilespmem:s17+$0xB0] =	vst v1  }
0x247: {  	v1 =	vld @!p0 [tilespmem:$0x1B120];
	_ =	sdelay $0x6  }
0x248: {  	s4 =	simm.s32 @!p0 $0x13880;
	v2 =	vimm.f32 @!p0 $1.000000000e+00  }
0x249: {  	[tilespmem:v1+s4+$0x0] =	vst.idx.add.f32.msk @!p0 $0xffff, v2  }
0x24a: {  	v1 =	vld @!p0 [tilespmem:$0x1B130];
	_ =	sdelay $0x7  }
0x24b: {  	[tilespmem:v1+s4+$0x0] =	vst.idx.add.f32.msk @!p0 $0xffff, v2  }
0x24c: {  	v1 =	vld @!p0 [tilespmem:$0x1B140];
	_ =	sdelay $0x7  }
0x24d: {  	[tilespmem:v1+s4+$0x0] =	vst.idx.add.f32.msk @!p0 $0xffff, v2  }
0x24e: {  	v1 =	vld @!p0 [tilespmem:$0x1B150];
	_ =	sdelay $0x7  }
0x24f: {  	[tilespmem:v1+s4+$0x0] =	vst.idx.add.f32.msk @!p0 $0xffff, v2  }
0x250: {  	v1 =	vld @!p0 [tilespmem:$0x1B160];
	_ =	sdelay $0x7  }
0x251: {  	s25 =	sadd.s32 $0x1, s25;
	[tilespmem:v1+s4+$0x0] =	vst.idx.add.f32.msk @!p0 $0xffff, v2  }
0x252: {  	p1 =	sne.s32 s25, $0x29;
	s17 =	sadd.s32 s15, s24;
	_ =	swait.ge [sflag:s1], $0x1400  }
0x253: {  	s15 =	sshrl.u32 s17, $0x3;
	s4 =	sshll.u32 s17, $0x7;
	[sflag:s1] =	ssyncset.done $0x0  }
0x254: {  	s15 =	sadd.s32 s7, s15;
	s4 =	sor.u32 s5, s4;
	[sflag:s1] =	ssyncadd.s32 $0xFFFFEC00  }
0x255: {  	[tilespmem:s16], [sflag:$0x4] =	stream.strided.gather [hbm4b:s15+s0], $0xA0, s11, s0, $0x38;
	[tilespmem:$0x1D970] =	vst v63  }
.Ltmp5:
0x256: {  	s4 =	sshrl.u32 s4, $0x3;
	(pc) =	sbr.rel @p1 .LBB2_6-.Ltmp5, $4  }
0x257: {  	s22 =	simm.s32 $0x19CD0;
	s4 =	sadd.s32 s6, s4  }
0x258: {  	[tilespmem:s22], [sflag:$0x4] =	stream.strided.gather [hbm4b:s4+s13], $0x1400, s14, s13, $0x38;
	[tilespmem:$0x1D970] =	vst v63  }
0x259: {  	s26 =	simm.s32 $0x1B120  }
0x25a: {  	[spmem:s3] =	stream.indirect.scatter.add.f32 [tilespmem:s9], [sflag:$0x9], $0x40, s26, s0, $0xb8;
	[tilespmem:$0x1D970] =	vst v63  }
0x25b: {  	_ =	swait.ge [sflag:s18], $0x1400  }
0x25c: {  	[sflag:s18] =	ssyncset.done $0x0  }
0x25d: {  	[sflag:s18] =	ssyncadd.s32 $0xFFFFEC00  }
0x25e: {  	_ =	swait.ge [sflag:s19], $0xA0  }
0x25f: {  	[sflag:s19] =	ssyncset.done $0x0  }
0x260: {  	[sflag:s19] =	ssyncadd.s32 $0xFFFFFF60  }
0x261: {  	_ =	swait.ge [sflag:s19], $0x1400  }
0x262: {  	[sflag:s19] =	ssyncset.done $0x0  }
0x263: {  	s15 =	simm.s32 $0x16130;
	[sflag:s19] =	ssyncadd.s32 $0xFFFFEC00  }
0x264: {  	[tilespmem:s20], [sflag:$0x5] =	stream.indirect.gather [spmem:s2], $0x40, s16, s0, $0xb8;
	[tilespmem:$0x1D970] =	vst v63  }
0x265: {  	s17 =	simm.s32 $0x17530;
	v1 =	vld [tilespmem:s15+$0xC0]  }
0x266: {  	v2 =	vld [tilespmem:s17+$0xC0]  }
0x267: {  	v3 =	vld [tilespmem:s17+$0xFFFFFF00]  }
0x268: {  	v4 =	vld [tilespmem:s15+$0xFFFFFF40]  }
0x269: {  	v5 =	vld [tilespmem:s15+$0xFFFFFF80]  }
0x26a: {  	v7 =	vld [tilespmem:s17+$0xFFFFFF80]  }
0x26b: {  	v8 =	vld [tilespmem:s15+$0xFFFFFFC0]  }
0x26c: {  	v9 =	vld [tilespmem:s17+$0xFFFFFFC0]  }
0x26d: {  	v10 =	vld [tilespmem:s15+$0x0]  }
0x26e: {  	v11 =	vld [tilespmem:s17+$0x0]  }
0x26f: {  	v12 =	vld [tilespmem:s17+$0x40]  }
0x270: {  	v57 =	vld [tilespmem:s15+$0xFFFFFF90]  }
0x271: {  	v58 =	vld [tilespmem:s15+$0xFFFFFFD0]  }
0x272: {  	v14 =	vld [tilespmem:s15+$0x10]  }
0x273: {  	v60 =	vld [tilespmem:s15+$0xFFFFFFE0];
	v1 =	vmul.f32 v2, v1  }
0x274: {  	v2 =	vld [tilespmem:s17+$0xFFFFFF40]  }
0x275: {  	[tilespmem:s15+$0xC0] =	vst v1;
	v1 =	vld [tilespmem:s15+$0xD0]  }
0x276: {  	v6 =	vld [tilespmem:s17+$0xD0]  }
0x277: {  	v61 =	vld [tilespmem:s15+$0x20]  }
0x278: {  	v62 =	vld [tilespmem:s15+$0x60];
	v5 =	vmul.f32 v7, v5  }
0x279: {  	v63 =	vld [tilespmem:s15+$0xFFFFFF30];
	v2 =	vmul.f32 v2, v4  }
0x27a: {  	v7 =	vld [tilespmem:s17+$0x80];
	[tilespmem:s15+$0xFFFFFF80] =	vst v5  }
0x27b: {  	v5 =	vmul.f32 v11, v10;
	v11 =	vld [tilespmem:s15+$0xFFFFFF50];
	[tilespmem:s15+$0xFFFFFF40] =	vst v2;
	v1 =	vmul.f32 v6, v1  }
0x27c: {  	v2 =	vmul.f32 v9, v8;
	v9 =	vld [tilespmem:s17+$0xFFFFFF50]  }
0x27d: {  	[tilespmem:s15+$0xD0] =	vst v1;
	v1 =	vld [tilespmem:s15+$0xE0]  }
0x27e: {  	v13 =	vld [tilespmem:s17+$0xE0]  }
0x27f: {  	v4 =	vld [tilespmem:s15+$0x80]  }
0x280: {  	[tilespmem:s15+$0x0] =	vst v5;
	v8 =	vld [tilespmem:s15+$0xFFFFFF00]  }
0x281: {  	v10 =	vld [tilespmem:s17+$0x10]  }
0x282: {  	v6 =	vld [tilespmem:s15+$0x40];
	v9 =	vmul.f32 v9, v11  }
0x283: {  	[tilespmem:s15+$0xFFFFFFC0] =	vst v2;
	v2 =	vld [tilespmem:s17+$0xFFFFFF90];
	v1 =	vmul.f32 v13, v1  }
0x284: {  	v5 =	vld [tilespmem:s17+$0xFFFFFFD0];
	[tilespmem:s15+$0xFFFFFF50] =	vst v9  }
0x285: {  	v11 =	vld [tilespmem:s15+$0x90];
	[tilespmem:s15+$0xE0] =	vst v1;
	v1 =	vmul.f32 v3, v8  }
0x286: {  	v9 =	vld [tilespmem:s17+$0xFFFFFF60];
	v3 =	vmul.f32 v7, v4  }
0x287: {  	v6 =	vmul.f32 v12, v6;
	v8 =	vld [tilespmem:s15+$0xF0];
	[tilespmem:s15+$0xFFFFFF00] =	vst v1  }
0x288: {  	v2 =	vmul.f32 v2, v57;
	[tilespmem:s15+$0x80] =	vst v3;
	v3 =	vld [tilespmem:s15+$0xFFFFFF10]  }
0x289: {  	[tilespmem:s15+$0x40] =	vst v6;
	v4 =	vld [tilespmem:s17+$0xFFFFFF10]  }
0x28a: {  	[tilespmem:s15+$0xFFFFFF90] =	vst v2;
	v2 =	vmul.f32 v10, v14;
	v6 =	vld [tilespmem:s17+$0xF0]  }
0x28b: {  	v5 =	vmul.f32 v5, v58;
	v10 =	vld [tilespmem:s17+$0xFFFFFFA0]  }
0x28c: {  	[tilespmem:s15+$0x10] =	vst v2;
	v7 =	vld [tilespmem:s17+$0x90]  }
0x28d: {  	[tilespmem:s15+$0xFFFFFFD0] =	vst v5;
	v5 =	vld [tilespmem:s17+$0x20]  }
0x28e: {  	v1 =	vld [tilespmem:s17+$0x50];
	v3 =	vmul.f32 v4, v3  }
0x28f: {  	v6 =	vmul.f32 v6, v8;
	v8 =	vld [tilespmem:s15+$0x30]  }
0x290: {  	[tilespmem:s15+$0xFFFFFF10] =	vst v3;
	v3 =	vld [tilespmem:s15+$0xFFFFFF20]  }
0x291: {  	v2 =	vmul.f32 v7, v11;
	v59 =	vld [tilespmem:s17+$0xFFFFFF20]  }
0x292: {  	v4 =	vld [tilespmem:s15+$0x50]  }
0x293: {  	[tilespmem:s15+$0x90] =	vst v2;
	v2 =	vld [tilespmem:s15+$0xFFFFFF60]  }
0x294: {  	v11 =	vld [tilespmem:s15+$0xFFFFFFA0]  }
0x295: {  	[tilespmem:s15+$0xF0] =	vst v6;
	v6 =	vld [tilespmem:s15+$0x70]  }
0x296: {  	v7 =	vld [tilespmem:s17+$0xA0];
	v3 =	vmul.f32 v59, v3  }
0x297: {  	v1 =	vmul.f32 v1, v4;
	v4 =	vld [tilespmem:s17+$0xFFFFFFE0]  }
0x298: {  	v2 =	vmul.f32 v9, v2;
	[tilespmem:s15+$0xFFFFFF20] =	vst v3;
	v3 =	vld [tilespmem:s15+$0xA0]  }
0x299: {  	[tilespmem:s15+$0x50] =	vst v1;
	v9 =	vmul.f32 v10, v11;
	v10 =	vld [tilespmem:s15+$0xFFFFFFB0]  }
0x29a: {  	v1 =	vld [tilespmem:s17+$0x60];
	[tilespmem:s15+$0xFFFFFF60] =	vst v2  }
0x29b: {  	[tilespmem:s15+$0xFFFFFFA0] =	vst v9;
	v9 =	vld [tilespmem:s15+$0xFFFFFFF0]  }
0x29c: {  	v2 =	vmul.f32 v4, v60;
	v15 =	vld [tilespmem:s17+$0xFFFFFF70]  }
0x29d: {  	v11 =	vld [tilespmem:s17+$0xFFFFFF30];
	v7 =	vmul.f32 v7, v3  }
0x29e: {  	v4 =	vmul.f32 v5, v61;
	v5 =	vld [tilespmem:s17+$0xFFFFFFB0];
	[tilespmem:s15+$0xFFFFFFE0] =	vst v2  }
0x29f: {  	v1 =	vmul.f32 v1, v62;
	[tilespmem:s15+$0xA0] =	vst v7;
	v7 =	vld [tilespmem:s15+$0xFFFFFF70]  }
0x2a0: {  	[tilespmem:s15+$0x20] =	vst v4;
	v2 =	vld [tilespmem:s17+$0xFFFFFFF0]  }
0x2a1: {  	v3 =	vld [tilespmem:s17+$0x30];
	[tilespmem:s15+$0x60] =	vst v1  }
0x2a2: {  	v4 =	vld [tilespmem:s17+$0x70];
	v11 =	vmul.f32 v11, v63  }
0x2a3: {  	v1 =	vld [tilespmem:s17+$0xB0]  }
0x2a4: {  	s4 =	simm.s32 $0x0;
	s22 =	simm.s32 $0x16330;
	[tilespmem:s15+$0xFFFFFF30] =	vst v11;
	v11 =	vmul.f32 v15, v7;
	v7 =	vld [tilespmem:s15+$0xB0]  }
.LBB2_14:
0x2a5: {  	v12 =	vld [tilespmem:s22+$0xC0];
	v5 =	vmul.f32 v5, v10;
	s17 =	sadd.s32 $0x200, s17  }
0x2a6: {  	s4 =	sadd.s32 $0x8, s4;
	v10 =	vld [tilespmem:s17+$0xC0];
	[tilespmem:s15+$0xFFFFFF70] =	vst v11;
	v2 =	vmul.f32 v2, v9  }
0x2a7: {  	p1 =	slt.u32 s4, $0x48;
	v9 =	vld [tilespmem:s17+$0xFFFFFF00];
	[tilespmem:s15+$0xFFFFFFB0] =	vst v5;
	v3 =	vmul.f32 v3, v8  }
0x2a8: {  	v5 =	vld [tilespmem:s22+$0xFFFFFF40];
	[tilespmem:s15+$0xFFFFFFF0] =	vst v2;
	v2 =	vmul.f32 v4, v6  }
0x2a9: {  	v4 =	vld [tilespmem:s17+$0xFFFFFF40];
	[tilespmem:s15+$0x30] =	vst v3;
	v1 =	vmul.f32 v1, v7  }
0x2aa: {  	v3 =	vld [tilespmem:s22+$0xFFFFFF80];
	[tilespmem:s15+$0x70] =	vst v2  }
0x2ab: {  	v2 =	vld [tilespmem:s17+$0xFFFFFF80];
	v6 =	vmul.f32 v10, v12;
	[tilespmem:s15+$0xB0] =	vst v1;
	s15 =	smov.u32 s22  }
0x2ac: {  	v1 =	vld [tilespmem:s22+$0xFFFFFFC0]  }
0x2ad: {  	[tilespmem:s22+$0xC0] =	vst v6;
	v6 =	vld [tilespmem:s22+$0xD0]  }
0x2ae: {  	v4 =	vmul.f32 v4, v5;
	v5 =	vld [tilespmem:s17+$0xD0]  }
0x2af: {  	v7 =	vld [tilespmem:s17+$0xFFFFFFC0]  }
0x2b0: {  	[tilespmem:s22+$0xFFFFFF40] =	vst v4;
	v2 =	vmul.f32 v2, v3;
	v3 =	vld [tilespmem:s22+$0x0]  }
0x2b1: {  	v4 =	vld [tilespmem:s17+$0x0]  }
0x2b2: {  	[tilespmem:s22+$0xFFFFFF80] =	vst v2;
	v2 =	vld [tilespmem:s22+$0x40]  }
0x2b3: {  	v8 =	vld [tilespmem:s17+$0x40];
	v5 =	vmul.f32 v5, v6  }
0x2b4: {  	v1 =	vmul.f32 v7, v1;
	v6 =	vld [tilespmem:s22+$0x80]  }
0x2b5: {  	[tilespmem:s22+$0xD0] =	vst v5;
	v5 =	vld [tilespmem:s22+$0xE0]  }
0x2b6: {  	[tilespmem:s22+$0xFFFFFFC0] =	vst v1;
	v1 =	vmul.f32 v4, v3;
	v3 =	vld [tilespmem:s17+$0xE0]  }
0x2b7: {  	v4 =	vld [tilespmem:s17+$0x80]  }
0x2b8: {  	v7 =	vld [tilespmem:s22+$0xFFFFFF00];
	[tilespmem:s22+$0x0] =	vst v1;
	v1 =	vmul.f32 v8, v2  }
0x2b9: {  	v2 =	vld [tilespmem:s17+$0xFFFFFF50]  }
0x2ba: {  	v8 =	vld [tilespmem:s17+$0xFFFFFF90];
	[tilespmem:s22+$0x40] =	vst v1  }
0x2bb: {  	v1 =	vld [tilespmem:s17+$0xFFFFFFD0];
	v3 =	vmul.f32 v3, v5  }
0x2bc: {  	v5 =	vld [tilespmem:s17+$0x10];
	v4 =	vmul.f32 v4, v6  }
0x2bd: {  	v6 =	vmul.f32 v9, v7;
	[tilespmem:s22+$0xE0] =	vst v3;
	v3 =	vld [tilespmem:s22+$0xF0]  }
0x2be: {  	[tilespmem:s22+$0x80] =	vst v4;
	v4 =	vld [tilespmem:s17+$0xF0]  }
0x2bf: {  	[tilespmem:s22+$0xFFFFFF00] =	vst v6;
	v6 =	vld [tilespmem:s17+$0x50]  }
0x2c0: {  	v7 =	vld [tilespmem:s17+$0xFFFFFF10]  }
0x2c1: {  	v9 =	vld [tilespmem:s17+$0x90]  }
0x2c2: {  	v10 =	vld [tilespmem:s22+$0xFFFFFF10]  }
0x2c3: {  	v11 =	vld [tilespmem:s22+$0xFFFFFF50];
	v3 =	vmul.f32 v4, v3  }
0x2c4: {  	v4 =	vld [tilespmem:s22+$0xFFFFFF90]  }
0x2c5: {  	v12 =	vld [tilespmem:s22+$0xFFFFFFD0];
	[tilespmem:s22+$0xF0] =	vst v3  }
0x2c6: {  	v3 =	vld [tilespmem:s22+$0x10]  }
0x2c7: {  	v7 =	vmul.f32 v7, v10;
	v10 =	vld [tilespmem:s22+$0x50]  }
0x2c8: {  	v2 =	vmul.f32 v2, v11;
	v11 =	vld [tilespmem:s22+$0x90]  }
0x2c9: {  	[tilespmem:s22+$0xFFFFFF10] =	vst v7;
	v7 =	vld [tilespmem:s22+$0xFFFFFF20];
	v4 =	vmul.f32 v8, v4  }
0x2ca: {  	v8 =	vld [tilespmem:s17+$0xFFFFFF20];
	[tilespmem:s22+$0xFFFFFF50] =	vst v2;
	v1 =	vmul.f32 v1, v12  }
0x2cb: {  	v2 =	vld [tilespmem:s17+$0xFFFFFF60];
	[tilespmem:s22+$0xFFFFFF90] =	vst v4;
	v3 =	vmul.f32 v5, v3  }
0x2cc: {  	v4 =	vld [tilespmem:s17+$0xFFFFFFA0];
	[tilespmem:s22+$0xFFFFFFD0] =	vst v1;
	v1 =	vmul.f32 v6, v10  }
0x2cd: {  	v5 =	vld [tilespmem:s17+$0xFFFFFFE0];
	[tilespmem:s22+$0x10] =	vst v3;
	v3 =	vmul.f32 v9, v11  }
0x2ce: {  	v6 =	vld [tilespmem:s17+$0x20];
	[tilespmem:s22+$0x50] =	vst v1  }
0x2cf: {  	v1 =	vmul.f32 v8, v7;
	v7 =	vld [tilespmem:s17+$0x60];
	[tilespmem:s22+$0x90] =	vst v3  }
0x2d0: {  	v3 =	vld [tilespmem:s17+$0xA0]  }
0x2d1: {  	[tilespmem:s22+$0xFFFFFF20] =	vst v1;
	v1 =	vld [tilespmem:s22+$0xFFFFFF60]  }
0x2d2: {  	v8 =	vld [tilespmem:s22+$0xFFFFFFA0]  }
0x2d3: {  	v9 =	vld [tilespmem:s22+$0xFFFFFFE0]  }
0x2d4: {  	v10 =	vld [tilespmem:s22+$0x20]  }
0x2d5: {  	v11 =	vld [tilespmem:s22+$0x60]  }
0x2d6: {  	v1 =	vmul.f32 v2, v1;
	v12 =	vld [tilespmem:s22+$0xA0]  }
0x2d7: {  	v13 =	vld [tilespmem:s17+$0xFFFFFF30];
	v2 =	vmul.f32 v4, v8  }
0x2d8: {  	v4 =	vld [tilespmem:s22+$0xFFFFFF30];
	[tilespmem:s22+$0xFFFFFF60] =	vst v1;
	v1 =	vmul.f32 v5, v9  }
0x2d9: {  	v14 =	vld [tilespmem:s17+$0xFFFFFF70];
	[tilespmem:s22+$0xFFFFFFA0] =	vst v2;
	v6 =	vmul.f32 v6, v10  }
0x2da: {  	v5 =	vld [tilespmem:s17+$0xFFFFFFB0];
	[tilespmem:s22+$0xFFFFFFE0] =	vst v1;
	v1 =	vmul.f32 v7, v11  }
0x2db: {  	v2 =	vld [tilespmem:s17+$0xFFFFFFF0];
	[tilespmem:s22+$0x20] =	vst v6;
	v6 =	vmul.f32 v3, v12  }
0x2dc: {  	v3 =	vld [tilespmem:s17+$0x30];
	[tilespmem:s22+$0x60] =	vst v1  }
0x2dd: {  	v7 =	vmul.f32 v13, v4;
	v4 =	vld [tilespmem:s17+$0x70];
	[tilespmem:s22+$0xA0] =	vst v6  }
0x2de: {  	v1 =	vld [tilespmem:s17+$0xB0]  }
0x2df: {  	[tilespmem:s22+$0xFFFFFF30] =	vst v7;
	v7 =	vld [tilespmem:s22+$0xFFFFFF70]  }
.Ltmp6:
0x2e0: {  	v10 =	vld [tilespmem:s22+$0xFFFFFFB0];
	(pc) =	sbr.rel @p1 .LBB2_14-.Ltmp6, $4  }
0x2e1: {  	v9 =	vld [tilespmem:s22+$0xFFFFFFF0]  }
0x2e2: {  	v8 =	vld [tilespmem:s22+$0x30]  }
0x2e3: {  	v6 =	vld [tilespmem:s22+$0x70]  }
0x2e4: {  	s22 =	sadd.s32 $0x200, s22;
	v11 =	vmul.f32 v14, v7;
	v7 =	vld [tilespmem:s15+$0xB0]  }
0x2e5: {  	v5 =	vmul.f32 v5, v10  }
0x2e6: {  	[tilespmem:s15+$0xFFFFFF70] =	vst v11;
	v2 =	vmul.f32 v2, v9  }
0x2e7: {  	[tilespmem:s15+$0xFFFFFFB0] =	vst v5;
	v3 =	vmul.f32 v3, v8  }
0x2e8: {  	[tilespmem:s15+$0xFFFFFFF0] =	vst v2;
	v2 =	vmul.f32 v4, v6  }
0x2e9: {  	[tilespmem:s15+$0x30] =	vst v3;
	v1 =	vmul.f32 v1, v7  }
0x2ea: {  	[tilespmem:s15+$0x70] =	vst v2  }
0x2eb: {  	[tilespmem:s15+$0xB0] =	vst v1  }
0x2ec: {  	v1 =	vld @!p0 [tilespmem:$0x15FE0];
	_ =	sdelay $0x6  }
0x2ed: {  	s4 =	simm.s32 @!p0 $0x13880;
	v2 =	vimm.f32 @!p0 $1.000000000e+00  }
0x2ee: {  	[tilespmem:v1+s4+$0x0] =	vst.idx.add.f32.msk @!p0 $0xffff, v2  }
0x2ef: {  	v1 =	vld @!p0 [tilespmem:$0x15FF0];
	_ =	sdelay $0x7  }
0x2f0: {  	[tilespmem:v1+s4+$0x0] =	vst.idx.add.f32.msk @!p0 $0xffff, v2  }
0x2f1: {  	v1 =	vld @!p0 [tilespmem:$0x16000];
	_ =	sdelay $0x7  }
0x2f2: {  	[tilespmem:v1+s4+$0x0] =	vst.idx.add.f32.msk @!p0 $0xffff, v2  }
0x2f3: {  	v1 =	vld @!p0 [tilespmem:$0x16010];
	_ =	sdelay $0x7  }
0x2f4: {  	[tilespmem:v1+s4+$0x0] =	vst.idx.add.f32.msk @!p0 $0xffff, v2  }
0x2f5: {  	v1 =	vld @!p0 [tilespmem:$0x16020];
	_ =	sdelay $0x7  }
0x2f6: {  	s25 =	simm.s32 $0x9;
	[tilespmem:v1+s4+$0x0] =	vst.idx.add.f32.msk @!p0 $0xffff, v2  }
0x2f7: {  	_ =	swait.ge [sflag:s25], $0x1400  }
0x2f8: {  	[sflag:s25] =	ssyncset.done $0x0  }
0x2f9: {  	s26 =	simm.s32 $0x15FE0;
	[sflag:s25] =	ssyncadd.s32 $0xFFFFEC00  }
0x2fa: {  	[spmem:s3] =	stream.indirect.scatter.add.f32 [tilespmem:s8], [sflag:$0x3], $0x40, s26, s0, $0xb8;
	[tilespmem:$0x1D970] =	vst v63  }
0x2fb: {  	_ =	swait.ge [sflag:s28], $0x1400  }
0x2fc: {  	[sflag:s28] =	ssyncset.done $0x0  }
0x2fd: {  	s15 =	simm.s32 $0x189D0;
	[sflag:s28] =	ssyncadd.s32 $0xFFFFEC00  }
0x2fe: {  	s17 =	simm.s32 $0x19DD0;
	v1 =	vld [tilespmem:s15+$0xC0]  }
0x2ff: {  	v2 =	vld [tilespmem:s17+$0xC0]  }
0x300: {  	v3 =	vld [tilespmem:s17+$0xFFFFFF00]  }
0x301: {  	v4 =	vld [tilespmem:s15+$0xFFFFFF40]  }
0x302: {  	v5 =	vld [tilespmem:s15+$0xFFFFFF80]  }
0x303: {  	v7 =	vld [tilespmem:s17+$0xFFFFFF80]  }
0x304: {  	v8 =	vld [tilespmem:s15+$0xFFFFFFC0]  }
0x305: {  	v9 =	vld [tilespmem:s17+$0xFFFFFFC0]  }
0x306: {  	v10 =	vld [tilespmem:s15+$0x0]  }
0x307: {  	v11 =	vld [tilespmem:s17+$0x0]  }
0x308: {  	v12 =	vld [tilespmem:s17+$0x40]  }
0x309: {  	v57 =	vld [tilespmem:s15+$0xFFFFFF90]  }
0x30a: {  	v58 =	vld [tilespmem:s15+$0xFFFFFFD0]  }
0x30b: {  	v14 =	vld [tilespmem:s15+$0x10]  }
0x30c: {  	v60 =	vld [tilespmem:s15+$0xFFFFFFE0];
	v1 =	vmul.f32 v2, v1  }
0x30d: {  	v2 =	vld [tilespmem:s17+$0xFFFFFF40]  }
0x30e: {  	[tilespmem:s15+$0xC0] =	vst v1;
	v1 =	vld [tilespmem:s15+$0xD0]  }
0x30f: {  	v6 =	vld [tilespmem:s17+$0xD0]  }
0x310: {  	v61 =	vld [tilespmem:s15+$0x20]  }
0x311: {  	v62 =	vld [tilespmem:s15+$0x60];
	v5 =	vmul.f32 v7, v5  }
0x312: {  	v63 =	vld [tilespmem:s15+$0xFFFFFF30];
	v2 =	vmul.f32 v2, v4  }
0x313: {  	v7 =	vld [tilespmem:s17+$0x80];
	[tilespmem:s15+$0xFFFFFF80] =	vst v5  }
0x314: {  	v5 =	vmul.f32 v11, v10;
	v11 =	vld [tilespmem:s15+$0xFFFFFF50];
	[tilespmem:s15+$0xFFFFFF40] =	vst v2;
	v1 =	vmul.f32 v6, v1  }
0x315: {  	v2 =	vmul.f32 v9, v8;
	v9 =	vld [tilespmem:s17+$0xFFFFFF50]  }
0x316: {  	[tilespmem:s15+$0xD0] =	vst v1;
	v1 =	vld [tilespmem:s15+$0xE0]  }
0x317: {  	v13 =	vld [tilespmem:s17+$0xE0]  }
0x318: {  	v4 =	vld [tilespmem:s15+$0x80]  }
0x319: {  	[tilespmem:s15+$0x0] =	vst v5;
	v8 =	vld [tilespmem:s15+$0xFFFFFF00]  }
0x31a: {  	v10 =	vld [tilespmem:s17+$0x10]  }
0x31b: {  	[tilespmem:s15+$0xFFFFFFC0] =	vst v2;
	v2 =	vld [tilespmem:s17+$0xFFFFFF90];
	v9 =	vmul.f32 v9, v11  }
0x31c: {  	v6 =	vld [tilespmem:s15+$0x40];
	v1 =	vmul.f32 v13, v1  }
0x31d: {  	v5 =	vld [tilespmem:s17+$0xFFFFFFD0];
	[tilespmem:s15+$0xFFFFFF50] =	vst v9  }
0x31e: {  	v11 =	vld [tilespmem:s15+$0x90];
	[tilespmem:s15+$0xE0] =	vst v1;
	v1 =	vmul.f32 v3, v8  }
0x31f: {  	v9 =	vld [tilespmem:s17+$0xFFFFFF60];
	v3 =	vmul.f32 v7, v4  }
0x320: {  	v2 =	vmul.f32 v2, v57;
	v8 =	vld [tilespmem:s15+$0xF0];
	[tilespmem:s15+$0xFFFFFF00] =	vst v1  }
0x321: {  	v6 =	vmul.f32 v12, v6;
	[tilespmem:s15+$0x80] =	vst v3;
	v3 =	vld [tilespmem:s15+$0xFFFFFF10]  }
0x322: {  	[tilespmem:s15+$0xFFFFFF90] =	vst v2;
	v2 =	vmul.f32 v10, v14;
	v4 =	vld [tilespmem:s17+$0xFFFFFF10]  }
0x323: {  	[tilespmem:s15+$0x40] =	vst v6;
	v5 =	vmul.f32 v5, v58;
	v6 =	vld [tilespmem:s17+$0xF0]  }
0x324: {  	v10 =	vld [tilespmem:s17+$0xFFFFFFA0];
	[tilespmem:s15+$0x10] =	vst v2  }
0x325: {  	[tilespmem:s15+$0xFFFFFFD0] =	vst v5;
	v5 =	vld [tilespmem:s17+$0x20]  }
0x326: {  	v7 =	vld [tilespmem:s17+$0x90]  }
0x327: {  	v1 =	vld [tilespmem:s17+$0x50];
	v3 =	vmul.f32 v4, v3  }
0x328: {  	v6 =	vmul.f32 v6, v8;
	v8 =	vld [tilespmem:s15+$0x30]  }
0x329: {  	[tilespmem:s15+$0xFFFFFF10] =	vst v3;
	v3 =	vld [tilespmem:s15+$0xFFFFFF20]  }
0x32a: {  	v59 =	vld [tilespmem:s17+$0xFFFFFF20]  }
0x32b: {  	v4 =	vld [tilespmem:s15+$0x50];
	v2 =	vmul.f32 v7, v11  }
0x32c: {  	v11 =	vld [tilespmem:s15+$0xFFFFFFA0]  }
0x32d: {  	[tilespmem:s15+$0x90] =	vst v2;
	v2 =	vld [tilespmem:s15+$0xFFFFFF60]  }
0x32e: {  	[tilespmem:s15+$0xF0] =	vst v6;
	v6 =	vld [tilespmem:s15+$0x70]  }
0x32f: {  	v7 =	vld [tilespmem:s17+$0xA0];
	v3 =	vmul.f32 v59, v3  }
0x330: {  	v1 =	vmul.f32 v1, v4;
	v4 =	vld [tilespmem:s17+$0xFFFFFFE0]  }
0x331: {  	[tilespmem:s15+$0xFFFFFF20] =	vst v3;
	v3 =	vld [tilespmem:s15+$0xA0]  }
0x332: {  	[tilespmem:s15+$0x50] =	vst v1;
	v2 =	vmul.f32 v9, v2;
	v9 =	vmul.f32 v10, v11;
	v10 =	vld [tilespmem:s15+$0xFFFFFFB0]  }
0x333: {  	v1 =	vld [tilespmem:s17+$0x60]  }
0x334: {  	[tilespmem:s15+$0xFFFFFFA0] =	vst v9;
	v9 =	vld [tilespmem:s15+$0xFFFFFFF0]  }
0x335: {  	[tilespmem:s15+$0xFFFFFF60] =	vst v2;
	v2 =	vmul.f32 v4, v60;
	v11 =	vld [tilespmem:s17+$0xFFFFFF30]  }
0x336: {  	v15 =	vld [tilespmem:s17+$0xFFFFFF70];
	v7 =	vmul.f32 v7, v3  }
0x337: {  	v4 =	vmul.f32 v5, v61;
	v5 =	vld [tilespmem:s17+$0xFFFFFFB0];
	[tilespmem:s15+$0xFFFFFFE0] =	vst v2  }
0x338: {  	v1 =	vmul.f32 v1, v62;
	[tilespmem:s15+$0xA0] =	vst v7;
	v7 =	vld [tilespmem:s15+$0xFFFFFF70]  }
0x339: {  	[tilespmem:s15+$0x20] =	vst v4;
	v2 =	vld [tilespmem:s17+$0xFFFFFFF0]  }
0x33a: {  	v3 =	vld [tilespmem:s17+$0x30];
	[tilespmem:s15+$0x60] =	vst v1;
	v11 =	vmul.f32 v11, v63  }
0x33b: {  	v4 =	vld [tilespmem:s17+$0x70]  }
0x33c: {  	s22 =	simm.s32 $0x18BD0;
	v1 =	vld [tilespmem:s17+$0xB0];
	[tilespmem:s15+$0xFFFFFF30] =	vst v11  }
0x33d: {  	s4 =	simm.s32 $0x0;
	s26 =	simm.s32 $0x10;
	s25 =	rddreg [dreg:$0x8];
	v11 =	vmul.f32 v15, v7;
	v7 =	vld [tilespmem:s15+$0xB0]  }
.LBB2_16:
0x33e: {  	v12 =	vld [tilespmem:s22+$0xC0];
	v5 =	vmul.f32 v5, v10;
	s17 =	sadd.s32 $0x200, s17  }
0x33f: {  	s4 =	sadd.s32 $0x8, s4;
	v10 =	vld [tilespmem:s17+$0xC0];
	[tilespmem:s15+$0xFFFFFF70] =	vst v11;
	v2 =	vmul.f32 v2, v9  }
0x340: {  	p1 =	slt.u32 s4, $0x48;
	v9 =	vld [tilespmem:s17+$0xFFFFFF00];
	[tilespmem:s15+$0xFFFFFFB0] =	vst v5;
	v3 =	vmul.f32 v3, v8  }
0x341: {  	v5 =	vld [tilespmem:s22+$0xFFFFFF40];
	[tilespmem:s15+$0xFFFFFFF0] =	vst v2;
	v2 =	vmul.f32 v4, v6  }
0x342: {  	v4 =	vld [tilespmem:s17+$0xFFFFFF40];
	[tilespmem:s15+$0x30] =	vst v3;
	v1 =	vmul.f32 v1, v7  }
0x343: {  	v3 =	vld [tilespmem:s22+$0xFFFFFF80];
	[tilespmem:s15+$0x70] =	vst v2  }
0x344: {  	v2 =	vld [tilespmem:s17+$0xFFFFFF80];
	v6 =	vmul.f32 v10, v12;
	[tilespmem:s15+$0xB0] =	vst v1;
	s15 =	smov.u32 s22  }
0x345: {  	v1 =	vld [tilespmem:s22+$0xFFFFFFC0]  }
0x346: {  	[tilespmem:s22+$0xC0] =	vst v6;
	v6 =	vld [tilespmem:s22+$0xD0]  }
0x347: {  	v4 =	vmul.f32 v4, v5;
	v5 =	vld [tilespmem:s17+$0xD0]  }
0x348: {  	v7 =	vld [tilespmem:s17+$0xFFFFFFC0]  }
0x349: {  	[tilespmem:s22+$0xFFFFFF40] =	vst v4;
	v2 =	vmul.f32 v2, v3;
	v3 =	vld [tilespmem:s22+$0x0]  }
0x34a: {  	v4 =	vld [tilespmem:s17+$0x0]  }
0x34b: {  	[tilespmem:s22+$0xFFFFFF80] =	vst v2;
	v2 =	vld [tilespmem:s22+$0x40]  }
0x34c: {  	v8 =	vld [tilespmem:s17+$0x40];
	v5 =	vmul.f32 v5, v6  }
0x34d: {  	v1 =	vmul.f32 v7, v1;
	v6 =	vld [tilespmem:s22+$0x80]  }
0x34e: {  	[tilespmem:s22+$0xD0] =	vst v5;
	v5 =	vld [tilespmem:s22+$0xE0]  }
0x34f: {  	[tilespmem:s22+$0xFFFFFFC0] =	vst v1;
	v1 =	vmul.f32 v4, v3;
	v3 =	vld [tilespmem:s17+$0xE0]  }
0x350: {  	v4 =	vld [tilespmem:s17+$0x80]  }
0x351: {  	v7 =	vld [tilespmem:s22+$0xFFFFFF00];
	[tilespmem:s22+$0x0] =	vst v1;
	v1 =	vmul.f32 v8, v2  }
0x352: {  	v2 =	vld [tilespmem:s17+$0xFFFFFF50]  }
0x353: {  	v8 =	vld [tilespmem:s17+$0xFFFFFF90];
	[tilespmem:s22+$0x40] =	vst v1  }
0x354: {  	v1 =	vld [tilespmem:s17+$0xFFFFFFD0];
	v3 =	vmul.f32 v3, v5  }
0x355: {  	v5 =	vld [tilespmem:s17+$0x10];
	v4 =	vmul.f32 v4, v6  }
0x356: {  	v6 =	vmul.f32 v9, v7;
	[tilespmem:s22+$0xE0] =	vst v3;
	v3 =	vld [tilespmem:s22+$0xF0]  }
0x357: {  	[tilespmem:s22+$0x80] =	vst v4;
	v4 =	vld [tilespmem:s17+$0xF0]  }
0x358: {  	[tilespmem:s22+$0xFFFFFF00] =	vst v6;
	v6 =	vld [tilespmem:s17+$0x50]  }
0x359: {  	v7 =	vld [tilespmem:s17+$0xFFFFFF10]  }
0x35a: {  	v9 =	vld [tilespmem:s17+$0x90]  }
0x35b: {  	v10 =	vld [tilespmem:s22+$0xFFFFFF10]  }
0x35c: {  	v11 =	vld [tilespmem:s22+$0xFFFFFF50];
	v3 =	vmul.f32 v4, v3  }
0x35d: {  	v4 =	vld [tilespmem:s22+$0xFFFFFF90]  }
0x35e: {  	v12 =	vld [tilespmem:s22+$0xFFFFFFD0];
	[tilespmem:s22+$0xF0] =	vst v3  }
0x35f: {  	v3 =	vld [tilespmem:s22+$0x10]  }
0x360: {  	v7 =	vmul.f32 v7, v10;
	v10 =	vld [tilespmem:s22+$0x50]  }
0x361: {  	v2 =	vmul.f32 v2, v11;
	v11 =	vld [tilespmem:s22+$0x90]  }
0x362: {  	[tilespmem:s22+$0xFFFFFF10] =	vst v7;
	v7 =	vld [tilespmem:s22+$0xFFFFFF20];
	v4 =	vmul.f32 v8, v4  }
0x363: {  	v8 =	vld [tilespmem:s17+$0xFFFFFF20];
	[tilespmem:s22+$0xFFFFFF50] =	vst v2;
	v1 =	vmul.f32 v1, v12  }
0x364: {  	v2 =	vld [tilespmem:s17+$0xFFFFFF60];
	[tilespmem:s22+$0xFFFFFF90] =	vst v4;
	v3 =	vmul.f32 v5, v3  }
0x365: {  	v4 =	vld [tilespmem:s17+$0xFFFFFFA0];
	[tilespmem:s22+$0xFFFFFFD0] =	vst v1;
	v1 =	vmul.f32 v6, v10  }
0x366: {  	v5 =	vld [tilespmem:s17+$0xFFFFFFE0];
	[tilespmem:s22+$0x10] =	vst v3;
	v3 =	vmul.f32 v9, v11  }
0x367: {  	v6 =	vld [tilespmem:s17+$0x20];
	[tilespmem:s22+$0x50] =	vst v1  }
0x368: {  	v1 =	vmul.f32 v8, v7;
	v7 =	vld [tilespmem:s17+$0x60];
	[tilespmem:s22+$0x90] =	vst v3  }
0x369: {  	v3 =	vld [tilespmem:s17+$0xA0]  }
0x36a: {  	[tilespmem:s22+$0xFFFFFF20] =	vst v1;
	v1 =	vld [tilespmem:s22+$0xFFFFFF60]  }
0x36b: {  	v8 =	vld [tilespmem:s22+$0xFFFFFFA0]  }
0x36c: {  	v9 =	vld [tilespmem:s22+$0xFFFFFFE0]  }
0x36d: {  	v10 =	vld [tilespmem:s22+$0x20]  }
0x36e: {  	v11 =	vld [tilespmem:s22+$0x60]  }
0x36f: {  	v1 =	vmul.f32 v2, v1;
	v12 =	vld [tilespmem:s22+$0xA0]  }
0x370: {  	v13 =	vld [tilespmem:s17+$0xFFFFFF30];
	v2 =	vmul.f32 v4, v8  }
0x371: {  	v4 =	vld [tilespmem:s22+$0xFFFFFF30];
	[tilespmem:s22+$0xFFFFFF60] =	vst v1;
	v1 =	vmul.f32 v5, v9  }
0x372: {  	v14 =	vld [tilespmem:s17+$0xFFFFFF70];
	[tilespmem:s22+$0xFFFFFFA0] =	vst v2;
	v6 =	vmul.f32 v6, v10  }
0x373: {  	v5 =	vld [tilespmem:s17+$0xFFFFFFB0];
	[tilespmem:s22+$0xFFFFFFE0] =	vst v1;
	v1 =	vmul.f32 v7, v11  }
0x374: {  	v2 =	vld [tilespmem:s17+$0xFFFFFFF0];
	[tilespmem:s22+$0x20] =	vst v6;
	v6 =	vmul.f32 v3, v12  }
0x375: {  	v3 =	vld [tilespmem:s17+$0x30];
	[tilespmem:s22+$0x60] =	vst v1  }
0x376: {  	v7 =	vmul.f32 v13, v4;
	v4 =	vld [tilespmem:s17+$0x70];
	[tilespmem:s22+$0xA0] =	vst v6  }
0x377: {  	v1 =	vld [tilespmem:s17+$0xB0]  }
0x378: {  	[tilespmem:s22+$0xFFFFFF30] =	vst v7;
	v7 =	vld [tilespmem:s22+$0xFFFFFF70]  }
.Ltmp7:
0x379: {  	v10 =	vld [tilespmem:s22+$0xFFFFFFB0];
	(pc) =	sbr.rel @p1 .LBB2_16-.Ltmp7, $4  }
0x37a: {  	v9 =	vld [tilespmem:s22+$0xFFFFFFF0]  }
0x37b: {  	v8 =	vld [tilespmem:s22+$0x30]  }
0x37c: {  	v6 =	vld [tilespmem:s22+$0x70]  }
0x37d: {  	s22 =	sadd.s32 $0x200, s22;
	v11 =	vmul.f32 v14, v7;
	v7 =	vld [tilespmem:s15+$0xB0]  }
0x37e: {  	v5 =	vmul.f32 v5, v10  }
0x37f: {  	[tilespmem:s15+$0xFFFFFF70] =	vst v11;
	v2 =	vmul.f32 v2, v9  }
0x380: {  	[tilespmem:s15+$0xFFFFFFB0] =	vst v5;
	v3 =	vmul.f32 v3, v8  }
0x381: {  	[tilespmem:s15+$0xFFFFFFF0] =	vst v2;
	v2 =	vmul.f32 v4, v6  }
0x382: {  	[tilespmem:s15+$0x30] =	vst v3;
	v1 =	vmul.f32 v1, v7  }
0x383: {  	[tilespmem:s15+$0x70] =	vst v2  }
0x384: {  	[tilespmem:s15+$0xB0] =	vst v1  }
0x385: {  	v1 =	vld @!p0 [tilespmem:$0x18880];
	_ =	sdelay $0x6  }
0x386: {  	s4 =	simm.s32 @!p0 $0x13880;
	v2 =	vimm.f32 @!p0 $1.000000000e+00  }
0x387: {  	[tilespmem:v1+s4+$0x0] =	vst.idx.add.f32.msk @!p0 $0xffff, v2  }
0x388: {  	v1 =	vld @!p0 [tilespmem:$0x18890];
	_ =	sdelay $0x7  }
0x389: {  	[tilespmem:v1+s4+$0x0] =	vst.idx.add.f32.msk @!p0 $0xffff, v2  }
0x38a: {  	v1 =	vld @!p0 [tilespmem:$0x188A0];
	_ =	sdelay $0x7  }
0x38b: {  	[tilespmem:v1+s4+$0x0] =	vst.idx.add.f32.msk @!p0 $0xffff, v2  }
0x38c: {  	v1 =	vld @!p0 [tilespmem:$0x188B0];
	_ =	sdelay $0x7  }
0x38d: {  	[tilespmem:v1+s4+$0x0] =	vst.idx.add.f32.msk @!p0 $0xffff, v2  }
0x38e: {  	v1 =	vld @!p0 [tilespmem:$0x188C0];
	_ =	sdelay $0x7  }
0x38f: {  	[tilespmem:v1+s4+$0x0] =	vst.idx.add.f32.msk @!p0 $0xffff, v2  }
0x390: {  	_ =	swait.ge [sflag:s10], $0x1400  }
0x391: {  	[sflag:s10] =	ssyncset.done $0x0  }
0x392: {  	s23 =	simm.s32 $0x18880;
	[sflag:s10] =	ssyncadd.s32 $0xFFFFEC00  }
0x393: {  	[spmem:s3] =	stream.indirect.scatter.add.f32 [tilespmem:s20], [sflag:$0x6], $0x40, s23, s0, $0xb8;
	[tilespmem:$0x1D970] =	vst v63  }
0x394: {  	_ =	swait.ge [sflag:s1], $0x1400  }
0x395: {  	[sflag:s1] =	ssyncset.done $0x0  }
0x396: {  	[sflag:s1] =	ssyncadd.s32 $0xFFFFEC00  }
0x397: {  	[bflag:$0x0] =	sbarrier.arrive $0xFFFF  }
0x398: {  	s22 =	rddreg [dreg:$0x7]  }
0x399: {  	s23 =	smov.u32 s25;
	s25 =	sshrl.u32 s25, $0x3;
	s17 =	rddreg [dreg:$0x15]  }
0x39a: {  	[hbm:s17@s26], [sflag:s22] =	dma.strided [spmem:s25@s31], $0x1388, s30, $0x8   }
0x39b: {  	s26 =	simm.s32 $0xA  }
0x39c: {  	_ =	swait.ge [sflag:s26], $0x1388  }
0x39d: {  	[sflag:s26] =	ssyncset.done $0x0  }
0x39e: {  	s15 =	simm.s32 @!p0 $0x0;
	s17 =	rddreg [dreg:$0x16];
	[sflag:s26] =	ssyncadd.s32 $0xFFFFEC78  }
0x39f: {  	[hbm4b:s17+s15] =	stream.linear.scatter @!p0 [tilespmem:s4], [sflag:$0xA], $0x2710, $0x38;
	[tilespmem:$0x1D970] =	vst v63  }
0x3a0: {  	s4 =	simm.s32 @!p0 $0xA  }
0x3a1: {  	_ =	swait.ge @!p0 [sflag:s4], $0x2710  }
0x3a2: {  	s15 =	rddreg [dreg:$0x5]  }
0x3a3: {  	s17 =	sadd.s32 $0x1, s15;
	s15 =	rddreg [dreg:$0x17]  }
0x3a4: {  	p1 =	sne.s32 s17, s15  }
.Ltmp8:
0x3a5: {  	_ = 	snop;
	(pc) =	sbr.rel @p1 .LBB2_1-.Ltmp8, $3  }
0x3a6: {  	_ =	sdelay $0x1  }
0x3a7: {  	[sflag:s4] =	ssyncset.done @!p0 $0x0  }
0x3a8: {  	s25 =	simm.s32 $0x10;
	[sflag:s4] =	ssyncadd.s32 @!p0 $0xFFFFD8F0  }
0x3a9: {  	_ =	sfence.sel $0x180000  }
0x3aa: {  	[bflag:$0x0] =	sbarrier.arrive $0xFFFF  }
0x3ab: {  	_ =	strace $0x90000047  }
0x3ac: {  	s0 =	stileid.u32;
	[bflag:$0x2] =	sbarrier.arrive $0xFFFF  }
0x3ad: {  	p0 =	sne.s32 s0, $0x0;
	s0 =	rddreg [dreg:$0x4]  }
0x3ae: {  	s0 =	sadd.s32 @!p0 $0x100000, s0  }
0x3af: {  	[sflag:s0] =	ssyncadd.tile.s32 @!p0 $0x1;
	_ =	shalt  }
.Lfunc_end2:
_tile_overlayer_lowered:
.L_overlay_start_2:
0x3b0: {  	(tag) =	ssettag $0x2  }
0x3b1: {  	s0 =	rddreg [dreg:$0x0];
	s2 =	stileid.u32  }
0x3b2: {  	s1 =	rddreg [dreg:$0x1];
	p0 =	sne.s32 s2, $0x0  }
0x3b3: {  	s3 =	rddreg [dreg:$0x2];
	[bflag:$0x3] =	sbarrier.arrive $0xFFFF;
	s2 =	simm.s32 @!p0 $0x1C0A  }
0x3b4: {  	[timem:s3], [sflag:s2] =	dma.local @!p0 [hbm:s0], s1  }
0x3b5: {  	s0 =	simm.s32 @!p0 $0xA  }
0x3b6: {  	_ =	swait.ge @!p0 [sflag:s0], s1  }
0x3b7: {  	s1 =	ssub.s32 @!p0 $0x0, s1;
	[sflag:s0] =	ssyncset.done @!p0 $0x0  }
0x3b8: {  	[sflag:s0] =	ssyncadd.s32 @!p0 s1  }
0x3b9: {  	[bflag:$0x3] =	sbarrier.arrive $0xFFFF  }
0x3ba: {  	_ =	shalt  }

// kernel: kernel.14.cloned.1.call-start
scs
__scs_entry_jumppad:
0x0: {  	(pc) =	sbr.rel $0x88, $3  }
0x1: {  	(tag) =	ssettag $0x0;
	lr =	simm.s32 $0x1  }
0x2: {  	[smem:$0x3F7C] =	sst lr;
	_ =	strace $0xD0000000  }
0x3: {  	_ = 	snop  }
0x4: {  	_ = 	snop  }
0x5: {  	_ = 	snop  }
0x6: {  	_ = 	snop  }
0x7: {  	_ = 	snop  }
__scs_overlays_trampoline_lowered:
0x8: {  	[smem:$0x3F8B] =	sst s0  }
0x9: {  	[smem:$0x3F8C] =	sst s1  }
0xa: {  	[smem:$0x3F8D] =	sst s2  }
0xb: {  	[smem:$0x3F8E] =	sst s3  }
0xc: {  	[smem:$0x3F8F] =	sst s4  }
0xd: {  	[smem:$0x3F90] =	sst s5  }
0xe: {  	[smem:$0x3F91] =	sst s6  }
0xf: {  	[smem:$0x3F92] =	sst s7  }
0x10: {  	[smem:$0x3F93] =	sst s8  }
0x11: {  	[smem:$0x3F94] =	sst s9;
	s0 =	simm.s32 @!p0 $0x0  }
0x12: {  	s1 =	sld [smem:$0x3F7A];
	s0 =	simm.s32 @p0 $0x1  }
0x13: {  	[smem:$0x3F95] =	sst s0;
	s0 =	simm.s32 @!p1 $0x0  }
0x14: {  	s2 =	sld [smem:$0x3F79];
	s0 =	simm.s32 @p1 $0x1  }
0x15: {  	[smem:$0x3F96] =	sst s0;
	s0 =	simm.s32 @!p2 $0x0  }
0x16: {  	s3 =	sld [smem:$0x3FDB];
	s0 =	simm.s32 @p2 $0x1  }
0x17: {  	s4 =	simm.s32 $0x1BF5;
	[smem:$0x3F98] =	sst s0  }
0x18: {  	s0 =	sld [smem:$0x3F7B];
	_ =	swait.ge [sflag:s4], $0x0  }
0x19: {  	s7 =	sld [smem:$0x3F7C]  }
0x1a: {  	s8 =	sadd.s32 $0xFFFFE003, lr  }
0x1b: {  	s9 =	sadd.s32 $0xFFFFFEF7, lr;
	s5 =	simm.s32 $0xFFFFFFFF;
	p2 =	slt.u32 s8, $0xFFFFF086  }
0x1c: {  	p1 =	slt.u32 s9, $0xF7A;
	s5 =	simm.s32 @!p2 $0x0  }
0x1d: {  	s5 =	simm.s32 @p1 $0x1;
	p0 =	seq.s32 s7, s2  }
0x1e: {  	s7 =	smul.u32 @!p0 $0xF7A, s2;
	p2 =	seq.s32 @!p0 s5, $0x0  }
0x1f: {  	s9 =	smul.u32 $0xF7A, s1;
	s8 =	simm.s32 @!p0 $0x1BF5;
	p2 =	por !p2, p0  }
0x20: {  	[sflag:s8] =	ssyncset.s32 @!p0 $0xFFFFF086;
	s6 =	sadd.s32 @!p0 s3, s7;
	s7 =	simm.s32 @!p0 $0x108  }
0x21: {  	s3 =	sadd.s32 s3, s9;
	s6 =	sadd.s32 @!p0 $0x88, s6;
	s7 =	simm.s32 @p2 $0x1082  }
0x22: {  	[simem:s7], [sflag:s8] =	dma.local @!p0 [hbm:s6], $0xF7A  }
0x23: {  	s9 =	sor.u32 $0xD0000000, s2;
	s6 =	simm.s32 $0x108;
	_ =	swait.ge @!p0 [sflag:s8], $0x0  }
0x24: {  	s3 =	sadd.s32 $0x88, s3;
	s6 =	simm.s32 @!p1 $0x1082;
	[sflag:s4] =	ssyncset.s32 $0xFFFFF086  }
0x25: {  	[simem:s6], [sflag:s4] =	dma.local [hbm:s3], $0xF7A  }
0x26: {  	[smem:$0x3F7C] =	sst s1;
	(tag) =	ssettag s2;
	_ =	strace s9  }
0x27: {  	s1 =	sld [smem:$0x3F8C]  }
0x28: {  	s2 =	sld [smem:$0x3F8D]  }
0x29: {  	s4 =	sld [smem:$0x3F8F]  }
0x2a: {  	p0 =	seq.s32 s5, $0x0;
	s5 =	sld [smem:$0x3F90]  }
0x2b: {  	s6 =	sld [smem:$0x3F91]  }
0x2c: {  	s7 =	sld [smem:$0x3F92]  }
0x2d: {  	s3 =	simm.s32 $0x108;
	s8 =	sld [smem:$0x3F93]  }
0x2e: {  	s3 =	simm.s32 @!p0 $0x1082;
	s9 =	sld [smem:$0x3F94]  }
0x2f: {  	lr =	sadd.s32 s0, s3;
	s0 =	sld [smem:$0x3F8B]  }
0x30: {  	s3 =	sld [smem:$0x3F8E]  }
0x31: {  	[smem:$0x3F97] =	sst s10  }
0x32: {  	s10 =	sld [smem:$0x3F95];
	_ =	sdelay $0x3  }
0x33: {  	p0 =	seq.s32 s10, $0x1;
	s10 =	sld [smem:$0x3F97];
	_ =	sdelay $0x3  }
0x34: {  	[smem:$0x3F97] =	sst s10  }
0x35: {  	s10 =	sld [smem:$0x3F96];
	_ =	sdelay $0x3  }
0x36: {  	p1 =	seq.s32 s10, $0x1;
	s10 =	sld [smem:$0x3F97];
	_ =	sdelay $0x3  }
0x37: {  	[smem:$0x3F97] =	sst s10  }
0x38: {  	s10 =	sld [smem:$0x3F98]  }
0x39: {  	_ = 	snop;
	(pc) =	sbr.ind lr, $3  }
0x3a: {  	_ = 	snop  }
0x3b: {  	_ = 	snop  }
0x3c: {  	p2 =	seq.s32 s10, $0x1;
	s10 =	sld [smem:$0x3F97]  }
0x3d: {  	_ =	shalt  }
0x3e: {  	_ =	shalt  }
0x3f: {  	_ =	shalt  }
0x40: {  	_ =	shalt  }
0x41: {  	_ =	shalt  }
0x42: {  	_ =	shalt  }
0x43: {  	_ =	shalt  }
0x44: {  	_ =	shalt  }
0x45: {  	_ =	shalt  }
0x46: {  	_ =	shalt  }
0x47: {  	_ =	shalt  }
0x48: {  	_ =	shalt  }
0x49: {  	_ =	shalt  }
0x4a: {  	_ =	shalt  }
0x4b: {  	_ =	shalt  }
0x4c: {  	_ =	shalt  }
0x4d: {  	_ =	shalt  }
0x4e: {  	_ =	shalt  }
0x4f: {  	_ =	shalt  }
0x50: {  	_ =	shalt  }
0x51: {  	_ =	shalt  }
0x52: {  	_ =	shalt  }
0x53: {  	_ =	shalt  }
0x54: {  	_ =	shalt  }
0x55: {  	_ =	shalt  }
0x56: {  	_ =	shalt  }
0x57: {  	_ =	shalt  }
0x58: {  	_ =	shalt  }
0x59: {  	_ =	shalt  }
0x5a: {  	_ =	shalt  }
0x5b: {  	_ =	shalt  }
0x5c: {  	_ =	shalt  }
0x5d: {  	_ =	shalt  }
0x5e: {  	_ =	shalt  }
0x5f: {  	_ =	shalt  }
0x60: {  	_ =	shalt  }
0x61: {  	_ =	shalt  }
0x62: {  	_ =	shalt  }
0x63: {  	_ =	shalt  }
0x64: {  	_ =	shalt  }
0x65: {  	_ =	shalt  }
0x66: {  	_ =	shalt  }
0x67: {  	_ =	shalt  }
0x68: {  	_ =	shalt  }
0x69: {  	_ =	shalt  }
0x6a: {  	_ =	shalt  }
0x6b: {  	_ =	shalt  }
0x6c: {  	_ =	shalt  }
0x6d: {  	_ =	shalt  }
0x6e: {  	_ =	shalt  }
0x6f: {  	_ =	shalt  }
0x70: {  	_ =	shalt  }
0x71: {  	_ =	shalt  }
0x72: {  	_ =	shalt  }
0x73: {  	_ =	shalt  }
0x74: {  	_ =	shalt  }
0x75: {  	_ =	shalt  }
0x76: {  	_ =	shalt  }
0x77: {  	_ =	shalt  }
0x78: {  	_ =	shalt  }
0x79: {  	_ =	shalt  }
0x7a: {  	_ =	shalt  }
0x7b: {  	_ =	shalt  }
0x7c: {  	_ =	shalt  }
0x7d: {  	_ =	shalt  }
0x7e: {  	_ =	shalt  }
0x7f: {  	_ =	shalt  }
0x80: {  	_ =	shalt  }
0x81: {  	_ =	shalt  }
0x82: {  	_ =	shalt  }
0x83: {  	_ =	shalt  }
0x84: {  	_ =	shalt  }
0x85: {  	_ =	shalt  }
0x86: {  	_ =	shalt  }
0x87: {  	_ =	shalt  }
.Lfunc_end0:
.L_simem_size_0:
called_computation.1_lowered:
.L_overlay_start_0:
0x88: {  	s2 =	sld [smem:$0x3FD9]  }
0x89: {  	s3 =	sld [smem:$0x3FFE];
	_ =	sdelay $0x1  }
0x8a: {  	s1 =	srdreg.scid  }
0x8b: {  	s0 =	sand.u32 $0x1, s1  }
0x8c: {  	s14 =	sshll.u32 s0, $0xA;
	s2 =	sadd.s32 s3, s2  }
0x8d: {  	s2 =	sadd.s32 s2, s14  }
0x8e: {  	[smem:$0x3FA3] =	sst s2  }
0x8f: {  	_ = 	snop  }
0x90: {  	s2 =	sld [smem:$0x3FD0];
	_ =	sdelay $0x2  }
0x91: {  	s15 =	simm.s32 $0xA;
	s4 =	simm.s32 $0x10  }
0x92: {  	[smem:s4], [sflag:s15] =	dma.local [hbm:s2], $0x1  }
0x93: {  	_ =	swait.eq [sflag:s15], $0x1  }
0x94: {  	[sflag:s15] =	ssyncset.done $0x0  }
0x95: {  	[sflag:s15] =	ssyncadd.s32 $0xFFFFFFFF  }
0x96: {  	s16 =	sld [smem:$0x11];
	(tm) =	ssettm $0x1  }
0x97: {  	s17 =	sld [smem:$0x3FFB];
	_ =	sdelay $0x3  }
0x98: {  	_ =	strace s17  }
0x99: {  	s3 =	sld [smem:$0x3FFC];
	_ =	sdelay $0x3  }
0x9a: {  	_ =	strace s3  }
0x9b: {  	s3 =	sld [smem:$0x3FFD];
	_ =	sdelay $0x3  }
0x9c: {  	_ =	strace s3  }
0x9d: {  	_ =	strace $0x8FFFFFFF  }
0x9e: {  	s18 =	sld [smem:$0x3FDB];
	_ =	sdelay $0x1  }
0x9f: {  	s19 =	simm.s32 $_scs_section_size  }
0xa0: {  	s5 =	simm.s32 $_size__tile_overlayer_lowered;
	s6 =	simm.s32 $_tile_overlayer_lowered  }
0xa1: {  	s22 =	simm.s32 $0x1BFF;
	s21 =	sshll.u32 s6, $0x1;
	s3 =	sadd.s32 s19, s18  }
0xa2: {  	s7 =	simm.s32 $0x0;
	s20 =	sshll.u32 s5, $0x1;
	s5 =	sadd.s32 s21, s3  }
0xa3: {  	[timem:s7], [sflag:s22] =	dma.local [hbm:s5], s20  }
0xa4: {  	_ =	swait.ge [sflag:s22], s20  }
0xa5: {  	s4 =	ssub.s32 $0x0, s20;
	[sflag:s22] =	ssyncset.done $0x0  }
0xa6: {  	[sflag:s22] =	ssyncadd.s32 s4;
	_ =	sdelay $0x1  }
0xa7: {  	s23 =	simm.s32 $0x1B8B  }
0xa8: {  	_ =	swait.ge [sflag:s23], $0x1  }
0xa9: {  	[sflag:s23] =	ssyncset.done $0x0  }
0xaa: {  	s25 =	simm.s32 $0x1B8E;
	s24 =	sld [smem:$0x3FFE];
	[sflag:s23] =	ssyncadd.s32 $0xFFFFFFFF  }
0xab: {  	s26 =	simm.s32 $execute0_lowered;
	[smem:$0x3FD2] =	sst s25  }
0xac: {  	s5 =	sshll.u32 s26, $0x1;
	_ =	strace $0x80000049;
	[dreg:$0x1] =	wrdreg $0xFFFFFFFF  }
0xad: {  	s28 =	simm.s32 $_size_execute0_lowered;
	s3 =	sadd.s32 s3, s5;
	[dreg:$0x0] =	wrdreg $0x0  }
0xae: {  	s5 =	sshll.u32 s28, $0x1;
	[dreg:$0x2] =	wrdreg s3  }
0xaf: {  	[dreg:$0x3] =	wrdreg s5  }
0xb0: {  	[dreg:$0x4] =	wrdreg $0xC0  }
0xb1: {  	_ =	task [dreg:s7], $0x5FFFF  }
0xb2: {  	[dreg:$0x1] =	wrdreg $0xFFFFFFFF  }
0xb3: {  	[dreg:$0x0] =	wrdreg $0x60  }
0xb4: {  	[dreg:$0x2] =	wrdreg s24  }
0xb5: {  	[dreg:$0x3] =	wrdreg s16  }
0xb6: {  	[dreg:$0x4] =	wrdreg $0x0  }
0xb7: {  	[dreg:$0x5] =	wrdreg $0x10000  }
0xb8: {  	[dreg:$0x6] =	wrdreg $0x9  }
0xb9: {  	_ =	task.clear_ibuf [dreg:s7], $0x7FFFF;
	_ =	strace $0x90000049  }
0xba: {  	s29 =	simm.s32 $0x9;
	_ =	strace $0x8000004B  }
0xbb: {  	_ =	swait.ge [sflag:s29], $0x1  }
0xbc: {  	[sflag:s29] =	ssyncadd.s32 $0xFFFFFFFF  }
0xbd: {  	_ =	strace $0x9000004B  }
0xbe: {  	_ =	sfence  }
0xbf: {  	s30 =	sld [smem:$0x0];
	_ =	sdelay $0x2  }
0xc0: {  	s31 =	sshll.u32 s1, $0xD;
	s1 =	sshrl.u32 s1, $0x2  }
0xc1: {  	s3 =	sand.u32 $0x4000, s31;
	s1 =	sadd.s32 s1, s30  }
0xc2: {  	s0 =	sor.u32 s3, s0;
	s1 =	sshll.u32 s1, $0x11  }
0xc3: {  	s0 =	sor.u32 s1, s0  }
0xc4: {  	s0 =	sadd.s32 $0x8F2B, s0  }
0xc5: {  	[sflag:s0] =	ssyncadd.remote.s32 $0x1  }
0xc6: {  	_ =	sfence.sel $0xFFFF  }
0xc7: {  	[dreg:$0x0] =	wrdreg $0xFFFFFFFF;
	(pc) =	sbr.abs _section_cstart, $3  }
0xc8: {  	[dreg:$0x1] =	wrdreg $0xFFFFFFFF  }
0xc9: {  	_ =	task.clear_ibuf [dreg:s7], $0x2FFFF;
	_ =	strace $0x9FFFFFFF  }
0xca: {  	(tm) =	ssettm $0x7FFFFFFF  }
0xcb: {  	_ =	shalt  }
tec
execute0_lowered:
.L_overlay_start_1:
0x0: {  	(tag) =	ssettag $0x1  }
0x1: {  	s0 =	rddreg [dreg:$0x0]  }
0x2: {  	s1 =	rddreg [dreg:$0x1]  }
0x3: {  	s2 =	rddreg [dreg:$0x2]  }
0x4: {  	s4 =	rddreg [dreg:$0x3];
	s3 =	srdreg.scid;
	s17 =	simm.s32 $0x0  }
0x5: {  	s13 =	stileid.u32;
	s28 =	simm.s32 $0x50;
	s29 =	simm.s32 $0x7D00  }
0x6: {  	s30 =	simm.s32 $0x2400;
	s31 =	simm.s32 $0x40;
	s3 =	sand.u32 $0x1, s3  }
0x7: {  	[smem:$0x7FF] =	sst s17;
	s5 =	sshll.u32 s13, $0xD;
	s7 =	sadd.s32 $0x5B400, s0  }
0x8: {  	s9 =	sshll.u32 s13, $0x7;
	s25 =	sshll.u32 s13, $0xC;
	s11 =	sshll.u32 s13, $0x6  }
0x9: {  	s12 =	smul.u32 $0x7D0, s13;
	s6 =	sshll.u32 s3, $0x6;
	_ =	strace $0x8000004A  }
0xa: {  	s8 =	ssub.s32 $0x2, s3;
	s26 =	sadd.s32 s25, s2;
	s18 =	sor.u32 $0x1C0A, s11  }
0xb: {  	s19 =	sadd.s32 s25, s4;
	p0 =	sne.s32 s3, $0x0;
	s5 =	sor.u32 s6, s5  }
0xc: {  	s10 =	sshrl.u32 s8, $0x1;
	s15 =	sshrl.u32 s12, $0x3;
	[dreg:$0x7] =	wrdreg s18  }
0xd: {  	s16 =	sadd.s32 $0x50, s12;
	s24 =	sadd.s32 $0x140, s12;
	[dreg:$0x8] =	wrdreg s19  }
0xe: {  	s26 =	sshrl.u32 s26, $0x3;
	s5 =	sshrl.u32 s5, $0x3;
	[dreg:$0xd] =	wrdreg s24  }
0xf: {  	s8 =	ssub.s32 s8, s10;
	s21 =	sshll.u32 s16, $0x7;
	[dreg:$0x11] =	wrdreg s26  }
0x10: {  	s24 =	simm.s32 $0xA;
	s26 =	simm.s32 $0x24A0;
	s10 =	simm.s32 $0x3  }
0x11: {  	s5 =	sadd.s32 s5, s0;
	s0 =	sadd.s32 s9, s0;
	s9 =	sadd.s32 s1, s15  }
0x12: {  	s11 =	sor.u32 s6, s21;
	s15 =	sadd.s32 $0xA0, s12;
	s25 =	smax.u32 s8, $0x1  }
0x13: {  	s8 =	simm.s32 $0x4CA0;
	s21 =	simm.s32 $0x7;
	s14 =	sadd.s32 $0x8000, s5  }
0x14: {  	[dreg:$0x9] =	wrdreg s9;
	s23 =	sshrl.u32 s11, $0x3;
	s5 =	sadd.s32 $0xC800, s5  }
0x15: {  	s0 =	sadd.s32 $0xC000, s0;
	[dreg:$0x10] =	wrdreg s25;
	s25 =	simm.s32 $0x10  }
0x16: {  	s11 =	simm.s32 $0x2;
	[dreg:$0x6] =	wrdreg s14;
	s14 =	smul.u32 $0x3E800, s13  }
0x17: {  	s13 =	sshrl.u32 s16, $0x3;
	s16 =	sadd.s32 $0xF0, s12;
	[dreg:$0xe] =	wrdreg s5  }
0x18: {  	[dreg:$0xf] =	wrdreg s0;
	s0 =	simm.s32 $0x80;
	s12 =	simm.s32 $0x4  }
0x19: {  	s5 =	simm.s32 $0x6;
	s22 =	sadd.s32 s1, s13;
	s20 =	sor.u32 s6, s14  }
0x1a: {  	s13 =	simm.s32 $0x4D40;
	[dreg:$0xb] =	wrdreg s22;
	s9 =	sshrl.u32 s20, $0x3  }
0x1b: {  	s22 =	simm.s32 $0x1;
	s14 =	simm.s32 $0x7540;
	s9 =	sadd.s32 s7, s9  }
0x1c: {  	s20 =	simm.s32 $0x5;
	[dreg:$0xa] =	wrdreg s9;
	s9 =	sadd.s32 s7, s23  }
0x1d: {  	v0 =	vimm.f32 $0.0e+00;
	s23 =	simm.s32 $0x8;
	[dreg:$0xc] =	wrdreg s9;
	s9 =	simm.s32 $0x75E0  }
.LBB2_1:
0x1e: {  	[dreg:$0x5] =	wrdreg s17  }
0x1f: {  	s3 =	rddreg [dreg:$0x6]  }
0x20: {  	s17 =	rddreg [dreg:$0x11]  }
0x21: {  	[spmem:s17@s23], [sflag:s18] =	dma.strided [hbm:s3@s25], $0x200, s22, $0x8   }
0x22: {  	_ =	swait.ge [sflag:s24], $0x200  }
0x23: {  	[sflag:s24] =	ssyncset.done $0x0  }
0x24: {  	s17 =	simm.s32 $0x100;
	s3 =	simm.s32 $0x0;
	[sflag:s24] =	ssyncadd.s32 $0xFFFFFE00  }
.LBB2_2:
0x25: {  	p1 =	sne.s32 s17, $0x4F00;
	[tilespmem:s3+$0x24D0] =	vst v0;
	s18 =	smov.u32 s17;
	s17 =	sadd.s32 $0x100, s17  }
.Ltmp0:
0x26: {  	[tilespmem:s3+$0x24C0] =	vst v0;
	(pc) =	sbr.rel @p1 .LBB2_2-.Ltmp0, $3  }
0x27: {  	[tilespmem:s3+$0x24A0] =	vst v0  }
0x28: {  	[tilespmem:s3+$0x24B0] =	vst v0;
	_ =	sdelay $0x1  }
0x29: {  	s3 =	sshra.s32 s18, $0x2  }
0x2a: {  	[tilespmem:s3+$0x24D0] =	vst v0  }
0x2b: {  	[tilespmem:s3+$0x24C0] =	vst v0  }
0x2c: {  	[tilespmem:s3+$0x24A0] =	vst v0  }
0x2d: {  	[tilespmem:s3+$0x24B0] =	vst v0  }
0x2e: {  	[spmem:s19] =	stream.linear.scatter [tilespmem:s26], [sflag:$0xA], $0x1000, $0x38;
	[tilespmem:$0x9DE0] =	vst v63  }
0x2f: {  	_ =	swait.ge [sflag:s24], $0x1000  }
0x30: {  	[sflag:s24] =	ssyncset.done $0x0  }
0x31: {  	s3 =	simm.s32 $0x40;
	s17 =	simm.s32 $0x0;
	[sflag:s24] =	ssyncadd.s32 $0xFFFFF000  }
.LBB2_4:
0x32: {  	p1 =	sne.s32 s3, $0xFC0;
	[tilespmem:s17+$0x2000] =	vst v0;
	s17 =	smov.u32 s3;
	s3 =	sadd.s32 $0x40, s3  }
.Ltmp1:
0x33: {  	(pc) =	sbr.rel @p1 .LBB2_4-.Ltmp1, $2  }
0x34: {  	_ =	sdelay $0x2  }
0x35: {  	s17 =	sshra.s32 s17, $0x2  }
0x36: {  	[tilespmem:s17+$0x2000] =	vst v0  }
0x37: {  	[bflag:$0x0] =	sbarrier.arrive $0xFFFF  }
0x38: {  	s3 =	rddreg [dreg:$0x9]  }
0x39: {  	[tilespmem:s30], [sflag:$0x1] =	stream.strided.gather [hbm4b:s3+s28], $0xA0, s29, s28, $0x38;
	[tilespmem:$0x9DE0] =	vst v63  }
0x3a: {  	s18 =	simm.s32 $0x38A0;
	s17 =	rddreg [dreg:$0xa]  }
0x3b: {  	[tilespmem:s18], [sflag:$0x1] =	stream.strided.gather [hbm4b:s17+s31], $0x1400, s0, s31, $0x38;
	[tilespmem:$0x9DE0] =	vst v63  }
0x3c: {  	s19 =	rddreg [dreg:$0xb]  }
0x3d: {  	[tilespmem:s8], [sflag:$0x4] =	stream.strided.gather [hbm4b:s19+s28], $0xA0, s29, s28, $0x38;
	[tilespmem:$0x9DE0] =	vst v63  }
0x3e: {  	s25 =	simm.s32 $0x6140;
	s24 =	rddreg [dreg:$0xc]  }
0x3f: {  	[tilespmem:s25], [sflag:$0x4] =	stream.strided.gather [hbm4b:s24+s31], $0x1400, s0, s31, $0x38;
	[tilespmem:$0x9DE0] =	vst v63  }
0x40: {  	_ =	swait.ge [sflag:s22], $0xA0  }
0x41: {  	[sflag:s22] =	ssyncset.done $0x0  }
0x42: {  	[sflag:s22] =	ssyncadd.s32 $0xFFFFFF60  }
0x43: {  	_ =	swait.ge [sflag:s22], $0x1400  }
0x44: {  	[sflag:s22] =	ssyncset.done $0x0  }
0x45: {  	s18 =	simm.s32 $0x0;
	[sflag:s22] =	ssyncadd.s32 $0xFFFFEC00  }
0x46: {  	[tilespmem:s26], [sflag:$0x2] =	stream.indirect.gather [spmem:s2], $0x40, s30, s28, $0xb8;
	[tilespmem:$0x9DE0] =	vst v63  }
.LBB2_6:
0x47: {  	_ =	swait.ge [sflag:s11], $0x1400  }
0x48: {  	[sflag:s11] =	ssyncset.done $0x0  }
0x49: {  	[sflag:s11] =	ssyncadd.s32 $0xFFFFEC00  }
0x4a: {  	_ =	swait.ge [sflag:s12], $0xA0  }
0x4b: {  	[sflag:s12] =	ssyncset.done $0x0  }
0x4c: {  	[sflag:s12] =	ssyncadd.s32 $0xFFFFFF60  }
0x4d: {  	_ =	swait.ge [sflag:s12], $0x1400  }
0x4e: {  	[sflag:s12] =	ssyncset.done $0x0  }
0x4f: {  	s25 =	simm.s32 $0x25A0;
	[sflag:s12] =	ssyncadd.s32 $0xFFFFEC00  }
0x50: {  	[tilespmem:s13], [sflag:$0x5] =	stream.indirect.gather [spmem:s2], $0x40, s8, s28, $0xb8;
	[tilespmem:$0x9DE0] =	vst v63  }
0x51: {  	s24 =	simm.s32 $0x39A0;
	v1 =	vld [tilespmem:s25+$0xC0]  }
0x52: {  	v2 =	vld [tilespmem:s24+$0xC0]  }
0x53: {  	v3 =	vld [tilespmem:s24+$0xFFFFFF00]  }
0x54: {  	v4 =	vld [tilespmem:s25+$0xFFFFFF40]  }
0x55: {  	v5 =	vld [tilespmem:s25+$0xFFFFFF80]  }
0x56: {  	v7 =	vld [tilespmem:s24+$0xFFFFFF80]  }
0x57: {  	v8 =	vld [tilespmem:s25+$0xFFFFFFC0]  }
0x58: {  	v9 =	vld [tilespmem:s24+$0xFFFFFFC0]  }
0x59: {  	v10 =	vld [tilespmem:s25+$0x0]  }
0x5a: {  	v11 =	vld [tilespmem:s24+$0x0]  }
0x5b: {  	v12 =	vld [tilespmem:s24+$0x40]  }
0x5c: {  	v57 =	vld [tilespmem:s25+$0xFFFFFF90]  }
0x5d: {  	v58 =	vld [tilespmem:s25+$0xFFFFFFD0]  }
0x5e: {  	v14 =	vld [tilespmem:s25+$0x10]  }
0x5f: {  	v60 =	vld [tilespmem:s25+$0xFFFFFFE0];
	v1 =	vmul.f32 v2, v1  }
0x60: {  	v2 =	vld [tilespmem:s24+$0xFFFFFF40]  }
0x61: {  	[tilespmem:s25+$0xC0] =	vst v1;
	v1 =	vld [tilespmem:s25+$0xD0]  }
0x62: {  	v6 =	vld [tilespmem:s24+$0xD0]  }
0x63: {  	v61 =	vld [tilespmem:s25+$0x20]  }
0x64: {  	v62 =	vld [tilespmem:s25+$0x60];
	v5 =	vmul.f32 v7, v5  }
0x65: {  	v63 =	vld [tilespmem:s25+$0xFFFFFF30];
	v2 =	vmul.f32 v2, v4  }
0x66: {  	v7 =	vld [tilespmem:s24+$0x80];
	[tilespmem:s25+$0xFFFFFF80] =	vst v5  }
0x67: {  	v5 =	vmul.f32 v11, v10;
	v11 =	vld [tilespmem:s25+$0xFFFFFF50];
	[tilespmem:s25+$0xFFFFFF40] =	vst v2;
	v1 =	vmul.f32 v6, v1  }
0x68: {  	v2 =	vmul.f32 v9, v8;
	v9 =	vld [tilespmem:s24+$0xFFFFFF50]  }
0x69: {  	[tilespmem:s25+$0xD0] =	vst v1;
	v1 =	vld [tilespmem:s25+$0xE0]  }
0x6a: {  	v13 =	vld [tilespmem:s24+$0xE0]  }
0x6b: {  	v4 =	vld [tilespmem:s25+$0x80]  }
0x6c: {  	[tilespmem:s25+$0x0] =	vst v5;
	v8 =	vld [tilespmem:s25+$0xFFFFFF00]  }
0x6d: {  	v10 =	vld [tilespmem:s24+$0x10]  }
0x6e: {  	v6 =	vld [tilespmem:s25+$0x40];
	v9 =	vmul.f32 v9, v11  }
0x6f: {  	[tilespmem:s25+$0xFFFFFFC0] =	vst v2;
	v2 =	vld [tilespmem:s24+$0xFFFFFF90];
	v1 =	vmul.f32 v13, v1  }
0x70: {  	v5 =	vld [tilespmem:s24+$0xFFFFFFD0];
	[tilespmem:s25+$0xFFFFFF50] =	vst v9  }
0x71: {  	v11 =	vld [tilespmem:s25+$0x90];
	[tilespmem:s25+$0xE0] =	vst v1;
	v1 =	vmul.f32 v3, v8  }
0x72: {  	v9 =	vld [tilespmem:s24+$0xFFFFFF60];
	v3 =	vmul.f32 v7, v4  }
0x73: {  	v6 =	vmul.f32 v12, v6;
	v8 =	vld [tilespmem:s25+$0xF0];
	[tilespmem:s25+$0xFFFFFF00] =	vst v1  }
0x74: {  	v2 =	vmul.f32 v2, v57;
	[tilespmem:s25+$0x80] =	vst v3;
	v3 =	vld [tilespmem:s25+$0xFFFFFF10]  }
0x75: {  	[tilespmem:s25+$0x40] =	vst v6;
	v4 =	vld [tilespmem:s24+$0xFFFFFF10]  }
0x76: {  	[tilespmem:s25+$0xFFFFFF90] =	vst v2;
	v2 =	vmul.f32 v10, v14;
	v6 =	vld [tilespmem:s24+$0xF0]  }
0x77: {  	v5 =	vmul.f32 v5, v58;
	v10 =	vld [tilespmem:s24+$0xFFFFFFA0]  }
0x78: {  	[tilespmem:s25+$0x10] =	vst v2;
	v7 =	vld [tilespmem:s24+$0x90]  }
0x79: {  	[tilespmem:s25+$0xFFFFFFD0] =	vst v5;
	v5 =	vld [tilespmem:s24+$0x20]  }
0x7a: {  	v1 =	vld [tilespmem:s24+$0x50];
	v3 =	vmul.f32 v4, v3  }
0x7b: {  	v6 =	vmul.f32 v6, v8;
	v8 =	vld [tilespmem:s25+$0x30]  }
0x7c: {  	[tilespmem:s25+$0xFFFFFF10] =	vst v3;
	v3 =	vld [tilespmem:s25+$0xFFFFFF20]  }
0x7d: {  	v2 =	vmul.f32 v7, v11;
	v59 =	vld [tilespmem:s24+$0xFFFFFF20]  }
0x7e: {  	v4 =	vld [tilespmem:s25+$0x50]  }
0x7f: {  	[tilespmem:s25+$0x90] =	vst v2;
	v2 =	vld [tilespmem:s25+$0xFFFFFF60]  }
0x80: {  	v11 =	vld [tilespmem:s25+$0xFFFFFFA0]  }
0x81: {  	[tilespmem:s25+$0xF0] =	vst v6;
	v6 =	vld [tilespmem:s25+$0x70]  }
0x82: {  	v7 =	vld [tilespmem:s24+$0xA0];
	v3 =	vmul.f32 v59, v3  }
0x83: {  	v1 =	vmul.f32 v1, v4;
	v4 =	vld [tilespmem:s24+$0xFFFFFFE0]  }
0x84: {  	v2 =	vmul.f32 v9, v2;
	[tilespmem:s25+$0xFFFFFF20] =	vst v3;
	v3 =	vld [tilespmem:s25+$0xA0]  }
0x85: {  	[tilespmem:s25+$0x50] =	vst v1;
	v9 =	vmul.f32 v10, v11;
	v10 =	vld [tilespmem:s25+$0xFFFFFFB0]  }
0x86: {  	v1 =	vld [tilespmem:s24+$0x60];
	[tilespmem:s25+$0xFFFFFF60] =	vst v2  }
0x87: {  	[tilespmem:s25+$0xFFFFFFA0] =	vst v9;
	v9 =	vld [tilespmem:s25+$0xFFFFFFF0]  }
0x88: {  	v2 =	vmul.f32 v4, v60;
	v15 =	vld [tilespmem:s24+$0xFFFFFF70]  }
0x89: {  	v11 =	vld [tilespmem:s24+$0xFFFFFF30];
	v7 =	vmul.f32 v7, v3  }
0x8a: {  	v4 =	vmul.f32 v5, v61;
	v5 =	vld [tilespmem:s24+$0xFFFFFFB0];
	[tilespmem:s25+$0xFFFFFFE0] =	vst v2  }
0x8b: {  	v1 =	vmul.f32 v1, v62;
	[tilespmem:s25+$0xA0] =	vst v7;
	v7 =	vld [tilespmem:s25+$0xFFFFFF70]  }
0x8c: {  	[tilespmem:s25+$0x20] =	vst v4;
	v2 =	vld [tilespmem:s24+$0xFFFFFFF0]  }
0x8d: {  	v3 =	vld [tilespmem:s24+$0x30];
	[tilespmem:s25+$0x60] =	vst v1  }
0x8e: {  	v4 =	vld [tilespmem:s24+$0x70];
	v11 =	vmul.f32 v11, v63  }
0x8f: {  	v1 =	vld [tilespmem:s24+$0xB0]  }
0x90: {  	s3 =	simm.s32 $0x0;
	s19 =	simm.s32 $0x27A0;
	[tilespmem:s25+$0xFFFFFF30] =	vst v11;
	v11 =	vmul.f32 v15, v7;
	v7 =	vld [tilespmem:s25+$0xB0]  }
.LBB2_7:
0x91: {  	v12 =	vld [tilespmem:s19+$0xC0];
	v5 =	vmul.f32 v5, v10;
	s24 =	sadd.s32 $0x200, s24  }
0x92: {  	s3 =	sadd.s32 $0x8, s3;
	v10 =	vld [tilespmem:s24+$0xC0];
	[tilespmem:s25+$0xFFFFFF70] =	vst v11;
	v2 =	vmul.f32 v2, v9  }
0x93: {  	p1 =	slt.u32 s3, $0x48;
	v9 =	vld [tilespmem:s24+$0xFFFFFF00];
	[tilespmem:s25+$0xFFFFFFB0] =	vst v5;
	v3 =	vmul.f32 v3, v8  }
0x94: {  	v5 =	vld [tilespmem:s19+$0xFFFFFF40];
	[tilespmem:s25+$0xFFFFFFF0] =	vst v2;
	v2 =	vmul.f32 v4, v6  }
0x95: {  	v4 =	vld [tilespmem:s24+$0xFFFFFF40];
	[tilespmem:s25+$0x30] =	vst v3;
	v1 =	vmul.f32 v1, v7  }
0x96: {  	v3 =	vld [tilespmem:s19+$0xFFFFFF80];
	[tilespmem:s25+$0x70] =	vst v2  }
0x97: {  	v2 =	vld [tilespmem:s24+$0xFFFFFF80];
	v6 =	vmul.f32 v10, v12;
	[tilespmem:s25+$0xB0] =	vst v1;
	s25 =	smov.u32 s19  }
0x98: {  	v1 =	vld [tilespmem:s19+$0xFFFFFFC0]  }
0x99: {  	[tilespmem:s19+$0xC0] =	vst v6;
	v6 =	vld [tilespmem:s19+$0xD0]  }
0x9a: {  	v4 =	vmul.f32 v4, v5;
	v5 =	vld [tilespmem:s24+$0xD0]  }
0x9b: {  	v7 =	vld [tilespmem:s24+$0xFFFFFFC0]  }
0x9c: {  	[tilespmem:s19+$0xFFFFFF40] =	vst v4;
	v2 =	vmul.f32 v2, v3;
	v3 =	vld [tilespmem:s19+$0x0]  }
0x9d: {  	v4 =	vld [tilespmem:s24+$0x0]  }
0x9e: {  	[tilespmem:s19+$0xFFFFFF80] =	vst v2;
	v2 =	vld [tilespmem:s19+$0x40]  }
0x9f: {  	v8 =	vld [tilespmem:s24+$0x40];
	v5 =	vmul.f32 v5, v6  }
0xa0: {  	v1 =	vmul.f32 v7, v1;
	v6 =	vld [tilespmem:s19+$0x80]  }
0xa1: {  	[tilespmem:s19+$0xD0] =	vst v5;
	v5 =	vld [tilespmem:s19+$0xE0]  }
0xa2: {  	[tilespmem:s19+$0xFFFFFFC0] =	vst v1;
	v1 =	vmul.f32 v4, v3;
	v3 =	vld [tilespmem:s24+$0xE0]  }
0xa3: {  	v4 =	vld [tilespmem:s24+$0x80]  }
0xa4: {  	v7 =	vld [tilespmem:s19+$0xFFFFFF00];
	[tilespmem:s19+$0x0] =	vst v1;
	v1 =	vmul.f32 v8, v2  }
0xa5: {  	v2 =	vld [tilespmem:s24+$0xFFFFFF50]  }
0xa6: {  	v8 =	vld [tilespmem:s24+$0xFFFFFF90];
	[tilespmem:s19+$0x40] =	vst v1  }
0xa7: {  	v1 =	vld [tilespmem:s24+$0xFFFFFFD0];
	v3 =	vmul.f32 v3, v5  }
0xa8: {  	v5 =	vld [tilespmem:s24+$0x10];
	v4 =	vmul.f32 v4, v6  }
0xa9: {  	v6 =	vmul.f32 v9, v7;
	[tilespmem:s19+$0xE0] =	vst v3;
	v3 =	vld [tilespmem:s19+$0xF0]  }
0xaa: {  	[tilespmem:s19+$0x80] =	vst v4;
	v4 =	vld [tilespmem:s24+$0xF0]  }
0xab: {  	[tilespmem:s19+$0xFFFFFF00] =	vst v6;
	v6 =	vld [tilespmem:s24+$0x50]  }
0xac: {  	v7 =	vld [tilespmem:s24+$0xFFFFFF10]  }
0xad: {  	v9 =	vld [tilespmem:s24+$0x90]  }
0xae: {  	v10 =	vld [tilespmem:s19+$0xFFFFFF10]  }
0xaf: {  	v11 =	vld [tilespmem:s19+$0xFFFFFF50];
	v3 =	vmul.f32 v4, v3  }
0xb0: {  	v4 =	vld [tilespmem:s19+$0xFFFFFF90]  }
0xb1: {  	v12 =	vld [tilespmem:s19+$0xFFFFFFD0];
	[tilespmem:s19+$0xF0] =	vst v3  }
0xb2: {  	v3 =	vld [tilespmem:s19+$0x10]  }
0xb3: {  	v7 =	vmul.f32 v7, v10;
	v10 =	vld [tilespmem:s19+$0x50]  }
0xb4: {  	v2 =	vmul.f32 v2, v11;
	v11 =	vld [tilespmem:s19+$0x90]  }
0xb5: {  	[tilespmem:s19+$0xFFFFFF10] =	vst v7;
	v7 =	vld [tilespmem:s19+$0xFFFFFF20];
	v4 =	vmul.f32 v8, v4  }
0xb6: {  	v8 =	vld [tilespmem:s24+$0xFFFFFF20];
	[tilespmem:s19+$0xFFFFFF50] =	vst v2;
	v1 =	vmul.f32 v1, v12  }
0xb7: {  	v2 =	vld [tilespmem:s24+$0xFFFFFF60];
	[tilespmem:s19+$0xFFFFFF90] =	vst v4;
	v3 =	vmul.f32 v5, v3  }
0xb8: {  	v4 =	vld [tilespmem:s24+$0xFFFFFFA0];
	[tilespmem:s19+$0xFFFFFFD0] =	vst v1;
	v1 =	vmul.f32 v6, v10  }
0xb9: {  	v5 =	vld [tilespmem:s24+$0xFFFFFFE0];
	[tilespmem:s19+$0x10] =	vst v3;
	v3 =	vmul.f32 v9, v11  }
0xba: {  	v6 =	vld [tilespmem:s24+$0x20];
	[tilespmem:s19+$0x50] =	vst v1  }
0xbb: {  	v1 =	vmul.f32 v8, v7;
	v7 =	vld [tilespmem:s24+$0x60];
	[tilespmem:s19+$0x90] =	vst v3  }
0xbc: {  	v3 =	vld [tilespmem:s24+$0xA0]  }
0xbd: {  	[tilespmem:s19+$0xFFFFFF20] =	vst v1;
	v1 =	vld [tilespmem:s19+$0xFFFFFF60]  }
0xbe: {  	v8 =	vld [tilespmem:s19+$0xFFFFFFA0]  }
0xbf: {  	v9 =	vld [tilespmem:s19+$0xFFFFFFE0]  }
0xc0: {  	v10 =	vld [tilespmem:s19+$0x20]  }
0xc1: {  	v11 =	vld [tilespmem:s19+$0x60]  }
0xc2: {  	v1 =	vmul.f32 v2, v1;
	v12 =	vld [tilespmem:s19+$0xA0]  }
0xc3: {  	v13 =	vld [tilespmem:s24+$0xFFFFFF30];
	v2 =	vmul.f32 v4, v8  }
0xc4: {  	v4 =	vld [tilespmem:s19+$0xFFFFFF30];
	[tilespmem:s19+$0xFFFFFF60] =	vst v1;
	v1 =	vmul.f32 v5, v9  }
0xc5: {  	v14 =	vld [tilespmem:s24+$0xFFFFFF70];
	[tilespmem:s19+$0xFFFFFFA0] =	vst v2;
	v6 =	vmul.f32 v6, v10  }
0xc6: {  	v5 =	vld [tilespmem:s24+$0xFFFFFFB0];
	[tilespmem:s19+$0xFFFFFFE0] =	vst v1;
	v1 =	vmul.f32 v7, v11  }
0xc7: {  	v2 =	vld [tilespmem:s24+$0xFFFFFFF0];
	[tilespmem:s19+$0x20] =	vst v6;
	v6 =	vmul.f32 v3, v12  }
0xc8: {  	v3 =	vld [tilespmem:s24+$0x30];
	[tilespmem:s19+$0x60] =	vst v1  }
0xc9: {  	v7 =	vmul.f32 v13, v4;
	v4 =	vld [tilespmem:s24+$0x70];
	[tilespmem:s19+$0xA0] =	vst v6  }
0xca: {  	v1 =	vld [tilespmem:s24+$0xB0]  }
0xcb: {  	[tilespmem:s19+$0xFFFFFF30] =	vst v7;
	v7 =	vld [tilespmem:s19+$0xFFFFFF70]  }
.Ltmp2:
0xcc: {  	v10 =	vld [tilespmem:s19+$0xFFFFFFB0];
	(pc) =	sbr.rel @p1 .LBB2_7-.Ltmp2, $4  }
0xcd: {  	v9 =	vld [tilespmem:s19+$0xFFFFFFF0]  }
0xce: {  	v8 =	vld [tilespmem:s19+$0x30]  }
0xcf: {  	v6 =	vld [tilespmem:s19+$0x70]  }
0xd0: {  	s19 =	sadd.s32 $0x200, s19;
	v11 =	vmul.f32 v14, v7;
	v7 =	vld [tilespmem:s25+$0xB0]  }
0xd1: {  	v5 =	vmul.f32 v5, v10  }
0xd2: {  	[tilespmem:s25+$0xFFFFFF70] =	vst v11;
	v2 =	vmul.f32 v2, v9  }
0xd3: {  	[tilespmem:s25+$0xFFFFFFB0] =	vst v5;
	v3 =	vmul.f32 v3, v8  }
0xd4: {  	[tilespmem:s25+$0xFFFFFFF0] =	vst v2;
	v2 =	vmul.f32 v4, v6  }
0xd5: {  	[tilespmem:s25+$0x30] =	vst v3;
	v1 =	vmul.f32 v1, v7  }
0xd6: {  	[tilespmem:s25+$0x70] =	vst v2  }
0xd7: {  	[tilespmem:s25+$0xB0] =	vst v1  }
0xd8: {  	v1 =	vld @!p0 [tilespmem:$0x2450];
	_ =	sdelay $0x6  }
0xd9: {  	s3 =	simm.s32 @!p0 $0x2000;
	v2 =	vimm.f32 @!p0 $1.000000000e+00  }
0xda: {  	[tilespmem:v1+s3+$0x0] =	vst.idx.add.f32.msk @!p0 $0xffff, v2  }
0xdb: {  	v1 =	vld @!p0 [tilespmem:$0x2460];
	_ =	sdelay $0x7  }
0xdc: {  	[tilespmem:v1+s3+$0x0] =	vst.idx.add.f32.msk @!p0 $0xffff, v2  }
0xdd: {  	v1 =	vld @!p0 [tilespmem:$0x2470];
	_ =	sdelay $0x7  }
0xde: {  	[tilespmem:v1+s3+$0x0] =	vst.idx.add.f32.msk @!p0 $0xffff, v2  }
0xdf: {  	v1 =	vld @!p0 [tilespmem:$0x2480];
	_ =	sdelay $0x7  }
0xe0: {  	[tilespmem:v1+s3+$0x0] =	vst.idx.add.f32.msk @!p0 $0xffff, v2  }
0xe1: {  	v1 =	vld @!p0 [tilespmem:$0x2490];
	_ =	sdelay $0x6  }
0xe2: {  	p1 =	seq.s32 s18, $0x0;
	s25 =	smul.u32 $0xF0, s18  }
0xe3: {  	[tilespmem:v1+s3+$0x0] =	vst.idx.add.f32.msk @!p0 $0xffff, v2;
	s3 =	simm.s32 @!p1 $0x9  }
0xe4: {  	s17 =	sadd.s32 s25, s15;
	_ =	swait.ge @!p1 [sflag:s3], $0x1400  }
0xe5: {  	s19 =	sshrl.u32 s17, $0x3;
	s17 =	sshll.u32 s17, $0x7;
	[sflag:s3] =	ssyncset.done @!p1 $0x0  }
0xe6: {  	s24 =	sadd.s32 s1, s19;
	[sflag:s3] =	ssyncadd.s32 @!p1 $0xFFFFEC00;
	s3 =	sor.u32 s6, s17  }
0xe7: {  	[tilespmem:s14], [sflag:$0x7] =	stream.strided.gather [hbm4b:s24+s28], $0xA0, s29, s28, $0x38;
	[tilespmem:$0x9DE0] =	vst v63  }
0xe8: {  	s3 =	sshrl.u32 s3, $0x3  }
0xe9: {  	s19 =	simm.s32 $0x89E0;
	s3 =	sadd.s32 s7, s3  }
0xea: {  	[tilespmem:s19], [sflag:$0x7] =	stream.strided.gather [hbm4b:s3+s31], $0x1400, s0, s31, $0x38;
	[tilespmem:$0x9DE0] =	vst v63  }
0xeb: {  	s24 =	simm.s32 $0x2450  }
0xec: {  	[spmem:s4] =	stream.indirect.scatter.add.f32 [tilespmem:s26], [sflag:$0x3], $0x40, s24, s28, $0xb8;
	[tilespmem:$0x9DE0] =	vst v63  }
0xed: {  	_ =	swait.ge [sflag:s20], $0x1400  }
0xee: {  	[sflag:s20] =	ssyncset.done $0x0  }
0xef: {  	[sflag:s20] =	ssyncadd.s32 $0xFFFFEC00  }
0xf0: {  	_ =	swait.ge [sflag:s21], $0xA0  }
0xf1: {  	[sflag:s21] =	ssyncset.done $0x0  }
0xf2: {  	[sflag:s21] =	ssyncadd.s32 $0xFFFFFF60  }
0xf3: {  	_ =	swait.ge [sflag:s21], $0x1400  }
0xf4: {  	[sflag:s21] =	ssyncset.done $0x0  }
0xf5: {  	s24 =	simm.s32 $0x4E40;
	[sflag:s21] =	ssyncadd.s32 $0xFFFFEC00  }
0xf6: {  	[tilespmem:s9], [sflag:$0x8] =	stream.indirect.gather [spmem:s2], $0x40, s14, s28, $0xb8;
	[tilespmem:$0x9DE0] =	vst v63  }
0xf7: {  	s3 =	simm.s32 $0x6240;
	v1 =	vld [tilespmem:s24+$0xC0]  }
0xf8: {  	v2 =	vld [tilespmem:s3+$0xC0]  }
0xf9: {  	v3 =	vld [tilespmem:s3+$0xFFFFFF00]  }
0xfa: {  	v4 =	vld [tilespmem:s24+$0xFFFFFF40]  }
0xfb: {  	v5 =	vld [tilespmem:s24+$0xFFFFFF80]  }
0xfc: {  	v7 =	vld [tilespmem:s3+$0xFFFFFF80]  }
0xfd: {  	v8 =	vld [tilespmem:s24+$0xFFFFFFC0]  }
0xfe: {  	v9 =	vld [tilespmem:s3+$0xFFFFFFC0]  }
0xff: {  	v10 =	vld [tilespmem:s24+$0x0]  }
0x100: {  	v11 =	vld [tilespmem:s3+$0x0]  }
0x101: {  	v12 =	vld [tilespmem:s3+$0x40]  }
0x102: {  	v57 =	vld [tilespmem:s24+$0xFFFFFF90]  }
0x103: {  	v58 =	vld [tilespmem:s24+$0xFFFFFFD0]  }
0x104: {  	v14 =	vld [tilespmem:s24+$0x10]  }
0x105: {  	v60 =	vld [tilespmem:s24+$0xFFFFFFE0];
	v1 =	vmul.f32 v2, v1  }
0x106: {  	v2 =	vld [tilespmem:s3+$0xFFFFFF40]  }
0x107: {  	[tilespmem:s24+$0xC0] =	vst v1;
	v1 =	vld [tilespmem:s24+$0xD0]  }
0x108: {  	v6 =	vld [tilespmem:s3+$0xD0]  }
0x109: {  	v61 =	vld [tilespmem:s24+$0x20]  }
0x10a: {  	v62 =	vld [tilespmem:s24+$0x60];
	v5 =	vmul.f32 v7, v5  }
0x10b: {  	v63 =	vld [tilespmem:s24+$0xFFFFFF30];
	v2 =	vmul.f32 v2, v4  }
0x10c: {  	v7 =	vld [tilespmem:s3+$0x80];
	[tilespmem:s24+$0xFFFFFF80] =	vst v5  }
0x10d: {  	v5 =	vmul.f32 v11, v10;
	v11 =	vld [tilespmem:s24+$0xFFFFFF50];
	[tilespmem:s24+$0xFFFFFF40] =	vst v2;
	v1 =	vmul.f32 v6, v1  }
0x10e: {  	v2 =	vmul.f32 v9, v8;
	v9 =	vld [tilespmem:s3+$0xFFFFFF50]  }
0x10f: {  	[tilespmem:s24+$0xD0] =	vst v1;
	v1 =	vld [tilespmem:s24+$0xE0]  }
0x110: {  	v13 =	vld [tilespmem:s3+$0xE0]  }
0x111: {  	v4 =	vld [tilespmem:s24+$0x80]  }
0x112: {  	[tilespmem:s24+$0x0] =	vst v5;
	v8 =	vld [tilespmem:s24+$0xFFFFFF00]  }
0x113: {  	v10 =	vld [tilespmem:s3+$0x10]  }
0x114: {  	v6 =	vld [tilespmem:s24+$0x40];
	v9 =	vmul.f32 v9, v11  }
0x115: {  	[tilespmem:s24+$0xFFFFFFC0] =	vst v2;
	v2 =	vld [tilespmem:s3+$0xFFFFFF90];
	v1 =	vmul.f32 v13, v1  }
0x116: {  	v5 =	vld [tilespmem:s3+$0xFFFFFFD0];
	[tilespmem:s24+$0xFFFFFF50] =	vst v9  }
0x117: {  	v11 =	vld [tilespmem:s24+$0x90];
	[tilespmem:s24+$0xE0] =	vst v1;
	v1 =	vmul.f32 v3, v8  }
0x118: {  	v9 =	vld [tilespmem:s3+$0xFFFFFF60];
	v3 =	vmul.f32 v7, v4  }
0x119: {  	v6 =	vmul.f32 v12, v6;
	v8 =	vld [tilespmem:s24+$0xF0];
	[tilespmem:s24+$0xFFFFFF00] =	vst v1  }
0x11a: {  	v2 =	vmul.f32 v2, v57;
	[tilespmem:s24+$0x80] =	vst v3;
	v3 =	vld [tilespmem:s24+$0xFFFFFF10]  }
0x11b: {  	[tilespmem:s24+$0x40] =	vst v6;
	v4 =	vld [tilespmem:s3+$0xFFFFFF10]  }
0x11c: {  	[tilespmem:s24+$0xFFFFFF90] =	vst v2;
	v2 =	vmul.f32 v10, v14;
	v6 =	vld [tilespmem:s3+$0xF0]  }
0x11d: {  	v5 =	vmul.f32 v5, v58;
	v10 =	vld [tilespmem:s3+$0xFFFFFFA0]  }
0x11e: {  	[tilespmem:s24+$0x10] =	vst v2;
	v7 =	vld [tilespmem:s3+$0x90]  }
0x11f: {  	[tilespmem:s24+$0xFFFFFFD0] =	vst v5;
	v5 =	vld [tilespmem:s3+$0x20]  }
0x120: {  	v1 =	vld [tilespmem:s3+$0x50];
	v3 =	vmul.f32 v4, v3  }
0x121: {  	v6 =	vmul.f32 v6, v8;
	v8 =	vld [tilespmem:s24+$0x30]  }
0x122: {  	[tilespmem:s24+$0xFFFFFF10] =	vst v3;
	v3 =	vld [tilespmem:s24+$0xFFFFFF20]  }
0x123: {  	v2 =	vmul.f32 v7, v11;
	v59 =	vld [tilespmem:s3+$0xFFFFFF20]  }
0x124: {  	v4 =	vld [tilespmem:s24+$0x50]  }
0x125: {  	[tilespmem:s24+$0x90] =	vst v2;
	v2 =	vld [tilespmem:s24+$0xFFFFFF60]  }
0x126: {  	v11 =	vld [tilespmem:s24+$0xFFFFFFA0]  }
0x127: {  	[tilespmem:s24+$0xF0] =	vst v6;
	v6 =	vld [tilespmem:s24+$0x70]  }
0x128: {  	v7 =	vld [tilespmem:s3+$0xA0];
	v3 =	vmul.f32 v59, v3  }
0x129: {  	v1 =	vmul.f32 v1, v4;
	v4 =	vld [tilespmem:s3+$0xFFFFFFE0]  }
0x12a: {  	v2 =	vmul.f32 v9, v2;
	[tilespmem:s24+$0xFFFFFF20] =	vst v3;
	v3 =	vld [tilespmem:s24+$0xA0]  }
0x12b: {  	[tilespmem:s24+$0x50] =	vst v1;
	v9 =	vmul.f32 v10, v11;
	v10 =	vld [tilespmem:s24+$0xFFFFFFB0]  }
0x12c: {  	v1 =	vld [tilespmem:s3+$0x60];
	[tilespmem:s24+$0xFFFFFF60] =	vst v2  }
0x12d: {  	[tilespmem:s24+$0xFFFFFFA0] =	vst v9;
	v9 =	vld [tilespmem:s24+$0xFFFFFFF0]  }
0x12e: {  	v2 =	vmul.f32 v4, v60;
	v15 =	vld [tilespmem:s3+$0xFFFFFF70]  }
0x12f: {  	v11 =	vld [tilespmem:s3+$0xFFFFFF30];
	v7 =	vmul.f32 v7, v3  }
0x130: {  	v4 =	vmul.f32 v5, v61;
	v5 =	vld [tilespmem:s3+$0xFFFFFFB0];
	[tilespmem:s24+$0xFFFFFFE0] =	vst v2  }
0x131: {  	v1 =	vmul.f32 v1, v62;
	[tilespmem:s24+$0xA0] =	vst v7;
	v7 =	vld [tilespmem:s24+$0xFFFFFF70]  }
0x132: {  	[tilespmem:s24+$0x20] =	vst v4;
	v2 =	vld [tilespmem:s3+$0xFFFFFFF0]  }
0x133: {  	v3 =	vld [tilespmem:s3+$0x30];
	[tilespmem:s24+$0x60] =	vst v1  }
0x134: {  	v4 =	vld [tilespmem:s3+$0x70];
	v11 =	vmul.f32 v11, v63  }
0x135: {  	v1 =	vld [tilespmem:s3+$0xB0]  }
0x136: {  	s17 =	simm.s32 $0x5040;
	s19 =	simm.s32 $0x0;
	[tilespmem:s24+$0xFFFFFF30] =	vst v11;
	v11 =	vmul.f32 v15, v7;
	v7 =	vld [tilespmem:s24+$0xB0]  }
.LBB2_9:
0x137: {  	v12 =	vld [tilespmem:s17+$0xC0];
	v5 =	vmul.f32 v5, v10;
	s3 =	sadd.s32 $0x200, s3  }
0x138: {  	s19 =	sadd.s32 $0x8, s19;
	v10 =	vld [tilespmem:s3+$0xC0];
	[tilespmem:s24+$0xFFFFFF70] =	vst v11;
	v2 =	vmul.f32 v2, v9  }
0x139: {  	p1 =	slt.u32 s19, $0x48;
	v9 =	vld [tilespmem:s3+$0xFFFFFF00];
	[tilespmem:s24+$0xFFFFFFB0] =	vst v5;
	v3 =	vmul.f32 v3, v8  }
0x13a: {  	v5 =	vld [tilespmem:s17+$0xFFFFFF40];
	[tilespmem:s24+$0xFFFFFFF0] =	vst v2;
	v2 =	vmul.f32 v4, v6  }
0x13b: {  	v4 =	vld [tilespmem:s3+$0xFFFFFF40];
	[tilespmem:s24+$0x30] =	vst v3;
	v1 =	vmul.f32 v1, v7  }
0x13c: {  	v3 =	vld [tilespmem:s17+$0xFFFFFF80];
	[tilespmem:s24+$0x70] =	vst v2  }
0x13d: {  	v2 =	vld [tilespmem:s3+$0xFFFFFF80];
	v6 =	vmul.f32 v10, v12;
	[tilespmem:s24+$0xB0] =	vst v1;
	s24 =	smov.u32 s17  }
0x13e: {  	v1 =	vld [tilespmem:s17+$0xFFFFFFC0]  }
0x13f: {  	[tilespmem:s17+$0xC0] =	vst v6;
	v6 =	vld [tilespmem:s17+$0xD0]  }
0x140: {  	v4 =	vmul.f32 v4, v5;
	v5 =	vld [tilespmem:s3+$0xD0]  }
0x141: {  	v7 =	vld [tilespmem:s3+$0xFFFFFFC0]  }
0x142: {  	[tilespmem:s17+$0xFFFFFF40] =	vst v4;
	v2 =	vmul.f32 v2, v3;
	v3 =	vld [tilespmem:s17+$0x0]  }
0x143: {  	v4 =	vld [tilespmem:s3+$0x0]  }
0x144: {  	[tilespmem:s17+$0xFFFFFF80] =	vst v2;
	v2 =	vld [tilespmem:s17+$0x40]  }
0x145: {  	v8 =	vld [tilespmem:s3+$0x40];
	v5 =	vmul.f32 v5, v6  }
0x146: {  	v1 =	vmul.f32 v7, v1;
	v6 =	vld [tilespmem:s17+$0x80]  }
0x147: {  	[tilespmem:s17+$0xD0] =	vst v5;
	v5 =	vld [tilespmem:s17+$0xE0]  }
0x148: {  	[tilespmem:s17+$0xFFFFFFC0] =	vst v1;
	v1 =	vmul.f32 v4, v3;
	v3 =	vld [tilespmem:s3+$0xE0]  }
0x149: {  	v4 =	vld [tilespmem:s3+$0x80]  }
0x14a: {  	v7 =	vld [tilespmem:s17+$0xFFFFFF00];
	[tilespmem:s17+$0x0] =	vst v1;
	v1 =	vmul.f32 v8, v2  }
0x14b: {  	v2 =	vld [tilespmem:s3+$0xFFFFFF50]  }
0x14c: {  	v8 =	vld [tilespmem:s3+$0xFFFFFF90];
	[tilespmem:s17+$0x40] =	vst v1  }
0x14d: {  	v1 =	vld [tilespmem:s3+$0xFFFFFFD0];
	v3 =	vmul.f32 v3, v5  }
0x14e: {  	v5 =	vld [tilespmem:s3+$0x10];
	v4 =	vmul.f32 v4, v6  }
0x14f: {  	v6 =	vmul.f32 v9, v7;
	[tilespmem:s17+$0xE0] =	vst v3;
	v3 =	vld [tilespmem:s17+$0xF0]  }
0x150: {  	[tilespmem:s17+$0x80] =	vst v4;
	v4 =	vld [tilespmem:s3+$0xF0]  }
0x151: {  	[tilespmem:s17+$0xFFFFFF00] =	vst v6;
	v6 =	vld [tilespmem:s3+$0x50]  }
0x152: {  	v7 =	vld [tilespmem:s3+$0xFFFFFF10]  }
0x153: {  	v9 =	vld [tilespmem:s3+$0x90]  }
0x154: {  	v10 =	vld [tilespmem:s17+$0xFFFFFF10]  }
0x155: {  	v11 =	vld [tilespmem:s17+$0xFFFFFF50];
	v3 =	vmul.f32 v4, v3  }
0x156: {  	v4 =	vld [tilespmem:s17+$0xFFFFFF90]  }
0x157: {  	v12 =	vld [tilespmem:s17+$0xFFFFFFD0];
	[tilespmem:s17+$0xF0] =	vst v3  }
0x158: {  	v3 =	vld [tilespmem:s17+$0x10]  }
0x159: {  	v7 =	vmul.f32 v7, v10;
	v10 =	vld [tilespmem:s17+$0x50]  }
0x15a: {  	v2 =	vmul.f32 v2, v11;
	v11 =	vld [tilespmem:s17+$0x90]  }
0x15b: {  	[tilespmem:s17+$0xFFFFFF10] =	vst v7;
	v7 =	vld [tilespmem:s17+$0xFFFFFF20];
	v4 =	vmul.f32 v8, v4  }
0x15c: {  	v8 =	vld [tilespmem:s3+$0xFFFFFF20];
	[tilespmem:s17+$0xFFFFFF50] =	vst v2;
	v1 =	vmul.f32 v1, v12  }
0x15d: {  	v2 =	vld [tilespmem:s3+$0xFFFFFF60];
	[tilespmem:s17+$0xFFFFFF90] =	vst v4;
	v3 =	vmul.f32 v5, v3  }
0x15e: {  	v4 =	vld [tilespmem:s3+$0xFFFFFFA0];
	[tilespmem:s17+$0xFFFFFFD0] =	vst v1;
	v1 =	vmul.f32 v6, v10  }
0x15f: {  	v5 =	vld [tilespmem:s3+$0xFFFFFFE0];
	[tilespmem:s17+$0x10] =	vst v3;
	v3 =	vmul.f32 v9, v11  }
0x160: {  	v6 =	vld [tilespmem:s3+$0x20];
	[tilespmem:s17+$0x50] =	vst v1  }
0x161: {  	v1 =	vmul.f32 v8, v7;
	v7 =	vld [tilespmem:s3+$0x60];
	[tilespmem:s17+$0x90] =	vst v3  }
0x162: {  	v3 =	vld [tilespmem:s3+$0xA0]  }
0x163: {  	[tilespmem:s17+$0xFFFFFF20] =	vst v1;
	v1 =	vld [tilespmem:s17+$0xFFFFFF60]  }
0x164: {  	v8 =	vld [tilespmem:s17+$0xFFFFFFA0]  }
0x165: {  	v9 =	vld [tilespmem:s17+$0xFFFFFFE0]  }
0x166: {  	v10 =	vld [tilespmem:s17+$0x20]  }
0x167: {  	v11 =	vld [tilespmem:s17+$0x60]  }
0x168: {  	v1 =	vmul.f32 v2, v1;
	v12 =	vld [tilespmem:s17+$0xA0]  }
0x169: {  	v13 =	vld [tilespmem:s3+$0xFFFFFF30];
	v2 =	vmul.f32 v4, v8  }
0x16a: {  	v4 =	vld [tilespmem:s17+$0xFFFFFF30];
	[tilespmem:s17+$0xFFFFFF60] =	vst v1;
	v1 =	vmul.f32 v5, v9  }
0x16b: {  	v14 =	vld [tilespmem:s3+$0xFFFFFF70];
	[tilespmem:s17+$0xFFFFFFA0] =	vst v2;
	v6 =	vmul.f32 v6, v10  }
0x16c: {  	v5 =	vld [tilespmem:s3+$0xFFFFFFB0];
	[tilespmem:s17+$0xFFFFFFE0] =	vst v1;
	v1 =	vmul.f32 v7, v11  }
0x16d: {  	v2 =	vld [tilespmem:s3+$0xFFFFFFF0];
	[tilespmem:s17+$0x20] =	vst v6;
	v6 =	vmul.f32 v3, v12  }
0x16e: {  	v3 =	vld [tilespmem:s3+$0x30];
	[tilespmem:s17+$0x60] =	vst v1  }
0x16f: {  	v7 =	vmul.f32 v13, v4;
	v4 =	vld [tilespmem:s3+$0x70];
	[tilespmem:s17+$0xA0] =	vst v6  }
0x170: {  	v1 =	vld [tilespmem:s3+$0xB0]  }
0x171: {  	[tilespmem:s17+$0xFFFFFF30] =	vst v7;
	v7 =	vld [tilespmem:s17+$0xFFFFFF70]  }
.Ltmp3:
0x172: {  	v10 =	vld [tilespmem:s17+$0xFFFFFFB0];
	(pc) =	sbr.rel @p1 .LBB2_9-.Ltmp3, $4  }
0x173: {  	v9 =	vld [tilespmem:s17+$0xFFFFFFF0]  }
0x174: {  	v8 =	vld [tilespmem:s17+$0x30]  }
0x175: {  	v6 =	vld [tilespmem:s17+$0x70]  }
0x176: {  	s17 =	sadd.s32 $0x200, s17;
	v11 =	vmul.f32 v14, v7;
	v7 =	vld [tilespmem:s24+$0xB0]  }
0x177: {  	v5 =	vmul.f32 v5, v10  }
0x178: {  	[tilespmem:s24+$0xFFFFFF70] =	vst v11;
	v2 =	vmul.f32 v2, v9  }
0x179: {  	[tilespmem:s24+$0xFFFFFFB0] =	vst v5;
	v3 =	vmul.f32 v3, v8  }
0x17a: {  	[tilespmem:s24+$0xFFFFFFF0] =	vst v2;
	v2 =	vmul.f32 v4, v6  }
0x17b: {  	[tilespmem:s24+$0x30] =	vst v3;
	v1 =	vmul.f32 v1, v7  }
0x17c: {  	[tilespmem:s24+$0x70] =	vst v2  }
0x17d: {  	[tilespmem:s24+$0xB0] =	vst v1  }
0x17e: {  	v1 =	vld @!p0 [tilespmem:$0x4CF0];
	_ =	sdelay $0x6  }
0x17f: {  	s3 =	simm.s32 @!p0 $0x2000;
	v2 =	vimm.f32 @!p0 $1.000000000e+00  }
0x180: {  	[tilespmem:v1+s3+$0x0] =	vst.idx.add.f32.msk @!p0 $0xffff, v2  }
0x181: {  	v1 =	vld @!p0 [tilespmem:$0x4D00];
	_ =	sdelay $0x7  }
0x182: {  	[tilespmem:v1+s3+$0x0] =	vst.idx.add.f32.msk @!p0 $0xffff, v2  }
0x183: {  	v1 =	vld @!p0 [tilespmem:$0x4D10];
	_ =	sdelay $0x7  }
0x184: {  	[tilespmem:v1+s3+$0x0] =	vst.idx.add.f32.msk @!p0 $0xffff, v2  }
0x185: {  	v1 =	vld @!p0 [tilespmem:$0x4D20];
	_ =	sdelay $0x7  }
0x186: {  	[tilespmem:v1+s3+$0x0] =	vst.idx.add.f32.msk @!p0 $0xffff, v2  }
0x187: {  	v1 =	vld @!p0 [tilespmem:$0x4D30];
	_ =	sdelay $0x7  }
0x188: {  	s24 =	sadd.s32 s25, s16;
	[tilespmem:v1+s3+$0x0] =	vst.idx.add.f32.msk @!p0 $0xffff, v2  }
0x189: {  	s3 =	sshll.u32 s24, $0x7;
	_ =	swait.ge [sflag:s10], $0x1400  }
0x18a: {  	s17 =	sshrl.u32 s24, $0x3;
	s3 =	sor.u32 s6, s3;
	[sflag:s10] =	ssyncset.done $0x0  }
0x18b: {  	s17 =	sadd.s32 s1, s17;
	s3 =	sshrl.u32 s3, $0x3;
	[sflag:s10] =	ssyncadd.s32 $0xFFFFEC00  }
0x18c: {  	[tilespmem:s30], [sflag:$0x1] =	stream.strided.gather [hbm4b:s17+s28], $0xA0, s29, s28, $0x38;
	[tilespmem:$0x9DE0] =	vst v63  }
0x18d: {  	s19 =	simm.s32 $0x38A0;
	s3 =	sadd.s32 s7, s3  }
0x18e: {  	[tilespmem:s19], [sflag:$0x1] =	stream.strided.gather [hbm4b:s3+s31], $0x1400, s0, s31, $0x38;
	[tilespmem:$0x9DE0] =	vst v63  }
0x18f: {  	s24 =	simm.s32 $0x4CF0  }
0x190: {  	[spmem:s4] =	stream.indirect.scatter.add.f32 [tilespmem:s13], [sflag:$0x6], $0x40, s24, s28, $0xb8;
	[tilespmem:$0x9DE0] =	vst v63  }
0x191: {  	_ =	swait.ge [sflag:s23], $0x1400  }
0x192: {  	[sflag:s23] =	ssyncset.done $0x0  }
0x193: {  	[sflag:s23] =	ssyncadd.s32 $0xFFFFEC00  }
0x194: {  	_ =	swait.ge [sflag:s22], $0xA0  }
0x195: {  	[sflag:s22] =	ssyncset.done $0x0  }
0x196: {  	[sflag:s22] =	ssyncadd.s32 $0xFFFFFF60  }
0x197: {  	_ =	swait.ge [sflag:s22], $0x1400  }
0x198: {  	[sflag:s22] =	ssyncset.done $0x0  }
0x199: {  	s24 =	simm.s32 $0x76E0;
	[sflag:s22] =	ssyncadd.s32 $0xFFFFEC00  }
0x19a: {  	[tilespmem:s26], [sflag:$0x2] =	stream.indirect.gather [spmem:s2], $0x40, s30, s28, $0xb8;
	[tilespmem:$0x9DE0] =	vst v63  }
0x19b: {  	s3 =	simm.s32 $0x8AE0;
	v1 =	vld [tilespmem:s24+$0xC0]  }
0x19c: {  	v2 =	vld [tilespmem:s3+$0xC0]  }
0x19d: {  	v3 =	vld [tilespmem:s3+$0xFFFFFF00]  }
0x19e: {  	v4 =	vld [tilespmem:s24+$0xFFFFFF40]  }
0x19f: {  	v5 =	vld [tilespmem:s24+$0xFFFFFF80]  }
0x1a0: {  	v7 =	vld [tilespmem:s3+$0xFFFFFF80]  }
0x1a1: {  	v8 =	vld [tilespmem:s24+$0xFFFFFFC0]  }
0x1a2: {  	v9 =	vld [tilespmem:s3+$0xFFFFFFC0]  }
0x1a3: {  	v10 =	vld [tilespmem:s24+$0x0]  }
0x1a4: {  	v11 =	vld [tilespmem:s3+$0x0]  }
0x1a5: {  	v12 =	vld [tilespmem:s3+$0x40]  }
0x1a6: {  	v57 =	vld [tilespmem:s24+$0xFFFFFF90]  }
0x1a7: {  	v58 =	vld [tilespmem:s24+$0xFFFFFFD0]  }
0x1a8: {  	v14 =	vld [tilespmem:s24+$0x10]  }
0x1a9: {  	v60 =	vld [tilespmem:s24+$0xFFFFFFE0];
	v1 =	vmul.f32 v2, v1  }
0x1aa: {  	v2 =	vld [tilespmem:s3+$0xFFFFFF40]  }
0x1ab: {  	[tilespmem:s24+$0xC0] =	vst v1;
	v1 =	vld [tilespmem:s24+$0xD0]  }
0x1ac: {  	v6 =	vld [tilespmem:s3+$0xD0]  }
0x1ad: {  	v61 =	vld [tilespmem:s24+$0x20]  }
0x1ae: {  	v62 =	vld [tilespmem:s24+$0x60];
	v5 =	vmul.f32 v7, v5  }
0x1af: {  	v63 =	vld [tilespmem:s24+$0xFFFFFF30];
	v2 =	vmul.f32 v2, v4  }
0x1b0: {  	v7 =	vld [tilespmem:s3+$0x80];
	[tilespmem:s24+$0xFFFFFF80] =	vst v5  }
0x1b1: {  	v5 =	vmul.f32 v11, v10;
	v11 =	vld [tilespmem:s24+$0xFFFFFF50];
	[tilespmem:s24+$0xFFFFFF40] =	vst v2;
	v1 =	vmul.f32 v6, v1  }
0x1b2: {  	v2 =	vmul.f32 v9, v8;
	v9 =	vld [tilespmem:s3+$0xFFFFFF50]  }
0x1b3: {  	[tilespmem:s24+$0xD0] =	vst v1;
	v1 =	vld [tilespmem:s24+$0xE0]  }
0x1b4: {  	v13 =	vld [tilespmem:s3+$0xE0]  }
0x1b5: {  	v4 =	vld [tilespmem:s24+$0x80]  }
0x1b6: {  	[tilespmem:s24+$0x0] =	vst v5;
	v8 =	vld [tilespmem:s24+$0xFFFFFF00]  }
0x1b7: {  	v10 =	vld [tilespmem:s3+$0x10]  }
0x1b8: {  	v6 =	vld [tilespmem:s24+$0x40];
	v9 =	vmul.f32 v9, v11  }
0x1b9: {  	[tilespmem:s24+$0xFFFFFFC0] =	vst v2;
	v2 =	vld [tilespmem:s3+$0xFFFFFF90];
	v1 =	vmul.f32 v13, v1  }
0x1ba: {  	v5 =	vld [tilespmem:s3+$0xFFFFFFD0];
	[tilespmem:s24+$0xFFFFFF50] =	vst v9  }
0x1bb: {  	v11 =	vld [tilespmem:s24+$0x90];
	[tilespmem:s24+$0xE0] =	vst v1;
	v1 =	vmul.f32 v3, v8  }
0x1bc: {  	v9 =	vld [tilespmem:s3+$0xFFFFFF60];
	v3 =	vmul.f32 v7, v4  }
0x1bd: {  	v6 =	vmul.f32 v12, v6;
	v8 =	vld [tilespmem:s24+$0xF0];
	[tilespmem:s24+$0xFFFFFF00] =	vst v1  }
0x1be: {  	v2 =	vmul.f32 v2, v57;
	[tilespmem:s24+$0x80] =	vst v3;
	v3 =	vld [tilespmem:s24+$0xFFFFFF10]  }
0x1bf: {  	[tilespmem:s24+$0x40] =	vst v6;
	v4 =	vld [tilespmem:s3+$0xFFFFFF10]  }
0x1c0: {  	[tilespmem:s24+$0xFFFFFF90] =	vst v2;
	v2 =	vmul.f32 v10, v14;
	v6 =	vld [tilespmem:s3+$0xF0]  }
0x1c1: {  	v5 =	vmul.f32 v5, v58;
	v10 =	vld [tilespmem:s3+$0xFFFFFFA0]  }
0x1c2: {  	[tilespmem:s24+$0x10] =	vst v2;
	v7 =	vld [tilespmem:s3+$0x90]  }
0x1c3: {  	[tilespmem:s24+$0xFFFFFFD0] =	vst v5;
	v5 =	vld [tilespmem:s3+$0x20]  }
0x1c4: {  	v1 =	vld [tilespmem:s3+$0x50];
	v3 =	vmul.f32 v4, v3  }
0x1c5: {  	v6 =	vmul.f32 v6, v8;
	v8 =	vld [tilespmem:s24+$0x30]  }
0x1c6: {  	[tilespmem:s24+$0xFFFFFF10] =	vst v3;
	v3 =	vld [tilespmem:s24+$0xFFFFFF20]  }
0x1c7: {  	v2 =	vmul.f32 v7, v11;
	v59 =	vld [tilespmem:s3+$0xFFFFFF20]  }
0x1c8: {  	v4 =	vld [tilespmem:s24+$0x50]  }
0x1c9: {  	[tilespmem:s24+$0x90] =	vst v2;
	v2 =	vld [tilespmem:s24+$0xFFFFFF60]  }
0x1ca: {  	v11 =	vld [tilespmem:s24+$0xFFFFFFA0]  }
0x1cb: {  	[tilespmem:s24+$0xF0] =	vst v6;
	v6 =	vld [tilespmem:s24+$0x70]  }
0x1cc: {  	v7 =	vld [tilespmem:s3+$0xA0];
	v3 =	vmul.f32 v59, v3  }
0x1cd: {  	v1 =	vmul.f32 v1, v4;
	v4 =	vld [tilespmem:s3+$0xFFFFFFE0]  }
0x1ce: {  	v2 =	vmul.f32 v9, v2;
	[tilespmem:s24+$0xFFFFFF20] =	vst v3;
	v3 =	vld [tilespmem:s24+$0xA0]  }
0x1cf: {  	[tilespmem:s24+$0x50] =	vst v1;
	v9 =	vmul.f32 v10, v11;
	v10 =	vld [tilespmem:s24+$0xFFFFFFB0]  }
0x1d0: {  	v1 =	vld [tilespmem:s3+$0x60];
	[tilespmem:s24+$0xFFFFFF60] =	vst v2  }
0x1d1: {  	[tilespmem:s24+$0xFFFFFFA0] =	vst v9;
	v9 =	vld [tilespmem:s24+$0xFFFFFFF0]  }
0x1d2: {  	v2 =	vmul.f32 v4, v60;
	v15 =	vld [tilespmem:s3+$0xFFFFFF70]  }
0x1d3: {  	v11 =	vld [tilespmem:s3+$0xFFFFFF30];
	v7 =	vmul.f32 v7, v3  }
0x1d4: {  	v4 =	vmul.f32 v5, v61;
	v5 =	vld [tilespmem:s3+$0xFFFFFFB0];
	[tilespmem:s24+$0xFFFFFFE0] =	vst v2  }
0x1d5: {  	v1 =	vmul.f32 v1, v62;
	[tilespmem:s24+$0xA0] =	vst v7;
	v7 =	vld [tilespmem:s24+$0xFFFFFF70]  }
0x1d6: {  	[tilespmem:s24+$0x20] =	vst v4;
	v2 =	vld [tilespmem:s3+$0xFFFFFFF0]  }
0x1d7: {  	v3 =	vld [tilespmem:s3+$0x30];
	[tilespmem:s24+$0x60] =	vst v1  }
0x1d8: {  	v4 =	vld [tilespmem:s3+$0x70];
	v11 =	vmul.f32 v11, v63  }
0x1d9: {  	v1 =	vld [tilespmem:s3+$0xB0]  }
0x1da: {  	s17 =	simm.s32 $0x78E0;
	s19 =	simm.s32 $0x0;
	[tilespmem:s24+$0xFFFFFF30] =	vst v11;
	v11 =	vmul.f32 v15, v7;
	v7 =	vld [tilespmem:s24+$0xB0]  }
.LBB2_11:
0x1db: {  	v12 =	vld [tilespmem:s17+$0xC0];
	v5 =	vmul.f32 v5, v10;
	s3 =	sadd.s32 $0x200, s3  }
0x1dc: {  	s19 =	sadd.s32 $0x8, s19;
	v10 =	vld [tilespmem:s3+$0xC0];
	[tilespmem:s24+$0xFFFFFF70] =	vst v11;
	v2 =	vmul.f32 v2, v9  }
0x1dd: {  	p1 =	slt.u32 s19, $0x48;
	v9 =	vld [tilespmem:s3+$0xFFFFFF00];
	[tilespmem:s24+$0xFFFFFFB0] =	vst v5;
	v3 =	vmul.f32 v3, v8  }
0x1de: {  	v5 =	vld [tilespmem:s17+$0xFFFFFF40];
	[tilespmem:s24+$0xFFFFFFF0] =	vst v2;
	v2 =	vmul.f32 v4, v6  }
0x1df: {  	v4 =	vld [tilespmem:s3+$0xFFFFFF40];
	[tilespmem:s24+$0x30] =	vst v3;
	v1 =	vmul.f32 v1, v7  }
0x1e0: {  	v3 =	vld [tilespmem:s17+$0xFFFFFF80];
	[tilespmem:s24+$0x70] =	vst v2  }
0x1e1: {  	v2 =	vld [tilespmem:s3+$0xFFFFFF80];
	v6 =	vmul.f32 v10, v12;
	[tilespmem:s24+$0xB0] =	vst v1;
	s24 =	smov.u32 s17  }
0x1e2: {  	v1 =	vld [tilespmem:s17+$0xFFFFFFC0]  }
0x1e3: {  	[tilespmem:s17+$0xC0] =	vst v6;
	v6 =	vld [tilespmem:s17+$0xD0]  }
0x1e4: {  	v4 =	vmul.f32 v4, v5;
	v5 =	vld [tilespmem:s3+$0xD0]  }
0x1e5: {  	v7 =	vld [tilespmem:s3+$0xFFFFFFC0]  }
0x1e6: {  	[tilespmem:s17+$0xFFFFFF40] =	vst v4;
	v2 =	vmul.f32 v2, v3;
	v3 =	vld [tilespmem:s17+$0x0]  }
0x1e7: {  	v4 =	vld [tilespmem:s3+$0x0]  }
0x1e8: {  	[tilespmem:s17+$0xFFFFFF80] =	vst v2;
	v2 =	vld [tilespmem:s17+$0x40]  }
0x1e9: {  	v8 =	vld [tilespmem:s3+$0x40];
	v5 =	vmul.f32 v5, v6  }
0x1ea: {  	v1 =	vmul.f32 v7, v1;
	v6 =	vld [tilespmem:s17+$0x80]  }
0x1eb: {  	[tilespmem:s17+$0xD0] =	vst v5;
	v5 =	vld [tilespmem:s17+$0xE0]  }
0x1ec: {  	[tilespmem:s17+$0xFFFFFFC0] =	vst v1;
	v1 =	vmul.f32 v4, v3;
	v3 =	vld [tilespmem:s3+$0xE0]  }
0x1ed: {  	v4 =	vld [tilespmem:s3+$0x80]  }
0x1ee: {  	v7 =	vld [tilespmem:s17+$0xFFFFFF00];
	[tilespmem:s17+$0x0] =	vst v1;
	v1 =	vmul.f32 v8, v2  }
0x1ef: {  	v2 =	vld [tilespmem:s3+$0xFFFFFF50]  }
0x1f0: {  	v8 =	vld [tilespmem:s3+$0xFFFFFF90];
	[tilespmem:s17+$0x40] =	vst v1  }
0x1f1: {  	v1 =	vld [tilespmem:s3+$0xFFFFFFD0];
	v3 =	vmul.f32 v3, v5  }
0x1f2: {  	v5 =	vld [tilespmem:s3+$0x10];
	v4 =	vmul.f32 v4, v6  }
0x1f3: {  	v6 =	vmul.f32 v9, v7;
	[tilespmem:s17+$0xE0] =	vst v3;
	v3 =	vld [tilespmem:s17+$0xF0]  }
0x1f4: {  	[tilespmem:s17+$0x80] =	vst v4;
	v4 =	vld [tilespmem:s3+$0xF0]  }
0x1f5: {  	[tilespmem:s17+$0xFFFFFF00] =	vst v6;
	v6 =	vld [tilespmem:s3+$0x50]  }
0x1f6: {  	v7 =	vld [tilespmem:s3+$0xFFFFFF10]  }
0x1f7: {  	v9 =	vld [tilespmem:s3+$0x90]  }
0x1f8: {  	v10 =	vld [tilespmem:s17+$0xFFFFFF10]  }
0x1f9: {  	v11 =	vld [tilespmem:s17+$0xFFFFFF50];
	v3 =	vmul.f32 v4, v3  }
0x1fa: {  	v4 =	vld [tilespmem:s17+$0xFFFFFF90]  }
0x1fb: {  	v12 =	vld [tilespmem:s17+$0xFFFFFFD0];
	[tilespmem:s17+$0xF0] =	vst v3  }
0x1fc: {  	v3 =	vld [tilespmem:s17+$0x10]  }
0x1fd: {  	v7 =	vmul.f32 v7, v10;
	v10 =	vld [tilespmem:s17+$0x50]  }
0x1fe: {  	v2 =	vmul.f32 v2, v11;
	v11 =	vld [tilespmem:s17+$0x90]  }
0x1ff: {  	[tilespmem:s17+$0xFFFFFF10] =	vst v7;
	v7 =	vld [tilespmem:s17+$0xFFFFFF20];
	v4 =	vmul.f32 v8, v4  }
0x200: {  	v8 =	vld [tilespmem:s3+$0xFFFFFF20];
	[tilespmem:s17+$0xFFFFFF50] =	vst v2;
	v1 =	vmul.f32 v1, v12  }
0x201: {  	v2 =	vld [tilespmem:s3+$0xFFFFFF60];
	[tilespmem:s17+$0xFFFFFF90] =	vst v4;
	v3 =	vmul.f32 v5, v3  }
0x202: {  	v4 =	vld [tilespmem:s3+$0xFFFFFFA0];
	[tilespmem:s17+$0xFFFFFFD0] =	vst v1;
	v1 =	vmul.f32 v6, v10  }
0x203: {  	v5 =	vld [tilespmem:s3+$0xFFFFFFE0];
	[tilespmem:s17+$0x10] =	vst v3;
	v3 =	vmul.f32 v9, v11  }
0x204: {  	v6 =	vld [tilespmem:s3+$0x20];
	[tilespmem:s17+$0x50] =	vst v1  }
0x205: {  	v1 =	vmul.f32 v8, v7;
	v7 =	vld [tilespmem:s3+$0x60];
	[tilespmem:s17+$0x90] =	vst v3  }
0x206: {  	v3 =	vld [tilespmem:s3+$0xA0]  }
0x207: {  	[tilespmem:s17+$0xFFFFFF20] =	vst v1;
	v1 =	vld [tilespmem:s17+$0xFFFFFF60]  }
0x208: {  	v8 =	vld [tilespmem:s17+$0xFFFFFFA0]  }
0x209: {  	v9 =	vld [tilespmem:s17+$0xFFFFFFE0]  }
0x20a: {  	v10 =	vld [tilespmem:s17+$0x20]  }
0x20b: {  	v11 =	vld [tilespmem:s17+$0x60]  }
0x20c: {  	v1 =	vmul.f32 v2, v1;
	v12 =	vld [tilespmem:s17+$0xA0]  }
0x20d: {  	v13 =	vld [tilespmem:s3+$0xFFFFFF30];
	v2 =	vmul.f32 v4, v8  }
0x20e: {  	v4 =	vld [tilespmem:s17+$0xFFFFFF30];
	[tilespmem:s17+$0xFFFFFF60] =	vst v1;
	v1 =	vmul.f32 v5, v9  }
0x20f: {  	v14 =	vld [tilespmem:s3+$0xFFFFFF70];
	[tilespmem:s17+$0xFFFFFFA0] =	vst v2;
	v6 =	vmul.f32 v6, v10  }
0x210: {  	v5 =	vld [tilespmem:s3+$0xFFFFFFB0];
	[tilespmem:s17+$0xFFFFFFE0] =	vst v1;
	v1 =	vmul.f32 v7, v11  }
0x211: {  	v2 =	vld [tilespmem:s3+$0xFFFFFFF0];
	[tilespmem:s17+$0x20] =	vst v6;
	v6 =	vmul.f32 v3, v12  }
0x212: {  	v3 =	vld [tilespmem:s3+$0x30];
	[tilespmem:s17+$0x60] =	vst v1  }
0x213: {  	v7 =	vmul.f32 v13, v4;
	v4 =	vld [tilespmem:s3+$0x70];
	[tilespmem:s17+$0xA0] =	vst v6  }
0x214: {  	v1 =	vld [tilespmem:s3+$0xB0]  }
0x215: {  	[tilespmem:s17+$0xFFFFFF30] =	vst v7;
	v7 =	vld [tilespmem:s17+$0xFFFFFF70]  }
.Ltmp4:
0x216: {  	v10 =	vld [tilespmem:s17+$0xFFFFFFB0];
	(pc) =	sbr.rel @p1 .LBB2_11-.Ltmp4, $4  }
0x217: {  	v9 =	vld [tilespmem:s17+$0xFFFFFFF0]  }
0x218: {  	v8 =	vld [tilespmem:s17+$0x30]  }
0x219: {  	v6 =	vld [tilespmem:s17+$0x70]  }
0x21a: {  	s17 =	sadd.s32 $0x200, s17;
	v11 =	vmul.f32 v14, v7;
	v7 =	vld [tilespmem:s24+$0xB0]  }
0x21b: {  	v5 =	vmul.f32 v5, v10  }
0x21c: {  	[tilespmem:s24+$0xFFFFFF70] =	vst v11;
	v2 =	vmul.f32 v2, v9  }
0x21d: {  	[tilespmem:s24+$0xFFFFFFB0] =	vst v5;
	v3 =	vmul.f32 v3, v8  }
0x21e: {  	[tilespmem:s24+$0xFFFFFFF0] =	vst v2;
	v2 =	vmul.f32 v4, v6  }
0x21f: {  	[tilespmem:s24+$0x30] =	vst v3;
	v1 =	vmul.f32 v1, v7  }
0x220: {  	[tilespmem:s24+$0x70] =	vst v2  }
0x221: {  	[tilespmem:s24+$0xB0] =	vst v1  }
0x222: {  	v1 =	vld @!p0 [tilespmem:$0x7590];
	_ =	sdelay $0x6  }
0x223: {  	s3 =	simm.s32 @!p0 $0x2000;
	v2 =	vimm.f32 @!p0 $1.000000000e+00  }
0x224: {  	[tilespmem:v1+s3+$0x0] =	vst.idx.add.f32.msk @!p0 $0xffff, v2  }
0x225: {  	v1 =	vld @!p0 [tilespmem:$0x75A0];
	_ =	sdelay $0x7  }
0x226: {  	[tilespmem:v1+s3+$0x0] =	vst.idx.add.f32.msk @!p0 $0xffff, v2  }
0x227: {  	v1 =	vld @!p0 [tilespmem:$0x75B0];
	_ =	sdelay $0x7  }
0x228: {  	[tilespmem:v1+s3+$0x0] =	vst.idx.add.f32.msk @!p0 $0xffff, v2  }
0x229: {  	v1 =	vld @!p0 [tilespmem:$0x75C0];
	_ =	sdelay $0x7  }
0x22a: {  	[tilespmem:v1+s3+$0x0] =	vst.idx.add.f32.msk @!p0 $0xffff, v2  }
0x22b: {  	v1 =	vld @!p0 [tilespmem:$0x75D0];
	_ =	sdelay $0x5  }
0x22c: {  	p1 =	seq.s32 s18, $0x7  }
.Ltmp5:
0x22d: {  	_ = 	snop;
	(pc) =	sbr.rel @p1 .LBB2_14-.Ltmp5, $4  }
0x22e: {  	[tilespmem:v1+s3+$0x0] =	vst.idx.add.f32.msk @!p0 $0xffff, v2  }
0x22f: {  	_ =	swait.ge [sflag:s5], $0x1400  }
0x230: {  	[sflag:s5] =	ssyncset.done $0x0  }
0x231: {  	[sflag:s5] =	ssyncadd.s32 $0xFFFFEC00  }
0x232: {  	s3 =	rddreg [dreg:$0xd]  }
0x233: {  	s3 =	sadd.s32 s25, s3  }
0x234: {  	s17 =	sshrl.u32 s3, $0x3;
	s3 =	sshll.u32 s3, $0x7  }
0x235: {  	s17 =	sadd.s32 s1, s17;
	s3 =	sor.u32 s6, s3  }
0x236: {  	[tilespmem:s8], [sflag:$0x4] =	stream.strided.gather [hbm4b:s17+s28], $0xA0, s29, s28, $0x38;
	[tilespmem:$0x9DE0] =	vst v63  }
.Ltmp6:
0x237: {  	s3 =	sshrl.u32 s3, $0x3;
	(pc) =	sbr.rel .LBB2_6-.Ltmp6, $4  }
0x238: {  	s24 =	simm.s32 $0x6140;
	s3 =	sadd.s32 s7, s3  }
0x239: {  	[tilespmem:s24], [sflag:$0x4] =	stream.strided.gather [hbm4b:s3+s31], $0x1400, s0, s31, $0x38;
	[tilespmem:$0x9DE0] =	vst v63  }
0x23a: {  	s18 =	sadd.s32 $0x1, s18;
	s25 =	simm.s32 $0x7590  }
0x23b: {  	[spmem:s4] =	stream.indirect.scatter.add.f32 [tilespmem:s9], [sflag:$0x9], $0x40, s25, s28, $0xb8;
	[tilespmem:$0x9DE0] =	vst v63  }
.LBB2_14:
0x23c: {  	s3 =	simm.s32 $0x7590  }
0x23d: {  	[spmem:s4] =	stream.indirect.scatter.add.f32 [tilespmem:s9], [sflag:$0x9], $0x40, s3, s28, $0xb8;
	[tilespmem:$0x9DE0] =	vst v63  }
0x23e: {  	_ =	swait.ge [sflag:s11], $0x1400  }
0x23f: {  	[sflag:s11] =	ssyncset.done $0x0  }
0x240: {  	s18 =	simm.s32 $0x25A0;
	[sflag:s11] =	ssyncadd.s32 $0xFFFFEC00  }
0x241: {  	s3 =	simm.s32 $0x39A0;
	v1 =	vld [tilespmem:s18+$0xC0]  }
0x242: {  	v2 =	vld [tilespmem:s3+$0xC0]  }
0x243: {  	v3 =	vld [tilespmem:s3+$0xFFFFFF00]  }
0x244: {  	v4 =	vld [tilespmem:s18+$0xFFFFFF40]  }
0x245: {  	v5 =	vld [tilespmem:s18+$0xFFFFFF80]  }
0x246: {  	v7 =	vld [tilespmem:s3+$0xFFFFFF80]  }
0x247: {  	v8 =	vld [tilespmem:s18+$0xFFFFFFC0]  }
0x248: {  	v9 =	vld [tilespmem:s3+$0xFFFFFFC0]  }
0x249: {  	v10 =	vld [tilespmem:s18+$0x0]  }
0x24a: {  	v11 =	vld [tilespmem:s3+$0x0]  }
0x24b: {  	v12 =	vld [tilespmem:s3+$0x40]  }
0x24c: {  	v57 =	vld [tilespmem:s18+$0xFFFFFF90]  }
0x24d: {  	v58 =	vld [tilespmem:s18+$0xFFFFFFD0]  }
0x24e: {  	v14 =	vld [tilespmem:s18+$0x10]  }
0x24f: {  	v60 =	vld [tilespmem:s18+$0xFFFFFFE0];
	v1 =	vmul.f32 v2, v1  }
0x250: {  	v2 =	vld [tilespmem:s3+$0xFFFFFF40]  }
0x251: {  	[tilespmem:s18+$0xC0] =	vst v1;
	v1 =	vld [tilespmem:s18+$0xD0]  }
0x252: {  	v6 =	vld [tilespmem:s3+$0xD0]  }
0x253: {  	v61 =	vld [tilespmem:s18+$0x20]  }
0x254: {  	v62 =	vld [tilespmem:s18+$0x60];
	v5 =	vmul.f32 v7, v5  }
0x255: {  	v63 =	vld [tilespmem:s18+$0xFFFFFF30];
	v2 =	vmul.f32 v2, v4  }
0x256: {  	v7 =	vld [tilespmem:s3+$0x80];
	[tilespmem:s18+$0xFFFFFF80] =	vst v5  }
0x257: {  	v5 =	vmul.f32 v11, v10;
	v11 =	vld [tilespmem:s18+$0xFFFFFF50];
	[tilespmem:s18+$0xFFFFFF40] =	vst v2;
	v1 =	vmul.f32 v6, v1  }
0x258: {  	v2 =	vmul.f32 v9, v8;
	v9 =	vld [tilespmem:s3+$0xFFFFFF50]  }
0x259: {  	[tilespmem:s18+$0xD0] =	vst v1;
	v1 =	vld [tilespmem:s18+$0xE0]  }
0x25a: {  	v13 =	vld [tilespmem:s3+$0xE0]  }
0x25b: {  	v4 =	vld [tilespmem:s18+$0x80]  }
0x25c: {  	[tilespmem:s18+$0x0] =	vst v5;
	v8 =	vld [tilespmem:s18+$0xFFFFFF00]  }
0x25d: {  	v10 =	vld [tilespmem:s3+$0x10]  }
0x25e: {  	v6 =	vld [tilespmem:s18+$0x40];
	v9 =	vmul.f32 v9, v11  }
0x25f: {  	[tilespmem:s18+$0xFFFFFFC0] =	vst v2;
	v2 =	vld [tilespmem:s3+$0xFFFFFF90];
	v1 =	vmul.f32 v13, v1  }
0x260: {  	v5 =	vld [tilespmem:s3+$0xFFFFFFD0];
	[tilespmem:s18+$0xFFFFFF50] =	vst v9  }
0x261: {  	v11 =	vld [tilespmem:s18+$0x90];
	[tilespmem:s18+$0xE0] =	vst v1;
	v1 =	vmul.f32 v3, v8  }
0x262: {  	v9 =	vld [tilespmem:s3+$0xFFFFFF60];
	v3 =	vmul.f32 v7, v4  }
0x263: {  	v6 =	vmul.f32 v12, v6;
	v8 =	vld [tilespmem:s18+$0xF0];
	[tilespmem:s18+$0xFFFFFF00] =	vst v1  }
0x264: {  	v2 =	vmul.f32 v2, v57;
	[tilespmem:s18+$0x80] =	vst v3;
	v3 =	vld [tilespmem:s18+$0xFFFFFF10]  }
0x265: {  	[tilespmem:s18+$0x40] =	vst v6;
	v4 =	vld [tilespmem:s3+$0xFFFFFF10]  }
0x266: {  	[tilespmem:s18+$0xFFFFFF90] =	vst v2;
	v2 =	vmul.f32 v10, v14;
	v6 =	vld [tilespmem:s3+$0xF0]  }
0x267: {  	v5 =	vmul.f32 v5, v58;
	v10 =	vld [tilespmem:s3+$0xFFFFFFA0]  }
0x268: {  	[tilespmem:s18+$0x10] =	vst v2;
	v7 =	vld [tilespmem:s3+$0x90]  }
0x269: {  	[tilespmem:s18+$0xFFFFFFD0] =	vst v5;
	v5 =	vld [tilespmem:s3+$0x20]  }
0x26a: {  	v1 =	vld [tilespmem:s3+$0x50];
	v3 =	vmul.f32 v4, v3  }
0x26b: {  	v6 =	vmul.f32 v6, v8;
	v8 =	vld [tilespmem:s18+$0x30]  }
0x26c: {  	[tilespmem:s18+$0xFFFFFF10] =	vst v3;
	v3 =	vld [tilespmem:s18+$0xFFFFFF20]  }
0x26d: {  	v2 =	vmul.f32 v7, v11;
	v59 =	vld [tilespmem:s3+$0xFFFFFF20]  }
0x26e: {  	v4 =	vld [tilespmem:s18+$0x50]  }
0x26f: {  	[tilespmem:s18+$0x90] =	vst v2;
	v2 =	vld [tilespmem:s18+$0xFFFFFF60]  }
0x270: {  	v11 =	vld [tilespmem:s18+$0xFFFFFFA0]  }
0x271: {  	[tilespmem:s18+$0xF0] =	vst v6;
	v6 =	vld [tilespmem:s18+$0x70]  }
0x272: {  	v7 =	vld [tilespmem:s3+$0xA0];
	v3 =	vmul.f32 v59, v3  }
0x273: {  	v1 =	vmul.f32 v1, v4;
	v4 =	vld [tilespmem:s3+$0xFFFFFFE0]  }
0x274: {  	v2 =	vmul.f32 v9, v2;
	[tilespmem:s18+$0xFFFFFF20] =	vst v3;
	v3 =	vld [tilespmem:s18+$0xA0]  }
0x275: {  	[tilespmem:s18+$0x50] =	vst v1;
	v9 =	vmul.f32 v10, v11;
	v10 =	vld [tilespmem:s18+$0xFFFFFFB0]  }
0x276: {  	v1 =	vld [tilespmem:s3+$0x60];
	[tilespmem:s18+$0xFFFFFF60] =	vst v2  }
0x277: {  	[tilespmem:s18+$0xFFFFFFA0] =	vst v9;
	v9 =	vld [tilespmem:s18+$0xFFFFFFF0]  }
0x278: {  	v2 =	vmul.f32 v4, v60;
	v15 =	vld [tilespmem:s3+$0xFFFFFF70]  }
0x279: {  	v11 =	vld [tilespmem:s3+$0xFFFFFF30];
	v7 =	vmul.f32 v7, v3  }
0x27a: {  	v4 =	vmul.f32 v5, v61;
	v5 =	vld [tilespmem:s3+$0xFFFFFFB0];
	[tilespmem:s18+$0xFFFFFFE0] =	vst v2  }
0x27b: {  	v1 =	vmul.f32 v1, v62;
	[tilespmem:s18+$0xA0] =	vst v7;
	v7 =	vld [tilespmem:s18+$0xFFFFFF70]  }
0x27c: {  	[tilespmem:s18+$0x20] =	vst v4;
	v2 =	vld [tilespmem:s3+$0xFFFFFFF0]  }
0x27d: {  	v3 =	vld [tilespmem:s3+$0x30];
	[tilespmem:s18+$0x60] =	vst v1  }
0x27e: {  	v4 =	vld [tilespmem:s3+$0x70];
	v11 =	vmul.f32 v11, v63  }
0x27f: {  	v1 =	vld [tilespmem:s3+$0xB0]  }
0x280: {  	s19 =	simm.s32 $0x0;
	s17 =	simm.s32 $0x27A0;
	[tilespmem:s18+$0xFFFFFF30] =	vst v11;
	v11 =	vmul.f32 v15, v7;
	v7 =	vld [tilespmem:s18+$0xB0]  }
.LBB2_15:
0x281: {  	v12 =	vld [tilespmem:s17+$0xC0];
	v5 =	vmul.f32 v5, v10;
	s3 =	sadd.s32 $0x200, s3  }
0x282: {  	s19 =	sadd.s32 $0x8, s19;
	v10 =	vld [tilespmem:s3+$0xC0];
	[tilespmem:s18+$0xFFFFFF70] =	vst v11;
	v2 =	vmul.f32 v2, v9  }
0x283: {  	p1 =	slt.u32 s19, $0x48;
	v9 =	vld [tilespmem:s3+$0xFFFFFF00];
	[tilespmem:s18+$0xFFFFFFB0] =	vst v5;
	v3 =	vmul.f32 v3, v8  }
0x284: {  	v5 =	vld [tilespmem:s17+$0xFFFFFF40];
	[tilespmem:s18+$0xFFFFFFF0] =	vst v2;
	v2 =	vmul.f32 v4, v6  }
0x285: {  	v4 =	vld [tilespmem:s3+$0xFFFFFF40];
	[tilespmem:s18+$0x30] =	vst v3;
	v1 =	vmul.f32 v1, v7  }
0x286: {  	v3 =	vld [tilespmem:s17+$0xFFFFFF80];
	[tilespmem:s18+$0x70] =	vst v2  }
0x287: {  	v2 =	vld [tilespmem:s3+$0xFFFFFF80];
	v6 =	vmul.f32 v10, v12;
	[tilespmem:s18+$0xB0] =	vst v1;
	s18 =	smov.u32 s17  }
0x288: {  	v1 =	vld [tilespmem:s17+$0xFFFFFFC0]  }
0x289: {  	[tilespmem:s17+$0xC0] =	vst v6;
	v6 =	vld [tilespmem:s17+$0xD0]  }
0x28a: {  	v4 =	vmul.f32 v4, v5;
	v5 =	vld [tilespmem:s3+$0xD0]  }
0x28b: {  	v7 =	vld [tilespmem:s3+$0xFFFFFFC0]  }
0x28c: {  	[tilespmem:s17+$0xFFFFFF40] =	vst v4;
	v2 =	vmul.f32 v2, v3;
	v3 =	vld [tilespmem:s17+$0x0]  }
0x28d: {  	v4 =	vld [tilespmem:s3+$0x0]  }
0x28e: {  	[tilespmem:s17+$0xFFFFFF80] =	vst v2;
	v2 =	vld [tilespmem:s17+$0x40]  }
0x28f: {  	v8 =	vld [tilespmem:s3+$0x40];
	v5 =	vmul.f32 v5, v6  }
0x290: {  	v1 =	vmul.f32 v7, v1;
	v6 =	vld [tilespmem:s17+$0x80]  }
0x291: {  	[tilespmem:s17+$0xD0] =	vst v5;
	v5 =	vld [tilespmem:s17+$0xE0]  }
0x292: {  	[tilespmem:s17+$0xFFFFFFC0] =	vst v1;
	v1 =	vmul.f32 v4, v3;
	v3 =	vld [tilespmem:s3+$0xE0]  }
0x293: {  	v4 =	vld [tilespmem:s3+$0x80]  }
0x294: {  	v7 =	vld [tilespmem:s17+$0xFFFFFF00];
	[tilespmem:s17+$0x0] =	vst v1;
	v1 =	vmul.f32 v8, v2  }
0x295: {  	v2 =	vld [tilespmem:s3+$0xFFFFFF50]  }
0x296: {  	v8 =	vld [tilespmem:s3+$0xFFFFFF90];
	[tilespmem:s17+$0x40] =	vst v1  }
0x297: {  	v1 =	vld [tilespmem:s3+$0xFFFFFFD0];
	v3 =	vmul.f32 v3, v5  }
0x298: {  	v5 =	vld [tilespmem:s3+$0x10];
	v4 =	vmul.f32 v4, v6  }
0x299: {  	v6 =	vmul.f32 v9, v7;
	[tilespmem:s17+$0xE0] =	vst v3;
	v3 =	vld [tilespmem:s17+$0xF0]  }
0x29a: {  	[tilespmem:s17+$0x80] =	vst v4;
	v4 =	vld [tilespmem:s3+$0xF0]  }
0x29b: {  	[tilespmem:s17+$0xFFFFFF00] =	vst v6;
	v6 =	vld [tilespmem:s3+$0x50]  }
0x29c: {  	v7 =	vld [tilespmem:s3+$0xFFFFFF10]  }
0x29d: {  	v9 =	vld [tilespmem:s3+$0x90]  }
0x29e: {  	v10 =	vld [tilespmem:s17+$0xFFFFFF10]  }
0x29f: {  	v11 =	vld [tilespmem:s17+$0xFFFFFF50];
	v3 =	vmul.f32 v4, v3  }
0x2a0: {  	v4 =	vld [tilespmem:s17+$0xFFFFFF90]  }
0x2a1: {  	v12 =	vld [tilespmem:s17+$0xFFFFFFD0];
	[tilespmem:s17+$0xF0] =	vst v3  }
0x2a2: {  	v3 =	vld [tilespmem:s17+$0x10]  }
0x2a3: {  	v7 =	vmul.f32 v7, v10;
	v10 =	vld [tilespmem:s17+$0x50]  }
0x2a4: {  	v2 =	vmul.f32 v2, v11;
	v11 =	vld [tilespmem:s17+$0x90]  }
0x2a5: {  	[tilespmem:s17+$0xFFFFFF10] =	vst v7;
	v7 =	vld [tilespmem:s17+$0xFFFFFF20];
	v4 =	vmul.f32 v8, v4  }
0x2a6: {  	v8 =	vld [tilespmem:s3+$0xFFFFFF20];
	[tilespmem:s17+$0xFFFFFF50] =	vst v2;
	v1 =	vmul.f32 v1, v12  }
0x2a7: {  	v2 =	vld [tilespmem:s3+$0xFFFFFF60];
	[tilespmem:s17+$0xFFFFFF90] =	vst v4;
	v3 =	vmul.f32 v5, v3  }
0x2a8: {  	v4 =	vld [tilespmem:s3+$0xFFFFFFA0];
	[tilespmem:s17+$0xFFFFFFD0] =	vst v1;
	v1 =	vmul.f32 v6, v10  }
0x2a9: {  	v5 =	vld [tilespmem:s3+$0xFFFFFFE0];
	[tilespmem:s17+$0x10] =	vst v3;
	v3 =	vmul.f32 v9, v11  }
0x2aa: {  	v6 =	vld [tilespmem:s3+$0x20];
	[tilespmem:s17+$0x50] =	vst v1  }
0x2ab: {  	v1 =	vmul.f32 v8, v7;
	v7 =	vld [tilespmem:s3+$0x60];
	[tilespmem:s17+$0x90] =	vst v3  }
0x2ac: {  	v3 =	vld [tilespmem:s3+$0xA0]  }
0x2ad: {  	[tilespmem:s17+$0xFFFFFF20] =	vst v1;
	v1 =	vld [tilespmem:s17+$0xFFFFFF60]  }
0x2ae: {  	v8 =	vld [tilespmem:s17+$0xFFFFFFA0]  }
0x2af: {  	v9 =	vld [tilespmem:s17+$0xFFFFFFE0]  }
0x2b0: {  	v10 =	vld [tilespmem:s17+$0x20]  }
0x2b1: {  	v11 =	vld [tilespmem:s17+$0x60]  }
0x2b2: {  	v1 =	vmul.f32 v2, v1;
	v12 =	vld [tilespmem:s17+$0xA0]  }
0x2b3: {  	v13 =	vld [tilespmem:s3+$0xFFFFFF30];
	v2 =	vmul.f32 v4, v8  }
0x2b4: {  	v4 =	vld [tilespmem:s17+$0xFFFFFF30];
	[tilespmem:s17+$0xFFFFFF60] =	vst v1;
	v1 =	vmul.f32 v5, v9  }
0x2b5: {  	v14 =	vld [tilespmem:s3+$0xFFFFFF70];
	[tilespmem:s17+$0xFFFFFFA0] =	vst v2;
	v6 =	vmul.f32 v6, v10  }
0x2b6: {  	v5 =	vld [tilespmem:s3+$0xFFFFFFB0];
	[tilespmem:s17+$0xFFFFFFE0] =	vst v1;
	v1 =	vmul.f32 v7, v11  }
0x2b7: {  	v2 =	vld [tilespmem:s3+$0xFFFFFFF0];
	[tilespmem:s17+$0x20] =	vst v6;
	v6 =	vmul.f32 v3, v12  }
0x2b8: {  	v3 =	vld [tilespmem:s3+$0x30];
	[tilespmem:s17+$0x60] =	vst v1  }
0x2b9: {  	v7 =	vmul.f32 v13, v4;
	v4 =	vld [tilespmem:s3+$0x70];
	[tilespmem:s17+$0xA0] =	vst v6  }
0x2ba: {  	v1 =	vld [tilespmem:s3+$0xB0]  }
0x2bb: {  	[tilespmem:s17+$0xFFFFFF30] =	vst v7;
	v7 =	vld [tilespmem:s17+$0xFFFFFF70]  }
.Ltmp7:
0x2bc: {  	v10 =	vld [tilespmem:s17+$0xFFFFFFB0];
	(pc) =	sbr.rel @p1 .LBB2_15-.Ltmp7, $4  }
0x2bd: {  	v9 =	vld [tilespmem:s17+$0xFFFFFFF0]  }
0x2be: {  	v8 =	vld [tilespmem:s17+$0x30]  }
0x2bf: {  	v6 =	vld [tilespmem:s17+$0x70]  }
0x2c0: {  	s17 =	sadd.s32 $0x200, s17;
	v11 =	vmul.f32 v14, v7;
	v7 =	vld [tilespmem:s18+$0xB0]  }
0x2c1: {  	v5 =	vmul.f32 v5, v10  }
0x2c2: {  	[tilespmem:s18+$0xFFFFFF70] =	vst v11;
	v2 =	vmul.f32 v2, v9  }
0x2c3: {  	[tilespmem:s18+$0xFFFFFFB0] =	vst v5;
	v3 =	vmul.f32 v3, v8  }
0x2c4: {  	[tilespmem:s18+$0xFFFFFFF0] =	vst v2;
	v2 =	vmul.f32 v4, v6  }
0x2c5: {  	[tilespmem:s18+$0x30] =	vst v3;
	v1 =	vmul.f32 v1, v7  }
0x2c6: {  	[tilespmem:s18+$0x70] =	vst v2  }
0x2c7: {  	[tilespmem:s18+$0xB0] =	vst v1  }
0x2c8: {  	v1 =	vld @!p0 [tilespmem:$0x2450];
	_ =	sdelay $0x6  }
0x2c9: {  	s3 =	simm.s32 @!p0 $0x2000;
	v2 =	vimm.f32 @!p0 $1.000000000e+00  }
0x2ca: {  	[tilespmem:v1+s3+$0x0] =	vst.idx.add.f32.msk @!p0 $0xffff, v2  }
0x2cb: {  	v1 =	vld @!p0 [tilespmem:$0x2460];
	_ =	sdelay $0x7  }
0x2cc: {  	[tilespmem:v1+s3+$0x0] =	vst.idx.add.f32.msk @!p0 $0xffff, v2  }
0x2cd: {  	v1 =	vld @!p0 [tilespmem:$0x2470];
	_ =	sdelay $0x7  }
0x2ce: {  	[tilespmem:v1+s3+$0x0] =	vst.idx.add.f32.msk @!p0 $0xffff, v2  }
0x2cf: {  	v1 =	vld @!p0 [tilespmem:$0x2480];
	_ =	sdelay $0x7  }
0x2d0: {  	[tilespmem:v1+s3+$0x0] =	vst.idx.add.f32.msk @!p0 $0xffff, v2  }
0x2d1: {  	v1 =	vld @!p0 [tilespmem:$0x2490];
	_ =	sdelay $0x7  }
0x2d2: {  	s17 =	simm.s32 $0x9;
	[tilespmem:v1+s3+$0x0] =	vst.idx.add.f32.msk @!p0 $0xffff, v2  }
0x2d3: {  	_ =	swait.ge [sflag:s17], $0x1400  }
0x2d4: {  	[sflag:s17] =	ssyncset.done $0x0  }
0x2d5: {  	s19 =	simm.s32 $0x2450;
	[sflag:s17] =	ssyncadd.s32 $0xFFFFEC00  }
0x2d6: {  	[spmem:s4] =	stream.indirect.scatter.add.f32 [tilespmem:s26], [sflag:$0x3], $0x40, s19, s28, $0xb8;
	[tilespmem:$0x9DE0] =	vst v63  }
0x2d7: {  	_ =	swait.ge [sflag:s10], $0x1400  }
0x2d8: {  	[sflag:s10] =	ssyncset.done $0x0  }
0x2d9: {  	[sflag:s10] =	ssyncadd.s32 $0xFFFFEC00  }
0x2da: {  	[bflag:$0x0] =	sbarrier.arrive $0xFFFF  }
0x2db: {  	s19 =	rddreg [dreg:$0x8]  }
0x2dc: {  	s18 =	rddreg [dreg:$0x7]  }
0x2dd: {  	s25 =	simm.s32 $0x10;
	s24 =	rddreg [dreg:$0xe];
	s17 =	sshrl.u32 s19, $0x3  }
0x2de: {  	[hbm:s24@s25], [sflag:s18] =	dma.strided [spmem:s17@s23], $0x200, s22, $0x8   }
0x2df: {  	s24 =	simm.s32 $0xA  }
0x2e0: {  	_ =	swait.ge [sflag:s24], $0x200  }
0x2e1: {  	[sflag:s24] =	ssyncset.done $0x0  }
0x2e2: {  	s17 =	simm.s32 @!p0 $0x0;
	[sflag:s24] =	ssyncadd.s32 $0xFFFFFE00;
	s24 =	rddreg [dreg:$0xf]  }
0x2e3: {  	[hbm4b:s24+s17] =	stream.linear.scatter @!p0 [tilespmem:s3], [sflag:$0xA], $0x400, $0x38;
	[tilespmem:$0x9DE0] =	vst v63  }
0x2e4: {  	s3 =	simm.s32 @!p0 $0xA  }
0x2e5: {  	_ =	swait.ge @!p0 [sflag:s3], $0x400  }
0x2e6: {  	s24 =	rddreg [dreg:$0x5]  }
0x2e7: {  	s17 =	sadd.s32 $0x1, s24;
	s24 =	rddreg [dreg:$0x10]  }
0x2e8: {  	p1 =	sne.s32 s17, s24  }
.Ltmp8:
0x2e9: {  	_ = 	snop;
	(pc) =	sbr.rel @p1 .LBB2_1-.Ltmp8, $3  }
0x2ea: {  	_ =	sdelay $0x1  }
0x2eb: {  	[sflag:s3] =	ssyncset.done @!p0 $0x0  }
0x2ec: {  	[sflag:s3] =	ssyncadd.s32 @!p0 $0xFFFFFC00;
	s24 =	simm.s32 $0xA  }
0x2ed: {  	_ =	sfence.sel $0x180000  }
0x2ee: {  	[bflag:$0x0] =	sbarrier.arrive $0xFFFF  }
0x2ef: {  	_ =	strace $0x9000004A  }
0x2f0: {  	s0 =	stileid.u32;
	[bflag:$0x2] =	sbarrier.arrive $0xFFFF  }
0x2f1: {  	p0 =	sne.s32 s0, $0x0;
	s0 =	rddreg [dreg:$0x4]  }
0x2f2: {  	s0 =	sadd.s32 @!p0 $0x100000, s0  }
0x2f3: {  	[sflag:s0] =	ssyncadd.tile.s32 @!p0 $0x1;
	_ =	shalt  }
.Lfunc_end2:
_tile_overlayer_lowered:
.L_overlay_start_2:
0x2f4: {  	(tag) =	ssettag $0x2  }
0x2f5: {  	s0 =	rddreg [dreg:$0x0];
	s2 =	stileid.u32  }
0x2f6: {  	s1 =	rddreg [dreg:$0x1];
	p0 =	sne.s32 s2, $0x0  }
0x2f7: {  	s3 =	rddreg [dreg:$0x2];
	[bflag:$0x3] =	sbarrier.arrive $0xFFFF;
	s2 =	simm.s32 @!p0 $0x1C0A  }
0x2f8: {  	[timem:s3], [sflag:s2] =	dma.local @!p0 [hbm:s0], s1  }
0x2f9: {  	s0 =	simm.s32 @!p0 $0xA  }
0x2fa: {  	_ =	swait.ge @!p0 [sflag:s0], s1  }
0x2fb: {  	s1 =	ssub.s32 @!p0 $0x0, s1;
	[sflag:s0] =	ssyncset.done @!p0 $0x0  }
0x2fc: {  	[sflag:s0] =	ssyncadd.s32 @!p0 s1  }
0x2fd: {  	[bflag:$0x3] =	sbarrier.arrive $0xFFFF  }
0x2fe: {  	_ =	shalt  }

</sc_bundles>
